<compile_context>
chip_gen: v7x
topology: tpu7x:2x2x1
jax: 0.10.2.dev20260603
libtpu: 0.0.44.dev20260713+nightly
codegen_flags: <defaults>
</compile_context>

<pallas_src>
import functools

import jax
import jax.numpy as jnp
from jax import lax
from jax.experimental import pallas as pl
from jax.experimental.pallas import tpu as pltpu
from jax.experimental.pallas import tpu_sc as plsc

N = 10000
E = 320000
D = 128
ED = 16
H = 128
G = 64

NC = 2
NS = 16
NW = NC * NS
CHUNK = 128
CH = 80
CHH = CH // 2
E_HALF = NW * CHH * CHUNK
E_PAD = NW * CH * CHUNK
N_PAD = 10240
ROWS_PER_TILE = N_PAD // NS

RN = 2000
RE = 8192

_f32 = jnp.float32
_bf16 = jnp.bfloat16


def _full(shape):
    return pl.BlockSpec(shape, lambda i: (0,) * len(shape))


def _rows(shape):
    return pl.BlockSpec(shape, lambda i: (i,) + (0,) * (len(shape) - 1))



def _prologue_body(x_ref, wp_ref, bp_ref, w1a_ref, b1_ref, h_ref, a_ref):
    h = jnp.dot(x_ref[...], wp_ref[...], preferred_element_type=_f32) + bp_ref[...]
    h_ref[...] = h
    a_ref[...] = jnp.dot(h, w1a_ref[...], preferred_element_type=_f32) + b1_ref[...]


def _prologue(x, Wp, bp, W1a, b1):
    return pl.pallas_call(
        _prologue_body,
        grid=(N // RN,),
        in_specs=[_rows((RN, D)), _full((D, D)), _full((1, D)),
                  _full((D, H)), _full((1, H))],
        out_specs=[_rows((RN, D)), _rows((RN, H))],
        out_shape=[jax.ShapeDtypeStruct((N, D), _f32),
                   jax.ShapeDtypeStruct((N_PAD, H), _f32)],
    )(x, Wp, bp, W1a, b1)


def _edge_mlp_body(g_ref, ea_ref, w1b_ref, w2_ref, b2_ref, m_ref):
    m1 = g_ref[...] + jnp.dot(ea_ref[...], w1b_ref[...],
                              preferred_element_type=_f32)
    m1 = jnp.maximum(m1, 0.0).astype(_bf16)
    m2 = jnp.dot(m1, w2_ref[...], preferred_element_type=_f32) + b2_ref[...]
    m_ref[...] = jnp.maximum(m2, 0.0)


def _edge_mlp(Gt, ea, W1b, W2, b2, off):
    return pl.pallas_call(
        _edge_mlp_body,
        grid=(E_HALF // RE,),
        in_specs=[pl.BlockSpec((RE, H), lambda i, o=off: (i + o, 0)),
                  _rows((RE, ED)), _full((ED, H)),
                  _full((H, D)), _full((1, D))],
        out_specs=_rows((RE, D)),
        out_shape=jax.ShapeDtypeStruct((E_HALF, D), _f32),
    )(Gt, ea, W1b, W2.astype(_bf16), b2)


def _ln_relu(z, g, be):
    mu = jnp.mean(z, axis=-1, keepdims=True)
    zc = z - mu
    var = jnp.mean(zc * zc, axis=-1, keepdims=True)
    y = zc * lax.rsqrt(var + 1e-5) * g + be
    return jnp.maximum(y, 0.0)


def _node_body(h_ref, pa_ref, pb_ref, pc_ref, pd_ref, g_ref, be_ref, wu_ref,
               bu_ref, w1a_ref, b1_ref, h1_ref, a1_ref):
    z = (h_ref[...] + pa_ref[...] + pb_ref[...]) + (pc_ref[...] + pd_ref[...])
    r = _ln_relu(z, g_ref[...], be_ref[...])
    h1 = jnp.dot(r, wu_ref[...], preferred_element_type=_f32) + bu_ref[...]
    h1_ref[...] = h1
    a1_ref[...] = jnp.dot(h1, w1a_ref[...], preferred_element_type=_f32) + b1_ref[...]


def _node_update(h, Pa, Pb, Pc, Pd, g, be, Wu, bu, W1a, b1):
    return pl.pallas_call(
        _node_body,
        grid=(N // RN,),
        in_specs=[_rows((RN, D))] * 5 +
                 [_full((1, D)), _full((1, D)), _full((D, D)), _full((1, D)),
                  _full((D, H)), _full((1, H))],
        out_specs=[_rows((RN, D)), _rows((RN, H))],
        out_shape=[jax.ShapeDtypeStruct((N, D), _f32),
                   jax.ShapeDtypeStruct((N_PAD, H), _f32)],
    )(h, Pa, Pb, Pc, Pd, g, be, Wu, bu, W1a, b1)


def _final_body(h_ref, pa_ref, pb_ref, pc_ref, pd_ref, g_ref, be_ref, wu_ref,
                bu_ref, batch_ref, out_ref, acc_ref, cnt_ref):
    i = pl.program_id(0)

    @pl.when(i == 0)
    def _():
        acc_ref[...] = jnp.zeros_like(acc_ref)
        cnt_ref[...] = jnp.zeros_like(cnt_ref)

    z = (h_ref[...] + pa_ref[...] + pb_ref[...]) + (pc_ref[...] + pd_ref[...])
    r = _ln_relu(z, g_ref[...], be_ref[...])
    h2 = jnp.dot(r, wu_ref[...], preferred_element_type=_f32) + bu_ref[...]

    b = batch_ref[...]
    gids = lax.broadcasted_iota(jnp.int32, (RN, G), 1)
    onehot = (b == gids).astype(_f32)
    dn = (((0,), (0,)), ((), ()))
    acc_ref[...] += lax.dot_general(onehot, h2, dn, preferred_element_type=_f32)
    cnt_ref[...] += lax.dot_general(onehot, jnp.ones((RN, D), _f32), dn,
                                    preferred_element_type=_f32)

    @pl.when(i == pl.num_programs(0) - 1)
    def _():
        out_ref[...] = acc_ref[...] / jnp.maximum(cnt_ref[...], 1.0)


def _final(h, Pa, Pb, Pc, Pd, g, be, Wu, bu, batch_col):
    return pl.pallas_call(
        _final_body,
        grid=(N // RN,),
        in_specs=[_rows((RN, D))] * 5 +
                 [_full((1, D)), _full((1, D)), _full((D, D)), _full((1, D)),
                  _rows((RN, 1))],
        out_specs=_full((G, D)),
        out_shape=jax.ShapeDtypeStruct((G, D), _f32),
        scratch_shapes=[pltpu.VMEM((G, D), _f32), pltpu.VMEM((G, D), _f32)],
    )(h, Pa, Pb, Pc, Pd, g, be, Wu, bu, batch_col)



NBG = 2
NBS = 2


@functools.cache
def _sc_kernels():
    mesh = plsc.VectorSubcoreMesh(core_axis_name="c", subcore_axis_name="s")

    @functools.partial(
        pl.kernel,
        out_type=jax.ShapeDtypeStruct((E_PAD, H), _f32),
        mesh=mesh,
        scratch_types=[pltpu.VMEM((CH, CHUNK), jnp.int32),
                       pltpu.VMEM((NBG, CHUNK, H), _f32),
                       pltpu.VMEM_SHARED((N_PAD, H), _f32),
                       pltpu.SemaphoreType.DMA((NBG,)),
                       pltpu.SemaphoreType.DMA((NBG,))],
    )
    def sc_gather(a_hbm, src_hbm, g_hbm, idx_v, rows_v, a_sh, gsem, wsem):
        c = lax.axis_index("c")
        s = lax.axis_index("s")
        wid = s * NC + c
        base = wid * CH * CHUNK
        tslice = pl.ds(s * ROWS_PER_TILE, ROWS_PER_TILE)
        pltpu.sync_copy(a_hbm.at[tslice], a_sh.at[tslice])
        pltpu.sync_copy(src_hbm.at[wid], idx_v)
        plsc.subcore_barrier()
        for b in range(NBG):
            pltpu.async_copy(a_sh.at[idx_v.at[b]], rows_v.at[b], gsem.at[b])

        @pl.loop(0, CH, step=NBG)
        def _(jo):
            for b in range(NBG):
                j = jo + b
                dst = g_hbm.at[pl.ds(base + j * CHUNK, CHUNK)]
                pltpu.make_async_copy(a_sh.at[idx_v.at[j]], rows_v.at[b],
                                      gsem.at[b]).wait()
                pltpu.async_copy(rows_v.at[b], dst, wsem.at[b])

                @pl.when(j + NBG < CH)
                def _():
                    pltpu.make_async_copy(rows_v.at[b], dst, wsem.at[b]).wait()
                    pltpu.async_copy(a_sh.at[idx_v.at[j + NBG]], rows_v.at[b],
                                     gsem.at[b])

        for b in range(NBG):
            pltpu.make_async_copy(
                rows_v.at[b], g_hbm.at[pl.ds(base, CHUNK)], wsem.at[b]).wait()

    @functools.partial(
        pl.kernel,
        out_type=jax.ShapeDtypeStruct((NC, N_PAD, D), _f32),
        mesh=mesh,
        scratch_types=[pltpu.VMEM((CHH, CHUNK), jnp.int32),
                       pltpu.VMEM((NBS, CHUNK, D), _f32),
                       pltpu.VMEM_SHARED((N_PAD, D), _f32),
                       pltpu.SemaphoreType.DMA((NBS,))],
    )
    def sc_scatter(m_hbm, dst_hbm, z_hbm, p_hbm, idx_v, rows_v, agg, lsem):
        c = lax.axis_index("c")
        s = lax.axis_index("s")
        wid = s * NC + c
        base = wid * CHH * CHUNK
        rslice = pl.ds(s * ROWS_PER_TILE, ROWS_PER_TILE)
        pltpu.sync_copy(z_hbm.at[rslice], agg.at[rslice])
        pltpu.sync_copy(dst_hbm.at[wid], idx_v)
        plsc.subcore_barrier()
        for b in range(NBS):
            pltpu.async_copy(m_hbm.at[pl.ds(base + b * CHUNK, CHUNK)],
                             rows_v.at[b], lsem.at[b])

        @pl.loop(0, CHH, step=NBS)
        def _(jo):
            for b in range(NBS):
                j = jo + b
                pltpu.make_async_copy(m_hbm.at[pl.ds(base, CHUNK)],
                                      rows_v.at[b], lsem.at[b]).wait()
                pltpu.sync_copy(rows_v.at[b], agg.at[idx_v.at[j]], add=True)

                @pl.when(j + NBS < CHH)
                def _():
                    pltpu.async_copy(
                        m_hbm.at[pl.ds(base + (j + NBS) * CHUNK, CHUNK)],
                        rows_v.at[b], lsem.at[b])

        plsc.subcore_barrier()
        pltpu.sync_copy(agg.at[rslice], p_hbm.at[c, rslice])

    return sc_gather, sc_scatter


def _sc_gather(a, src3):
    return _sc_kernels()[0](a, src3)


def _sc_scatter(m, dst3, zeros):
    return _sc_kernels()[1](m, dst3, zeros)



def kernel(x, edge_index, edge_attr, batch, Wp, bp,
           W1_0, b1_0, W2_0, b2_0, g_0, be_0, Wu_0, bu_0,
           W1_1, b1_1, W2_1, b2_1, g_1, be_1, Wu_1, bu_1):
    src = edge_index[0].astype(jnp.int32)
    dst = edge_index[1].astype(jnp.int32)
    src_p = jnp.pad(src, (0, E_PAD - E))
    dst_p = jnp.pad(dst, (0, E_PAD - E), constant_values=N)
    src3 = src_p.reshape(NW, CH, CHUNK)
    dst3 = [dst_p[:E_HALF].reshape(NW, CHH, CHUNK),
            dst_p[E_HALF:].reshape(NW, CHH, CHUNK)]
    ea_p = jnp.pad(edge_attr, ((0, E_PAD - E), (0, 0)))
    ea = [ea_p[:E_HALF], ea_p[E_HALF:]]
    zeros = jnp.zeros((N_PAD, D), _f32)
    batch_col = batch.astype(jnp.int32).reshape(N, 1)

    r2 = lambda v: v.reshape(1, -1)
    W1a = [W1_0[:D], W1_1[:D]]
    W1b = [W1_0[D:], W1_1[D:]]
    W2 = [W2_0, W2_1]
    b1 = [r2(b1_0), r2(b1_1)]
    b2 = [r2(b2_0), r2(b2_1)]
    gg = [r2(g_0), r2(g_1)]
    be = [r2(be_0), r2(be_1)]
    Wu = [Wu_0, Wu_1]
    bu = [r2(bu_0), r2(bu_1)]

    h, A = _prologue(x, Wp, r2(bp), W1a[0], b1[0])
    nblk = E_HALF // RE
    for l in range(2):
        Gf = _sc_gather(A, src3)
        P = []
        for half in range(2):
            Mh = _edge_mlp(Gf, ea[half], W1b[l], W2[l], b2[l], half * nblk)
            P.append(_sc_scatter(Mh, dst3[half], zeros))
        parts = (P[0][0], P[0][1], P[1][0], P[1][1])
        if l == 0:
            h, A = _node_update(h, *parts, gg[0], be[0], Wu[0], bu[0],
                                W1a[1], b1[1])
        else:
            return _final(h, *parts, gg[1], be[1], Wu[1], bu[1], batch_col)

# --- scband reference (transcript-rebuilt; emitter-appended) ---
"""Pipeline reference for scband-graph-encoder-65034394796271 (READ-ONLY COPY).

The authoritative reference and input builder live on the scoring server;
editing this copy changes nothing except your own understanding.
"""

import jax, jax.numpy as jnp
import numpy as np

N = 10000; E = 320000; D = 128; ED = 16; H = 128; G = 64; DEPTH = 2


def _ln(z, g, b):
    mu = jnp.mean(z, axis=-1, keepdims=True)
    var = jnp.var(z, axis=-1, keepdims=True)
    return (z - mu) / jnp.sqrt(var + 1e-5) * g + b


def _block(h, edge_attr, src, dst, W1, b1, W2, b2, g, be, Wu, bu):
    xj = h[src]
    m = jnp.concatenate([xj, edge_attr], axis=-1)
    m = jax.nn.relu(m @ W1 + b1) @ W2 + b2
    m = jax.nn.relu(m)
    agg = jax.ops.segment_sum(m, dst, num_segments=N)
    z = h + agg
    return jax.nn.relu(_ln(z, g, be)) @ Wu + bu


def setup_inputs(seed: int = 0):
    key = jax.random.key(seed)
    ks = jax.random.split(key, 40)
    inp = {}
    inp["x"] = jax.random.normal(ks[0], (N, D), dtype=jnp.float32)
    inp["edge_index"] = jax.random.randint(ks[1], (2, E), 0, N)
    inp["edge_attr"] = jax.random.normal(ks[2], (E, ED), dtype=jnp.float32)
    inp["batch"] = jnp.sort(jax.random.randint(ks[3], (N,), 0, G))
    inp["Wp"] = jax.random.normal(ks[4], (D, D), dtype=jnp.float32) * 0.05
    inp["bp"] = jnp.zeros((D,), dtype=jnp.float32)
    kidx = 5
    for l in range(DEPTH):
        inp["W1_%d" % l] = jax.random.normal(ks[kidx], (D + ED, H), dtype=jnp.float32) * 0.05; kidx += 1
        inp["b1_%d" % l] = jnp.zeros((H,), dtype=jnp.float32)
        inp["W2_%d" % l] = jax.random.normal(ks[kidx], (H, D), dtype=jnp.float32) * 0.05; kidx += 1
        inp["b2_%d" % l] = jnp.zeros((D,), dtype=jnp.float32)
        inp["g_%d" % l] = jnp.ones((D,), dtype=jnp.float32)
        inp["be_%d" % l] = jnp.zeros((D,), dtype=jnp.float32)
        inp["Wu_%d" % l] = jax.random.normal(ks[kidx], (D, D), dtype=jnp.float32) * 0.05; kidx += 1
        inp["bu_%d" % l] = jnp.zeros((D,), dtype=jnp.float32)
    return inp


def reference(x, edge_index, edge_attr, batch, Wp, bp,
              W1_0, b1_0, W2_0, b2_0, g_0, be_0, Wu_0, bu_0,
              W1_1, b1_1, W2_1, b2_1, g_1, be_1, Wu_1, bu_1):
    src = edge_index[0]
    dst = edge_index[1]
    h = x @ Wp + bp
    h = _block(h, edge_attr, src, dst, W1_0, b1_0, W2_0, b2_0, g_0, be_0, Wu_0, bu_0)
    h = _block(h, edge_attr, src, dst, W1_1, b1_1, W2_1, b2_1, g_1, be_1, Wu_1, bu_1)
    sums = jax.ops.segment_sum(h, batch, num_segments=G)
    cnt = jnp.clip(jax.ops.segment_sum(jnp.ones((N,), h.dtype), batch, num_segments=G), 1.0)[:, None]
    return sums / cnt

if __name__ == "__main__":
    import jax
    _d = setup_inputs()
    print(jax.jit(kernel)(*tuple(_d.values())))

</pallas_src>

<mosaic_0001>
#map = affine_map<(d0, d1) -> (0, 0)>
#map1 = affine_map<(d0, d1) -> (0, 0, 0)>
module attributes {stable_mosaic.version = 14 : i64} {
  func.func @sc_scatter(%arg0: i32, %arg1: i32, %arg2: memref<163840x128xf32, #tpu.memory_space<hbm>>, %arg3: memref<32x40x128xi32, #tpu.memory_space<hbm>>, %arg4: memref<10240x128xf32, #tpu.memory_space<hbm>>, %arg5: memref<2x10240x128xf32, #tpu.memory_space<hbm>>, %arg6: memref<40x128xi32, #tpu.memory_space<vmem>>, %arg7: memref<2x128x128xf32, #tpu.memory_space<vmem>>, %arg8: memref<10240x128xf32, #tpu.memory_space<vmem_shared>>, %arg9: memref<2x!tpu.dma_semaphore, #tpu.memory_space<semaphore_mem>>) attributes {dimension_semantics = [#tpu.dimension_semantics<core_parallel>, #tpu.dimension_semantics<subcore_parallel>], iteration_bounds = array<i64: 2, 16>, scalar_prefetch = 0 : i64, scratch_operands = 4 : i64, tpu.core_type = #tpu.core_type<sc_vector_subcore>, window_params = [{transform_indices = #map}, {transform_indices = #map1}, {transform_indices = #map}, {transform_indices = #map1}]} {
    %mul3A = arith.constant 2 : i32
    %mul3A_0 = arith.muli %arg1, %mul3A : i32
    %add3A = arith.addi %mul3A_0, %arg0 : i32
    %mul3A_1 = arith.constant 40 : i32
    %mul3A_2 = arith.muli %add3A, %mul3A_1 : i32
    %mul3A_3 = arith.constant 128 : i32
    %mul3A_4 = arith.muli %mul3A_2, %mul3A_3 : i32
    %mul3A_5 = arith.constant 640 : i32
    %mul3A_6 = arith.muli %arg1, %mul3A_5 : i32
    "tpu.region"() ({
      %run_scoped3A = tpu.sem_alloc : memref<!tpu.dma_semaphore, #tpu.memory_space<semaphore_mem>>
      %dma_start3A_47 = arith.constant 0 : i32
      %dma_start3A_48 = tpu.memref_slice %arg8[%mul3A_6, %dma_start3A_47] : memref<10240x128xf32, #tpu.memory_space<vmem_shared>> -> memref<640x128xf32, #tpu.memory_space<vmem_shared>>
      %dma_start3A_49 = arith.constant 0 : i32
      %dma_start3A_50 = tpu.memref_slice %arg4[%mul3A_6, %dma_start3A_49] : memref<10240x128xf32, #tpu.memory_space<hbm>> -> memref<640x128xf32, #tpu.memory_space<hbm>>
      tpu.enqueue_dma source(%dma_start3A_50 : memref<640x128xf32, #tpu.memory_space<hbm>>) target(%dma_start3A_48 : memref<640x128xf32, #tpu.memory_space<vmem_shared>>) target_semaphore(%run_scoped3A : memref<!tpu.dma_semaphore, #tpu.memory_space<semaphore_mem>>)
      %dma_wait3A = arith.constant 0 : i32
      %dma_wait3A_51 = tpu.memref_slice %arg8[%mul3A_6, %dma_wait3A] : memref<10240x128xf32, #tpu.memory_space<vmem_shared>> -> memref<640x128xf32, #tpu.memory_space<vmem_shared>>
      %dma_wait3A_52 = arith.constant 0 : i32
      %dma_wait3A_53 = tpu.memref_slice %arg4[%mul3A_6, %dma_wait3A_52] : memref<10240x128xf32, #tpu.memory_space<hbm>> -> memref<640x128xf32, #tpu.memory_space<hbm>>
      tpu.wait_dma2 semaphore(%run_scoped3A : memref<!tpu.dma_semaphore, #tpu.memory_space<semaphore_mem>>) src(%dma_wait3A_53 : memref<640x128xf32, #tpu.memory_space<hbm>>) dst(%dma_wait3A_51 : memref<640x128xf32, #tpu.memory_space<vmem_shared>>)
      tpu.yield
    }) : () -> ()
    "tpu.region"() ({
      %run_scoped3A = tpu.sem_alloc : memref<!tpu.dma_semaphore, #tpu.memory_space<semaphore_mem>>
      %dma_start3A_47 = arith.constant 0 : i32
      %dma_start3A_48 = arith.constant 0 : i32
      %dma_start3A_49 = tpu.memref_slice %arg3[%add3A, %dma_start3A_47, %dma_start3A_48] : memref<32x40x128xi32, #tpu.memory_space<hbm>> -> memref<1x40x128xi32, #tpu.memory_space<hbm>>
      %dma_start3A_50 = tpu.memref_squeeze %dma_start3A_49 : memref<1x40x128xi32, #tpu.memory_space<hbm>> -> memref<40x128xi32, #tpu.memory_space<hbm>>
      %dma_start3A_51 = arith.constant 0 : i32
      %dma_start3A_52 = arith.constant 0 : i32
      %dma_start3A_53 = tpu.memref_slice %arg3[%add3A, %dma_start3A_51, %dma_start3A_52] : memref<32x40x128xi32, #tpu.memory_space<hbm>> -> memref<1x40x128xi32, #tpu.memory_space<hbm>>
      %dma_start3A_54 = tpu.memref_squeeze %dma_start3A_53 : memref<1x40x128xi32, #tpu.memory_space<hbm>> -> memref<40x128xi32, #tpu.memory_space<hbm>>
      tpu.enqueue_dma source(%dma_start3A_54 : memref<40x128xi32, #tpu.memory_space<hbm>>) target(%arg6 : memref<40x128xi32, #tpu.memory_space<vmem>>) target_semaphore(%run_scoped3A : memref<!tpu.dma_semaphore, #tpu.memory_space<semaphore_mem>>)
      %dma_wait3A = arith.constant 0 : i32
      %dma_wait3A_55 = arith.constant 0 : i32
      %dma_wait3A_56 = tpu.memref_slice %arg3[%add3A, %dma_wait3A, %dma_wait3A_55] : memref<32x40x128xi32, #tpu.memory_space<hbm>> -> memref<1x40x128xi32, #tpu.memory_space<hbm>>
      %dma_wait3A_57 = tpu.memref_squeeze %dma_wait3A_56 : memref<1x40x128xi32, #tpu.memory_space<hbm>> -> memref<40x128xi32, #tpu.memory_space<hbm>>
      %dma_wait3A_58 = arith.constant 0 : i32
      %dma_wait3A_59 = arith.constant 0 : i32
      %dma_wait3A_60 = tpu.memref_slice %arg3[%add3A, %dma_wait3A_58, %dma_wait3A_59] : memref<32x40x128xi32, #tpu.memory_space<hbm>> -> memref<1x40x128xi32, #tpu.memory_space<hbm>>
      %dma_wait3A_61 = tpu.memref_squeeze %dma_wait3A_60 : memref<1x40x128xi32, #tpu.memory_space<hbm>> -> memref<40x128xi32, #tpu.memory_space<hbm>>
      tpu.wait_dma2 semaphore(%run_scoped3A : memref<!tpu.dma_semaphore, #tpu.memory_space<semaphore_mem>>) src(%dma_wait3A_61 : memref<40x128xi32, #tpu.memory_space<hbm>>) dst(%arg6 : memref<40x128xi32, #tpu.memory_space<vmem>>)
      tpu.yield
    }) : () -> ()
    %barrier3A = arith.constant 0 : index
    tpu.barrier barrier_id(%barrier3A)
    %add3A_7 = arith.constant 0 : i32
    %add3A_8 = arith.addi %mul3A_4, %add3A_7 : i32
    %dma_start3A = arith.constant 0 : i32
    %dma_start3A_9 = arith.constant 0 : i32
    %dma_start3A_10 = arith.constant 0 : i32
    %dma_start3A_11 = arith.constant 0 : i32
    %dma_start3A_12 = tpu.memref_slice %arg7[%dma_start3A, %dma_start3A_10, %dma_start3A_11] : memref<2x128x128xf32, #tpu.memory_space<vmem>> -> memref<1x128x128xf32, #tpu.memory_space<vmem>>
    %dma_start3A_13 = tpu.memref_squeeze %dma_start3A_12 : memref<1x128x128xf32, #tpu.memory_space<vmem>> -> memref<128x128xf32, #tpu.memory_space<vmem>>
    %dma_start3A_14 = arith.constant 0 : i32
    %dma_start3A_15 = tpu.memref_slice %arg2[%add3A_8, %dma_start3A_14] : memref<163840x128xf32, #tpu.memory_space<hbm>> -> memref<128x128xf32, #tpu.memory_space<hbm>>
    %dma_start3A_16 = tpu.memref_slice %arg9[%dma_start3A_9] : memref<2x!tpu.dma_semaphore, #tpu.memory_space<semaphore_mem>> -> memref<1x!tpu.dma_semaphore, #tpu.memory_space<semaphore_mem>>
    %dma_start3A_17 = tpu.memref_squeeze %dma_start3A_16 : memref<1x!tpu.dma_semaphore, #tpu.memory_space<semaphore_mem>> -> memref<!tpu.dma_semaphore, #tpu.memory_space<semaphore_mem>>
    %dma_start3A_18 = arith.constant 0 : i32
    %dma_start3A_19 = arith.constant 0 : i32
    %dma_start3A_20 = tpu.memref_slice %arg7[%dma_start3A, %dma_start3A_18, %dma_start3A_19] : memref<2x128x128xf32, #tpu.memory_space<vmem>> -> memref<1x128x128xf32, #tpu.memory_space<vmem>>
    %dma_start3A_21 = tpu.memref_squeeze %dma_start3A_20 : memref<1x128x128xf32, #tpu.memory_space<vmem>> -> memref<128x128xf32, #tpu.memory_space<vmem>>
    %dma_start3A_22 = arith.constant 0 : i32
    %dma_start3A_23 = tpu.memref_slice %arg2[%add3A_8, %dma_start3A_22] : memref<163840x128xf32, #tpu.memory_space<hbm>> -> memref<128x128xf32, #tpu.memory_space<hbm>>
    tpu.enqueue_dma source(%dma_start3A_23 : memref<128x128xf32, #tpu.memory_space<hbm>>) target(%dma_start3A_21 : memref<128x128xf32, #tpu.memory_space<vmem>>) target_semaphore(%dma_start3A_17 : memref<!tpu.dma_semaphore, #tpu.memory_space<semaphore_mem>>)
    %add3A_24 = arith.constant 128 : i32
    %add3A_25 = arith.addi %mul3A_4, %add3A_24 : i32
    %dma_start3A_26 = arith.constant 1 : i32
    %dma_start3A_27 = arith.constant 1 : i32
    %dma_start3A_28 = arith.constant 0 : i32
    %dma_start3A_29 = arith.constant 0 : i32
    %dma_start3A_30 = tpu.memref_slice %arg7[%dma_start3A_26, %dma_start3A_28, %dma_start3A_29] : memref<2x128x128xf32, #tpu.memory_space<vmem>> -> memref<1x128x128xf32, #tpu.memory_space<vmem>>
    %dma_start3A_31 = tpu.memref_squeeze %dma_start3A_30 : memref<1x128x128xf32, #tpu.memory_space<vmem>> -> memref<128x128xf32, #tpu.memory_space<vmem>>
    %dma_start3A_32 = arith.constant 0 : i32
    %dma_start3A_33 = tpu.memref_slice %arg2[%add3A_25, %dma_start3A_32] : memref<163840x128xf32, #tpu.memory_space<hbm>> -> memref<128x128xf32, #tpu.memory_space<hbm>>
    %dma_start3A_34 = tpu.memref_slice %arg9[%dma_start3A_27] : memref<2x!tpu.dma_semaphore, #tpu.memory_space<semaphore_mem>> -> memref<1x!tpu.dma_semaphore, #tpu.memory_space<semaphore_mem>>
    %dma_start3A_35 = tpu.memref_squeeze %dma_start3A_34 : memref<1x!tpu.dma_semaphore, #tpu.memory_space<semaphore_mem>> -> memref<!tpu.dma_semaphore, #tpu.memory_space<semaphore_mem>>
    %dma_start3A_36 = arith.constant 0 : i32
    %dma_start3A_37 = arith.constant 0 : i32
    %dma_start3A_38 = tpu.memref_slice %arg7[%dma_start3A_26, %dma_start3A_36, %dma_start3A_37] : memref<2x128x128xf32, #tpu.memory_space<vmem>> -> memref<1x128x128xf32, #tpu.memory_space<vmem>>
    %dma_start3A_39 = tpu.memref_squeeze %dma_start3A_38 : memref<1x128x128xf32, #tpu.memory_space<vmem>> -> memref<128x128xf32, #tpu.memory_space<vmem>>
    %dma_start3A_40 = arith.constant 0 : i32
    %dma_start3A_41 = tpu.memref_slice %arg2[%add3A_25, %dma_start3A_40] : memref<163840x128xf32, #tpu.memory_space<hbm>> -> memref<128x128xf32, #tpu.memory_space<hbm>>
    tpu.enqueue_dma source(%dma_start3A_41 : memref<128x128xf32, #tpu.memory_space<hbm>>) target(%dma_start3A_39 : memref<128x128xf32, #tpu.memory_space<vmem>>) target_semaphore(%dma_start3A_35 : memref<!tpu.dma_semaphore, #tpu.memory_space<semaphore_mem>>)
    %scan3A = arith.constant 0 : i32
    %scan3A_42 = arith.constant 20 : i32
    %scan3A_43 = arith.addi %scan3A, %scan3A_42 : i32
    %scan3A_44 = arith.constant 1 : i32
    scf.for %scan3A_47 = %scan3A to %scan3A_43 step %scan3A_44  : i32 {
      %mul3A_48 = arith.constant 2 : i32
      %mul3A_49 = arith.muli %scan3A_47, %mul3A_48 : i32
      %add3A_50 = arith.constant 0 : i32
      %add3A_51 = arith.addi %add3A_50, %mul3A_49 : i32
      %add3A_52 = arith.constant 0 : i32
      %add3A_53 = arith.addi %add3A_51, %add3A_52 : i32
      %dma_wait3A = arith.constant 0 : i32
      %dma_wait3A_54 = arith.constant 0 : i32
      %dma_wait3A_55 = arith.constant 0 : i32
      %dma_wait3A_56 = arith.constant 0 : i32
      %dma_wait3A_57 = tpu.memref_slice %arg7[%dma_wait3A, %dma_wait3A_55, %dma_wait3A_56] : memref<2x128x128xf32, #tpu.memory_space<vmem>> -> memref<1x128x128xf32, #tpu.memory_space<vmem>>
      %dma_wait3A_58 = tpu.memref_squeeze %dma_wait3A_57 : memref<1x128x128xf32, #tpu.memory_space<vmem>> -> memref<128x128xf32, #tpu.memory_space<vmem>>
      %dma_wait3A_59 = arith.constant 0 : i32
      %dma_wait3A_60 = tpu.memref_slice %arg2[%mul3A_4, %dma_wait3A_59] : memref<163840x128xf32, #tpu.memory_space<hbm>> -> memref<128x128xf32, #tpu.memory_space<hbm>>
      %dma_wait3A_61 = tpu.memref_slice %arg9[%dma_wait3A_54] : memref<2x!tpu.dma_semaphore, #tpu.memory_space<semaphore_mem>> -> memref<1x!tpu.dma_semaphore, #tpu.memory_space<semaphore_mem>>
      %dma_wait3A_62 = tpu.memref_squeeze %dma_wait3A_61 : memref<1x!tpu.dma_semaphore, #tpu.memory_space<semaphore_mem>> -> memref<!tpu.dma_semaphore, #tpu.memory_space<semaphore_mem>>
      %dma_wait3A_63 = arith.constant 0 : i32
      %dma_wait3A_64 = arith.constant 0 : i32
      %dma_wait3A_65 = tpu.memref_slice %arg7[%dma_wait3A, %dma_wait3A_63, %dma_wait3A_64] : memref<2x128x128xf32, #tpu.memory_space<vmem>> -> memref<1x128x128xf32, #tpu.memory_space<vmem>>
      %dma_wait3A_66 = tpu.memref_squeeze %dma_wait3A_65 : memref<1x128x128xf32, #tpu.memory_space<vmem>> -> memref<128x128xf32, #tpu.memory_space<vmem>>
      %dma_wait3A_67 = arith.constant 0 : i32
      %dma_wait3A_68 = tpu.memref_slice %arg2[%mul3A_4, %dma_wait3A_67] : memref<163840x128xf32, #tpu.memory_space<hbm>> -> memref<128x128xf32, #tpu.memory_space<hbm>>
      tpu.wait_dma2 semaphore(%dma_wait3A_62 : memref<!tpu.dma_semaphore, #tpu.memory_space<semaphore_mem>>) src(%dma_wait3A_68 : memref<128x128xf32, #tpu.memory_space<hbm>>) dst(%dma_wait3A_66 : memref<128x128xf32, #tpu.memory_space<vmem>>)
      %run_scoped3A = arith.constant 0 : i32
      "tpu.region"() ({
        %run_scoped3A_99 = tpu.sem_alloc : memref<!tpu.dma_semaphore, #tpu.memory_space<semaphore_mem>>
        %dma_start3A_100 = arith.constant 0 : i32
        %dma_start3A_101 = arith.constant 0 : i32
        %dma_start3A_102 = tpu.memref_slice %arg7[%run_scoped3A, %dma_start3A_100, %dma_start3A_101] : memref<2x128x128xf32, #tpu.memory_space<vmem>> -> memref<1x128x128xf32, #tpu.memory_space<vmem>>
        %dma_start3A_103 = tpu.memref_squeeze %dma_start3A_102 : memref<1x128x128xf32, #tpu.memory_space<vmem>> -> memref<128x128xf32, #tpu.memory_space<vmem>>
        %dma_start3A_104 = arith.constant 0 : i32
        %dma_start3A_105 = tpu.memref_slice %arg6[%add3A_53, %dma_start3A_104] : memref<40x128xi32, #tpu.memory_space<vmem>> -> memref<1x128xi32, #tpu.memory_space<vmem>>
        %dma_start3A_106 = tpu.memref_squeeze %dma_start3A_105 : memref<1x128xi32, #tpu.memory_space<vmem>> -> memref<128xi32, #tpu.memory_space<vmem>>
        %dma_start3A_107 = arith.constant 0 : i32
        %dma_start3A_108 = arith.constant 0 : i32
        %dma_start3A_109 = tpu.memref_slice %arg8[%dma_start3A_107, %dma_start3A_108] : memref<10240x128xf32, #tpu.memory_space<vmem_shared>> -> memref<10240x128xf32, #tpu.memory_space<vmem_shared>>
        tpu.enqueue_indirect_dma source(%dma_start3A_103 : memref<128x128xf32, #tpu.memory_space<vmem>>) target(%dma_start3A_109 : memref<10240x128xf32, #tpu.memory_space<vmem_shared>>) offsets(%dma_start3A_106 : memref<128xi32, #tpu.memory_space<vmem>>) semaphore(%run_scoped3A_99 : memref<!tpu.dma_semaphore, #tpu.memory_space<semaphore_mem>>) {add = true}
        %dma_wait3A_110 = arith.constant 0 : i32
        %dma_wait3A_111 = arith.constant 0 : i32
        %dma_wait3A_112 = tpu.memref_slice %arg7[%run_scoped3A, %dma_wait3A_110, %dma_wait3A_111] : memref<2x128x128xf32, #tpu.memory_space<vmem>> -> memref<1x128x128xf32, #tpu.memory_space<vmem>>
        %dma_wait3A_113 = tpu.memref_squeeze %dma_wait3A_112 : memref<1x128x128xf32, #tpu.memory_space<vmem>> -> memref<128x128xf32, #tpu.memory_space<vmem>>
        %dma_wait3A_114 = arith.constant 0 : i32
        %dma_wait3A_115 = tpu.memref_slice %arg6[%add3A_53, %dma_wait3A_114] : memref<40x128xi32, #tpu.memory_space<vmem>> -> memref<1x128xi32, #tpu.memory_space<vmem>>
        %dma_wait3A_116 = tpu.memref_squeeze %dma_wait3A_115 : memref<1x128xi32, #tpu.memory_space<vmem>> -> memref<128xi32, #tpu.memory_space<vmem>>
        %dma_wait3A_117 = arith.constant 0 : i32
        %dma_wait3A_118 = arith.constant 0 : i32
        %dma_wait3A_119 = tpu.memref_slice %arg8[%dma_wait3A_117, %dma_wait3A_118] : memref<10240x128xf32, #tpu.memory_space<vmem_shared>> -> memref<10240x128xf32, #tpu.memory_space<vmem_shared>>
        tpu.wait_indirect_dma semaphore(%run_scoped3A_99 : memref<!tpu.dma_semaphore, #tpu.memory_space<semaphore_mem>>) src(%dma_wait3A_113 : memref<128x128xf32, #tpu.memory_space<vmem>>) dst(%dma_wait3A_119 : memref<10240x128xf32, #tpu.memory_space<vmem_shared>>)
        tpu.yield
      }) : () -> ()
      %add3A_69 = arith.constant 2 : i32
      %add3A_70 = arith.addi %add3A_53, %add3A_69 : i32
      %lt3A = arith.constant 40 : i32
      %lt3A_71 = arith.cmpi slt, %add3A_70, %lt3A : i32
      %convert_element_type3A = arith.extui %lt3A_71 : i1 to i32
      %cond3A = arith.constant 0 : i32
      %cond3A_72 = arith.cmpi ne, %convert_element_type3A, %cond3A : i32
      scf.if %cond3A_72 {
        %add3A_99 = arith.constant 2 : i32
        %add3A_100 = arith.addi %add3A_53, %add3A_99 : i32
        %mul3A_101 = arith.constant 128 : i32
        %mul3A_102 = arith.muli %add3A_100, %mul3A_101 : i32
        %add3A_103 = arith.addi %mul3A_4, %mul3A_102 : i32
        %dma_start3A_104 = arith.constant 0 : i32
        %dma_start3A_105 = arith.constant 0 : i32
        %dma_start3A_106 = arith.constant 0 : i32
        %dma_start3A_107 = arith.constant 0 : i32
        %dma_start3A_108 = tpu.memref_slice %arg7[%dma_start3A_104, %dma_start3A_106, %dma_start3A_107] : memref<2x128x128xf32, #tpu.memory_space<vmem>> -> memref<1x128x128xf32, #tpu.memory_space<vmem>>
        %dma_start3A_109 = tpu.memref_squeeze %dma_start3A_108 : memref<1x128x128xf32, #tpu.memory_space<vmem>> -> memref<128x128xf32, #tpu.memory_space<vmem>>
        %dma_start3A_110 = arith.constant 0 : i32
        %dma_start3A_111 = tpu.memref_slice %arg2[%add3A_103, %dma_start3A_110] : memref<163840x128xf32, #tpu.memory_space<hbm>> -> memref<128x128xf32, #tpu.memory_space<hbm>>
        %dma_start3A_112 = tpu.memref_slice %arg9[%dma_start3A_105] : memref<2x!tpu.dma_semaphore, #tpu.memory_space<semaphore_mem>> -> memref<1x!tpu.dma_semaphore, #tpu.memory_space<semaphore_mem>>
        %dma_start3A_113 = tpu.memref_squeeze %dma_start3A_112 : memref<1x!tpu.dma_semaphore, #tpu.memory_space<semaphore_mem>> -> memref<!tpu.dma_semaphore, #tpu.memory_space<semaphore_mem>>
        %dma_start3A_114 = arith.constant 0 : i32
        %dma_start3A_115 = arith.constant 0 : i32
        %dma_start3A_116 = tpu.memref_slice %arg7[%dma_start3A_104, %dma_start3A_114, %dma_start3A_115] : memref<2x128x128xf32, #tpu.memory_space<vmem>> -> memref<1x128x128xf32, #tpu.memory_space<vmem>>
        %dma_start3A_117 = tpu.memref_squeeze %dma_start3A_116 : memref<1x128x128xf32, #tpu.memory_space<vmem>> -> memref<128x128xf32, #tpu.memory_space<vmem>>
        %dma_start3A_118 = arith.constant 0 : i32
        %dma_start3A_119 = tpu.memref_slice %arg2[%add3A_103, %dma_start3A_118] : memref<163840x128xf32, #tpu.memory_space<hbm>> -> memref<128x128xf32, #tpu.memory_space<hbm>>
        tpu.enqueue_dma source(%dma_start3A_119 : memref<128x128xf32, #tpu.memory_space<hbm>>) target(%dma_start3A_117 : memref<128x128xf32, #tpu.memory_space<vmem>>) target_semaphore(%dma_start3A_113 : memref<!tpu.dma_semaphore, #tpu.memory_space<semaphore_mem>>)
      } else {
      }
      %add3A_73 = arith.constant 1 : i32
      %add3A_74 = arith.addi %add3A_51, %add3A_73 : i32
      %dma_wait3A_75 = arith.constant 1 : i32
      %dma_wait3A_76 = arith.constant 1 : i32
      %dma_wait3A_77 = arith.constant 0 : i32
      %dma_wait3A_78 = arith.constant 0 : i32
      %dma_wait3A_79 = tpu.memref_slice %arg7[%dma_wait3A_75, %dma_wait3A_77, %dma_wait3A_78] : memref<2x128x128xf32, #tpu.memory_space<vmem>> -> memref<1x128x128xf32, #tpu.memory_space<vmem>>
      %dma_wait3A_80 = tpu.memref_squeeze %dma_wait3A_79 : memref<1x128x128xf32, #tpu.memory_space<vmem>> -> memref<128x128xf32, #tpu.memory_space<vmem>>
      %dma_wait3A_81 = arith.constant 0 : i32
      %dma_wait3A_82 = tpu.memref_slice %arg2[%mul3A_4, %dma_wait3A_81] : memref<163840x128xf32, #tpu.memory_space<hbm>> -> memref<128x128xf32, #tpu.memory_space<hbm>>
      %dma_wait3A_83 = tpu.memref_slice %arg9[%dma_wait3A_76] : memref<2x!tpu.dma_semaphore, #tpu.memory_space<semaphore_mem>> -> memref<1x!tpu.dma_semaphore, #tpu.memory_space<semaphore_mem>>
      %dma_wait3A_84 = tpu.memref_squeeze %dma_wait3A_83 : memref<1x!tpu.dma_semaphore, #tpu.memory_space<semaphore_mem>> -> memref<!tpu.dma_semaphore, #tpu.memory_space<semaphore_mem>>
      %dma_wait3A_85 = arith.constant 0 : i32
      %dma_wait3A_86 = arith.constant 0 : i32
      %dma_wait3A_87 = tpu.memref_slice %arg7[%dma_wait3A_75, %dma_wait3A_85, %dma_wait3A_86] : memref<2x128x128xf32, #tpu.memory_space<vmem>> -> memref<1x128x128xf32, #tpu.memory_space<vmem>>
      %dma_wait3A_88 = tpu.memref_squeeze %dma_wait3A_87 : memref<1x128x128xf32, #tpu.memory_space<vmem>> -> memref<128x128xf32, #tpu.memory_space<vmem>>
      %dma_wait3A_89 = arith.constant 0 : i32
      %dma_wait3A_90 = tpu.memref_slice %arg2[%mul3A_4, %dma_wait3A_89] : memref<163840x128xf32, #tpu.memory_space<hbm>> -> memref<128x128xf32, #tpu.memory_space<hbm>>
      tpu.wait_dma2 semaphore(%dma_wait3A_84 : memref<!tpu.dma_semaphore, #tpu.memory_space<semaphore_mem>>) src(%dma_wait3A_90 : memref<128x128xf32, #tpu.memory_space<hbm>>) dst(%dma_wait3A_88 : memref<128x128xf32, #tpu.memory_space<vmem>>)
      %run_scoped3A_91 = arith.constant 1 : i32
      "tpu.region"() ({
        %run_scoped3A_99 = tpu.sem_alloc : memref<!tpu.dma_semaphore, #tpu.memory_space<semaphore_mem>>
        %dma_start3A_100 = arith.constant 0 : i32
        %dma_start3A_101 = arith.constant 0 : i32
        %dma_start3A_102 = tpu.memref_slice %arg7[%run_scoped3A_91, %dma_start3A_100, %dma_start3A_101] : memref<2x128x128xf32, #tpu.memory_space<vmem>> -> memref<1x128x128xf32, #tpu.memory_space<vmem>>
        %dma_start3A_103 = tpu.memref_squeeze %dma_start3A_102 : memref<1x128x128xf32, #tpu.memory_space<vmem>> -> memref<128x128xf32, #tpu.memory_space<vmem>>
        %dma_start3A_104 = arith.constant 0 : i32
        %dma_start3A_105 = tpu.memref_slice %arg6[%add3A_74, %dma_start3A_104] : memref<40x128xi32, #tpu.memory_space<vmem>> -> memref<1x128xi32, #tpu.memory_space<vmem>>
        %dma_start3A_106 = tpu.memref_squeeze %dma_start3A_105 : memref<1x128xi32, #tpu.memory_space<vmem>> -> memref<128xi32, #tpu.memory_space<vmem>>
        %dma_start3A_107 = arith.constant 0 : i32
        %dma_start3A_108 = arith.constant 0 : i32
        %dma_start3A_109 = tpu.memref_slice %arg8[%dma_start3A_107, %dma_start3A_108] : memref<10240x128xf32, #tpu.memory_space<vmem_shared>> -> memref<10240x128xf32, #tpu.memory_space<vmem_shared>>
        tpu.enqueue_indirect_dma source(%dma_start3A_103 : memref<128x128xf32, #tpu.memory_space<vmem>>) target(%dma_start3A_109 : memref<10240x128xf32, #tpu.memory_space<vmem_shared>>) offsets(%dma_start3A_106 : memref<128xi32, #tpu.memory_space<vmem>>) semaphore(%run_scoped3A_99 : memref<!tpu.dma_semaphore, #tpu.memory_space<semaphore_mem>>) {add = true}
        %dma_wait3A_110 = arith.constant 0 : i32
        %dma_wait3A_111 = arith.constant 0 : i32
        %dma_wait3A_112 = tpu.memref_slice %arg7[%run_scoped3A_91, %dma_wait3A_110, %dma_wait3A_111] : memref<2x128x128xf32, #tpu.memory_space<vmem>> -> memref<1x128x128xf32, #tpu.memory_space<vmem>>
        %dma_wait3A_113 = tpu.memref_squeeze %dma_wait3A_112 : memref<1x128x128xf32, #tpu.memory_space<vmem>> -> memref<128x128xf32, #tpu.memory_space<vmem>>
        %dma_wait3A_114 = arith.constant 0 : i32
        %dma_wait3A_115 = tpu.memref_slice %arg6[%add3A_74, %dma_wait3A_114] : memref<40x128xi32, #tpu.memory_space<vmem>> -> memref<1x128xi32, #tpu.memory_space<vmem>>
        %dma_wait3A_116 = tpu.memref_squeeze %dma_wait3A_115 : memref<1x128xi32, #tpu.memory_space<vmem>> -> memref<128xi32, #tpu.memory_space<vmem>>
        %dma_wait3A_117 = arith.constant 0 : i32
        %dma_wait3A_118 = arith.constant 0 : i32
        %dma_wait3A_119 = tpu.memref_slice %arg8[%dma_wait3A_117, %dma_wait3A_118] : memref<10240x128xf32, #tpu.memory_space<vmem_shared>> -> memref<10240x128xf32, #tpu.memory_space<vmem_shared>>
        tpu.wait_indirect_dma semaphore(%run_scoped3A_99 : memref<!tpu.dma_semaphore, #tpu.memory_space<semaphore_mem>>) src(%dma_wait3A_113 : memref<128x128xf32, #tpu.memory_space<vmem>>) dst(%dma_wait3A_119 : memref<10240x128xf32, #tpu.memory_space<vmem_shared>>)
        tpu.yield
      }) : () -> ()
      %add3A_92 = arith.constant 2 : i32
      %add3A_93 = arith.addi %add3A_74, %add3A_92 : i32
      %lt3A_94 = arith.constant 40 : i32
      %lt3A_95 = arith.cmpi slt, %add3A_93, %lt3A_94 : i32
      %convert_element_type3A_96 = arith.extui %lt3A_95 : i1 to i32
      %cond3A_97 = arith.constant 0 : i32
      %cond3A_98 = arith.cmpi ne, %convert_element_type3A_96, %cond3A_97 : i32
      scf.if %cond3A_98 {
        %add3A_99 = arith.constant 2 : i32
        %add3A_100 = arith.addi %add3A_74, %add3A_99 : i32
        %mul3A_101 = arith.constant 128 : i32
        %mul3A_102 = arith.muli %add3A_100, %mul3A_101 : i32
        %add3A_103 = arith.addi %mul3A_4, %mul3A_102 : i32
        %dma_start3A_104 = arith.constant 1 : i32
        %dma_start3A_105 = arith.constant 1 : i32
        %dma_start3A_106 = arith.constant 0 : i32
        %dma_start3A_107 = arith.constant 0 : i32
        %dma_start3A_108 = tpu.memref_slice %arg7[%dma_start3A_104, %dma_start3A_106, %dma_start3A_107] : memref<2x128x128xf32, #tpu.memory_space<vmem>> -> memref<1x128x128xf32, #tpu.memory_space<vmem>>
        %dma_start3A_109 = tpu.memref_squeeze %dma_start3A_108 : memref<1x128x128xf32, #tpu.memory_space<vmem>> -> memref<128x128xf32, #tpu.memory_space<vmem>>
        %dma_start3A_110 = arith.constant 0 : i32
        %dma_start3A_111 = tpu.memref_slice %arg2[%add3A_103, %dma_start3A_110] : memref<163840x128xf32, #tpu.memory_space<hbm>> -> memref<128x128xf32, #tpu.memory_space<hbm>>
        %dma_start3A_112 = tpu.memref_slice %arg9[%dma_start3A_105] : memref<2x!tpu.dma_semaphore, #tpu.memory_space<semaphore_mem>> -> memref<1x!tpu.dma_semaphore, #tpu.memory_space<semaphore_mem>>
        %dma_start3A_113 = tpu.memref_squeeze %dma_start3A_112 : memref<1x!tpu.dma_semaphore, #tpu.memory_space<semaphore_mem>> -> memref<!tpu.dma_semaphore, #tpu.memory_space<semaphore_mem>>
        %dma_start3A_114 = arith.constant 0 : i32
        %dma_start3A_115 = arith.constant 0 : i32
        %dma_start3A_116 = tpu.memref_slice %arg7[%dma_start3A_104, %dma_start3A_114, %dma_start3A_115] : memref<2x128x128xf32, #tpu.memory_space<vmem>> -> memref<1x128x128xf32, #tpu.memory_space<vmem>>
        %dma_start3A_117 = tpu.memref_squeeze %dma_start3A_116 : memref<1x128x128xf32, #tpu.memory_space<vmem>> -> memref<128x128xf32, #tpu.memory_space<vmem>>
        %dma_start3A_118 = arith.constant 0 : i32
        %dma_start3A_119 = tpu.memref_slice %arg2[%add3A_103, %dma_start3A_118] : memref<163840x128xf32, #tpu.memory_space<hbm>> -> memref<128x128xf32, #tpu.memory_space<hbm>>
        tpu.enqueue_dma source(%dma_start3A_119 : memref<128x128xf32, #tpu.memory_space<hbm>>) target(%dma_start3A_117 : memref<128x128xf32, #tpu.memory_space<vmem>>) target_semaphore(%dma_start3A_113 : memref<!tpu.dma_semaphore, #tpu.memory_space<semaphore_mem>>)
      } else {
      }
    }
    %scan3A_45 = arith.constant 20 : i32
    %barrier3A_46 = arith.constant 0 : index
    tpu.barrier barrier_id(%barrier3A_46)
    "tpu.region"() ({
      %run_scoped3A = tpu.sem_alloc : memref<!tpu.dma_semaphore, #tpu.memory_space<semaphore_mem>>
      %dma_start3A_47 = arith.constant 0 : i32
      %dma_start3A_48 = tpu.memref_slice %arg5[%arg0, %mul3A_6, %dma_start3A_47] : memref<2x10240x128xf32, #tpu.memory_space<hbm>> -> memref<1x640x128xf32, #tpu.memory_space<hbm>>
      %dma_start3A_49 = tpu.memref_squeeze %dma_start3A_48 : memref<1x640x128xf32, #tpu.memory_space<hbm>> -> memref<640x128xf32, #tpu.memory_space<hbm>>
      %dma_start3A_50 = arith.constant 0 : i32
      %dma_start3A_51 = tpu.memref_slice %arg8[%mul3A_6, %dma_start3A_50] : memref<10240x128xf32, #tpu.memory_space<vmem_shared>> -> memref<640x128xf32, #tpu.memory_space<vmem_shared>>
      tpu.enqueue_dma source(%dma_start3A_51 : memref<640x128xf32, #tpu.memory_space<vmem_shared>>) target(%dma_start3A_49 : memref<640x128xf32, #tpu.memory_space<hbm>>) target_semaphore(%run_scoped3A : memref<!tpu.dma_semaphore, #tpu.memory_space<semaphore_mem>>)
      %dma_wait3A = arith.constant 0 : i32
      %dma_wait3A_52 = tpu.memref_slice %arg5[%arg0, %mul3A_6, %dma_wait3A] : memref<2x10240x128xf32, #tpu.memory_space<hbm>> -> memref<1x640x128xf32, #tpu.memory_space<hbm>>
      %dma_wait3A_53 = tpu.memref_squeeze %dma_wait3A_52 : memref<1x640x128xf32, #tpu.memory_space<hbm>> -> memref<640x128xf32, #tpu.memory_space<hbm>>
      %dma_wait3A_54 = arith.constant 0 : i32
      %dma_wait3A_55 = tpu.memref_slice %arg8[%mul3A_6, %dma_wait3A_54] : memref<10240x128xf32, #tpu.memory_space<vmem_shared>> -> memref<640x128xf32, #tpu.memory_space<vmem_shared>>
      tpu.wait_dma2 semaphore(%run_scoped3A : memref<!tpu.dma_semaphore, #tpu.memory_space<semaphore_mem>>) src(%dma_wait3A_55 : memref<640x128xf32, #tpu.memory_space<vmem_shared>>) dst(%dma_wait3A_53 : memref<640x128xf32, #tpu.memory_space<hbm>>)
      tpu.yield
    }) : () -> ()
    return
  }
}

#map = affine_map<(d0, d1) -> (0, 0)>
#map1 = affine_map<(d0, d1) -> (0, 0, 0)>
module attributes {stable_mosaic.version = 14 : i64} {
  func.func @sc_gather(%arg0: i32, %arg1: i32, %arg2: memref<10240x128xf32, #tpu.memory_space<hbm>>, %arg3: memref<32x80x128xi32, #tpu.memory_space<hbm>>, %arg4: memref<327680x128xf32, #tpu.memory_space<hbm>>, %arg5: memref<80x128xi32, #tpu.memory_space<vmem>>, %arg6: memref<2x128x128xf32, #tpu.memory_space<vmem>>, %arg7: memref<10240x128xf32, #tpu.memory_space<vmem_shared>>, %arg8: memref<2x!tpu.dma_semaphore, #tpu.memory_space<semaphore_mem>>, %arg9: memref<2x!tpu.dma_semaphore, #tpu.memory_space<semaphore_mem>>) attributes {dimension_semantics = [#tpu.dimension_semantics<core_parallel>, #tpu.dimension_semantics<subcore_parallel>], iteration_bounds = array<i64: 2, 16>, scalar_prefetch = 0 : i64, scratch_operands = 5 : i64, tpu.core_type = #tpu.core_type<sc_vector_subcore>, window_params = [{transform_indices = #map}, {transform_indices = #map1}, {transform_indices = #map}]} {
    %mul3A = arith.constant 2 : i32
    %mul3A_0 = arith.muli %arg1, %mul3A : i32
    %add3A = arith.addi %mul3A_0, %arg0 : i32
    %mul3A_1 = arith.constant 80 : i32
    %mul3A_2 = arith.muli %add3A, %mul3A_1 : i32
    %mul3A_3 = arith.constant 128 : i32
    %mul3A_4 = arith.muli %mul3A_2, %mul3A_3 : i32
    %mul3A_5 = arith.constant 640 : i32
    %mul3A_6 = arith.muli %arg1, %mul3A_5 : i32
    "tpu.region"() ({
      %run_scoped3A = tpu.sem_alloc : memref<!tpu.dma_semaphore, #tpu.memory_space<semaphore_mem>>
      %dma_start3A_71 = arith.constant 0 : i32
      %dma_start3A_72 = tpu.memref_slice %arg7[%mul3A_6, %dma_start3A_71] : memref<10240x128xf32, #tpu.memory_space<vmem_shared>> -> memref<640x128xf32, #tpu.memory_space<vmem_shared>>
      %dma_start3A_73 = arith.constant 0 : i32
      %dma_start3A_74 = tpu.memref_slice %arg2[%mul3A_6, %dma_start3A_73] : memref<10240x128xf32, #tpu.memory_space<hbm>> -> memref<640x128xf32, #tpu.memory_space<hbm>>
      tpu.enqueue_dma source(%dma_start3A_74 : memref<640x128xf32, #tpu.memory_space<hbm>>) target(%dma_start3A_72 : memref<640x128xf32, #tpu.memory_space<vmem_shared>>) target_semaphore(%run_scoped3A : memref<!tpu.dma_semaphore, #tpu.memory_space<semaphore_mem>>)
      %dma_wait3A_75 = arith.constant 0 : i32
      %dma_wait3A_76 = tpu.memref_slice %arg7[%mul3A_6, %dma_wait3A_75] : memref<10240x128xf32, #tpu.memory_space<vmem_shared>> -> memref<640x128xf32, #tpu.memory_space<vmem_shared>>
      %dma_wait3A_77 = arith.constant 0 : i32
      %dma_wait3A_78 = tpu.memref_slice %arg2[%mul3A_6, %dma_wait3A_77] : memref<10240x128xf32, #tpu.memory_space<hbm>> -> memref<640x128xf32, #tpu.memory_space<hbm>>
      tpu.wait_dma2 semaphore(%run_scoped3A : memref<!tpu.dma_semaphore, #tpu.memory_space<semaphore_mem>>) src(%dma_wait3A_78 : memref<640x128xf32, #tpu.memory_space<hbm>>) dst(%dma_wait3A_76 : memref<640x128xf32, #tpu.memory_space<vmem_shared>>)
      tpu.yield
    }) : () -> ()
    "tpu.region"() ({
      %run_scoped3A = tpu.sem_alloc : memref<!tpu.dma_semaphore, #tpu.memory_space<semaphore_mem>>
      %dma_start3A_71 = arith.constant 0 : i32
      %dma_start3A_72 = arith.constant 0 : i32
      %dma_start3A_73 = tpu.memref_slice %arg3[%add3A, %dma_start3A_71, %dma_start3A_72] : memref<32x80x128xi32, #tpu.memory_space<hbm>> -> memref<1x80x128xi32, #tpu.memory_space<hbm>>
      %dma_start3A_74 = tpu.memref_squeeze %dma_start3A_73 : memref<1x80x128xi32, #tpu.memory_space<hbm>> -> memref<80x128xi32, #tpu.memory_space<hbm>>
      %dma_start3A_75 = arith.constant 0 : i32
      %dma_start3A_76 = arith.constant 0 : i32
      %dma_start3A_77 = tpu.memref_slice %arg3[%add3A, %dma_start3A_75, %dma_start3A_76] : memref<32x80x128xi32, #tpu.memory_space<hbm>> -> memref<1x80x128xi32, #tpu.memory_space<hbm>>
      %dma_start3A_78 = tpu.memref_squeeze %dma_start3A_77 : memref<1x80x128xi32, #tpu.memory_space<hbm>> -> memref<80x128xi32, #tpu.memory_space<hbm>>
      tpu.enqueue_dma source(%dma_start3A_78 : memref<80x128xi32, #tpu.memory_space<hbm>>) target(%arg5 : memref<80x128xi32, #tpu.memory_space<vmem>>) target_semaphore(%run_scoped3A : memref<!tpu.dma_semaphore, #tpu.memory_space<semaphore_mem>>)
      %dma_wait3A_79 = arith.constant 0 : i32
      %dma_wait3A_80 = arith.constant 0 : i32
      %dma_wait3A_81 = tpu.memref_slice %arg3[%add3A, %dma_wait3A_79, %dma_wait3A_80] : memref<32x80x128xi32, #tpu.memory_space<hbm>> -> memref<1x80x128xi32, #tpu.memory_space<hbm>>
      %dma_wait3A_82 = tpu.memref_squeeze %dma_wait3A_81 : memref<1x80x128xi32, #tpu.memory_space<hbm>> -> memref<80x128xi32, #tpu.memory_space<hbm>>
      %dma_wait3A_83 = arith.constant 0 : i32
      %dma_wait3A_84 = arith.constant 0 : i32
      %dma_wait3A_85 = tpu.memref_slice %arg3[%add3A, %dma_wait3A_83, %dma_wait3A_84] : memref<32x80x128xi32, #tpu.memory_space<hbm>> -> memref<1x80x128xi32, #tpu.memory_space<hbm>>
      %dma_wait3A_86 = tpu.memref_squeeze %dma_wait3A_85 : memref<1x80x128xi32, #tpu.memory_space<hbm>> -> memref<80x128xi32, #tpu.memory_space<hbm>>
      tpu.wait_dma2 semaphore(%run_scoped3A : memref<!tpu.dma_semaphore, #tpu.memory_space<semaphore_mem>>) src(%dma_wait3A_86 : memref<80x128xi32, #tpu.memory_space<hbm>>) dst(%arg5 : memref<80x128xi32, #tpu.memory_space<vmem>>)
      tpu.yield
    }) : () -> ()
    %barrier3A = arith.constant 0 : index
    tpu.barrier barrier_id(%barrier3A)
    %dma_start3A = arith.constant 0 : i32
    %dma_start3A_7 = arith.constant 0 : i32
    %dma_start3A_8 = arith.constant 0 : i32
    %dma_start3A_9 = arith.constant 0 : i32
    %dma_start3A_10 = arith.constant 0 : i32
    %dma_start3A_11 = tpu.memref_slice %arg6[%dma_start3A_7, %dma_start3A_9, %dma_start3A_10] : memref<2x128x128xf32, #tpu.memory_space<vmem>> -> memref<1x128x128xf32, #tpu.memory_space<vmem>>
    %dma_start3A_12 = tpu.memref_squeeze %dma_start3A_11 : memref<1x128x128xf32, #tpu.memory_space<vmem>> -> memref<128x128xf32, #tpu.memory_space<vmem>>
    %dma_start3A_13 = arith.constant 0 : i32
    %dma_start3A_14 = tpu.memref_slice %arg5[%dma_start3A, %dma_start3A_13] : memref<80x128xi32, #tpu.memory_space<vmem>> -> memref<1x128xi32, #tpu.memory_space<vmem>>
    %dma_start3A_15 = tpu.memref_squeeze %dma_start3A_14 : memref<1x128xi32, #tpu.memory_space<vmem>> -> memref<128xi32, #tpu.memory_space<vmem>>
    %dma_start3A_16 = arith.constant 0 : i32
    %dma_start3A_17 = arith.constant 0 : i32
    %dma_start3A_18 = tpu.memref_slice %arg7[%dma_start3A_16, %dma_start3A_17] : memref<10240x128xf32, #tpu.memory_space<vmem_shared>> -> memref<10240x128xf32, #tpu.memory_space<vmem_shared>>
    %dma_start3A_19 = tpu.memref_slice %arg8[%dma_start3A_8] : memref<2x!tpu.dma_semaphore, #tpu.memory_space<semaphore_mem>> -> memref<1x!tpu.dma_semaphore, #tpu.memory_space<semaphore_mem>>
    %dma_start3A_20 = tpu.memref_squeeze %dma_start3A_19 : memref<1x!tpu.dma_semaphore, #tpu.memory_space<semaphore_mem>> -> memref<!tpu.dma_semaphore, #tpu.memory_space<semaphore_mem>>
    tpu.enqueue_indirect_dma source(%dma_start3A_18 : memref<10240x128xf32, #tpu.memory_space<vmem_shared>>) target(%dma_start3A_12 : memref<128x128xf32, #tpu.memory_space<vmem>>) offsets(%dma_start3A_15 : memref<128xi32, #tpu.memory_space<vmem>>) semaphore(%dma_start3A_20 : memref<!tpu.dma_semaphore, #tpu.memory_space<semaphore_mem>>)
    %dma_start3A_21 = arith.constant 1 : i32
    %dma_start3A_22 = arith.constant 1 : i32
    %dma_start3A_23 = arith.constant 1 : i32
    %dma_start3A_24 = arith.constant 0 : i32
    %dma_start3A_25 = arith.constant 0 : i32
    %dma_start3A_26 = tpu.memref_slice %arg6[%dma_start3A_22, %dma_start3A_24, %dma_start3A_25] : memref<2x128x128xf32, #tpu.memory_space<vmem>> -> memref<1x128x128xf32, #tpu.memory_space<vmem>>
    %dma_start3A_27 = tpu.memref_squeeze %dma_start3A_26 : memref<1x128x128xf32, #tpu.memory_space<vmem>> -> memref<128x128xf32, #tpu.memory_space<vmem>>
    %dma_start3A_28 = arith.constant 0 : i32
    %dma_start3A_29 = tpu.memref_slice %arg5[%dma_start3A_21, %dma_start3A_28] : memref<80x128xi32, #tpu.memory_space<vmem>> -> memref<1x128xi32, #tpu.memory_space<vmem>>
    %dma_start3A_30 = tpu.memref_squeeze %dma_start3A_29 : memref<1x128xi32, #tpu.memory_space<vmem>> -> memref<128xi32, #tpu.memory_space<vmem>>
    %dma_start3A_31 = arith.constant 0 : i32
    %dma_start3A_32 = arith.constant 0 : i32
    %dma_start3A_33 = tpu.memref_slice %arg7[%dma_start3A_31, %dma_start3A_32] : memref<10240x128xf32, #tpu.memory_space<vmem_shared>> -> memref<10240x128xf32, #tpu.memory_space<vmem_shared>>
    %dma_start3A_34 = tpu.memref_slice %arg8[%dma_start3A_23] : memref<2x!tpu.dma_semaphore, #tpu.memory_space<semaphore_mem>> -> memref<1x!tpu.dma_semaphore, #tpu.memory_space<semaphore_mem>>
    %dma_start3A_35 = tpu.memref_squeeze %dma_start3A_34 : memref<1x!tpu.dma_semaphore, #tpu.memory_space<semaphore_mem>> -> memref<!tpu.dma_semaphore, #tpu.memory_space<semaphore_mem>>
    tpu.enqueue_indirect_dma source(%dma_start3A_33 : memref<10240x128xf32, #tpu.memory_space<vmem_shared>>) target(%dma_start3A_27 : memref<128x128xf32, #tpu.memory_space<vmem>>) offsets(%dma_start3A_30 : memref<128xi32, #tpu.memory_space<vmem>>) semaphore(%dma_start3A_35 : memref<!tpu.dma_semaphore, #tpu.memory_space<semaphore_mem>>)
    %scan3A = arith.constant 0 : i32
    %scan3A_36 = arith.constant 40 : i32
    %scan3A_37 = arith.addi %scan3A, %scan3A_36 : i32
    %scan3A_38 = arith.constant 1 : i32
    scf.for %scan3A_71 = %scan3A to %scan3A_37 step %scan3A_38  : i32 {
      %mul3A_72 = arith.constant 2 : i32
      %mul3A_73 = arith.muli %scan3A_71, %mul3A_72 : i32
      %add3A_74 = arith.constant 0 : i32
      %add3A_75 = arith.addi %add3A_74, %mul3A_73 : i32
      %add3A_76 = arith.constant 0 : i32
      %add3A_77 = arith.addi %add3A_75, %add3A_76 : i32
      %mul3A_78 = arith.constant 128 : i32
      %mul3A_79 = arith.muli %add3A_77, %mul3A_78 : i32
      %add3A_80 = arith.addi %mul3A_4, %mul3A_79 : i32
      %dma_wait3A_81 = arith.constant 0 : i32
      %dma_wait3A_82 = arith.constant 0 : i32
      %dma_wait3A_83 = arith.constant 0 : i32
      %dma_wait3A_84 = arith.constant 0 : i32
      %dma_wait3A_85 = tpu.memref_slice %arg6[%dma_wait3A_81, %dma_wait3A_83, %dma_wait3A_84] : memref<2x128x128xf32, #tpu.memory_space<vmem>> -> memref<1x128x128xf32, #tpu.memory_space<vmem>>
      %dma_wait3A_86 = tpu.memref_squeeze %dma_wait3A_85 : memref<1x128x128xf32, #tpu.memory_space<vmem>> -> memref<128x128xf32, #tpu.memory_space<vmem>>
      %dma_wait3A_87 = arith.constant 0 : i32
      %dma_wait3A_88 = tpu.memref_slice %arg5[%add3A_77, %dma_wait3A_87] : memref<80x128xi32, #tpu.memory_space<vmem>> -> memref<1x128xi32, #tpu.memory_space<vmem>>
      %dma_wait3A_89 = tpu.memref_squeeze %dma_wait3A_88 : memref<1x128xi32, #tpu.memory_space<vmem>> -> memref<128xi32, #tpu.memory_space<vmem>>
      %dma_wait3A_90 = arith.constant 0 : i32
      %dma_wait3A_91 = arith.constant 0 : i32
      %dma_wait3A_92 = tpu.memref_slice %arg7[%dma_wait3A_90, %dma_wait3A_91] : memref<10240x128xf32, #tpu.memory_space<vmem_shared>> -> memref<10240x128xf32, #tpu.memory_space<vmem_shared>>
      %dma_wait3A_93 = tpu.memref_slice %arg8[%dma_wait3A_82] : memref<2x!tpu.dma_semaphore, #tpu.memory_space<semaphore_mem>> -> memref<1x!tpu.dma_semaphore, #tpu.memory_space<semaphore_mem>>
      %dma_wait3A_94 = tpu.memref_squeeze %dma_wait3A_93 : memref<1x!tpu.dma_semaphore, #tpu.memory_space<semaphore_mem>> -> memref<!tpu.dma_semaphore, #tpu.memory_space<semaphore_mem>>
      tpu.wait_indirect_dma semaphore(%dma_wait3A_94 : memref<!tpu.dma_semaphore, #tpu.memory_space<semaphore_mem>>) src(%dma_wait3A_92 : memref<10240x128xf32, #tpu.memory_space<vmem_shared>>) dst(%dma_wait3A_86 : memref<128x128xf32, #tpu.memory_space<vmem>>)
      %dma_start3A_95 = arith.constant 0 : i32
      %dma_start3A_96 = arith.constant 0 : i32
      %dma_start3A_97 = arith.constant 0 : i32
      %dma_start3A_98 = arith.constant 0 : i32
      %dma_start3A_99 = tpu.memref_slice %arg6[%dma_start3A_95, %dma_start3A_97, %dma_start3A_98] : memref<2x128x128xf32, #tpu.memory_space<vmem>> -> memref<1x128x128xf32, #tpu.memory_space<vmem>>
      %dma_start3A_100 = tpu.memref_squeeze %dma_start3A_99 : memref<1x128x128xf32, #tpu.memory_space<vmem>> -> memref<128x128xf32, #tpu.memory_space<vmem>>
      %dma_start3A_101 = arith.constant 0 : i32
      %dma_start3A_102 = tpu.memref_slice %arg4[%add3A_80, %dma_start3A_101] : memref<327680x128xf32, #tpu.memory_space<hbm>> -> memref<128x128xf32, #tpu.memory_space<hbm>>
      %dma_start3A_103 = tpu.memref_slice %arg9[%dma_start3A_96] : memref<2x!tpu.dma_semaphore, #tpu.memory_space<semaphore_mem>> -> memref<1x!tpu.dma_semaphore, #tpu.memory_space<semaphore_mem>>
      %dma_start3A_104 = tpu.memref_squeeze %dma_start3A_103 : memref<1x!tpu.dma_semaphore, #tpu.memory_space<semaphore_mem>> -> memref<!tpu.dma_semaphore, #tpu.memory_space<semaphore_mem>>
      %dma_start3A_105 = arith.constant 0 : i32
      %dma_start3A_106 = tpu.memref_slice %arg4[%add3A_80, %dma_start3A_105] : memref<327680x128xf32, #tpu.memory_space<hbm>> -> memref<128x128xf32, #tpu.memory_space<hbm>>
      %dma_start3A_107 = arith.constant 0 : i32
      %dma_start3A_108 = arith.constant 0 : i32
      %dma_start3A_109 = tpu.memref_slice %arg6[%dma_start3A_95, %dma_start3A_107, %dma_start3A_108] : memref<2x128x128xf32, #tpu.memory_space<vmem>> -> memref<1x128x128xf32, #tpu.memory_space<vmem>>
      %dma_start3A_110 = tpu.memref_squeeze %dma_start3A_109 : memref<1x128x128xf32, #tpu.memory_space<vmem>> -> memref<128x128xf32, #tpu.memory_space<vmem>>
      tpu.enqueue_dma source(%dma_start3A_110 : memref<128x128xf32, #tpu.memory_space<vmem>>) target(%dma_start3A_106 : memref<128x128xf32, #tpu.memory_space<hbm>>) target_semaphore(%dma_start3A_104 : memref<!tpu.dma_semaphore, #tpu.memory_space<semaphore_mem>>)
      %add3A_111 = arith.constant 2 : i32
      %add3A_112 = arith.addi %add3A_77, %add3A_111 : i32
      %lt3A = arith.constant 80 : i32
      %lt3A_113 = arith.cmpi slt, %add3A_112, %lt3A : i32
      %convert_element_type3A = arith.extui %lt3A_113 : i1 to i32
      %cond3A = arith.constant 0 : i32
      %cond3A_114 = arith.cmpi ne, %convert_element_type3A, %cond3A : i32
      scf.if %cond3A_114 {
        %dma_wait3A_157 = arith.constant 0 : i32
        %dma_wait3A_158 = arith.constant 0 : i32
        %dma_wait3A_159 = arith.constant 0 : i32
        %dma_wait3A_160 = arith.constant 0 : i32
        %dma_wait3A_161 = tpu.memref_slice %arg6[%dma_wait3A_157, %dma_wait3A_159, %dma_wait3A_160] : memref<2x128x128xf32, #tpu.memory_space<vmem>> -> memref<1x128x128xf32, #tpu.memory_space<vmem>>
        %dma_wait3A_162 = tpu.memref_squeeze %dma_wait3A_161 : memref<1x128x128xf32, #tpu.memory_space<vmem>> -> memref<128x128xf32, #tpu.memory_space<vmem>>
        %dma_wait3A_163 = arith.constant 0 : i32
        %dma_wait3A_164 = tpu.memref_slice %arg4[%add3A_80, %dma_wait3A_163] : memref<327680x128xf32, #tpu.memory_space<hbm>> -> memref<128x128xf32, #tpu.memory_space<hbm>>
        %dma_wait3A_165 = tpu.memref_slice %arg9[%dma_wait3A_158] : memref<2x!tpu.dma_semaphore, #tpu.memory_space<semaphore_mem>> -> memref<1x!tpu.dma_semaphore, #tpu.memory_space<semaphore_mem>>
        %dma_wait3A_166 = tpu.memref_squeeze %dma_wait3A_165 : memref<1x!tpu.dma_semaphore, #tpu.memory_space<semaphore_mem>> -> memref<!tpu.dma_semaphore, #tpu.memory_space<semaphore_mem>>
        %dma_wait3A_167 = arith.constant 0 : i32
        %dma_wait3A_168 = tpu.memref_slice %arg4[%add3A_80, %dma_wait3A_167] : memref<327680x128xf32, #tpu.memory_space<hbm>> -> memref<128x128xf32, #tpu.memory_space<hbm>>
        %dma_wait3A_169 = arith.constant 0 : i32
        %dma_wait3A_170 = arith.constant 0 : i32
        %dma_wait3A_171 = tpu.memref_slice %arg6[%dma_wait3A_157, %dma_wait3A_169, %dma_wait3A_170] : memref<2x128x128xf32, #tpu.memory_space<vmem>> -> memref<1x128x128xf32, #tpu.memory_space<vmem>>
        %dma_wait3A_172 = tpu.memref_squeeze %dma_wait3A_171 : memref<1x128x128xf32, #tpu.memory_space<vmem>> -> memref<128x128xf32, #tpu.memory_space<vmem>>
        tpu.wait_dma2 semaphore(%dma_wait3A_166 : memref<!tpu.dma_semaphore, #tpu.memory_space<semaphore_mem>>) src(%dma_wait3A_172 : memref<128x128xf32, #tpu.memory_space<vmem>>) dst(%dma_wait3A_168 : memref<128x128xf32, #tpu.memory_space<hbm>>)
        %add3A_173 = arith.constant 2 : i32
        %add3A_174 = arith.addi %add3A_77, %add3A_173 : i32
        %dma_start3A_175 = arith.constant 0 : i32
        %dma_start3A_176 = arith.constant 0 : i32
        %dma_start3A_177 = arith.constant 0 : i32
        %dma_start3A_178 = arith.constant 0 : i32
        %dma_start3A_179 = tpu.memref_slice %arg6[%dma_start3A_175, %dma_start3A_177, %dma_start3A_178] : memref<2x128x128xf32, #tpu.memory_space<vmem>> -> memref<1x128x128xf32, #tpu.memory_space<vmem>>
        %dma_start3A_180 = tpu.memref_squeeze %dma_start3A_179 : memref<1x128x128xf32, #tpu.memory_space<vmem>> -> memref<128x128xf32, #tpu.memory_space<vmem>>
        %dma_start3A_181 = arith.constant 0 : i32
        %dma_start3A_182 = tpu.memref_slice %arg5[%add3A_174, %dma_start3A_181] : memref<80x128xi32, #tpu.memory_space<vmem>> -> memref<1x128xi32, #tpu.memory_space<vmem>>
        %dma_start3A_183 = tpu.memref_squeeze %dma_start3A_182 : memref<1x128xi32, #tpu.memory_space<vmem>> -> memref<128xi32, #tpu.memory_space<vmem>>
        %dma_start3A_184 = arith.constant 0 : i32
        %dma_start3A_185 = arith.constant 0 : i32
        %dma_start3A_186 = tpu.memref_slice %arg7[%dma_start3A_184, %dma_start3A_185] : memref<10240x128xf32, #tpu.memory_space<vmem_shared>> -> memref<10240x128xf32, #tpu.memory_space<vmem_shared>>
        %dma_start3A_187 = tpu.memref_slice %arg8[%dma_start3A_176] : memref<2x!tpu.dma_semaphore, #tpu.memory_space<semaphore_mem>> -> memref<1x!tpu.dma_semaphore, #tpu.memory_space<semaphore_mem>>
        %dma_start3A_188 = tpu.memref_squeeze %dma_start3A_187 : memref<1x!tpu.dma_semaphore, #tpu.memory_space<semaphore_mem>> -> memref<!tpu.dma_semaphore, #tpu.memory_space<semaphore_mem>>
        tpu.enqueue_indirect_dma source(%dma_start3A_186 : memref<10240x128xf32, #tpu.memory_space<vmem_shared>>) target(%dma_start3A_180 : memref<128x128xf32, #tpu.memory_space<vmem>>) offsets(%dma_start3A_183 : memref<128xi32, #tpu.memory_space<vmem>>) semaphore(%dma_start3A_188 : memref<!tpu.dma_semaphore, #tpu.memory_space<semaphore_mem>>)
      } else {
      }
      %add3A_115 = arith.constant 1 : i32
      %add3A_116 = arith.addi %add3A_75, %add3A_115 : i32
      %mul3A_117 = arith.constant 128 : i32
      %mul3A_118 = arith.muli %add3A_116, %mul3A_117 : i32
      %add3A_119 = arith.addi %mul3A_4, %mul3A_118 : i32
      %dma_wait3A_120 = arith.constant 1 : i32
      %dma_wait3A_121 = arith.constant 1 : i32
      %dma_wait3A_122 = arith.constant 0 : i32
      %dma_wait3A_123 = arith.constant 0 : i32
      %dma_wait3A_124 = tpu.memref_slice %arg6[%dma_wait3A_120, %dma_wait3A_122, %dma_wait3A_123] : memref<2x128x128xf32, #tpu.memory_space<vmem>> -> memref<1x128x128xf32, #tpu.memory_space<vmem>>
      %dma_wait3A_125 = tpu.memref_squeeze %dma_wait3A_124 : memref<1x128x128xf32, #tpu.memory_space<vmem>> -> memref<128x128xf32, #tpu.memory_space<vmem>>
      %dma_wait3A_126 = arith.constant 0 : i32
      %dma_wait3A_127 = tpu.memref_slice %arg5[%add3A_116, %dma_wait3A_126] : memref<80x128xi32, #tpu.memory_space<vmem>> -> memref<1x128xi32, #tpu.memory_space<vmem>>
      %dma_wait3A_128 = tpu.memref_squeeze %dma_wait3A_127 : memref<1x128xi32, #tpu.memory_space<vmem>> -> memref<128xi32, #tpu.memory_space<vmem>>
      %dma_wait3A_129 = arith.constant 0 : i32
      %dma_wait3A_130 = arith.constant 0 : i32
      %dma_wait3A_131 = tpu.memref_slice %arg7[%dma_wait3A_129, %dma_wait3A_130] : memref<10240x128xf32, #tpu.memory_space<vmem_shared>> -> memref<10240x128xf32, #tpu.memory_space<vmem_shared>>
      %dma_wait3A_132 = tpu.memref_slice %arg8[%dma_wait3A_121] : memref<2x!tpu.dma_semaphore, #tpu.memory_space<semaphore_mem>> -> memref<1x!tpu.dma_semaphore, #tpu.memory_space<semaphore_mem>>
      %dma_wait3A_133 = tpu.memref_squeeze %dma_wait3A_132 : memref<1x!tpu.dma_semaphore, #tpu.memory_space<semaphore_mem>> -> memref<!tpu.dma_semaphore, #tpu.memory_space<semaphore_mem>>
      tpu.wait_indirect_dma semaphore(%dma_wait3A_133 : memref<!tpu.dma_semaphore, #tpu.memory_space<semaphore_mem>>) src(%dma_wait3A_131 : memref<10240x128xf32, #tpu.memory_space<vmem_shared>>) dst(%dma_wait3A_125 : memref<128x128xf32, #tpu.memory_space<vmem>>)
      %dma_start3A_134 = arith.constant 1 : i32
      %dma_start3A_135 = arith.constant 1 : i32
      %dma_start3A_136 = arith.constant 0 : i32
      %dma_start3A_137 = arith.constant 0 : i32
      %dma_start3A_138 = tpu.memref_slice %arg6[%dma_start3A_134, %dma_start3A_136, %dma_start3A_137] : memref<2x128x128xf32, #tpu.memory_space<vmem>> -> memref<1x128x128xf32, #tpu.memory_space<vmem>>
      %dma_start3A_139 = tpu.memref_squeeze %dma_start3A_138 : memref<1x128x128xf32, #tpu.memory_space<vmem>> -> memref<128x128xf32, #tpu.memory_space<vmem>>
      %dma_start3A_140 = arith.constant 0 : i32
      %dma_start3A_141 = tpu.memref_slice %arg4[%add3A_119, %dma_start3A_140] : memref<327680x128xf32, #tpu.memory_space<hbm>> -> memref<128x128xf32, #tpu.memory_space<hbm>>
      %dma_start3A_142 = tpu.memref_slice %arg9[%dma_start3A_135] : memref<2x!tpu.dma_semaphore, #tpu.memory_space<semaphore_mem>> -> memref<1x!tpu.dma_semaphore, #tpu.memory_space<semaphore_mem>>
      %dma_start3A_143 = tpu.memref_squeeze %dma_start3A_142 : memref<1x!tpu.dma_semaphore, #tpu.memory_space<semaphore_mem>> -> memref<!tpu.dma_semaphore, #tpu.memory_space<semaphore_mem>>
      %dma_start3A_144 = arith.constant 0 : i32
      %dma_start3A_145 = tpu.memref_slice %arg4[%add3A_119, %dma_start3A_144] : memref<327680x128xf32, #tpu.memory_space<hbm>> -> memref<128x128xf32, #tpu.memory_space<hbm>>
      %dma_start3A_146 = arith.constant 0 : i32
      %dma_start3A_147 = arith.constant 0 : i32
      %dma_start3A_148 = tpu.memref_slice %arg6[%dma_start3A_134, %dma_start3A_146, %dma_start3A_147] : memref<2x128x128xf32, #tpu.memory_space<vmem>> -> memref<1x128x128xf32, #tpu.memory_space<vmem>>
      %dma_start3A_149 = tpu.memref_squeeze %dma_start3A_148 : memref<1x128x128xf32, #tpu.memory_space<vmem>> -> memref<128x128xf32, #tpu.memory_space<vmem>>
      tpu.enqueue_dma source(%dma_start3A_149 : memref<128x128xf32, #tpu.memory_space<vmem>>) target(%dma_start3A_145 : memref<128x128xf32, #tpu.memory_space<hbm>>) target_semaphore(%dma_start3A_143 : memref<!tpu.dma_semaphore, #tpu.memory_space<semaphore_mem>>)
      %add3A_150 = arith.constant 2 : i32
      %add3A_151 = arith.addi %add3A_116, %add3A_150 : i32
      %lt3A_152 = arith.constant 80 : i32
      %lt3A_153 = arith.cmpi slt, %add3A_151, %lt3A_152 : i32
      %convert_element_type3A_154 = arith.extui %lt3A_153 : i1 to i32
      %cond3A_155 = arith.constant 0 : i32
      %cond3A_156 = arith.cmpi ne, %convert_element_type3A_154, %cond3A_155 : i32
      scf.if %cond3A_156 {
        %dma_wait3A_157 = arith.constant 1 : i32
        %dma_wait3A_158 = arith.constant 1 : i32
        %dma_wait3A_159 = arith.constant 0 : i32
        %dma_wait3A_160 = arith.constant 0 : i32
        %dma_wait3A_161 = tpu.memref_slice %arg6[%dma_wait3A_157, %dma_wait3A_159, %dma_wait3A_160] : memref<2x128x128xf32, #tpu.memory_space<vmem>> -> memref<1x128x128xf32, #tpu.memory_space<vmem>>
        %dma_wait3A_162 = tpu.memref_squeeze %dma_wait3A_161 : memref<1x128x128xf32, #tpu.memory_space<vmem>> -> memref<128x128xf32, #tpu.memory_space<vmem>>
        %dma_wait3A_163 = arith.constant 0 : i32
        %dma_wait3A_164 = tpu.memref_slice %arg4[%add3A_119, %dma_wait3A_163] : memref<327680x128xf32, #tpu.memory_space<hbm>> -> memref<128x128xf32, #tpu.memory_space<hbm>>
        %dma_wait3A_165 = tpu.memref_slice %arg9[%dma_wait3A_158] : memref<2x!tpu.dma_semaphore, #tpu.memory_space<semaphore_mem>> -> memref<1x!tpu.dma_semaphore, #tpu.memory_space<semaphore_mem>>
        %dma_wait3A_166 = tpu.memref_squeeze %dma_wait3A_165 : memref<1x!tpu.dma_semaphore, #tpu.memory_space<semaphore_mem>> -> memref<!tpu.dma_semaphore, #tpu.memory_space<semaphore_mem>>
        %dma_wait3A_167 = arith.constant 0 : i32
        %dma_wait3A_168 = tpu.memref_slice %arg4[%add3A_119, %dma_wait3A_167] : memref<327680x128xf32, #tpu.memory_space<hbm>> -> memref<128x128xf32, #tpu.memory_space<hbm>>
        %dma_wait3A_169 = arith.constant 0 : i32
        %dma_wait3A_170 = arith.constant 0 : i32
        %dma_wait3A_171 = tpu.memref_slice %arg6[%dma_wait3A_157, %dma_wait3A_169, %dma_wait3A_170] : memref<2x128x128xf32, #tpu.memory_space<vmem>> -> memref<1x128x128xf32, #tpu.memory_space<vmem>>
        %dma_wait3A_172 = tpu.memref_squeeze %dma_wait3A_171 : memref<1x128x128xf32, #tpu.memory_space<vmem>> -> memref<128x128xf32, #tpu.memory_space<vmem>>
        tpu.wait_dma2 semaphore(%dma_wait3A_166 : memref<!tpu.dma_semaphore, #tpu.memory_space<semaphore_mem>>) src(%dma_wait3A_172 : memref<128x128xf32, #tpu.memory_space<vmem>>) dst(%dma_wait3A_168 : memref<128x128xf32, #tpu.memory_space<hbm>>)
        %add3A_173 = arith.constant 2 : i32
        %add3A_174 = arith.addi %add3A_116, %add3A_173 : i32
        %dma_start3A_175 = arith.constant 1 : i32
        %dma_start3A_176 = arith.constant 1 : i32
        %dma_start3A_177 = arith.constant 0 : i32
        %dma_start3A_178 = arith.constant 0 : i32
        %dma_start3A_179 = tpu.memref_slice %arg6[%dma_start3A_175, %dma_start3A_177, %dma_start3A_178] : memref<2x128x128xf32, #tpu.memory_space<vmem>> -> memref<1x128x128xf32, #tpu.memory_space<vmem>>
        %dma_start3A_180 = tpu.memref_squeeze %dma_start3A_179 : memref<1x128x128xf32, #tpu.memory_space<vmem>> -> memref<128x128xf32, #tpu.memory_space<vmem>>
        %dma_start3A_181 = arith.constant 0 : i32
        %dma_start3A_182 = tpu.memref_slice %arg5[%add3A_174, %dma_start3A_181] : memref<80x128xi32, #tpu.memory_space<vmem>> -> memref<1x128xi32, #tpu.memory_space<vmem>>
        %dma_start3A_183 = tpu.memref_squeeze %dma_start3A_182 : memref<1x128xi32, #tpu.memory_space<vmem>> -> memref<128xi32, #tpu.memory_space<vmem>>
        %dma_start3A_184 = arith.constant 0 : i32
        %dma_start3A_185 = arith.constant 0 : i32
        %dma_start3A_186 = tpu.memref_slice %arg7[%dma_start3A_184, %dma_start3A_185] : memref<10240x128xf32, #tpu.memory_space<vmem_shared>> -> memref<10240x128xf32, #tpu.memory_space<vmem_shared>>
        %dma_start3A_187 = tpu.memref_slice %arg8[%dma_start3A_176] : memref<2x!tpu.dma_semaphore, #tpu.memory_space<semaphore_mem>> -> memref<1x!tpu.dma_semaphore, #tpu.memory_space<semaphore_mem>>
        %dma_start3A_188 = tpu.memref_squeeze %dma_start3A_187 : memref<1x!tpu.dma_semaphore, #tpu.memory_space<semaphore_mem>> -> memref<!tpu.dma_semaphore, #tpu.memory_space<semaphore_mem>>
        tpu.enqueue_indirect_dma source(%dma_start3A_186 : memref<10240x128xf32, #tpu.memory_space<vmem_shared>>) target(%dma_start3A_180 : memref<128x128xf32, #tpu.memory_space<vmem>>) offsets(%dma_start3A_183 : memref<128xi32, #tpu.memory_space<vmem>>) semaphore(%dma_start3A_188 : memref<!tpu.dma_semaphore, #tpu.memory_space<semaphore_mem>>)
      } else {
      }
    }
    %scan3A_39 = arith.constant 40 : i32
    %dma_wait3A = arith.constant 0 : i32
    %dma_wait3A_40 = arith.constant 0 : i32
    %dma_wait3A_41 = arith.constant 0 : i32
    %dma_wait3A_42 = arith.constant 0 : i32
    %dma_wait3A_43 = tpu.memref_slice %arg6[%dma_wait3A, %dma_wait3A_41, %dma_wait3A_42] : memref<2x128x128xf32, #tpu.memory_space<vmem>> -> memref<1x128x128xf32, #tpu.memory_space<vmem>>
    %dma_wait3A_44 = tpu.memref_squeeze %dma_wait3A_43 : memref<1x128x128xf32, #tpu.memory_space<vmem>> -> memref<128x128xf32, #tpu.memory_space<vmem>>
    %dma_wait3A_45 = arith.constant 0 : i32
    %dma_wait3A_46 = tpu.memref_slice %arg4[%mul3A_4, %dma_wait3A_45] : memref<327680x128xf32, #tpu.memory_space<hbm>> -> memref<128x128xf32, #tpu.memory_space<hbm>>
    %dma_wait3A_47 = tpu.memref_slice %arg9[%dma_wait3A_40] : memref<2x!tpu.dma_semaphore, #tpu.memory_space<semaphore_mem>> -> memref<1x!tpu.dma_semaphore, #tpu.memory_space<semaphore_mem>>
    %dma_wait3A_48 = tpu.memref_squeeze %dma_wait3A_47 : memref<1x!tpu.dma_semaphore, #tpu.memory_space<semaphore_mem>> -> memref<!tpu.dma_semaphore, #tpu.memory_space<semaphore_mem>>
    %dma_wait3A_49 = arith.constant 0 : i32
    %dma_wait3A_50 = tpu.memref_slice %arg4[%mul3A_4, %dma_wait3A_49] : memref<327680x128xf32, #tpu.memory_space<hbm>> -> memref<128x128xf32, #tpu.memory_space<hbm>>
    %dma_wait3A_51 = arith.constant 0 : i32
    %dma_wait3A_52 = arith.constant 0 : i32
    %dma_wait3A_53 = tpu.memref_slice %arg6[%dma_wait3A, %dma_wait3A_51, %dma_wait3A_52] : memref<2x128x128xf32, #tpu.memory_space<vmem>> -> memref<1x128x128xf32, #tpu.memory_space<vmem>>
    %dma_wait3A_54 = tpu.memref_squeeze %dma_wait3A_53 : memref<1x128x128xf32, #tpu.memory_space<vmem>> -> memref<128x128xf32, #tpu.memory_space<vmem>>
    tpu.wait_dma2 semaphore(%dma_wait3A_48 : memref<!tpu.dma_semaphore, #tpu.memory_space<semaphore_mem>>) src(%dma_wait3A_54 : memref<128x128xf32, #tpu.memory_space<vmem>>) dst(%dma_wait3A_50 : memref<128x128xf32, #tpu.memory_space<hbm>>)
    %dma_wait3A_55 = arith.constant 1 : i32
    %dma_wait3A_56 = arith.constant 1 : i32
    %dma_wait3A_57 = arith.constant 0 : i32
    %dma_wait3A_58 = arith.constant 0 : i32
    %dma_wait3A_59 = tpu.memref_slice %arg6[%dma_wait3A_55, %dma_wait3A_57, %dma_wait3A_58] : memref<2x128x128xf32, #tpu.memory_space<vmem>> -> memref<1x128x128xf32, #tpu.memory_space<vmem>>
    %dma_wait3A_60 = tpu.memref_squeeze %dma_wait3A_59 : memref<1x128x128xf32, #tpu.memory_space<vmem>> -> memref<128x128xf32, #tpu.memory_space<vmem>>
    %dma_wait3A_61 = arith.constant 0 : i32
    %dma_wait3A_62 = tpu.memref_slice %arg4[%mul3A_4, %dma_wait3A_61] : memref<327680x128xf32, #tpu.memory_space<hbm>> -> memref<128x128xf32, #tpu.memory_space<hbm>>
    %dma_wait3A_63 = tpu.memref_slice %arg9[%dma_wait3A_56] : memref<2x!tpu.dma_semaphore, #tpu.memory_space<semaphore_mem>> -> memref<1x!tpu.dma_semaphore, #tpu.memory_space<semaphore_mem>>
    %dma_wait3A_64 = tpu.memref_squeeze %dma_wait3A_63 : memref<1x!tpu.dma_semaphore, #tpu.memory_space<semaphore_mem>> -> memref<!tpu.dma_semaphore, #tpu.memory_space<semaphore_mem>>
    %dma_wait3A_65 = arith.constant 0 : i32
    %dma_wait3A_66 = tpu.memref_slice %arg4[%mul3A_4, %dma_wait3A_65] : memref<327680x128xf32, #tpu.memory_space<hbm>> -> memref<128x128xf32, #tpu.memory_space<hbm>>
    %dma_wait3A_67 = arith.constant 0 : i32
    %dma_wait3A_68 = arith.constant 0 : i32
    %dma_wait3A_69 = tpu.memref_slice %arg6[%dma_wait3A_55, %dma_wait3A_67, %dma_wait3A_68] : memref<2x128x128xf32, #tpu.memory_space<vmem>> -> memref<1x128x128xf32, #tpu.memory_space<vmem>>
    %dma_wait3A_70 = tpu.memref_squeeze %dma_wait3A_69 : memref<1x128x128xf32, #tpu.memory_space<vmem>> -> memref<128x128xf32, #tpu.memory_space<vmem>>
    tpu.wait_dma2 semaphore(%dma_wait3A_64 : memref<!tpu.dma_semaphore, #tpu.memory_space<semaphore_mem>>) src(%dma_wait3A_70 : memref<128x128xf32, #tpu.memory_space<vmem>>) dst(%dma_wait3A_66 : memref<128x128xf32, #tpu.memory_space<hbm>>)
    return
  }
}

#map = affine_map<(d0, d1) -> (0, 0)>
#map1 = affine_map<(d0, d1) -> (0, 0, 0)>
module attributes {stable_mosaic.version = 14 : i64} {
  func.func @sc_gather(%arg0: i32, %arg1: i32, %arg2: memref<10240x128xf32, #tpu.memory_space<hbm>>, %arg3: memref<32x80x128xi32, #tpu.memory_space<hbm>>, %arg4: memref<327680x128xf32, #tpu.memory_space<hbm>>, %arg5: memref<80x128xi32, #tpu.memory_space<vmem>>, %arg6: memref<2x128x128xf32, #tpu.memory_space<vmem>>, %arg7: memref<10240x128xf32, #tpu.memory_space<vmem_shared>>, %arg8: memref<2x!tpu.dma_semaphore, #tpu.memory_space<semaphore_mem>>, %arg9: memref<2x!tpu.dma_semaphore, #tpu.memory_space<semaphore_mem>>) attributes {dimension_semantics = [#tpu.dimension_semantics<core_parallel>, #tpu.dimension_semantics<subcore_parallel>], iteration_bounds = array<i64: 2, 16>, scalar_prefetch = 0 : i64, scratch_operands = 5 : i64, tpu.core_type = #tpu.core_type<sc_vector_subcore>, window_params = [{transform_indices = #map}, {transform_indices = #map1}, {transform_indices = #map}]} {
    %mul3A = arith.constant 2 : i32
    %mul3A_0 = arith.muli %arg1, %mul3A : i32
    %add3A = arith.addi %mul3A_0, %arg0 : i32
    %mul3A_1 = arith.constant 80 : i32
    %mul3A_2 = arith.muli %add3A, %mul3A_1 : i32
    %mul3A_3 = arith.constant 128 : i32
    %mul3A_4 = arith.muli %mul3A_2, %mul3A_3 : i32
    %mul3A_5 = arith.constant 640 : i32
    %mul3A_6 = arith.muli %arg1, %mul3A_5 : i32
    "tpu.region"() ({
      %run_scoped3A = tpu.sem_alloc : memref<!tpu.dma_semaphore, #tpu.memory_space<semaphore_mem>>
      %dma_start3A_71 = arith.constant 0 : i32
      %dma_start3A_72 = tpu.memref_slice %arg7[%mul3A_6, %dma_start3A_71] : memref<10240x128xf32, #tpu.memory_space<vmem_shared>> -> memref<640x128xf32, #tpu.memory_space<vmem_shared>>
      %dma_start3A_73 = arith.constant 0 : i32
      %dma_start3A_74 = tpu.memref_slice %arg2[%mul3A_6, %dma_start3A_73] : memref<10240x128xf32, #tpu.memory_space<hbm>> -> memref<640x128xf32, #tpu.memory_space<hbm>>
      tpu.enqueue_dma source(%dma_start3A_74 : memref<640x128xf32, #tpu.memory_space<hbm>>) target(%dma_start3A_72 : memref<640x128xf32, #tpu.memory_space<vmem_shared>>) target_semaphore(%run_scoped3A : memref<!tpu.dma_semaphore, #tpu.memory_space<semaphore_mem>>)
      %dma_wait3A_75 = arith.constant 0 : i32
      %dma_wait3A_76 = tpu.memref_slice %arg7[%mul3A_6, %dma_wait3A_75] : memref<10240x128xf32, #tpu.memory_space<vmem_shared>> -> memref<640x128xf32, #tpu.memory_space<vmem_shared>>
      %dma_wait3A_77 = arith.constant 0 : i32
      %dma_wait3A_78 = tpu.memref_slice %arg2[%mul3A_6, %dma_wait3A_77] : memref<10240x128xf32, #tpu.memory_space<hbm>> -> memref<640x128xf32, #tpu.memory_space<hbm>>
      tpu.wait_dma2 semaphore(%run_scoped3A : memref<!tpu.dma_semaphore, #tpu.memory_space<semaphore_mem>>) src(%dma_wait3A_78 : memref<640x128xf32, #tpu.memory_space<hbm>>) dst(%dma_wait3A_76 : memref<640x128xf32, #tpu.memory_space<vmem_shared>>)
      tpu.yield
    }) : () -> ()
    "tpu.region"() ({
      %run_scoped3A = tpu.sem_alloc : memref<!tpu.dma_semaphore, #tpu.memory_space<semaphore_mem>>
      %dma_start3A_71 = arith.constant 0 : i32
      %dma_start3A_72 = arith.constant 0 : i32
      %dma_start3A_73 = tpu.memref_slice %arg3[%add3A, %dma_start3A_71, %dma_start3A_72] : memref<32x80x128xi32, #tpu.memory_space<hbm>> -> memref<1x80x128xi32, #tpu.memory_space<hbm>>
      %dma_start3A_74 = tpu.memref_squeeze %dma_start3A_73 : memref<1x80x128xi32, #tpu.memory_space<hbm>> -> memref<80x128xi32, #tpu.memory_space<hbm>>
      %dma_start3A_75 = arith.constant 0 : i32
      %dma_start3A_76 = arith.constant 0 : i32
      %dma_start3A_77 = tpu.memref_slice %arg3[%add3A, %dma_start3A_75, %dma_start3A_76] : memref<32x80x128xi32, #tpu.memory_space<hbm>> -> memref<1x80x128xi32, #tpu.memory_space<hbm>>
      %dma_start3A_78 = tpu.memref_squeeze %dma_start3A_77 : memref<1x80x128xi32, #tpu.memory_space<hbm>> -> memref<80x128xi32, #tpu.memory_space<hbm>>
      tpu.enqueue_dma source(%dma_start3A_78 : memref<80x128xi32, #tpu.memory_space<hbm>>) target(%arg5 : memref<80x128xi32, #tpu.memory_space<vmem>>) target_semaphore(%run_scoped3A : memref<!tpu.dma_semaphore, #tpu.memory_space<semaphore_mem>>)
      %dma_wait3A_79 = arith.constant 0 : i32
      %dma_wait3A_80 = arith.constant 0 : i32
      %dma_wait3A_81 = tpu.memref_slice %arg3[%add3A, %dma_wait3A_79, %dma_wait3A_80] : memref<32x80x128xi32, #tpu.memory_space<hbm>> -> memref<1x80x128xi32, #tpu.memory_space<hbm>>
      %dma_wait3A_82 = tpu.memref_squeeze %dma_wait3A_81 : memref<1x80x128xi32, #tpu.memory_space<hbm>> -> memref<80x128xi32, #tpu.memory_space<hbm>>
      %dma_wait3A_83 = arith.constant 0 : i32
      %dma_wait3A_84 = arith.constant 0 : i32
      %dma_wait3A_85 = tpu.memref_slice %arg3[%add3A, %dma_wait3A_83, %dma_wait3A_84] : memref<32x80x128xi32, #tpu.memory_space<hbm>> -> memref<1x80x128xi32, #tpu.memory_space<hbm>>
      %dma_wait3A_86 = tpu.memref_squeeze %dma_wait3A_85 : memref<1x80x128xi32, #tpu.memory_space<hbm>> -> memref<80x128xi32, #tpu.memory_space<hbm>>
      tpu.wait_dma2 semaphore(%run_scoped3A : memref<!tpu.dma_semaphore, #tpu.memory_space<semaphore_mem>>) src(%dma_wait3A_86 : memref<80x128xi32, #tpu.memory_space<hbm>>) dst(%arg5 : memref<80x128xi32, #tpu.memory_space<vmem>>)
      tpu.yield
    }) : () -> ()
    %barrier3A = arith.constant 0 : index
    tpu.barrier barrier_id(%barrier3A)
    %dma_start3A = arith.constant 0 : i32
    %dma_start3A_7 = arith.constant 0 : i32
    %dma_start3A_8 = arith.constant 0 : i32
    %dma_start3A_9 = arith.constant 0 : i32
    %dma_start3A_10 = arith.constant 0 : i32
    %dma_start3A_11 = tpu.memref_slice %arg6[%dma_start3A_7, %dma_start3A_9, %dma_start3A_10] : memref<2x128x128xf32, #tpu.memory_space<vmem>> -> memref<1x128x128xf32, #tpu.memory_space<vmem>>
    %dma_start3A_12 = tpu.memref_squeeze %dma_start3A_11 : memref<1x128x128xf32, #tpu.memory_space<vmem>> -> memref<128x128xf32, #tpu.memory_space<vmem>>
    %dma_start3A_13 = arith.constant 0 : i32
    %dma_start3A_14 = tpu.memref_slice %arg5[%dma_start3A, %dma_start3A_13] : memref<80x128xi32, #tpu.memory_space<vmem>> -> memref<1x128xi32, #tpu.memory_space<vmem>>
    %dma_start3A_15 = tpu.memref_squeeze %dma_start3A_14 : memref<1x128xi32, #tpu.memory_space<vmem>> -> memref<128xi32, #tpu.memory_space<vmem>>
    %dma_start3A_16 = arith.constant 0 : i32
    %dma_start3A_17 = arith.constant 0 : i32
    %dma_start3A_18 = tpu.memref_slice %arg7[%dma_start3A_16, %dma_start3A_17] : memref<10240x128xf32, #tpu.memory_space<vmem_shared>> -> memref<10240x128xf32, #tpu.memory_space<vmem_shared>>
    %dma_start3A_19 = tpu.memref_slice %arg8[%dma_start3A_8] : memref<2x!tpu.dma_semaphore, #tpu.memory_space<semaphore_mem>> -> memref<1x!tpu.dma_semaphore, #tpu.memory_space<semaphore_mem>>
    %dma_start3A_20 = tpu.memref_squeeze %dma_start3A_19 : memref<1x!tpu.dma_semaphore, #tpu.memory_space<semaphore_mem>> -> memref<!tpu.dma_semaphore, #tpu.memory_space<semaphore_mem>>
    tpu.enqueue_indirect_dma source(%dma_start3A_18 : memref<10240x128xf32, #tpu.memory_space<vmem_shared>>) target(%dma_start3A_12 : memref<128x128xf32, #tpu.memory_space<vmem>>) offsets(%dma_start3A_15 : memref<128xi32, #tpu.memory_space<vmem>>) semaphore(%dma_start3A_20 : memref<!tpu.dma_semaphore, #tpu.memory_space<semaphore_mem>>)
    %dma_start3A_21 = arith.constant 1 : i32
    %dma_start3A_22 = arith.constant 1 : i32
    %dma_start3A_23 = arith.constant 1 : i32
    %dma_start3A_24 = arith.constant 0 : i32
    %dma_start3A_25 = arith.constant 0 : i32
    %dma_start3A_26 = tpu.memref_slice %arg6[%dma_start3A_22, %dma_start3A_24, %dma_start3A_25] : memref<2x128x128xf32, #tpu.memory_space<vmem>> -> memref<1x128x128xf32, #tpu.memory_space<vmem>>
    %dma_start3A_27 = tpu.memref_squeeze %dma_start3A_26 : memref<1x128x128xf32, #tpu.memory_space<vmem>> -> memref<128x128xf32, #tpu.memory_space<vmem>>
    %dma_start3A_28 = arith.constant 0 : i32
    %dma_start3A_29 = tpu.memref_slice %arg5[%dma_start3A_21, %dma_start3A_28] : memref<80x128xi32, #tpu.memory_space<vmem>> -> memref<1x128xi32, #tpu.memory_space<vmem>>
    %dma_start3A_30 = tpu.memref_squeeze %dma_start3A_29 : memref<1x128xi32, #tpu.memory_space<vmem>> -> memref<128xi32, #tpu.memory_space<vmem>>
    %dma_start3A_31 = arith.constant 0 : i32
    %dma_start3A_32 = arith.constant 0 : i32
    %dma_start3A_33 = tpu.memref_slice %arg7[%dma_start3A_31, %dma_start3A_32] : memref<10240x128xf32, #tpu.memory_space<vmem_shared>> -> memref<10240x128xf32, #tpu.memory_space<vmem_shared>>
    %dma_start3A_34 = tpu.memref_slice %arg8[%dma_start3A_23] : memref<2x!tpu.dma_semaphore, #tpu.memory_space<semaphore_mem>> -> memref<1x!tpu.dma_semaphore, #tpu.memory_space<semaphore_mem>>
    %dma_start3A_35 = tpu.memref_squeeze %dma_start3A_34 : memref<1x!tpu.dma_semaphore, #tpu.memory_space<semaphore_mem>> -> memref<!tpu.dma_semaphore, #tpu.memory_space<semaphore_mem>>
    tpu.enqueue_indirect_dma source(%dma_start3A_33 : memref<10240x128xf32, #tpu.memory_space<vmem_shared>>) target(%dma_start3A_27 : memref<128x128xf32, #tpu.memory_space<vmem>>) offsets(%dma_start3A_30 : memref<128xi32, #tpu.memory_space<vmem>>) semaphore(%dma_start3A_35 : memref<!tpu.dma_semaphore, #tpu.memory_space<semaphore_mem>>)
    %scan3A = arith.constant 0 : i32
    %scan3A_36 = arith.constant 40 : i32
    %scan3A_37 = arith.addi %scan3A, %scan3A_36 : i32
    %scan3A_38 = arith.constant 1 : i32
    scf.for %scan3A_71 = %scan3A to %scan3A_37 step %scan3A_38  : i32 {
      %mul3A_72 = arith.constant 2 : i32
      %mul3A_73 = arith.muli %scan3A_71, %mul3A_72 : i32
      %add3A_74 = arith.constant 0 : i32
      %add3A_75 = arith.addi %add3A_74, %mul3A_73 : i32
      %add3A_76 = arith.constant 0 : i32
      %add3A_77 = arith.addi %add3A_75, %add3A_76 : i32
      %mul3A_78 = arith.constant 128 : i32
      %mul3A_79 = arith.muli %add3A_77, %mul3A_78 : i32
      %add3A_80 = arith.addi %mul3A_4, %mul3A_79 : i32
      %dma_wait3A_81 = arith.constant 0 : i32
      %dma_wait3A_82 = arith.constant 0 : i32
      %dma_wait3A_83 = arith.constant 0 : i32
      %dma_wait3A_84 = arith.constant 0 : i32
      %dma_wait3A_85 = tpu.memref_slice %arg6[%dma_wait3A_81, %dma_wait3A_83, %dma_wait3A_84] : memref<2x128x128xf32, #tpu.memory_space<vmem>> -> memref<1x128x128xf32, #tpu.memory_space<vmem>>
      %dma_wait3A_86 = tpu.memref_squeeze %dma_wait3A_85 : memref<1x128x128xf32, #tpu.memory_space<vmem>> -> memref<128x128xf32, #tpu.memory_space<vmem>>
      %dma_wait3A_87 = arith.constant 0 : i32
      %dma_wait3A_88 = tpu.memref_slice %arg5[%add3A_77, %dma_wait3A_87] : memref<80x128xi32, #tpu.memory_space<vmem>> -> memref<1x128xi32, #tpu.memory_space<vmem>>
      %dma_wait3A_89 = tpu.memref_squeeze %dma_wait3A_88 : memref<1x128xi32, #tpu.memory_space<vmem>> -> memref<128xi32, #tpu.memory_space<vmem>>
      %dma_wait3A_90 = arith.constant 0 : i32
      %dma_wait3A_91 = arith.constant 0 : i32
      %dma_wait3A_92 = tpu.memref_slice %arg7[%dma_wait3A_90, %dma_wait3A_91] : memref<10240x128xf32, #tpu.memory_space<vmem_shared>> -> memref<10240x128xf32, #tpu.memory_space<vmem_shared>>
      %dma_wait3A_93 = tpu.memref_slice %arg8[%dma_wait3A_82] : memref<2x!tpu.dma_semaphore, #tpu.memory_space<semaphore_mem>> -> memref<1x!tpu.dma_semaphore, #tpu.memory_space<semaphore_mem>>
      %dma_wait3A_94 = tpu.memref_squeeze %dma_wait3A_93 : memref<1x!tpu.dma_semaphore, #tpu.memory_space<semaphore_mem>> -> memref<!tpu.dma_semaphore, #tpu.memory_space<semaphore_mem>>
      tpu.wait_indirect_dma semaphore(%dma_wait3A_94 : memref<!tpu.dma_semaphore, #tpu.memory_space<semaphore_mem>>) src(%dma_wait3A_92 : memref<10240x128xf32, #tpu.memory_space<vmem_shared>>) dst(%dma_wait3A_86 : memref<128x128xf32, #tpu.memory_space<vmem>>)
      %dma_start3A_95 = arith.constant 0 : i32
      %dma_start3A_96 = arith.constant 0 : i32
      %dma_start3A_97 = arith.constant 0 : i32
      %dma_start3A_98 = arith.constant 0 : i32
      %dma_start3A_99 = tpu.memref_slice %arg6[%dma_start3A_95, %dma_start3A_97, %dma_start3A_98] : memref<2x128x128xf32, #tpu.memory_space<vmem>> -> memref<1x128x128xf32, #tpu.memory_space<vmem>>
      %dma_start3A_100 = tpu.memref_squeeze %dma_start3A_99 : memref<1x128x128xf32, #tpu.memory_space<vmem>> -> memref<128x128xf32, #tpu.memory_space<vmem>>
      %dma_start3A_101 = arith.constant 0 : i32
      %dma_start3A_102 = tpu.memref_slice %arg4[%add3A_80, %dma_start3A_101] : memref<327680x128xf32, #tpu.memory_space<hbm>> -> memref<128x128xf32, #tpu.memory_space<hbm>>
      %dma_start3A_103 = tpu.memref_slice %arg9[%dma_start3A_96] : memref<2x!tpu.dma_semaphore, #tpu.memory_space<semaphore_mem>> -> memref<1x!tpu.dma_semaphore, #tpu.memory_space<semaphore_mem>>
      %dma_start3A_104 = tpu.memref_squeeze %dma_start3A_103 : memref<1x!tpu.dma_semaphore, #tpu.memory_space<semaphore_mem>> -> memref<!tpu.dma_semaphore, #tpu.memory_space<semaphore_mem>>
      %dma_start3A_105 = arith.constant 0 : i32
      %dma_start3A_106 = tpu.memref_slice %arg4[%add3A_80, %dma_start3A_105] : memref<327680x128xf32, #tpu.memory_space<hbm>> -> memref<128x128xf32, #tpu.memory_space<hbm>>
      %dma_start3A_107 = arith.constant 0 : i32
      %dma_start3A_108 = arith.constant 0 : i32
      %dma_start3A_109 = tpu.memref_slice %arg6[%dma_start3A_95, %dma_start3A_107, %dma_start3A_108] : memref<2x128x128xf32, #tpu.memory_space<vmem>> -> memref<1x128x128xf32, #tpu.memory_space<vmem>>
      %dma_start3A_110 = tpu.memref_squeeze %dma_start3A_109 : memref<1x128x128xf32, #tpu.memory_space<vmem>> -> memref<128x128xf32, #tpu.memory_space<vmem>>
      tpu.enqueue_dma source(%dma_start3A_110 : memref<128x128xf32, #tpu.memory_space<vmem>>) target(%dma_start3A_106 : memref<128x128xf32, #tpu.memory_space<hbm>>) target_semaphore(%dma_start3A_104 : memref<!tpu.dma_semaphore, #tpu.memory_space<semaphore_mem>>)
      %add3A_111 = arith.constant 2 : i32
      %add3A_112 = arith.addi %add3A_77, %add3A_111 : i32
      %lt3A = arith.constant 80 : i32
      %lt3A_113 = arith.cmpi slt, %add3A_112, %lt3A : i32
      %convert_element_type3A = arith.extui %lt3A_113 : i1 to i32
      %cond3A = arith.constant 0 : i32
      %cond3A_114 = arith.cmpi ne, %convert_element_type3A, %cond3A : i32
      scf.if %cond3A_114 {
        %dma_wait3A_157 = arith.constant 0 : i32
        %dma_wait3A_158 = arith.constant 0 : i32
        %dma_wait3A_159 = arith.constant 0 : i32
        %dma_wait3A_160 = arith.constant 0 : i32
        %dma_wait3A_161 = tpu.memref_slice %arg6[%dma_wait3A_157, %dma_wait3A_159, %dma_wait3A_160] : memref<2x128x128xf32, #tpu.memory_space<vmem>> -> memref<1x128x128xf32, #tpu.memory_space<vmem>>
        %dma_wait3A_162 = tpu.memref_squeeze %dma_wait3A_161 : memref<1x128x128xf32, #tpu.memory_space<vmem>> -> memref<128x128xf32, #tpu.memory_space<vmem>>
        %dma_wait3A_163 = arith.constant 0 : i32
        %dma_wait3A_164 = tpu.memref_slice %arg4[%add3A_80, %dma_wait3A_163] : memref<327680x128xf32, #tpu.memory_space<hbm>> -> memref<128x128xf32, #tpu.memory_space<hbm>>
        %dma_wait3A_165 = tpu.memref_slice %arg9[%dma_wait3A_158] : memref<2x!tpu.dma_semaphore, #tpu.memory_space<semaphore_mem>> -> memref<1x!tpu.dma_semaphore, #tpu.memory_space<semaphore_mem>>
        %dma_wait3A_166 = tpu.memref_squeeze %dma_wait3A_165 : memref<1x!tpu.dma_semaphore, #tpu.memory_space<semaphore_mem>> -> memref<!tpu.dma_semaphore, #tpu.memory_space<semaphore_mem>>
        %dma_wait3A_167 = arith.constant 0 : i32
        %dma_wait3A_168 = tpu.memref_slice %arg4[%add3A_80, %dma_wait3A_167] : memref<327680x128xf32, #tpu.memory_space<hbm>> -> memref<128x128xf32, #tpu.memory_space<hbm>>
        %dma_wait3A_169 = arith.constant 0 : i32
        %dma_wait3A_170 = arith.constant 0 : i32
        %dma_wait3A_171 = tpu.memref_slice %arg6[%dma_wait3A_157, %dma_wait3A_169, %dma_wait3A_170] : memref<2x128x128xf32, #tpu.memory_space<vmem>> -> memref<1x128x128xf32, #tpu.memory_space<vmem>>
        %dma_wait3A_172 = tpu.memref_squeeze %dma_wait3A_171 : memref<1x128x128xf32, #tpu.memory_space<vmem>> -> memref<128x128xf32, #tpu.memory_space<vmem>>
        tpu.wait_dma2 semaphore(%dma_wait3A_166 : memref<!tpu.dma_semaphore, #tpu.memory_space<semaphore_mem>>) src(%dma_wait3A_172 : memref<128x128xf32, #tpu.memory_space<vmem>>) dst(%dma_wait3A_168 : memref<128x128xf32, #tpu.memory_space<hbm>>)
        %add3A_173 = arith.constant 2 : i32
        %add3A_174 = arith.addi %add3A_77, %add3A_173 : i32
        %dma_start3A_175 = arith.constant 0 : i32
        %dma_start3A_176 = arith.constant 0 : i32
        %dma_start3A_177 = arith.constant 0 : i32
        %dma_start3A_178 = arith.constant 0 : i32
        %dma_start3A_179 = tpu.memref_slice %arg6[%dma_start3A_175, %dma_start3A_177, %dma_start3A_178] : memref<2x128x128xf32, #tpu.memory_space<vmem>> -> memref<1x128x128xf32, #tpu.memory_space<vmem>>
        %dma_start3A_180 = tpu.memref_squeeze %dma_start3A_179 : memref<1x128x128xf32, #tpu.memory_space<vmem>> -> memref<128x128xf32, #tpu.memory_space<vmem>>
        %dma_start3A_181 = arith.constant 0 : i32
        %dma_start3A_182 = tpu.memref_slice %arg5[%add3A_174, %dma_start3A_181] : memref<80x128xi32, #tpu.memory_space<vmem>> -> memref<1x128xi32, #tpu.memory_space<vmem>>
        %dma_start3A_183 = tpu.memref_squeeze %dma_start3A_182 : memref<1x128xi32, #tpu.memory_space<vmem>> -> memref<128xi32, #tpu.memory_space<vmem>>
        %dma_start3A_184 = arith.constant 0 : i32
        %dma_start3A_185 = arith.constant 0 : i32
        %dma_start3A_186 = tpu.memref_slice %arg7[%dma_start3A_184, %dma_start3A_185] : memref<10240x128xf32, #tpu.memory_space<vmem_shared>> -> memref<10240x128xf32, #tpu.memory_space<vmem_shared>>
        %dma_start3A_187 = tpu.memref_slice %arg8[%dma_start3A_176] : memref<2x!tpu.dma_semaphore, #tpu.memory_space<semaphore_mem>> -> memref<1x!tpu.dma_semaphore, #tpu.memory_space<semaphore_mem>>
        %dma_start3A_188 = tpu.memref_squeeze %dma_start3A_187 : memref<1x!tpu.dma_semaphore, #tpu.memory_space<semaphore_mem>> -> memref<!tpu.dma_semaphore, #tpu.memory_space<semaphore_mem>>
        tpu.enqueue_indirect_dma source(%dma_start3A_186 : memref<10240x128xf32, #tpu.memory_space<vmem_shared>>) target(%dma_start3A_180 : memref<128x128xf32, #tpu.memory_space<vmem>>) offsets(%dma_start3A_183 : memref<128xi32, #tpu.memory_space<vmem>>) semaphore(%dma_start3A_188 : memref<!tpu.dma_semaphore, #tpu.memory_space<semaphore_mem>>)
      } else {
      }
      %add3A_115 = arith.constant 1 : i32
      %add3A_116 = arith.addi %add3A_75, %add3A_115 : i32
      %mul3A_117 = arith.constant 128 : i32
      %mul3A_118 = arith.muli %add3A_116, %mul3A_117 : i32
      %add3A_119 = arith.addi %mul3A_4, %mul3A_118 : i32
      %dma_wait3A_120 = arith.constant 1 : i32
      %dma_wait3A_121 = arith.constant 1 : i32
      %dma_wait3A_122 = arith.constant 0 : i32
      %dma_wait3A_123 = arith.constant 0 : i32
      %dma_wait3A_124 = tpu.memref_slice %arg6[%dma_wait3A_120, %dma_wait3A_122, %dma_wait3A_123] : memref<2x128x128xf32, #tpu.memory_space<vmem>> -> memref<1x128x128xf32, #tpu.memory_space<vmem>>
      %dma_wait3A_125 = tpu.memref_squeeze %dma_wait3A_124 : memref<1x128x128xf32, #tpu.memory_space<vmem>> -> memref<128x128xf32, #tpu.memory_space<vmem>>
      %dma_wait3A_126 = arith.constant 0 : i32
      %dma_wait3A_127 = tpu.memref_slice %arg5[%add3A_116, %dma_wait3A_126] : memref<80x128xi32, #tpu.memory_space<vmem>> -> memref<1x128xi32, #tpu.memory_space<vmem>>
      %dma_wait3A_128 = tpu.memref_squeeze %dma_wait3A_127 : memref<1x128xi32, #tpu.memory_space<vmem>> -> memref<128xi32, #tpu.memory_space<vmem>>
      %dma_wait3A_129 = arith.constant 0 : i32
      %dma_wait3A_130 = arith.constant 0 : i32
      %dma_wait3A_131 = tpu.memref_slice %arg7[%dma_wait3A_129, %dma_wait3A_130] : memref<10240x128xf32, #tpu.memory_space<vmem_shared>> -> memref<10240x128xf32, #tpu.memory_space<vmem_shared>>
      %dma_wait3A_132 = tpu.memref_slice %arg8[%dma_wait3A_121] : memref<2x!tpu.dma_semaphore, #tpu.memory_space<semaphore_mem>> -> memref<1x!tpu.dma_semaphore, #tpu.memory_space<semaphore_mem>>
      %dma_wait3A_133 = tpu.memref_squeeze %dma_wait3A_132 : memref<1x!tpu.dma_semaphore, #tpu.memory_space<semaphore_mem>> -> memref<!tpu.dma_semaphore, #tpu.memory_space<semaphore_mem>>
      tpu.wait_indirect_dma semaphore(%dma_wait3A_133 : memref<!tpu.dma_semaphore, #tpu.memory_space<semaphore_mem>>) src(%dma_wait3A_131 : memref<10240x128xf32, #tpu.memory_space<vmem_shared>>) dst(%dma_wait3A_125 : memref<128x128xf32, #tpu.memory_space<vmem>>)
      %dma_start3A_134 = arith.constant 1 : i32
      %dma_start3A_135 = arith.constant 1 : i32
      %dma_start3A_136 = arith.constant 0 : i32
      %dma_start3A_137 = arith.constant 0 : i32
      %dma_start3A_138 = tpu.memref_slice %arg6[%dma_start3A_134, %dma_start3A_136, %dma_start3A_137] : memref<2x128x128xf32, #tpu.memory_space<vmem>> -> memref<1x128x128xf32, #tpu.memory_space<vmem>>
      %dma_start3A_139 = tpu.memref_squeeze %dma_start3A_138 : memref<1x128x128xf32, #tpu.memory_space<vmem>> -> memref<128x128xf32, #tpu.memory_space<vmem>>
      %dma_start3A_140 = arith.constant 0 : i32
      %dma_start3A_141 = tpu.memref_slice %arg4[%add3A_119, %dma_start3A_140] : memref<327680x128xf32, #tpu.memory_space<hbm>> -> memref<128x128xf32, #tpu.memory_space<hbm>>
      %dma_start3A_142 = tpu.memref_slice %arg9[%dma_start3A_135] : memref<2x!tpu.dma_semaphore, #tpu.memory_space<semaphore_mem>> -> memref<1x!tpu.dma_semaphore, #tpu.memory_space<semaphore_mem>>
      %dma_start3A_143 = tpu.memref_squeeze %dma_start3A_142 : memref<1x!tpu.dma_semaphore, #tpu.memory_space<semaphore_mem>> -> memref<!tpu.dma_semaphore, #tpu.memory_space<semaphore_mem>>
      %dma_start3A_144 = arith.constant 0 : i32
      %dma_start3A_145 = tpu.memref_slice %arg4[%add3A_119, %dma_start3A_144] : memref<327680x128xf32, #tpu.memory_space<hbm>> -> memref<128x128xf32, #tpu.memory_space<hbm>>
      %dma_start3A_146 = arith.constant 0 : i32
      %dma_start3A_147 = arith.constant 0 : i32
      %dma_start3A_148 = tpu.memref_slice %arg6[%dma_start3A_134, %dma_start3A_146, %dma_start3A_147] : memref<2x128x128xf32, #tpu.memory_space<vmem>> -> memref<1x128x128xf32, #tpu.memory_space<vmem>>
      %dma_start3A_149 = tpu.memref_squeeze %dma_start3A_148 : memref<1x128x128xf32, #tpu.memory_space<vmem>> -> memref<128x128xf32, #tpu.memory_space<vmem>>
      tpu.enqueue_dma source(%dma_start3A_149 : memref<128x128xf32, #tpu.memory_space<vmem>>) target(%dma_start3A_145 : memref<128x128xf32, #tpu.memory_space<hbm>>) target_semaphore(%dma_start3A_143 : memref<!tpu.dma_semaphore, #tpu.memory_space<semaphore_mem>>)
      %add3A_150 = arith.constant 2 : i32
      %add3A_151 = arith.addi %add3A_116, %add3A_150 : i32
      %lt3A_152 = arith.constant 80 : i32
      %lt3A_153 = arith.cmpi slt, %add3A_151, %lt3A_152 : i32
      %convert_element_type3A_154 = arith.extui %lt3A_153 : i1 to i32
      %cond3A_155 = arith.constant 0 : i32
      %cond3A_156 = arith.cmpi ne, %convert_element_type3A_154, %cond3A_155 : i32
      scf.if %cond3A_156 {
        %dma_wait3A_157 = arith.constant 1 : i32
        %dma_wait3A_158 = arith.constant 1 : i32
        %dma_wait3A_159 = arith.constant 0 : i32
        %dma_wait3A_160 = arith.constant 0 : i32
        %dma_wait3A_161 = tpu.memref_slice %arg6[%dma_wait3A_157, %dma_wait3A_159, %dma_wait3A_160] : memref<2x128x128xf32, #tpu.memory_space<vmem>> -> memref<1x128x128xf32, #tpu.memory_space<vmem>>
        %dma_wait3A_162 = tpu.memref_squeeze %dma_wait3A_161 : memref<1x128x128xf32, #tpu.memory_space<vmem>> -> memref<128x128xf32, #tpu.memory_space<vmem>>
        %dma_wait3A_163 = arith.constant 0 : i32
        %dma_wait3A_164 = tpu.memref_slice %arg4[%add3A_119, %dma_wait3A_163] : memref<327680x128xf32, #tpu.memory_space<hbm>> -> memref<128x128xf32, #tpu.memory_space<hbm>>
        %dma_wait3A_165 = tpu.memref_slice %arg9[%dma_wait3A_158] : memref<2x!tpu.dma_semaphore, #tpu.memory_space<semaphore_mem>> -> memref<1x!tpu.dma_semaphore, #tpu.memory_space<semaphore_mem>>
        %dma_wait3A_166 = tpu.memref_squeeze %dma_wait3A_165 : memref<1x!tpu.dma_semaphore, #tpu.memory_space<semaphore_mem>> -> memref<!tpu.dma_semaphore, #tpu.memory_space<semaphore_mem>>
        %dma_wait3A_167 = arith.constant 0 : i32
        %dma_wait3A_168 = tpu.memref_slice %arg4[%add3A_119, %dma_wait3A_167] : memref<327680x128xf32, #tpu.memory_space<hbm>> -> memref<128x128xf32, #tpu.memory_space<hbm>>
        %dma_wait3A_169 = arith.constant 0 : i32
        %dma_wait3A_170 = arith.constant 0 : i32
        %dma_wait3A_171 = tpu.memref_slice %arg6[%dma_wait3A_157, %dma_wait3A_169, %dma_wait3A_170] : memref<2x128x128xf32, #tpu.memory_space<vmem>> -> memref<1x128x128xf32, #tpu.memory_space<vmem>>
        %dma_wait3A_172 = tpu.memref_squeeze %dma_wait3A_171 : memref<1x128x128xf32, #tpu.memory_space<vmem>> -> memref<128x128xf32, #tpu.memory_space<vmem>>
        tpu.wait_dma2 semaphore(%dma_wait3A_166 : memref<!tpu.dma_semaphore, #tpu.memory_space<semaphore_mem>>) src(%dma_wait3A_172 : memref<128x128xf32, #tpu.memory_space<vmem>>) dst(%dma_wait3A_168 : memref<128x128xf32, #tpu.memory_space<hbm>>)
        %add3A_173 = arith.constant 2 : i32
        %add3A_174 = arith.addi %add3A_116, %add3A_173 : i32
        %dma_start3A_175 = arith.constant 1 : i32
        %dma_start3A_176 = arith.constant 1 : i32
        %dma_start3A_177 = arith.constant 0 : i32
        %dma_start3A_178 = arith.constant 0 : i32
        %dma_start3A_179 = tpu.memref_slice %arg6[%dma_start3A_175, %dma_start3A_177, %dma_start3A_178] : memref<2x128x128xf32, #tpu.memory_space<vmem>> -> memref<1x128x128xf32, #tpu.memory_space<vmem>>
        %dma_start3A_180 = tpu.memref_squeeze %dma_start3A_179 : memref<1x128x128xf32, #tpu.memory_space<vmem>> -> memref<128x128xf32, #tpu.memory_space<vmem>>
        %dma_start3A_181 = arith.constant 0 : i32
        %dma_start3A_182 = tpu.memref_slice %arg5[%add3A_174, %dma_start3A_181] : memref<80x128xi32, #tpu.memory_space<vmem>> -> memref<1x128xi32, #tpu.memory_space<vmem>>
        %dma_start3A_183 = tpu.memref_squeeze %dma_start3A_182 : memref<1x128xi32, #tpu.memory_space<vmem>> -> memref<128xi32, #tpu.memory_space<vmem>>
        %dma_start3A_184 = arith.constant 0 : i32
        %dma_start3A_185 = arith.constant 0 : i32
        %dma_start3A_186 = tpu.memref_slice %arg7[%dma_start3A_184, %dma_start3A_185] : memref<10240x128xf32, #tpu.memory_space<vmem_shared>> -> memref<10240x128xf32, #tpu.memory_space<vmem_shared>>
        %dma_start3A_187 = tpu.memref_slice %arg8[%dma_start3A_176] : memref<2x!tpu.dma_semaphore, #tpu.memory_space<semaphore_mem>> -> memref<1x!tpu.dma_semaphore, #tpu.memory_space<semaphore_mem>>
        %dma_start3A_188 = tpu.memref_squeeze %dma_start3A_187 : memref<1x!tpu.dma_semaphore, #tpu.memory_space<semaphore_mem>> -> memref<!tpu.dma_semaphore, #tpu.memory_space<semaphore_mem>>
        tpu.enqueue_indirect_dma source(%dma_start3A_186 : memref<10240x128xf32, #tpu.memory_space<vmem_shared>>) target(%dma_start3A_180 : memref<128x128xf32, #tpu.memory_space<vmem>>) offsets(%dma_start3A_183 : memref<128xi32, #tpu.memory_space<vmem>>) semaphore(%dma_start3A_188 : memref<!tpu.dma_semaphore, #tpu.memory_space<semaphore_mem>>)
      } else {
      }
    }
    %scan3A_39 = arith.constant 40 : i32
    %dma_wait3A = arith.constant 0 : i32
    %dma_wait3A_40 = arith.constant 0 : i32
    %dma_wait3A_41 = arith.constant 0 : i32
    %dma_wait3A_42 = arith.constant 0 : i32
    %dma_wait3A_43 = tpu.memref_slice %arg6[%dma_wait3A, %dma_wait3A_41, %dma_wait3A_42] : memref<2x128x128xf32, #tpu.memory_space<vmem>> -> memref<1x128x128xf32, #tpu.memory_space<vmem>>
    %dma_wait3A_44 = tpu.memref_squeeze %dma_wait3A_43 : memref<1x128x128xf32, #tpu.memory_space<vmem>> -> memref<128x128xf32, #tpu.memory_space<vmem>>
    %dma_wait3A_45 = arith.constant 0 : i32
    %dma_wait3A_46 = tpu.memref_slice %arg4[%mul3A_4, %dma_wait3A_45] : memref<327680x128xf32, #tpu.memory_space<hbm>> -> memref<128x128xf32, #tpu.memory_space<hbm>>
    %dma_wait3A_47 = tpu.memref_slice %arg9[%dma_wait3A_40] : memref<2x!tpu.dma_semaphore, #tpu.memory_space<semaphore_mem>> -> memref<1x!tpu.dma_semaphore, #tpu.memory_space<semaphore_mem>>
    %dma_wait3A_48 = tpu.memref_squeeze %dma_wait3A_47 : memref<1x!tpu.dma_semaphore, #tpu.memory_space<semaphore_mem>> -> memref<!tpu.dma_semaphore, #tpu.memory_space<semaphore_mem>>
    %dma_wait3A_49 = arith.constant 0 : i32
    %dma_wait3A_50 = tpu.memref_slice %arg4[%mul3A_4, %dma_wait3A_49] : memref<327680x128xf32, #tpu.memory_space<hbm>> -> memref<128x128xf32, #tpu.memory_space<hbm>>
    %dma_wait3A_51 = arith.constant 0 : i32
    %dma_wait3A_52 = arith.constant 0 : i32
    %dma_wait3A_53 = tpu.memref_slice %arg6[%dma_wait3A, %dma_wait3A_51, %dma_wait3A_52] : memref<2x128x128xf32, #tpu.memory_space<vmem>> -> memref<1x128x128xf32, #tpu.memory_space<vmem>>
    %dma_wait3A_54 = tpu.memref_squeeze %dma_wait3A_53 : memref<1x128x128xf32, #tpu.memory_space<vmem>> -> memref<128x128xf32, #tpu.memory_space<vmem>>
    tpu.wait_dma2 semaphore(%dma_wait3A_48 : memref<!tpu.dma_semaphore, #tpu.memory_space<semaphore_mem>>) src(%dma_wait3A_54 : memref<128x128xf32, #tpu.memory_space<vmem>>) dst(%dma_wait3A_50 : memref<128x128xf32, #tpu.memory_space<hbm>>)
    %dma_wait3A_55 = arith.constant 1 : i32
    %dma_wait3A_56 = arith.constant 1 : i32
    %dma_wait3A_57 = arith.constant 0 : i32
    %dma_wait3A_58 = arith.constant 0 : i32
    %dma_wait3A_59 = tpu.memref_slice %arg6[%dma_wait3A_55, %dma_wait3A_57, %dma_wait3A_58] : memref<2x128x128xf32, #tpu.memory_space<vmem>> -> memref<1x128x128xf32, #tpu.memory_space<vmem>>
    %dma_wait3A_60 = tpu.memref_squeeze %dma_wait3A_59 : memref<1x128x128xf32, #tpu.memory_space<vmem>> -> memref<128x128xf32, #tpu.memory_space<vmem>>
    %dma_wait3A_61 = arith.constant 0 : i32
    %dma_wait3A_62 = tpu.memref_slice %arg4[%mul3A_4, %dma_wait3A_61] : memref<327680x128xf32, #tpu.memory_space<hbm>> -> memref<128x128xf32, #tpu.memory_space<hbm>>
    %dma_wait3A_63 = tpu.memref_slice %arg9[%dma_wait3A_56] : memref<2x!tpu.dma_semaphore, #tpu.memory_space<semaphore_mem>> -> memref<1x!tpu.dma_semaphore, #tpu.memory_space<semaphore_mem>>
    %dma_wait3A_64 = tpu.memref_squeeze %dma_wait3A_63 : memref<1x!tpu.dma_semaphore, #tpu.memory_space<semaphore_mem>> -> memref<!tpu.dma_semaphore, #tpu.memory_space<semaphore_mem>>
    %dma_wait3A_65 = arith.constant 0 : i32
    %dma_wait3A_66 = tpu.memref_slice %arg4[%mul3A_4, %dma_wait3A_65] : memref<327680x128xf32, #tpu.memory_space<hbm>> -> memref<128x128xf32, #tpu.memory_space<hbm>>
    %dma_wait3A_67 = arith.constant 0 : i32
    %dma_wait3A_68 = arith.constant 0 : i32
    %dma_wait3A_69 = tpu.memref_slice %arg6[%dma_wait3A_55, %dma_wait3A_67, %dma_wait3A_68] : memref<2x128x128xf32, #tpu.memory_space<vmem>> -> memref<1x128x128xf32, #tpu.memory_space<vmem>>
    %dma_wait3A_70 = tpu.memref_squeeze %dma_wait3A_69 : memref<1x128x128xf32, #tpu.memory_space<vmem>> -> memref<128x128xf32, #tpu.memory_space<vmem>>
    tpu.wait_dma2 semaphore(%dma_wait3A_64 : memref<!tpu.dma_semaphore, #tpu.memory_space<semaphore_mem>>) src(%dma_wait3A_70 : memref<128x128xf32, #tpu.memory_space<vmem>>) dst(%dma_wait3A_66 : memref<128x128xf32, #tpu.memory_space<hbm>>)
    return
  }
}

#map = affine_map<(d0, d1) -> (0, 0)>
#map1 = affine_map<(d0, d1) -> (0, 0, 0)>
module attributes {stable_mosaic.version = 14 : i64} {
  func.func @sc_scatter(%arg0: i32, %arg1: i32, %arg2: memref<163840x128xf32, #tpu.memory_space<hbm>>, %arg3: memref<32x40x128xi32, #tpu.memory_space<hbm>>, %arg4: memref<10240x128xf32, #tpu.memory_space<hbm>>, %arg5: memref<2x10240x128xf32, #tpu.memory_space<hbm>>, %arg6: memref<40x128xi32, #tpu.memory_space<vmem>>, %arg7: memref<2x128x128xf32, #tpu.memory_space<vmem>>, %arg8: memref<10240x128xf32, #tpu.memory_space<vmem_shared>>, %arg9: memref<2x!tpu.dma_semaphore, #tpu.memory_space<semaphore_mem>>) attributes {dimension_semantics = [#tpu.dimension_semantics<core_parallel>, #tpu.dimension_semantics<subcore_parallel>], iteration_bounds = array<i64: 2, 16>, scalar_prefetch = 0 : i64, scratch_operands = 4 : i64, tpu.core_type = #tpu.core_type<sc_vector_subcore>, window_params = [{transform_indices = #map}, {transform_indices = #map1}, {transform_indices = #map}, {transform_indices = #map1}]} {
    %mul3A = arith.constant 2 : i32
    %mul3A_0 = arith.muli %arg1, %mul3A : i32
    %add3A = arith.addi %mul3A_0, %arg0 : i32
    %mul3A_1 = arith.constant 40 : i32
    %mul3A_2 = arith.muli %add3A, %mul3A_1 : i32
    %mul3A_3 = arith.constant 128 : i32
    %mul3A_4 = arith.muli %mul3A_2, %mul3A_3 : i32
    %mul3A_5 = arith.constant 640 : i32
    %mul3A_6 = arith.muli %arg1, %mul3A_5 : i32
    "tpu.region"() ({
      %run_scoped3A = tpu.sem_alloc : memref<!tpu.dma_semaphore, #tpu.memory_space<semaphore_mem>>
      %dma_start3A_47 = arith.constant 0 : i32
      %dma_start3A_48 = tpu.memref_slice %arg8[%mul3A_6, %dma_start3A_47] : memref<10240x128xf32, #tpu.memory_space<vmem_shared>> -> memref<640x128xf32, #tpu.memory_space<vmem_shared>>
      %dma_start3A_49 = arith.constant 0 : i32
      %dma_start3A_50 = tpu.memref_slice %arg4[%mul3A_6, %dma_start3A_49] : memref<10240x128xf32, #tpu.memory_space<hbm>> -> memref<640x128xf32, #tpu.memory_space<hbm>>
      tpu.enqueue_dma source(%dma_start3A_50 : memref<640x128xf32, #tpu.memory_space<hbm>>) target(%dma_start3A_48 : memref<640x128xf32, #tpu.memory_space<vmem_shared>>) target_semaphore(%run_scoped3A : memref<!tpu.dma_semaphore, #tpu.memory_space<semaphore_mem>>)
      %dma_wait3A = arith.constant 0 : i32
      %dma_wait3A_51 = tpu.memref_slice %arg8[%mul3A_6, %dma_wait3A] : memref<10240x128xf32, #tpu.memory_space<vmem_shared>> -> memref<640x128xf32, #tpu.memory_space<vmem_shared>>
      %dma_wait3A_52 = arith.constant 0 : i32
      %dma_wait3A_53 = tpu.memref_slice %arg4[%mul3A_6, %dma_wait3A_52] : memref<10240x128xf32, #tpu.memory_space<hbm>> -> memref<640x128xf32, #tpu.memory_space<hbm>>
      tpu.wait_dma2 semaphore(%run_scoped3A : memref<!tpu.dma_semaphore, #tpu.memory_space<semaphore_mem>>) src(%dma_wait3A_53 : memref<640x128xf32, #tpu.memory_space<hbm>>) dst(%dma_wait3A_51 : memref<640x128xf32, #tpu.memory_space<vmem_shared>>)
      tpu.yield
    }) : () -> ()
    "tpu.region"() ({
      %run_scoped3A = tpu.sem_alloc : memref<!tpu.dma_semaphore, #tpu.memory_space<semaphore_mem>>
      %dma_start3A_47 = arith.constant 0 : i32
      %dma_start3A_48 = arith.constant 0 : i32
      %dma_start3A_49 = tpu.memref_slice %arg3[%add3A, %dma_start3A_47, %dma_start3A_48] : memref<32x40x128xi32, #tpu.memory_space<hbm>> -> memref<1x40x128xi32, #tpu.memory_space<hbm>>
      %dma_start3A_50 = tpu.memref_squeeze %dma_start3A_49 : memref<1x40x128xi32, #tpu.memory_space<hbm>> -> memref<40x128xi32, #tpu.memory_space<hbm>>
      %dma_start3A_51 = arith.constant 0 : i32
      %dma_start3A_52 = arith.constant 0 : i32
      %dma_start3A_53 = tpu.memref_slice %arg3[%add3A, %dma_start3A_51, %dma_start3A_52] : memref<32x40x128xi32, #tpu.memory_space<hbm>> -> memref<1x40x128xi32, #tpu.memory_space<hbm>>
      %dma_start3A_54 = tpu.memref_squeeze %dma_start3A_53 : memref<1x40x128xi32, #tpu.memory_space<hbm>> -> memref<40x128xi32, #tpu.memory_space<hbm>>
      tpu.enqueue_dma source(%dma_start3A_54 : memref<40x128xi32, #tpu.memory_space<hbm>>) target(%arg6 : memref<40x128xi32, #tpu.memory_space<vmem>>) target_semaphore(%run_scoped3A : memref<!tpu.dma_semaphore, #tpu.memory_space<semaphore_mem>>)
      %dma_wait3A = arith.constant 0 : i32
      %dma_wait3A_55 = arith.constant 0 : i32
      %dma_wait3A_56 = tpu.memref_slice %arg3[%add3A, %dma_wait3A, %dma_wait3A_55] : memref<32x40x128xi32, #tpu.memory_space<hbm>> -> memref<1x40x128xi32, #tpu.memory_space<hbm>>
      %dma_wait3A_57 = tpu.memref_squeeze %dma_wait3A_56 : memref<1x40x128xi32, #tpu.memory_space<hbm>> -> memref<40x128xi32, #tpu.memory_space<hbm>>
      %dma_wait3A_58 = arith.constant 0 : i32
      %dma_wait3A_59 = arith.constant 0 : i32
      %dma_wait3A_60 = tpu.memref_slice %arg3[%add3A, %dma_wait3A_58, %dma_wait3A_59] : memref<32x40x128xi32, #tpu.memory_space<hbm>> -> memref<1x40x128xi32, #tpu.memory_space<hbm>>
      %dma_wait3A_61 = tpu.memref_squeeze %dma_wait3A_60 : memref<1x40x128xi32, #tpu.memory_space<hbm>> -> memref<40x128xi32, #tpu.memory_space<hbm>>
      tpu.wait_dma2 semaphore(%run_scoped3A : memref<!tpu.dma_semaphore, #tpu.memory_space<semaphore_mem>>) src(%dma_wait3A_61 : memref<40x128xi32, #tpu.memory_space<hbm>>) dst(%arg6 : memref<40x128xi32, #tpu.memory_space<vmem>>)
      tpu.yield
    }) : () -> ()
    %barrier3A = arith.constant 0 : index
    tpu.barrier barrier_id(%barrier3A)
    %add3A_7 = arith.constant 0 : i32
    %add3A_8 = arith.addi %mul3A_4, %add3A_7 : i32
    %dma_start3A = arith.constant 0 : i32
    %dma_start3A_9 = arith.constant 0 : i32
    %dma_start3A_10 = arith.constant 0 : i32
    %dma_start3A_11 = arith.constant 0 : i32
    %dma_start3A_12 = tpu.memref_slice %arg7[%dma_start3A, %dma_start3A_10, %dma_start3A_11] : memref<2x128x128xf32, #tpu.memory_space<vmem>> -> memref<1x128x128xf32, #tpu.memory_space<vmem>>
    %dma_start3A_13 = tpu.memref_squeeze %dma_start3A_12 : memref<1x128x128xf32, #tpu.memory_space<vmem>> -> memref<128x128xf32, #tpu.memory_space<vmem>>
    %dma_start3A_14 = arith.constant 0 : i32
    %dma_start3A_15 = tpu.memref_slice %arg2[%add3A_8, %dma_start3A_14] : memref<163840x128xf32, #tpu.memory_space<hbm>> -> memref<128x128xf32, #tpu.memory_space<hbm>>
    %dma_start3A_16 = tpu.memref_slice %arg9[%dma_start3A_9] : memref<2x!tpu.dma_semaphore, #tpu.memory_space<semaphore_mem>> -> memref<1x!tpu.dma_semaphore, #tpu.memory_space<semaphore_mem>>
    %dma_start3A_17 = tpu.memref_squeeze %dma_start3A_16 : memref<1x!tpu.dma_semaphore, #tpu.memory_space<semaphore_mem>> -> memref<!tpu.dma_semaphore, #tpu.memory_space<semaphore_mem>>
    %dma_start3A_18 = arith.constant 0 : i32
    %dma_start3A_19 = arith.constant 0 : i32
    %dma_start3A_20 = tpu.memref_slice %arg7[%dma_start3A, %dma_start3A_18, %dma_start3A_19] : memref<2x128x128xf32, #tpu.memory_space<vmem>> -> memref<1x128x128xf32, #tpu.memory_space<vmem>>
    %dma_start3A_21 = tpu.memref_squeeze %dma_start3A_20 : memref<1x128x128xf32, #tpu.memory_space<vmem>> -> memref<128x128xf32, #tpu.memory_space<vmem>>
    %dma_start3A_22 = arith.constant 0 : i32
    %dma_start3A_23 = tpu.memref_slice %arg2[%add3A_8, %dma_start3A_22] : memref<163840x128xf32, #tpu.memory_space<hbm>> -> memref<128x128xf32, #tpu.memory_space<hbm>>
    tpu.enqueue_dma source(%dma_start3A_23 : memref<128x128xf32, #tpu.memory_space<hbm>>) target(%dma_start3A_21 : memref<128x128xf32, #tpu.memory_space<vmem>>) target_semaphore(%dma_start3A_17 : memref<!tpu.dma_semaphore, #tpu.memory_space<semaphore_mem>>)
    %add3A_24 = arith.constant 128 : i32
    %add3A_25 = arith.addi %mul3A_4, %add3A_24 : i32
    %dma_start3A_26 = arith.constant 1 : i32
    %dma_start3A_27 = arith.constant 1 : i32
    %dma_start3A_28 = arith.constant 0 : i32
    %dma_start3A_29 = arith.constant 0 : i32
    %dma_start3A_30 = tpu.memref_slice %arg7[%dma_start3A_26, %dma_start3A_28, %dma_start3A_29] : memref<2x128x128xf32, #tpu.memory_space<vmem>> -> memref<1x128x128xf32, #tpu.memory_space<vmem>>
    %dma_start3A_31 = tpu.memref_squeeze %dma_start3A_30 : memref<1x128x128xf32, #tpu.memory_space<vmem>> -> memref<128x128xf32, #tpu.memory_space<vmem>>
    %dma_start3A_32 = arith.constant 0 : i32
    %dma_start3A_33 = tpu.memref_slice %arg2[%add3A_25, %dma_start3A_32] : memref<163840x128xf32, #tpu.memory_space<hbm>> -> memref<128x128xf32, #tpu.memory_space<hbm>>
    %dma_start3A_34 = tpu.memref_slice %arg9[%dma_start3A_27] : memref<2x!tpu.dma_semaphore, #tpu.memory_space<semaphore_mem>> -> memref<1x!tpu.dma_semaphore, #tpu.memory_space<semaphore_mem>>
    %dma_start3A_35 = tpu.memref_squeeze %dma_start3A_34 : memref<1x!tpu.dma_semaphore, #tpu.memory_space<semaphore_mem>> -> memref<!tpu.dma_semaphore, #tpu.memory_space<semaphore_mem>>
    %dma_start3A_36 = arith.constant 0 : i32
    %dma_start3A_37 = arith.constant 0 : i32
    %dma_start3A_38 = tpu.memref_slice %arg7[%dma_start3A_26, %dma_start3A_36, %dma_start3A_37] : memref<2x128x128xf32, #tpu.memory_space<vmem>> -> memref<1x128x128xf32, #tpu.memory_space<vmem>>
    %dma_start3A_39 = tpu.memref_squeeze %dma_start3A_38 : memref<1x128x128xf32, #tpu.memory_space<vmem>> -> memref<128x128xf32, #tpu.memory_space<vmem>>
    %dma_start3A_40 = arith.constant 0 : i32
    %dma_start3A_41 = tpu.memref_slice %arg2[%add3A_25, %dma_start3A_40] : memref<163840x128xf32, #tpu.memory_space<hbm>> -> memref<128x128xf32, #tpu.memory_space<hbm>>
    tpu.enqueue_dma source(%dma_start3A_41 : memref<128x128xf32, #tpu.memory_space<hbm>>) target(%dma_start3A_39 : memref<128x128xf32, #tpu.memory_space<vmem>>) target_semaphore(%dma_start3A_35 : memref<!tpu.dma_semaphore, #tpu.memory_space<semaphore_mem>>)
    %scan3A = arith.constant 0 : i32
    %scan3A_42 = arith.constant 20 : i32
    %scan3A_43 = arith.addi %scan3A, %scan3A_42 : i32
    %scan3A_44 = arith.constant 1 : i32
    scf.for %scan3A_47 = %scan3A to %scan3A_43 step %scan3A_44  : i32 {
      %mul3A_48 = arith.constant 2 : i32
      %mul3A_49 = arith.muli %scan3A_47, %mul3A_48 : i32
      %add3A_50 = arith.constant 0 : i32
      %add3A_51 = arith.addi %add3A_50, %mul3A_49 : i32
      %add3A_52 = arith.constant 0 : i32
      %add3A_53 = arith.addi %add3A_51, %add3A_52 : i32
      %dma_wait3A = arith.constant 0 : i32
      %dma_wait3A_54 = arith.constant 0 : i32
      %dma_wait3A_55 = arith.constant 0 : i32
      %dma_wait3A_56 = arith.constant 0 : i32
      %dma_wait3A_57 = tpu.memref_slice %arg7[%dma_wait3A, %dma_wait3A_55, %dma_wait3A_56] : memref<2x128x128xf32, #tpu.memory_space<vmem>> -> memref<1x128x128xf32, #tpu.memory_space<vmem>>
      %dma_wait3A_58 = tpu.memref_squeeze %dma_wait3A_57 : memref<1x128x128xf32, #tpu.memory_space<vmem>> -> memref<128x128xf32, #tpu.memory_space<vmem>>
      %dma_wait3A_59 = arith.constant 0 : i32
      %dma_wait3A_60 = tpu.memref_slice %arg2[%mul3A_4, %dma_wait3A_59] : memref<163840x128xf32, #tpu.memory_space<hbm>> -> memref<128x128xf32, #tpu.memory_space<hbm>>
      %dma_wait3A_61 = tpu.memref_slice %arg9[%dma_wait3A_54] : memref<2x!tpu.dma_semaphore, #tpu.memory_space<semaphore_mem>> -> memref<1x!tpu.dma_semaphore, #tpu.memory_space<semaphore_mem>>
      %dma_wait3A_62 = tpu.memref_squeeze %dma_wait3A_61 : memref<1x!tpu.dma_semaphore, #tpu.memory_space<semaphore_mem>> -> memref<!tpu.dma_semaphore, #tpu.memory_space<semaphore_mem>>
      %dma_wait3A_63 = arith.constant 0 : i32
      %dma_wait3A_64 = arith.constant 0 : i32
      %dma_wait3A_65 = tpu.memref_slice %arg7[%dma_wait3A, %dma_wait3A_63, %dma_wait3A_64] : memref<2x128x128xf32, #tpu.memory_space<vmem>> -> memref<1x128x128xf32, #tpu.memory_space<vmem>>
      %dma_wait3A_66 = tpu.memref_squeeze %dma_wait3A_65 : memref<1x128x128xf32, #tpu.memory_space<vmem>> -> memref<128x128xf32, #tpu.memory_space<vmem>>
      %dma_wait3A_67 = arith.constant 0 : i32
      %dma_wait3A_68 = tpu.memref_slice %arg2[%mul3A_4, %dma_wait3A_67] : memref<163840x128xf32, #tpu.memory_space<hbm>> -> memref<128x128xf32, #tpu.memory_space<hbm>>
      tpu.wait_dma2 semaphore(%dma_wait3A_62 : memref<!tpu.dma_semaphore, #tpu.memory_space<semaphore_mem>>) src(%dma_wait3A_68 : memref<128x128xf32, #tpu.memory_space<hbm>>) dst(%dma_wait3A_66 : memref<128x128xf32, #tpu.memory_space<vmem>>)
      %run_scoped3A = arith.constant 0 : i32
      "tpu.region"() ({
        %run_scoped3A_99 = tpu.sem_alloc : memref<!tpu.dma_semaphore, #tpu.memory_space<semaphore_mem>>
        %dma_start3A_100 = arith.constant 0 : i32
        %dma_start3A_101 = arith.constant 0 : i32
        %dma_start3A_102 = tpu.memref_slice %arg7[%run_scoped3A, %dma_start3A_100, %dma_start3A_101] : memref<2x128x128xf32, #tpu.memory_space<vmem>> -> memref<1x128x128xf32, #tpu.memory_space<vmem>>
        %dma_start3A_103 = tpu.memref_squeeze %dma_start3A_102 : memref<1x128x128xf32, #tpu.memory_space<vmem>> -> memref<128x128xf32, #tpu.memory_space<vmem>>
        %dma_start3A_104 = arith.constant 0 : i32
        %dma_start3A_105 = tpu.memref_slice %arg6[%add3A_53, %dma_start3A_104] : memref<40x128xi32, #tpu.memory_space<vmem>> -> memref<1x128xi32, #tpu.memory_space<vmem>>
        %dma_start3A_106 = tpu.memref_squeeze %dma_start3A_105 : memref<1x128xi32, #tpu.memory_space<vmem>> -> memref<128xi32, #tpu.memory_space<vmem>>
        %dma_start3A_107 = arith.constant 0 : i32
        %dma_start3A_108 = arith.constant 0 : i32
        %dma_start3A_109 = tpu.memref_slice %arg8[%dma_start3A_107, %dma_start3A_108] : memref<10240x128xf32, #tpu.memory_space<vmem_shared>> -> memref<10240x128xf32, #tpu.memory_space<vmem_shared>>
        tpu.enqueue_indirect_dma source(%dma_start3A_103 : memref<128x128xf32, #tpu.memory_space<vmem>>) target(%dma_start3A_109 : memref<10240x128xf32, #tpu.memory_space<vmem_shared>>) offsets(%dma_start3A_106 : memref<128xi32, #tpu.memory_space<vmem>>) semaphore(%run_scoped3A_99 : memref<!tpu.dma_semaphore, #tpu.memory_space<semaphore_mem>>) {add = true}
        %dma_wait3A_110 = arith.constant 0 : i32
        %dma_wait3A_111 = arith.constant 0 : i32
        %dma_wait3A_112 = tpu.memref_slice %arg7[%run_scoped3A, %dma_wait3A_110, %dma_wait3A_111] : memref<2x128x128xf32, #tpu.memory_space<vmem>> -> memref<1x128x128xf32, #tpu.memory_space<vmem>>
        %dma_wait3A_113 = tpu.memref_squeeze %dma_wait3A_112 : memref<1x128x128xf32, #tpu.memory_space<vmem>> -> memref<128x128xf32, #tpu.memory_space<vmem>>
        %dma_wait3A_114 = arith.constant 0 : i32
        %dma_wait3A_115 = tpu.memref_slice %arg6[%add3A_53, %dma_wait3A_114] : memref<40x128xi32, #tpu.memory_space<vmem>> -> memref<1x128xi32, #tpu.memory_space<vmem>>
        %dma_wait3A_116 = tpu.memref_squeeze %dma_wait3A_115 : memref<1x128xi32, #tpu.memory_space<vmem>> -> memref<128xi32, #tpu.memory_space<vmem>>
        %dma_wait3A_117 = arith.constant 0 : i32
        %dma_wait3A_118 = arith.constant 0 : i32
        %dma_wait3A_119 = tpu.memref_slice %arg8[%dma_wait3A_117, %dma_wait3A_118] : memref<10240x128xf32, #tpu.memory_space<vmem_shared>> -> memref<10240x128xf32, #tpu.memory_space<vmem_shared>>
        tpu.wait_indirect_dma semaphore(%run_scoped3A_99 : memref<!tpu.dma_semaphore, #tpu.memory_space<semaphore_mem>>) src(%dma_wait3A_113 : memref<128x128xf32, #tpu.memory_space<vmem>>) dst(%dma_wait3A_119 : memref<10240x128xf32, #tpu.memory_space<vmem_shared>>)
        tpu.yield
      }) : () -> ()
      %add3A_69 = arith.constant 2 : i32
      %add3A_70 = arith.addi %add3A_53, %add3A_69 : i32
      %lt3A = arith.constant 40 : i32
      %lt3A_71 = arith.cmpi slt, %add3A_70, %lt3A : i32
      %convert_element_type3A = arith.extui %lt3A_71 : i1 to i32
      %cond3A = arith.constant 0 : i32
      %cond3A_72 = arith.cmpi ne, %convert_element_type3A, %cond3A : i32
      scf.if %cond3A_72 {
        %add3A_99 = arith.constant 2 : i32
        %add3A_100 = arith.addi %add3A_53, %add3A_99 : i32
        %mul3A_101 = arith.constant 128 : i32
        %mul3A_102 = arith.muli %add3A_100, %mul3A_101 : i32
        %add3A_103 = arith.addi %mul3A_4, %mul3A_102 : i32
        %dma_start3A_104 = arith.constant 0 : i32
        %dma_start3A_105 = arith.constant 0 : i32
        %dma_start3A_106 = arith.constant 0 : i32
        %dma_start3A_107 = arith.constant 0 : i32
        %dma_start3A_108 = tpu.memref_slice %arg7[%dma_start3A_104, %dma_start3A_106, %dma_start3A_107] : memref<2x128x128xf32, #tpu.memory_space<vmem>> -> memref<1x128x128xf32, #tpu.memory_space<vmem>>
        %dma_start3A_109 = tpu.memref_squeeze %dma_start3A_108 : memref<1x128x128xf32, #tpu.memory_space<vmem>> -> memref<128x128xf32, #tpu.memory_space<vmem>>
        %dma_start3A_110 = arith.constant 0 : i32
        %dma_start3A_111 = tpu.memref_slice %arg2[%add3A_103, %dma_start3A_110] : memref<163840x128xf32, #tpu.memory_space<hbm>> -> memref<128x128xf32, #tpu.memory_space<hbm>>
        %dma_start3A_112 = tpu.memref_slice %arg9[%dma_start3A_105] : memref<2x!tpu.dma_semaphore, #tpu.memory_space<semaphore_mem>> -> memref<1x!tpu.dma_semaphore, #tpu.memory_space<semaphore_mem>>
        %dma_start3A_113 = tpu.memref_squeeze %dma_start3A_112 : memref<1x!tpu.dma_semaphore, #tpu.memory_space<semaphore_mem>> -> memref<!tpu.dma_semaphore, #tpu.memory_space<semaphore_mem>>
        %dma_start3A_114 = arith.constant 0 : i32
        %dma_start3A_115 = arith.constant 0 : i32
        %dma_start3A_116 = tpu.memref_slice %arg7[%dma_start3A_104, %dma_start3A_114, %dma_start3A_115] : memref<2x128x128xf32, #tpu.memory_space<vmem>> -> memref<1x128x128xf32, #tpu.memory_space<vmem>>
        %dma_start3A_117 = tpu.memref_squeeze %dma_start3A_116 : memref<1x128x128xf32, #tpu.memory_space<vmem>> -> memref<128x128xf32, #tpu.memory_space<vmem>>
        %dma_start3A_118 = arith.constant 0 : i32
        %dma_start3A_119 = tpu.memref_slice %arg2[%add3A_103, %dma_start3A_118] : memref<163840x128xf32, #tpu.memory_space<hbm>> -> memref<128x128xf32, #tpu.memory_space<hbm>>
        tpu.enqueue_dma source(%dma_start3A_119 : memref<128x128xf32, #tpu.memory_space<hbm>>) target(%dma_start3A_117 : memref<128x128xf32, #tpu.memory_space<vmem>>) target_semaphore(%dma_start3A_113 : memref<!tpu.dma_semaphore, #tpu.memory_space<semaphore_mem>>)
      } else {
      }
      %add3A_73 = arith.constant 1 : i32
      %add3A_74 = arith.addi %add3A_51, %add3A_73 : i32
      %dma_wait3A_75 = arith.constant 1 : i32
      %dma_wait3A_76 = arith.constant 1 : i32
      %dma_wait3A_77 = arith.constant 0 : i32
      %dma_wait3A_78 = arith.constant 0 : i32
      %dma_wait3A_79 = tpu.memref_slice %arg7[%dma_wait3A_75, %dma_wait3A_77, %dma_wait3A_78] : memref<2x128x128xf32, #tpu.memory_space<vmem>> -> memref<1x128x128xf32, #tpu.memory_space<vmem>>
      %dma_wait3A_80 = tpu.memref_squeeze %dma_wait3A_79 : memref<1x128x128xf32, #tpu.memory_space<vmem>> -> memref<128x128xf32, #tpu.memory_space<vmem>>
      %dma_wait3A_81 = arith.constant 0 : i32
      %dma_wait3A_82 = tpu.memref_slice %arg2[%mul3A_4, %dma_wait3A_81] : memref<163840x128xf32, #tpu.memory_space<hbm>> -> memref<128x128xf32, #tpu.memory_space<hbm>>
      %dma_wait3A_83 = tpu.memref_slice %arg9[%dma_wait3A_76] : memref<2x!tpu.dma_semaphore, #tpu.memory_space<semaphore_mem>> -> memref<1x!tpu.dma_semaphore, #tpu.memory_space<semaphore_mem>>
      %dma_wait3A_84 = tpu.memref_squeeze %dma_wait3A_83 : memref<1x!tpu.dma_semaphore, #tpu.memory_space<semaphore_mem>> -> memref<!tpu.dma_semaphore, #tpu.memory_space<semaphore_mem>>
      %dma_wait3A_85 = arith.constant 0 : i32
      %dma_wait3A_86 = arith.constant 0 : i32
      %dma_wait3A_87 = tpu.memref_slice %arg7[%dma_wait3A_75, %dma_wait3A_85, %dma_wait3A_86] : memref<2x128x128xf32, #tpu.memory_space<vmem>> -> memref<1x128x128xf32, #tpu.memory_space<vmem>>
      %dma_wait3A_88 = tpu.memref_squeeze %dma_wait3A_87 : memref<1x128x128xf32, #tpu.memory_space<vmem>> -> memref<128x128xf32, #tpu.memory_space<vmem>>
      %dma_wait3A_89 = arith.constant 0 : i32
      %dma_wait3A_90 = tpu.memref_slice %arg2[%mul3A_4, %dma_wait3A_89] : memref<163840x128xf32, #tpu.memory_space<hbm>> -> memref<128x128xf32, #tpu.memory_space<hbm>>
      tpu.wait_dma2 semaphore(%dma_wait3A_84 : memref<!tpu.dma_semaphore, #tpu.memory_space<semaphore_mem>>) src(%dma_wait3A_90 : memref<128x128xf32, #tpu.memory_space<hbm>>) dst(%dma_wait3A_88 : memref<128x128xf32, #tpu.memory_space<vmem>>)
      %run_scoped3A_91 = arith.constant 1 : i32
      "tpu.region"() ({
        %run_scoped3A_99 = tpu.sem_alloc : memref<!tpu.dma_semaphore, #tpu.memory_space<semaphore_mem>>
        %dma_start3A_100 = arith.constant 0 : i32
        %dma_start3A_101 = arith.constant 0 : i32
        %dma_start3A_102 = tpu.memref_slice %arg7[%run_scoped3A_91, %dma_start3A_100, %dma_start3A_101] : memref<2x128x128xf32, #tpu.memory_space<vmem>> -> memref<1x128x128xf32, #tpu.memory_space<vmem>>
        %dma_start3A_103 = tpu.memref_squeeze %dma_start3A_102 : memref<1x128x128xf32, #tpu.memory_space<vmem>> -> memref<128x128xf32, #tpu.memory_space<vmem>>
        %dma_start3A_104 = arith.constant 0 : i32
        %dma_start3A_105 = tpu.memref_slice %arg6[%add3A_74, %dma_start3A_104] : memref<40x128xi32, #tpu.memory_space<vmem>> -> memref<1x128xi32, #tpu.memory_space<vmem>>
        %dma_start3A_106 = tpu.memref_squeeze %dma_start3A_105 : memref<1x128xi32, #tpu.memory_space<vmem>> -> memref<128xi32, #tpu.memory_space<vmem>>
        %dma_start3A_107 = arith.constant 0 : i32
        %dma_start3A_108 = arith.constant 0 : i32
        %dma_start3A_109 = tpu.memref_slice %arg8[%dma_start3A_107, %dma_start3A_108] : memref<10240x128xf32, #tpu.memory_space<vmem_shared>> -> memref<10240x128xf32, #tpu.memory_space<vmem_shared>>
        tpu.enqueue_indirect_dma source(%dma_start3A_103 : memref<128x128xf32, #tpu.memory_space<vmem>>) target(%dma_start3A_109 : memref<10240x128xf32, #tpu.memory_space<vmem_shared>>) offsets(%dma_start3A_106 : memref<128xi32, #tpu.memory_space<vmem>>) semaphore(%run_scoped3A_99 : memref<!tpu.dma_semaphore, #tpu.memory_space<semaphore_mem>>) {add = true}
        %dma_wait3A_110 = arith.constant 0 : i32
        %dma_wait3A_111 = arith.constant 0 : i32
        %dma_wait3A_112 = tpu.memref_slice %arg7[%run_scoped3A_91, %dma_wait3A_110, %dma_wait3A_111] : memref<2x128x128xf32, #tpu.memory_space<vmem>> -> memref<1x128x128xf32, #tpu.memory_space<vmem>>
        %dma_wait3A_113 = tpu.memref_squeeze %dma_wait3A_112 : memref<1x128x128xf32, #tpu.memory_space<vmem>> -> memref<128x128xf32, #tpu.memory_space<vmem>>
        %dma_wait3A_114 = arith.constant 0 : i32
        %dma_wait3A_115 = tpu.memref_slice %arg6[%add3A_74, %dma_wait3A_114] : memref<40x128xi32, #tpu.memory_space<vmem>> -> memref<1x128xi32, #tpu.memory_space<vmem>>
        %dma_wait3A_116 = tpu.memref_squeeze %dma_wait3A_115 : memref<1x128xi32, #tpu.memory_space<vmem>> -> memref<128xi32, #tpu.memory_space<vmem>>
        %dma_wait3A_117 = arith.constant 0 : i32
        %dma_wait3A_118 = arith.constant 0 : i32
        %dma_wait3A_119 = tpu.memref_slice %arg8[%dma_wait3A_117, %dma_wait3A_118] : memref<10240x128xf32, #tpu.memory_space<vmem_shared>> -> memref<10240x128xf32, #tpu.memory_space<vmem_shared>>
        tpu.wait_indirect_dma semaphore(%run_scoped3A_99 : memref<!tpu.dma_semaphore, #tpu.memory_space<semaphore_mem>>) src(%dma_wait3A_113 : memref<128x128xf32, #tpu.memory_space<vmem>>) dst(%dma_wait3A_119 : memref<10240x128xf32, #tpu.memory_space<vmem_shared>>)
        tpu.yield
      }) : () -> ()
      %add3A_92 = arith.constant 2 : i32
      %add3A_93 = arith.addi %add3A_74, %add3A_92 : i32
      %lt3A_94 = arith.constant 40 : i32
      %lt3A_95 = arith.cmpi slt, %add3A_93, %lt3A_94 : i32
      %convert_element_type3A_96 = arith.extui %lt3A_95 : i1 to i32
      %cond3A_97 = arith.constant 0 : i32
      %cond3A_98 = arith.cmpi ne, %convert_element_type3A_96, %cond3A_97 : i32
      scf.if %cond3A_98 {
        %add3A_99 = arith.constant 2 : i32
        %add3A_100 = arith.addi %add3A_74, %add3A_99 : i32
        %mul3A_101 = arith.constant 128 : i32
        %mul3A_102 = arith.muli %add3A_100, %mul3A_101 : i32
        %add3A_103 = arith.addi %mul3A_4, %mul3A_102 : i32
        %dma_start3A_104 = arith.constant 1 : i32
        %dma_start3A_105 = arith.constant 1 : i32
        %dma_start3A_106 = arith.constant 0 : i32
        %dma_start3A_107 = arith.constant 0 : i32
        %dma_start3A_108 = tpu.memref_slice %arg7[%dma_start3A_104, %dma_start3A_106, %dma_start3A_107] : memref<2x128x128xf32, #tpu.memory_space<vmem>> -> memref<1x128x128xf32, #tpu.memory_space<vmem>>
        %dma_start3A_109 = tpu.memref_squeeze %dma_start3A_108 : memref<1x128x128xf32, #tpu.memory_space<vmem>> -> memref<128x128xf32, #tpu.memory_space<vmem>>
        %dma_start3A_110 = arith.constant 0 : i32
        %dma_start3A_111 = tpu.memref_slice %arg2[%add3A_103, %dma_start3A_110] : memref<163840x128xf32, #tpu.memory_space<hbm>> -> memref<128x128xf32, #tpu.memory_space<hbm>>
        %dma_start3A_112 = tpu.memref_slice %arg9[%dma_start3A_105] : memref<2x!tpu.dma_semaphore, #tpu.memory_space<semaphore_mem>> -> memref<1x!tpu.dma_semaphore, #tpu.memory_space<semaphore_mem>>
        %dma_start3A_113 = tpu.memref_squeeze %dma_start3A_112 : memref<1x!tpu.dma_semaphore, #tpu.memory_space<semaphore_mem>> -> memref<!tpu.dma_semaphore, #tpu.memory_space<semaphore_mem>>
        %dma_start3A_114 = arith.constant 0 : i32
        %dma_start3A_115 = arith.constant 0 : i32
        %dma_start3A_116 = tpu.memref_slice %arg7[%dma_start3A_104, %dma_start3A_114, %dma_start3A_115] : memref<2x128x128xf32, #tpu.memory_space<vmem>> -> memref<1x128x128xf32, #tpu.memory_space<vmem>>
        %dma_start3A_117 = tpu.memref_squeeze %dma_start3A_116 : memref<1x128x128xf32, #tpu.memory_space<vmem>> -> memref<128x128xf32, #tpu.memory_space<vmem>>
        %dma_start3A_118 = arith.constant 0 : i32
        %dma_start3A_119 = tpu.memref_slice %arg2[%add3A_103, %dma_start3A_118] : memref<163840x128xf32, #tpu.memory_space<hbm>> -> memref<128x128xf32, #tpu.memory_space<hbm>>
        tpu.enqueue_dma source(%dma_start3A_119 : memref<128x128xf32, #tpu.memory_space<hbm>>) target(%dma_start3A_117 : memref<128x128xf32, #tpu.memory_space<vmem>>) target_semaphore(%dma_start3A_113 : memref<!tpu.dma_semaphore, #tpu.memory_space<semaphore_mem>>)
      } else {
      }
    }
    %scan3A_45 = arith.constant 20 : i32
    %barrier3A_46 = arith.constant 0 : index
    tpu.barrier barrier_id(%barrier3A_46)
    "tpu.region"() ({
      %run_scoped3A = tpu.sem_alloc : memref<!tpu.dma_semaphore, #tpu.memory_space<semaphore_mem>>
      %dma_start3A_47 = arith.constant 0 : i32
      %dma_start3A_48 = tpu.memref_slice %arg5[%arg0, %mul3A_6, %dma_start3A_47] : memref<2x10240x128xf32, #tpu.memory_space<hbm>> -> memref<1x640x128xf32, #tpu.memory_space<hbm>>
      %dma_start3A_49 = tpu.memref_squeeze %dma_start3A_48 : memref<1x640x128xf32, #tpu.memory_space<hbm>> -> memref<640x128xf32, #tpu.memory_space<hbm>>
      %dma_start3A_50 = arith.constant 0 : i32
      %dma_start3A_51 = tpu.memref_slice %arg8[%mul3A_6, %dma_start3A_50] : memref<10240x128xf32, #tpu.memory_space<vmem_shared>> -> memref<640x128xf32, #tpu.memory_space<vmem_shared>>
      tpu.enqueue_dma source(%dma_start3A_51 : memref<640x128xf32, #tpu.memory_space<vmem_shared>>) target(%dma_start3A_49 : memref<640x128xf32, #tpu.memory_space<hbm>>) target_semaphore(%run_scoped3A : memref<!tpu.dma_semaphore, #tpu.memory_space<semaphore_mem>>)
      %dma_wait3A = arith.constant 0 : i32
      %dma_wait3A_52 = tpu.memref_slice %arg5[%arg0, %mul3A_6, %dma_wait3A] : memref<2x10240x128xf32, #tpu.memory_space<hbm>> -> memref<1x640x128xf32, #tpu.memory_space<hbm>>
      %dma_wait3A_53 = tpu.memref_squeeze %dma_wait3A_52 : memref<1x640x128xf32, #tpu.memory_space<hbm>> -> memref<640x128xf32, #tpu.memory_space<hbm>>
      %dma_wait3A_54 = arith.constant 0 : i32
      %dma_wait3A_55 = tpu.memref_slice %arg8[%mul3A_6, %dma_wait3A_54] : memref<10240x128xf32, #tpu.memory_space<vmem_shared>> -> memref<640x128xf32, #tpu.memory_space<vmem_shared>>
      tpu.wait_dma2 semaphore(%run_scoped3A : memref<!tpu.dma_semaphore, #tpu.memory_space<semaphore_mem>>) src(%dma_wait3A_55 : memref<640x128xf32, #tpu.memory_space<vmem_shared>>) dst(%dma_wait3A_53 : memref<640x128xf32, #tpu.memory_space<hbm>>)
      tpu.yield
    }) : () -> ()
    return
  }
}

#map = affine_map<(d0, d1) -> (0, 0)>
#map1 = affine_map<(d0, d1) -> (0, 0, 0)>
module attributes {stable_mosaic.version = 14 : i64} {
  func.func @sc_scatter(%arg0: i32, %arg1: i32, %arg2: memref<163840x128xf32, #tpu.memory_space<hbm>>, %arg3: memref<32x40x128xi32, #tpu.memory_space<hbm>>, %arg4: memref<10240x128xf32, #tpu.memory_space<hbm>>, %arg5: memref<2x10240x128xf32, #tpu.memory_space<hbm>>, %arg6: memref<40x128xi32, #tpu.memory_space<vmem>>, %arg7: memref<2x128x128xf32, #tpu.memory_space<vmem>>, %arg8: memref<10240x128xf32, #tpu.memory_space<vmem_shared>>, %arg9: memref<2x!tpu.dma_semaphore, #tpu.memory_space<semaphore_mem>>) attributes {dimension_semantics = [#tpu.dimension_semantics<core_parallel>, #tpu.dimension_semantics<subcore_parallel>], iteration_bounds = array<i64: 2, 16>, scalar_prefetch = 0 : i64, scratch_operands = 4 : i64, tpu.core_type = #tpu.core_type<sc_vector_subcore>, window_params = [{transform_indices = #map}, {transform_indices = #map1}, {transform_indices = #map}, {transform_indices = #map1}]} {
    %mul3A = arith.constant 2 : i32
    %mul3A_0 = arith.muli %arg1, %mul3A : i32
    %add3A = arith.addi %mul3A_0, %arg0 : i32
    %mul3A_1 = arith.constant 40 : i32
    %mul3A_2 = arith.muli %add3A, %mul3A_1 : i32
    %mul3A_3 = arith.constant 128 : i32
    %mul3A_4 = arith.muli %mul3A_2, %mul3A_3 : i32
    %mul3A_5 = arith.constant 640 : i32
    %mul3A_6 = arith.muli %arg1, %mul3A_5 : i32
    "tpu.region"() ({
      %run_scoped3A = tpu.sem_alloc : memref<!tpu.dma_semaphore, #tpu.memory_space<semaphore_mem>>
      %dma_start3A_47 = arith.constant 0 : i32
      %dma_start3A_48 = tpu.memref_slice %arg8[%mul3A_6, %dma_start3A_47] : memref<10240x128xf32, #tpu.memory_space<vmem_shared>> -> memref<640x128xf32, #tpu.memory_space<vmem_shared>>
      %dma_start3A_49 = arith.constant 0 : i32
      %dma_start3A_50 = tpu.memref_slice %arg4[%mul3A_6, %dma_start3A_49] : memref<10240x128xf32, #tpu.memory_space<hbm>> -> memref<640x128xf32, #tpu.memory_space<hbm>>
      tpu.enqueue_dma source(%dma_start3A_50 : memref<640x128xf32, #tpu.memory_space<hbm>>) target(%dma_start3A_48 : memref<640x128xf32, #tpu.memory_space<vmem_shared>>) target_semaphore(%run_scoped3A : memref<!tpu.dma_semaphore, #tpu.memory_space<semaphore_mem>>)
      %dma_wait3A = arith.constant 0 : i32
      %dma_wait3A_51 = tpu.memref_slice %arg8[%mul3A_6, %dma_wait3A] : memref<10240x128xf32, #tpu.memory_space<vmem_shared>> -> memref<640x128xf32, #tpu.memory_space<vmem_shared>>
      %dma_wait3A_52 = arith.constant 0 : i32
      %dma_wait3A_53 = tpu.memref_slice %arg4[%mul3A_6, %dma_wait3A_52] : memref<10240x128xf32, #tpu.memory_space<hbm>> -> memref<640x128xf32, #tpu.memory_space<hbm>>
      tpu.wait_dma2 semaphore(%run_scoped3A : memref<!tpu.dma_semaphore, #tpu.memory_space<semaphore_mem>>) src(%dma_wait3A_53 : memref<640x128xf32, #tpu.memory_space<hbm>>) dst(%dma_wait3A_51 : memref<640x128xf32, #tpu.memory_space<vmem_shared>>)
      tpu.yield
    }) : () -> ()
    "tpu.region"() ({
      %run_scoped3A = tpu.sem_alloc : memref<!tpu.dma_semaphore, #tpu.memory_space<semaphore_mem>>
      %dma_start3A_47 = arith.constant 0 : i32
      %dma_start3A_48 = arith.constant 0 : i32
      %dma_start3A_49 = tpu.memref_slice %arg3[%add3A, %dma_start3A_47, %dma_start3A_48] : memref<32x40x128xi32, #tpu.memory_space<hbm>> -> memref<1x40x128xi32, #tpu.memory_space<hbm>>
      %dma_start3A_50 = tpu.memref_squeeze %dma_start3A_49 : memref<1x40x128xi32, #tpu.memory_space<hbm>> -> memref<40x128xi32, #tpu.memory_space<hbm>>
      %dma_start3A_51 = arith.constant 0 : i32
      %dma_start3A_52 = arith.constant 0 : i32
      %dma_start3A_53 = tpu.memref_slice %arg3[%add3A, %dma_start3A_51, %dma_start3A_52] : memref<32x40x128xi32, #tpu.memory_space<hbm>> -> memref<1x40x128xi32, #tpu.memory_space<hbm>>
      %dma_start3A_54 = tpu.memref_squeeze %dma_start3A_53 : memref<1x40x128xi32, #tpu.memory_space<hbm>> -> memref<40x128xi32, #tpu.memory_space<hbm>>
      tpu.enqueue_dma source(%dma_start3A_54 : memref<40x128xi32, #tpu.memory_space<hbm>>) target(%arg6 : memref<40x128xi32, #tpu.memory_space<vmem>>) target_semaphore(%run_scoped3A : memref<!tpu.dma_semaphore, #tpu.memory_space<semaphore_mem>>)
      %dma_wait3A = arith.constant 0 : i32
      %dma_wait3A_55 = arith.constant 0 : i32
      %dma_wait3A_56 = tpu.memref_slice %arg3[%add3A, %dma_wait3A, %dma_wait3A_55] : memref<32x40x128xi32, #tpu.memory_space<hbm>> -> memref<1x40x128xi32, #tpu.memory_space<hbm>>
      %dma_wait3A_57 = tpu.memref_squeeze %dma_wait3A_56 : memref<1x40x128xi32, #tpu.memory_space<hbm>> -> memref<40x128xi32, #tpu.memory_space<hbm>>
      %dma_wait3A_58 = arith.constant 0 : i32
      %dma_wait3A_59 = arith.constant 0 : i32
      %dma_wait3A_60 = tpu.memref_slice %arg3[%add3A, %dma_wait3A_58, %dma_wait3A_59] : memref<32x40x128xi32, #tpu.memory_space<hbm>> -> memref<1x40x128xi32, #tpu.memory_space<hbm>>
      %dma_wait3A_61 = tpu.memref_squeeze %dma_wait3A_60 : memref<1x40x128xi32, #tpu.memory_space<hbm>> -> memref<40x128xi32, #tpu.memory_space<hbm>>
      tpu.wait_dma2 semaphore(%run_scoped3A : memref<!tpu.dma_semaphore, #tpu.memory_space<semaphore_mem>>) src(%dma_wait3A_61 : memref<40x128xi32, #tpu.memory_space<hbm>>) dst(%arg6 : memref<40x128xi32, #tpu.memory_space<vmem>>)
      tpu.yield
    }) : () -> ()
    %barrier3A = arith.constant 0 : index
    tpu.barrier barrier_id(%barrier3A)
    %add3A_7 = arith.constant 0 : i32
    %add3A_8 = arith.addi %mul3A_4, %add3A_7 : i32
    %dma_start3A = arith.constant 0 : i32
    %dma_start3A_9 = arith.constant 0 : i32
    %dma_start3A_10 = arith.constant 0 : i32
    %dma_start3A_11 = arith.constant 0 : i32
    %dma_start3A_12 = tpu.memref_slice %arg7[%dma_start3A, %dma_start3A_10, %dma_start3A_11] : memref<2x128x128xf32, #tpu.memory_space<vmem>> -> memref<1x128x128xf32, #tpu.memory_space<vmem>>
    %dma_start3A_13 = tpu.memref_squeeze %dma_start3A_12 : memref<1x128x128xf32, #tpu.memory_space<vmem>> -> memref<128x128xf32, #tpu.memory_space<vmem>>
    %dma_start3A_14 = arith.constant 0 : i32
    %dma_start3A_15 = tpu.memref_slice %arg2[%add3A_8, %dma_start3A_14] : memref<163840x128xf32, #tpu.memory_space<hbm>> -> memref<128x128xf32, #tpu.memory_space<hbm>>
    %dma_start3A_16 = tpu.memref_slice %arg9[%dma_start3A_9] : memref<2x!tpu.dma_semaphore, #tpu.memory_space<semaphore_mem>> -> memref<1x!tpu.dma_semaphore, #tpu.memory_space<semaphore_mem>>
    %dma_start3A_17 = tpu.memref_squeeze %dma_start3A_16 : memref<1x!tpu.dma_semaphore, #tpu.memory_space<semaphore_mem>> -> memref<!tpu.dma_semaphore, #tpu.memory_space<semaphore_mem>>
    %dma_start3A_18 = arith.constant 0 : i32
    %dma_start3A_19 = arith.constant 0 : i32
    %dma_start3A_20 = tpu.memref_slice %arg7[%dma_start3A, %dma_start3A_18, %dma_start3A_19] : memref<2x128x128xf32, #tpu.memory_space<vmem>> -> memref<1x128x128xf32, #tpu.memory_space<vmem>>
    %dma_start3A_21 = tpu.memref_squeeze %dma_start3A_20 : memref<1x128x128xf32, #tpu.memory_space<vmem>> -> memref<128x128xf32, #tpu.memory_space<vmem>>
    %dma_start3A_22 = arith.constant 0 : i32
    %dma_start3A_23 = tpu.memref_slice %arg2[%add3A_8, %dma_start3A_22] : memref<163840x128xf32, #tpu.memory_space<hbm>> -> memref<128x128xf32, #tpu.memory_space<hbm>>
    tpu.enqueue_dma source(%dma_start3A_23 : memref<128x128xf32, #tpu.memory_space<hbm>>) target(%dma_start3A_21 : memref<128x128xf32, #tpu.memory_space<vmem>>) target_semaphore(%dma_start3A_17 : memref<!tpu.dma_semaphore, #tpu.memory_space<semaphore_mem>>)
    %add3A_24 = arith.constant 128 : i32
    %add3A_25 = arith.addi %mul3A_4, %add3A_24 : i32
    %dma_start3A_26 = arith.constant 1 : i32
    %dma_start3A_27 = arith.constant 1 : i32
    %dma_start3A_28 = arith.constant 0 : i32
    %dma_start3A_29 = arith.constant 0 : i32
    %dma_start3A_30 = tpu.memref_slice %arg7[%dma_start3A_26, %dma_start3A_28, %dma_start3A_29] : memref<2x128x128xf32, #tpu.memory_space<vmem>> -> memref<1x128x128xf32, #tpu.memory_space<vmem>>
    %dma_start3A_31 = tpu.memref_squeeze %dma_start3A_30 : memref<1x128x128xf32, #tpu.memory_space<vmem>> -> memref<128x128xf32, #tpu.memory_space<vmem>>
    %dma_start3A_32 = arith.constant 0 : i32
    %dma_start3A_33 = tpu.memref_slice %arg2[%add3A_25, %dma_start3A_32] : memref<163840x128xf32, #tpu.memory_space<hbm>> -> memref<128x128xf32, #tpu.memory_space<hbm>>
    %dma_start3A_34 = tpu.memref_slice %arg9[%dma_start3A_27] : memref<2x!tpu.dma_semaphore, #tpu.memory_space<semaphore_mem>> -> memref<1x!tpu.dma_semaphore, #tpu.memory_space<semaphore_mem>>
    %dma_start3A_35 = tpu.memref_squeeze %dma_start3A_34 : memref<1x!tpu.dma_semaphore, #tpu.memory_space<semaphore_mem>> -> memref<!tpu.dma_semaphore, #tpu.memory_space<semaphore_mem>>
    %dma_start3A_36 = arith.constant 0 : i32
    %dma_start3A_37 = arith.constant 0 : i32
    %dma_start3A_38 = tpu.memref_slice %arg7[%dma_start3A_26, %dma_start3A_36, %dma_start3A_37] : memref<2x128x128xf32, #tpu.memory_space<vmem>> -> memref<1x128x128xf32, #tpu.memory_space<vmem>>
    %dma_start3A_39 = tpu.memref_squeeze %dma_start3A_38 : memref<1x128x128xf32, #tpu.memory_space<vmem>> -> memref<128x128xf32, #tpu.memory_space<vmem>>
    %dma_start3A_40 = arith.constant 0 : i32
    %dma_start3A_41 = tpu.memref_slice %arg2[%add3A_25, %dma_start3A_40] : memref<163840x128xf32, #tpu.memory_space<hbm>> -> memref<128x128xf32, #tpu.memory_space<hbm>>
    tpu.enqueue_dma source(%dma_start3A_41 : memref<128x128xf32, #tpu.memory_space<hbm>>) target(%dma_start3A_39 : memref<128x128xf32, #tpu.memory_space<vmem>>) target_semaphore(%dma_start3A_35 : memref<!tpu.dma_semaphore, #tpu.memory_space<semaphore_mem>>)
    %scan3A = arith.constant 0 : i32
    %scan3A_42 = arith.constant 20 : i32
    %scan3A_43 = arith.addi %scan3A, %scan3A_42 : i32
    %scan3A_44 = arith.constant 1 : i32
    scf.for %scan3A_47 = %scan3A to %scan3A_43 step %scan3A_44  : i32 {
      %mul3A_48 = arith.constant 2 : i32
      %mul3A_49 = arith.muli %scan3A_47, %mul3A_48 : i32
      %add3A_50 = arith.constant 0 : i32
      %add3A_51 = arith.addi %add3A_50, %mul3A_49 : i32
      %add3A_52 = arith.constant 0 : i32
      %add3A_53 = arith.addi %add3A_51, %add3A_52 : i32
      %dma_wait3A = arith.constant 0 : i32
      %dma_wait3A_54 = arith.constant 0 : i32
      %dma_wait3A_55 = arith.constant 0 : i32
      %dma_wait3A_56 = arith.constant 0 : i32
      %dma_wait3A_57 = tpu.memref_slice %arg7[%dma_wait3A, %dma_wait3A_55, %dma_wait3A_56] : memref<2x128x128xf32, #tpu.memory_space<vmem>> -> memref<1x128x128xf32, #tpu.memory_space<vmem>>
      %dma_wait3A_58 = tpu.memref_squeeze %dma_wait3A_57 : memref<1x128x128xf32, #tpu.memory_space<vmem>> -> memref<128x128xf32, #tpu.memory_space<vmem>>
      %dma_wait3A_59 = arith.constant 0 : i32
      %dma_wait3A_60 = tpu.memref_slice %arg2[%mul3A_4, %dma_wait3A_59] : memref<163840x128xf32, #tpu.memory_space<hbm>> -> memref<128x128xf32, #tpu.memory_space<hbm>>
      %dma_wait3A_61 = tpu.memref_slice %arg9[%dma_wait3A_54] : memref<2x!tpu.dma_semaphore, #tpu.memory_space<semaphore_mem>> -> memref<1x!tpu.dma_semaphore, #tpu.memory_space<semaphore_mem>>
      %dma_wait3A_62 = tpu.memref_squeeze %dma_wait3A_61 : memref<1x!tpu.dma_semaphore, #tpu.memory_space<semaphore_mem>> -> memref<!tpu.dma_semaphore, #tpu.memory_space<semaphore_mem>>
      %dma_wait3A_63 = arith.constant 0 : i32
      %dma_wait3A_64 = arith.constant 0 : i32
      %dma_wait3A_65 = tpu.memref_slice %arg7[%dma_wait3A, %dma_wait3A_63, %dma_wait3A_64] : memref<2x128x128xf32, #tpu.memory_space<vmem>> -> memref<1x128x128xf32, #tpu.memory_space<vmem>>
      %dma_wait3A_66 = tpu.memref_squeeze %dma_wait3A_65 : memref<1x128x128xf32, #tpu.memory_space<vmem>> -> memref<128x128xf32, #tpu.memory_space<vmem>>
      %dma_wait3A_67 = arith.constant 0 : i32
      %dma_wait3A_68 = tpu.memref_slice %arg2[%mul3A_4, %dma_wait3A_67] : memref<163840x128xf32, #tpu.memory_space<hbm>> -> memref<128x128xf32, #tpu.memory_space<hbm>>
      tpu.wait_dma2 semaphore(%dma_wait3A_62 : memref<!tpu.dma_semaphore, #tpu.memory_space<semaphore_mem>>) src(%dma_wait3A_68 : memref<128x128xf32, #tpu.memory_space<hbm>>) dst(%dma_wait3A_66 : memref<128x128xf32, #tpu.memory_space<vmem>>)
      %run_scoped3A = arith.constant 0 : i32
      "tpu.region"() ({
        %run_scoped3A_99 = tpu.sem_alloc : memref<!tpu.dma_semaphore, #tpu.memory_space<semaphore_mem>>
        %dma_start3A_100 = arith.constant 0 : i32
        %dma_start3A_101 = arith.constant 0 : i32
        %dma_start3A_102 = tpu.memref_slice %arg7[%run_scoped3A, %dma_start3A_100, %dma_start3A_101] : memref<2x128x128xf32, #tpu.memory_space<vmem>> -> memref<1x128x128xf32, #tpu.memory_space<vmem>>
        %dma_start3A_103 = tpu.memref_squeeze %dma_start3A_102 : memref<1x128x128xf32, #tpu.memory_space<vmem>> -> memref<128x128xf32, #tpu.memory_space<vmem>>
        %dma_start3A_104 = arith.constant 0 : i32
        %dma_start3A_105 = tpu.memref_slice %arg6[%add3A_53, %dma_start3A_104] : memref<40x128xi32, #tpu.memory_space<vmem>> -> memref<1x128xi32, #tpu.memory_space<vmem>>
        %dma_start3A_106 = tpu.memref_squeeze %dma_start3A_105 : memref<1x128xi32, #tpu.memory_space<vmem>> -> memref<128xi32, #tpu.memory_space<vmem>>
        %dma_start3A_107 = arith.constant 0 : i32
        %dma_start3A_108 = arith.constant 0 : i32
        %dma_start3A_109 = tpu.memref_slice %arg8[%dma_start3A_107, %dma_start3A_108] : memref<10240x128xf32, #tpu.memory_space<vmem_shared>> -> memref<10240x128xf32, #tpu.memory_space<vmem_shared>>
        tpu.enqueue_indirect_dma source(%dma_start3A_103 : memref<128x128xf32, #tpu.memory_space<vmem>>) target(%dma_start3A_109 : memref<10240x128xf32, #tpu.memory_space<vmem_shared>>) offsets(%dma_start3A_106 : memref<128xi32, #tpu.memory_space<vmem>>) semaphore(%run_scoped3A_99 : memref<!tpu.dma_semaphore, #tpu.memory_space<semaphore_mem>>) {add = true}
        %dma_wait3A_110 = arith.constant 0 : i32
        %dma_wait3A_111 = arith.constant 0 : i32
        %dma_wait3A_112 = tpu.memref_slice %arg7[%run_scoped3A, %dma_wait3A_110, %dma_wait3A_111] : memref<2x128x128xf32, #tpu.memory_space<vmem>> -> memref<1x128x128xf32, #tpu.memory_space<vmem>>
        %dma_wait3A_113 = tpu.memref_squeeze %dma_wait3A_112 : memref<1x128x128xf32, #tpu.memory_space<vmem>> -> memref<128x128xf32, #tpu.memory_space<vmem>>
        %dma_wait3A_114 = arith.constant 0 : i32
        %dma_wait3A_115 = tpu.memref_slice %arg6[%add3A_53, %dma_wait3A_114] : memref<40x128xi32, #tpu.memory_space<vmem>> -> memref<1x128xi32, #tpu.memory_space<vmem>>
        %dma_wait3A_116 = tpu.memref_squeeze %dma_wait3A_115 : memref<1x128xi32, #tpu.memory_space<vmem>> -> memref<128xi32, #tpu.memory_space<vmem>>
        %dma_wait3A_117 = arith.constant 0 : i32
        %dma_wait3A_118 = arith.constant 0 : i32
        %dma_wait3A_119 = tpu.memref_slice %arg8[%dma_wait3A_117, %dma_wait3A_118] : memref<10240x128xf32, #tpu.memory_space<vmem_shared>> -> memref<10240x128xf32, #tpu.memory_space<vmem_shared>>
        tpu.wait_indirect_dma semaphore(%run_scoped3A_99 : memref<!tpu.dma_semaphore, #tpu.memory_space<semaphore_mem>>) src(%dma_wait3A_113 : memref<128x128xf32, #tpu.memory_space<vmem>>) dst(%dma_wait3A_119 : memref<10240x128xf32, #tpu.memory_space<vmem_shared>>)
        tpu.yield
      }) : () -> ()
      %add3A_69 = arith.constant 2 : i32
      %add3A_70 = arith.addi %add3A_53, %add3A_69 : i32
      %lt3A = arith.constant 40 : i32
      %lt3A_71 = arith.cmpi slt, %add3A_70, %lt3A : i32
      %convert_element_type3A = arith.extui %lt3A_71 : i1 to i32
      %cond3A = arith.constant 0 : i32
      %cond3A_72 = arith.cmpi ne, %convert_element_type3A, %cond3A : i32
      scf.if %cond3A_72 {
        %add3A_99 = arith.constant 2 : i32
        %add3A_100 = arith.addi %add3A_53, %add3A_99 : i32
        %mul3A_101 = arith.constant 128 : i32
        %mul3A_102 = arith.muli %add3A_100, %mul3A_101 : i32
        %add3A_103 = arith.addi %mul3A_4, %mul3A_102 : i32
        %dma_start3A_104 = arith.constant 0 : i32
        %dma_start3A_105 = arith.constant 0 : i32
        %dma_start3A_106 = arith.constant 0 : i32
        %dma_start3A_107 = arith.constant 0 : i32
        %dma_start3A_108 = tpu.memref_slice %arg7[%dma_start3A_104, %dma_start3A_106, %dma_start3A_107] : memref<2x128x128xf32, #tpu.memory_space<vmem>> -> memref<1x128x128xf32, #tpu.memory_space<vmem>>
        %dma_start3A_109 = tpu.memref_squeeze %dma_start3A_108 : memref<1x128x128xf32, #tpu.memory_space<vmem>> -> memref<128x128xf32, #tpu.memory_space<vmem>>
        %dma_start3A_110 = arith.constant 0 : i32
        %dma_start3A_111 = tpu.memref_slice %arg2[%add3A_103, %dma_start3A_110] : memref<163840x128xf32, #tpu.memory_space<hbm>> -> memref<128x128xf32, #tpu.memory_space<hbm>>
        %dma_start3A_112 = tpu.memref_slice %arg9[%dma_start3A_105] : memref<2x!tpu.dma_semaphore, #tpu.memory_space<semaphore_mem>> -> memref<1x!tpu.dma_semaphore, #tpu.memory_space<semaphore_mem>>
        %dma_start3A_113 = tpu.memref_squeeze %dma_start3A_112 : memref<1x!tpu.dma_semaphore, #tpu.memory_space<semaphore_mem>> -> memref<!tpu.dma_semaphore, #tpu.memory_space<semaphore_mem>>
        %dma_start3A_114 = arith.constant 0 : i32
        %dma_start3A_115 = arith.constant 0 : i32
        %dma_start3A_116 = tpu.memref_slice %arg7[%dma_start3A_104, %dma_start3A_114, %dma_start3A_115] : memref<2x128x128xf32, #tpu.memory_space<vmem>> -> memref<1x128x128xf32, #tpu.memory_space<vmem>>
        %dma_start3A_117 = tpu.memref_squeeze %dma_start3A_116 : memref<1x128x128xf32, #tpu.memory_space<vmem>> -> memref<128x128xf32, #tpu.memory_space<vmem>>
        %dma_start3A_118 = arith.constant 0 : i32
        %dma_start3A_119 = tpu.memref_slice %arg2[%add3A_103, %dma_start3A_118] : memref<163840x128xf32, #tpu.memory_space<hbm>> -> memref<128x128xf32, #tpu.memory_space<hbm>>
        tpu.enqueue_dma source(%dma_start3A_119 : memref<128x128xf32, #tpu.memory_space<hbm>>) target(%dma_start3A_117 : memref<128x128xf32, #tpu.memory_space<vmem>>) target_semaphore(%dma_start3A_113 : memref<!tpu.dma_semaphore, #tpu.memory_space<semaphore_mem>>)
      } else {
      }
      %add3A_73 = arith.constant 1 : i32
      %add3A_74 = arith.addi %add3A_51, %add3A_73 : i32
      %dma_wait3A_75 = arith.constant 1 : i32
      %dma_wait3A_76 = arith.constant 1 : i32
      %dma_wait3A_77 = arith.constant 0 : i32
      %dma_wait3A_78 = arith.constant 0 : i32
      %dma_wait3A_79 = tpu.memref_slice %arg7[%dma_wait3A_75, %dma_wait3A_77, %dma_wait3A_78] : memref<2x128x128xf32, #tpu.memory_space<vmem>> -> memref<1x128x128xf32, #tpu.memory_space<vmem>>
      %dma_wait3A_80 = tpu.memref_squeeze %dma_wait3A_79 : memref<1x128x128xf32, #tpu.memory_space<vmem>> -> memref<128x128xf32, #tpu.memory_space<vmem>>
      %dma_wait3A_81 = arith.constant 0 : i32
      %dma_wait3A_82 = tpu.memref_slice %arg2[%mul3A_4, %dma_wait3A_81] : memref<163840x128xf32, #tpu.memory_space<hbm>> -> memref<128x128xf32, #tpu.memory_space<hbm>>
      %dma_wait3A_83 = tpu.memref_slice %arg9[%dma_wait3A_76] : memref<2x!tpu.dma_semaphore, #tpu.memory_space<semaphore_mem>> -> memref<1x!tpu.dma_semaphore, #tpu.memory_space<semaphore_mem>>
      %dma_wait3A_84 = tpu.memref_squeeze %dma_wait3A_83 : memref<1x!tpu.dma_semaphore, #tpu.memory_space<semaphore_mem>> -> memref<!tpu.dma_semaphore, #tpu.memory_space<semaphore_mem>>
      %dma_wait3A_85 = arith.constant 0 : i32
      %dma_wait3A_86 = arith.constant 0 : i32
      %dma_wait3A_87 = tpu.memref_slice %arg7[%dma_wait3A_75, %dma_wait3A_85, %dma_wait3A_86] : memref<2x128x128xf32, #tpu.memory_space<vmem>> -> memref<1x128x128xf32, #tpu.memory_space<vmem>>
      %dma_wait3A_88 = tpu.memref_squeeze %dma_wait3A_87 : memref<1x128x128xf32, #tpu.memory_space<vmem>> -> memref<128x128xf32, #tpu.memory_space<vmem>>
      %dma_wait3A_89 = arith.constant 0 : i32
      %dma_wait3A_90 = tpu.memref_slice %arg2[%mul3A_4, %dma_wait3A_89] : memref<163840x128xf32, #tpu.memory_space<hbm>> -> memref<128x128xf32, #tpu.memory_space<hbm>>
      tpu.wait_dma2 semaphore(%dma_wait3A_84 : memref<!tpu.dma_semaphore, #tpu.memory_space<semaphore_mem>>) src(%dma_wait3A_90 : memref<128x128xf32, #tpu.memory_space<hbm>>) dst(%dma_wait3A_88 : memref<128x128xf32, #tpu.memory_space<vmem>>)
      %run_scoped3A_91 = arith.constant 1 : i32
      "tpu.region"() ({
        %run_scoped3A_99 = tpu.sem_alloc : memref<!tpu.dma_semaphore, #tpu.memory_space<semaphore_mem>>
        %dma_start3A_100 = arith.constant 0 : i32
        %dma_start3A_101 = arith.constant 0 : i32
        %dma_start3A_102 = tpu.memref_slice %arg7[%run_scoped3A_91, %dma_start3A_100, %dma_start3A_101] : memref<2x128x128xf32, #tpu.memory_space<vmem>> -> memref<1x128x128xf32, #tpu.memory_space<vmem>>
        %dma_start3A_103 = tpu.memref_squeeze %dma_start3A_102 : memref<1x128x128xf32, #tpu.memory_space<vmem>> -> memref<128x128xf32, #tpu.memory_space<vmem>>
        %dma_start3A_104 = arith.constant 0 : i32
        %dma_start3A_105 = tpu.memref_slice %arg6[%add3A_74, %dma_start3A_104] : memref<40x128xi32, #tpu.memory_space<vmem>> -> memref<1x128xi32, #tpu.memory_space<vmem>>
        %dma_start3A_106 = tpu.memref_squeeze %dma_start3A_105 : memref<1x128xi32, #tpu.memory_space<vmem>> -> memref<128xi32, #tpu.memory_space<vmem>>
        %dma_start3A_107 = arith.constant 0 : i32
        %dma_start3A_108 = arith.constant 0 : i32
        %dma_start3A_109 = tpu.memref_slice %arg8[%dma_start3A_107, %dma_start3A_108] : memref<10240x128xf32, #tpu.memory_space<vmem_shared>> -> memref<10240x128xf32, #tpu.memory_space<vmem_shared>>
        tpu.enqueue_indirect_dma source(%dma_start3A_103 : memref<128x128xf32, #tpu.memory_space<vmem>>) target(%dma_start3A_109 : memref<10240x128xf32, #tpu.memory_space<vmem_shared>>) offsets(%dma_start3A_106 : memref<128xi32, #tpu.memory_space<vmem>>) semaphore(%run_scoped3A_99 : memref<!tpu.dma_semaphore, #tpu.memory_space<semaphore_mem>>) {add = true}
        %dma_wait3A_110 = arith.constant 0 : i32
        %dma_wait3A_111 = arith.constant 0 : i32
        %dma_wait3A_112 = tpu.memref_slice %arg7[%run_scoped3A_91, %dma_wait3A_110, %dma_wait3A_111] : memref<2x128x128xf32, #tpu.memory_space<vmem>> -> memref<1x128x128xf32, #tpu.memory_space<vmem>>
        %dma_wait3A_113 = tpu.memref_squeeze %dma_wait3A_112 : memref<1x128x128xf32, #tpu.memory_space<vmem>> -> memref<128x128xf32, #tpu.memory_space<vmem>>
        %dma_wait3A_114 = arith.constant 0 : i32
        %dma_wait3A_115 = tpu.memref_slice %arg6[%add3A_74, %dma_wait3A_114] : memref<40x128xi32, #tpu.memory_space<vmem>> -> memref<1x128xi32, #tpu.memory_space<vmem>>
        %dma_wait3A_116 = tpu.memref_squeeze %dma_wait3A_115 : memref<1x128xi32, #tpu.memory_space<vmem>> -> memref<128xi32, #tpu.memory_space<vmem>>
        %dma_wait3A_117 = arith.constant 0 : i32
        %dma_wait3A_118 = arith.constant 0 : i32
        %dma_wait3A_119 = tpu.memref_slice %arg8[%dma_wait3A_117, %dma_wait3A_118] : memref<10240x128xf32, #tpu.memory_space<vmem_shared>> -> memref<10240x128xf32, #tpu.memory_space<vmem_shared>>
        tpu.wait_indirect_dma semaphore(%run_scoped3A_99 : memref<!tpu.dma_semaphore, #tpu.memory_space<semaphore_mem>>) src(%dma_wait3A_113 : memref<128x128xf32, #tpu.memory_space<vmem>>) dst(%dma_wait3A_119 : memref<10240x128xf32, #tpu.memory_space<vmem_shared>>)
        tpu.yield
      }) : () -> ()
      %add3A_92 = arith.constant 2 : i32
      %add3A_93 = arith.addi %add3A_74, %add3A_92 : i32
      %lt3A_94 = arith.constant 40 : i32
      %lt3A_95 = arith.cmpi slt, %add3A_93, %lt3A_94 : i32
      %convert_element_type3A_96 = arith.extui %lt3A_95 : i1 to i32
      %cond3A_97 = arith.constant 0 : i32
      %cond3A_98 = arith.cmpi ne, %convert_element_type3A_96, %cond3A_97 : i32
      scf.if %cond3A_98 {
        %add3A_99 = arith.constant 2 : i32
        %add3A_100 = arith.addi %add3A_74, %add3A_99 : i32
        %mul3A_101 = arith.constant 128 : i32
        %mul3A_102 = arith.muli %add3A_100, %mul3A_101 : i32
        %add3A_103 = arith.addi %mul3A_4, %mul3A_102 : i32
        %dma_start3A_104 = arith.constant 1 : i32
        %dma_start3A_105 = arith.constant 1 : i32
        %dma_start3A_106 = arith.constant 0 : i32
        %dma_start3A_107 = arith.constant 0 : i32
        %dma_start3A_108 = tpu.memref_slice %arg7[%dma_start3A_104, %dma_start3A_106, %dma_start3A_107] : memref<2x128x128xf32, #tpu.memory_space<vmem>> -> memref<1x128x128xf32, #tpu.memory_space<vmem>>
        %dma_start3A_109 = tpu.memref_squeeze %dma_start3A_108 : memref<1x128x128xf32, #tpu.memory_space<vmem>> -> memref<128x128xf32, #tpu.memory_space<vmem>>
        %dma_start3A_110 = arith.constant 0 : i32
        %dma_start3A_111 = tpu.memref_slice %arg2[%add3A_103, %dma_start3A_110] : memref<163840x128xf32, #tpu.memory_space<hbm>> -> memref<128x128xf32, #tpu.memory_space<hbm>>
        %dma_start3A_112 = tpu.memref_slice %arg9[%dma_start3A_105] : memref<2x!tpu.dma_semaphore, #tpu.memory_space<semaphore_mem>> -> memref<1x!tpu.dma_semaphore, #tpu.memory_space<semaphore_mem>>
        %dma_start3A_113 = tpu.memref_squeeze %dma_start3A_112 : memref<1x!tpu.dma_semaphore, #tpu.memory_space<semaphore_mem>> -> memref<!tpu.dma_semaphore, #tpu.memory_space<semaphore_mem>>
        %dma_start3A_114 = arith.constant 0 : i32
        %dma_start3A_115 = arith.constant 0 : i32
        %dma_start3A_116 = tpu.memref_slice %arg7[%dma_start3A_104, %dma_start3A_114, %dma_start3A_115] : memref<2x128x128xf32, #tpu.memory_space<vmem>> -> memref<1x128x128xf32, #tpu.memory_space<vmem>>
        %dma_start3A_117 = tpu.memref_squeeze %dma_start3A_116 : memref<1x128x128xf32, #tpu.memory_space<vmem>> -> memref<128x128xf32, #tpu.memory_space<vmem>>
        %dma_start3A_118 = arith.constant 0 : i32
        %dma_start3A_119 = tpu.memref_slice %arg2[%add3A_103, %dma_start3A_118] : memref<163840x128xf32, #tpu.memory_space<hbm>> -> memref<128x128xf32, #tpu.memory_space<hbm>>
        tpu.enqueue_dma source(%dma_start3A_119 : memref<128x128xf32, #tpu.memory_space<hbm>>) target(%dma_start3A_117 : memref<128x128xf32, #tpu.memory_space<vmem>>) target_semaphore(%dma_start3A_113 : memref<!tpu.dma_semaphore, #tpu.memory_space<semaphore_mem>>)
      } else {
      }
    }
    %scan3A_45 = arith.constant 20 : i32
    %barrier3A_46 = arith.constant 0 : index
    tpu.barrier barrier_id(%barrier3A_46)
    "tpu.region"() ({
      %run_scoped3A = tpu.sem_alloc : memref<!tpu.dma_semaphore, #tpu.memory_space<semaphore_mem>>
      %dma_start3A_47 = arith.constant 0 : i32
      %dma_start3A_48 = tpu.memref_slice %arg5[%arg0, %mul3A_6, %dma_start3A_47] : memref<2x10240x128xf32, #tpu.memory_space<hbm>> -> memref<1x640x128xf32, #tpu.memory_space<hbm>>
      %dma_start3A_49 = tpu.memref_squeeze %dma_start3A_48 : memref<1x640x128xf32, #tpu.memory_space<hbm>> -> memref<640x128xf32, #tpu.memory_space<hbm>>
      %dma_start3A_50 = arith.constant 0 : i32
      %dma_start3A_51 = tpu.memref_slice %arg8[%mul3A_6, %dma_start3A_50] : memref<10240x128xf32, #tpu.memory_space<vmem_shared>> -> memref<640x128xf32, #tpu.memory_space<vmem_shared>>
      tpu.enqueue_dma source(%dma_start3A_51 : memref<640x128xf32, #tpu.memory_space<vmem_shared>>) target(%dma_start3A_49 : memref<640x128xf32, #tpu.memory_space<hbm>>) target_semaphore(%run_scoped3A : memref<!tpu.dma_semaphore, #tpu.memory_space<semaphore_mem>>)
      %dma_wait3A = arith.constant 0 : i32
      %dma_wait3A_52 = tpu.memref_slice %arg5[%arg0, %mul3A_6, %dma_wait3A] : memref<2x10240x128xf32, #tpu.memory_space<hbm>> -> memref<1x640x128xf32, #tpu.memory_space<hbm>>
      %dma_wait3A_53 = tpu.memref_squeeze %dma_wait3A_52 : memref<1x640x128xf32, #tpu.memory_space<hbm>> -> memref<640x128xf32, #tpu.memory_space<hbm>>
      %dma_wait3A_54 = arith.constant 0 : i32
      %dma_wait3A_55 = tpu.memref_slice %arg8[%mul3A_6, %dma_wait3A_54] : memref<10240x128xf32, #tpu.memory_space<vmem_shared>> -> memref<640x128xf32, #tpu.memory_space<vmem_shared>>
      tpu.wait_dma2 semaphore(%run_scoped3A : memref<!tpu.dma_semaphore, #tpu.memory_space<semaphore_mem>>) src(%dma_wait3A_55 : memref<640x128xf32, #tpu.memory_space<vmem_shared>>) dst(%dma_wait3A_53 : memref<640x128xf32, #tpu.memory_space<hbm>>)
      tpu.yield
    }) : () -> ()
    return
  }
}

#map = affine_map<(d0, d1) -> (0, 0)>
#map1 = affine_map<(d0, d1) -> (0, 0, 0)>
module attributes {stable_mosaic.version = 14 : i64} {
  func.func @sc_scatter(%arg0: i32, %arg1: i32, %arg2: memref<163840x128xf32, #tpu.memory_space<hbm>>, %arg3: memref<32x40x128xi32, #tpu.memory_space<hbm>>, %arg4: memref<10240x128xf32, #tpu.memory_space<hbm>>, %arg5: memref<2x10240x128xf32, #tpu.memory_space<hbm>>, %arg6: memref<40x128xi32, #tpu.memory_space<vmem>>, %arg7: memref<2x128x128xf32, #tpu.memory_space<vmem>>, %arg8: memref<10240x128xf32, #tpu.memory_space<vmem_shared>>, %arg9: memref<2x!tpu.dma_semaphore, #tpu.memory_space<semaphore_mem>>) attributes {dimension_semantics = [#tpu.dimension_semantics<core_parallel>, #tpu.dimension_semantics<subcore_parallel>], iteration_bounds = array<i64: 2, 16>, scalar_prefetch = 0 : i64, scratch_operands = 4 : i64, tpu.core_type = #tpu.core_type<sc_vector_subcore>, window_params = [{transform_indices = #map}, {transform_indices = #map1}, {transform_indices = #map}, {transform_indices = #map1}]} {
    %mul3A = arith.constant 2 : i32
    %mul3A_0 = arith.muli %arg1, %mul3A : i32
    %add3A = arith.addi %mul3A_0, %arg0 : i32
    %mul3A_1 = arith.constant 40 : i32
    %mul3A_2 = arith.muli %add3A, %mul3A_1 : i32
    %mul3A_3 = arith.constant 128 : i32
    %mul3A_4 = arith.muli %mul3A_2, %mul3A_3 : i32
    %mul3A_5 = arith.constant 640 : i32
    %mul3A_6 = arith.muli %arg1, %mul3A_5 : i32
    "tpu.region"() ({
      %run_scoped3A = tpu.sem_alloc : memref<!tpu.dma_semaphore, #tpu.memory_space<semaphore_mem>>
      %dma_start3A_47 = arith.constant 0 : i32
      %dma_start3A_48 = tpu.memref_slice %arg8[%mul3A_6, %dma_start3A_47] : memref<10240x128xf32, #tpu.memory_space<vmem_shared>> -> memref<640x128xf32, #tpu.memory_space<vmem_shared>>
      %dma_start3A_49 = arith.constant 0 : i32
      %dma_start3A_50 = tpu.memref_slice %arg4[%mul3A_6, %dma_start3A_49] : memref<10240x128xf32, #tpu.memory_space<hbm>> -> memref<640x128xf32, #tpu.memory_space<hbm>>
      tpu.enqueue_dma source(%dma_start3A_50 : memref<640x128xf32, #tpu.memory_space<hbm>>) target(%dma_start3A_48 : memref<640x128xf32, #tpu.memory_space<vmem_shared>>) target_semaphore(%run_scoped3A : memref<!tpu.dma_semaphore, #tpu.memory_space<semaphore_mem>>)
      %dma_wait3A = arith.constant 0 : i32
      %dma_wait3A_51 = tpu.memref_slice %arg8[%mul3A_6, %dma_wait3A] : memref<10240x128xf32, #tpu.memory_space<vmem_shared>> -> memref<640x128xf32, #tpu.memory_space<vmem_shared>>
      %dma_wait3A_52 = arith.constant 0 : i32
      %dma_wait3A_53 = tpu.memref_slice %arg4[%mul3A_6, %dma_wait3A_52] : memref<10240x128xf32, #tpu.memory_space<hbm>> -> memref<640x128xf32, #tpu.memory_space<hbm>>
      tpu.wait_dma2 semaphore(%run_scoped3A : memref<!tpu.dma_semaphore, #tpu.memory_space<semaphore_mem>>) src(%dma_wait3A_53 : memref<640x128xf32, #tpu.memory_space<hbm>>) dst(%dma_wait3A_51 : memref<640x128xf32, #tpu.memory_space<vmem_shared>>)
      tpu.yield
    }) : () -> ()
    "tpu.region"() ({
      %run_scoped3A = tpu.sem_alloc : memref<!tpu.dma_semaphore, #tpu.memory_space<semaphore_mem>>
      %dma_start3A_47 = arith.constant 0 : i32
      %dma_start3A_48 = arith.constant 0 : i32
      %dma_start3A_49 = tpu.memref_slice %arg3[%add3A, %dma_start3A_47, %dma_start3A_48] : memref<32x40x128xi32, #tpu.memory_space<hbm>> -> memref<1x40x128xi32, #tpu.memory_space<hbm>>
      %dma_start3A_50 = tpu.memref_squeeze %dma_start3A_49 : memref<1x40x128xi32, #tpu.memory_space<hbm>> -> memref<40x128xi32, #tpu.memory_space<hbm>>
      %dma_start3A_51 = arith.constant 0 : i32
      %dma_start3A_52 = arith.constant 0 : i32
      %dma_start3A_53 = tpu.memref_slice %arg3[%add3A, %dma_start3A_51, %dma_start3A_52] : memref<32x40x128xi32, #tpu.memory_space<hbm>> -> memref<1x40x128xi32, #tpu.memory_space<hbm>>
      %dma_start3A_54 = tpu.memref_squeeze %dma_start3A_53 : memref<1x40x128xi32, #tpu.memory_space<hbm>> -> memref<40x128xi32, #tpu.memory_space<hbm>>
      tpu.enqueue_dma source(%dma_start3A_54 : memref<40x128xi32, #tpu.memory_space<hbm>>) target(%arg6 : memref<40x128xi32, #tpu.memory_space<vmem>>) target_semaphore(%run_scoped3A : memref<!tpu.dma_semaphore, #tpu.memory_space<semaphore_mem>>)
      %dma_wait3A = arith.constant 0 : i32
      %dma_wait3A_55 = arith.constant 0 : i32
      %dma_wait3A_56 = tpu.memref_slice %arg3[%add3A, %dma_wait3A, %dma_wait3A_55] : memref<32x40x128xi32, #tpu.memory_space<hbm>> -> memref<1x40x128xi32, #tpu.memory_space<hbm>>
      %dma_wait3A_57 = tpu.memref_squeeze %dma_wait3A_56 : memref<1x40x128xi32, #tpu.memory_space<hbm>> -> memref<40x128xi32, #tpu.memory_space<hbm>>
      %dma_wait3A_58 = arith.constant 0 : i32
      %dma_wait3A_59 = arith.constant 0 : i32
      %dma_wait3A_60 = tpu.memref_slice %arg3[%add3A, %dma_wait3A_58, %dma_wait3A_59] : memref<32x40x128xi32, #tpu.memory_space<hbm>> -> memref<1x40x128xi32, #tpu.memory_space<hbm>>
      %dma_wait3A_61 = tpu.memref_squeeze %dma_wait3A_60 : memref<1x40x128xi32, #tpu.memory_space<hbm>> -> memref<40x128xi32, #tpu.memory_space<hbm>>
      tpu.wait_dma2 semaphore(%run_scoped3A : memref<!tpu.dma_semaphore, #tpu.memory_space<semaphore_mem>>) src(%dma_wait3A_61 : memref<40x128xi32, #tpu.memory_space<hbm>>) dst(%arg6 : memref<40x128xi32, #tpu.memory_space<vmem>>)
      tpu.yield
    }) : () -> ()
    %barrier3A = arith.constant 0 : index
    tpu.barrier barrier_id(%barrier3A)
    %add3A_7 = arith.constant 0 : i32
    %add3A_8 = arith.addi %mul3A_4, %add3A_7 : i32
    %dma_start3A = arith.constant 0 : i32
    %dma_start3A_9 = arith.constant 0 : i32
    %dma_start3A_10 = arith.constant 0 : i32
    %dma_start3A_11 = arith.constant 0 : i32
    %dma_start3A_12 = tpu.memref_slice %arg7[%dma_start3A, %dma_start3A_10, %dma_start3A_11] : memref<2x128x128xf32, #tpu.memory_space<vmem>> -> memref<1x128x128xf32, #tpu.memory_space<vmem>>
    %dma_start3A_13 = tpu.memref_squeeze %dma_start3A_12 : memref<1x128x128xf32, #tpu.memory_space<vmem>> -> memref<128x128xf32, #tpu.memory_space<vmem>>
    %dma_start3A_14 = arith.constant 0 : i32
    %dma_start3A_15 = tpu.memref_slice %arg2[%add3A_8, %dma_start3A_14] : memref<163840x128xf32, #tpu.memory_space<hbm>> -> memref<128x128xf32, #tpu.memory_space<hbm>>
    %dma_start3A_16 = tpu.memref_slice %arg9[%dma_start3A_9] : memref<2x!tpu.dma_semaphore, #tpu.memory_space<semaphore_mem>> -> memref<1x!tpu.dma_semaphore, #tpu.memory_space<semaphore_mem>>
    %dma_start3A_17 = tpu.memref_squeeze %dma_start3A_16 : memref<1x!tpu.dma_semaphore, #tpu.memory_space<semaphore_mem>> -> memref<!tpu.dma_semaphore, #tpu.memory_space<semaphore_mem>>
    %dma_start3A_18 = arith.constant 0 : i32
    %dma_start3A_19 = arith.constant 0 : i32
    %dma_start3A_20 = tpu.memref_slice %arg7[%dma_start3A, %dma_start3A_18, %dma_start3A_19] : memref<2x128x128xf32, #tpu.memory_space<vmem>> -> memref<1x128x128xf32, #tpu.memory_space<vmem>>
    %dma_start3A_21 = tpu.memref_squeeze %dma_start3A_20 : memref<1x128x128xf32, #tpu.memory_space<vmem>> -> memref<128x128xf32, #tpu.memory_space<vmem>>
    %dma_start3A_22 = arith.constant 0 : i32
    %dma_start3A_23 = tpu.memref_slice %arg2[%add3A_8, %dma_start3A_22] : memref<163840x128xf32, #tpu.memory_space<hbm>> -> memref<128x128xf32, #tpu.memory_space<hbm>>
    tpu.enqueue_dma source(%dma_start3A_23 : memref<128x128xf32, #tpu.memory_space<hbm>>) target(%dma_start3A_21 : memref<128x128xf32, #tpu.memory_space<vmem>>) target_semaphore(%dma_start3A_17 : memref<!tpu.dma_semaphore, #tpu.memory_space<semaphore_mem>>)
    %add3A_24 = arith.constant 128 : i32
    %add3A_25 = arith.addi %mul3A_4, %add3A_24 : i32
    %dma_start3A_26 = arith.constant 1 : i32
    %dma_start3A_27 = arith.constant 1 : i32
    %dma_start3A_28 = arith.constant 0 : i32
    %dma_start3A_29 = arith.constant 0 : i32
    %dma_start3A_30 = tpu.memref_slice %arg7[%dma_start3A_26, %dma_start3A_28, %dma_start3A_29] : memref<2x128x128xf32, #tpu.memory_space<vmem>> -> memref<1x128x128xf32, #tpu.memory_space<vmem>>
    %dma_start3A_31 = tpu.memref_squeeze %dma_start3A_30 : memref<1x128x128xf32, #tpu.memory_space<vmem>> -> memref<128x128xf32, #tpu.memory_space<vmem>>
    %dma_start3A_32 = arith.constant 0 : i32
    %dma_start3A_33 = tpu.memref_slice %arg2[%add3A_25, %dma_start3A_32] : memref<163840x128xf32, #tpu.memory_space<hbm>> -> memref<128x128xf32, #tpu.memory_space<hbm>>
    %dma_start3A_34 = tpu.memref_slice %arg9[%dma_start3A_27] : memref<2x!tpu.dma_semaphore, #tpu.memory_space<semaphore_mem>> -> memref<1x!tpu.dma_semaphore, #tpu.memory_space<semaphore_mem>>
    %dma_start3A_35 = tpu.memref_squeeze %dma_start3A_34 : memref<1x!tpu.dma_semaphore, #tpu.memory_space<semaphore_mem>> -> memref<!tpu.dma_semaphore, #tpu.memory_space<semaphore_mem>>
    %dma_start3A_36 = arith.constant 0 : i32
    %dma_start3A_37 = arith.constant 0 : i32
    %dma_start3A_38 = tpu.memref_slice %arg7[%dma_start3A_26, %dma_start3A_36, %dma_start3A_37] : memref<2x128x128xf32, #tpu.memory_space<vmem>> -> memref<1x128x128xf32, #tpu.memory_space<vmem>>
    %dma_start3A_39 = tpu.memref_squeeze %dma_start3A_38 : memref<1x128x128xf32, #tpu.memory_space<vmem>> -> memref<128x128xf32, #tpu.memory_space<vmem>>
    %dma_start3A_40 = arith.constant 0 : i32
    %dma_start3A_41 = tpu.memref_slice %arg2[%add3A_25, %dma_start3A_40] : memref<163840x128xf32, #tpu.memory_space<hbm>> -> memref<128x128xf32, #tpu.memory_space<hbm>>
    tpu.enqueue_dma source(%dma_start3A_41 : memref<128x128xf32, #tpu.memory_space<hbm>>) target(%dma_start3A_39 : memref<128x128xf32, #tpu.memory_space<vmem>>) target_semaphore(%dma_start3A_35 : memref<!tpu.dma_semaphore, #tpu.memory_space<semaphore_mem>>)
    %scan3A = arith.constant 0 : i32
    %scan3A_42 = arith.constant 20 : i32
    %scan3A_43 = arith.addi %scan3A, %scan3A_42 : i32
    %scan3A_44 = arith.constant 1 : i32
    scf.for %scan3A_47 = %scan3A to %scan3A_43 step %scan3A_44  : i32 {
      %mul3A_48 = arith.constant 2 : i32
      %mul3A_49 = arith.muli %scan3A_47, %mul3A_48 : i32
      %add3A_50 = arith.constant 0 : i32
      %add3A_51 = arith.addi %add3A_50, %mul3A_49 : i32
      %add3A_52 = arith.constant 0 : i32
      %add3A_53 = arith.addi %add3A_51, %add3A_52 : i32
      %dma_wait3A = arith.constant 0 : i32
      %dma_wait3A_54 = arith.constant 0 : i32
      %dma_wait3A_55 = arith.constant 0 : i32
      %dma_wait3A_56 = arith.constant 0 : i32
      %dma_wait3A_57 = tpu.memref_slice %arg7[%dma_wait3A, %dma_wait3A_55, %dma_wait3A_56] : memref<2x128x128xf32, #tpu.memory_space<vmem>> -> memref<1x128x128xf32, #tpu.memory_space<vmem>>
      %dma_wait3A_58 = tpu.memref_squeeze %dma_wait3A_57 : memref<1x128x128xf32, #tpu.memory_space<vmem>> -> memref<128x128xf32, #tpu.memory_space<vmem>>
      %dma_wait3A_59 = arith.constant 0 : i32
      %dma_wait3A_60 = tpu.memref_slice %arg2[%mul3A_4, %dma_wait3A_59] : memref<163840x128xf32, #tpu.memory_space<hbm>> -> memref<128x128xf32, #tpu.memory_space<hbm>>
      %dma_wait3A_61 = tpu.memref_slice %arg9[%dma_wait3A_54] : memref<2x!tpu.dma_semaphore, #tpu.memory_space<semaphore_mem>> -> memref<1x!tpu.dma_semaphore, #tpu.memory_space<semaphore_mem>>
      %dma_wait3A_62 = tpu.memref_squeeze %dma_wait3A_61 : memref<1x!tpu.dma_semaphore, #tpu.memory_space<semaphore_mem>> -> memref<!tpu.dma_semaphore, #tpu.memory_space<semaphore_mem>>
      %dma_wait3A_63 = arith.constant 0 : i32
      %dma_wait3A_64 = arith.constant 0 : i32
      %dma_wait3A_65 = tpu.memref_slice %arg7[%dma_wait3A, %dma_wait3A_63, %dma_wait3A_64] : memref<2x128x128xf32, #tpu.memory_space<vmem>> -> memref<1x128x128xf32, #tpu.memory_space<vmem>>
      %dma_wait3A_66 = tpu.memref_squeeze %dma_wait3A_65 : memref<1x128x128xf32, #tpu.memory_space<vmem>> -> memref<128x128xf32, #tpu.memory_space<vmem>>
      %dma_wait3A_67 = arith.constant 0 : i32
      %dma_wait3A_68 = tpu.memref_slice %arg2[%mul3A_4, %dma_wait3A_67] : memref<163840x128xf32, #tpu.memory_space<hbm>> -> memref<128x128xf32, #tpu.memory_space<hbm>>
      tpu.wait_dma2 semaphore(%dma_wait3A_62 : memref<!tpu.dma_semaphore, #tpu.memory_space<semaphore_mem>>) src(%dma_wait3A_68 : memref<128x128xf32, #tpu.memory_space<hbm>>) dst(%dma_wait3A_66 : memref<128x128xf32, #tpu.memory_space<vmem>>)
      %run_scoped3A = arith.constant 0 : i32
      "tpu.region"() ({
        %run_scoped3A_99 = tpu.sem_alloc : memref<!tpu.dma_semaphore, #tpu.memory_space<semaphore_mem>>
        %dma_start3A_100 = arith.constant 0 : i32
        %dma_start3A_101 = arith.constant 0 : i32
        %dma_start3A_102 = tpu.memref_slice %arg7[%run_scoped3A, %dma_start3A_100, %dma_start3A_101] : memref<2x128x128xf32, #tpu.memory_space<vmem>> -> memref<1x128x128xf32, #tpu.memory_space<vmem>>
        %dma_start3A_103 = tpu.memref_squeeze %dma_start3A_102 : memref<1x128x128xf32, #tpu.memory_space<vmem>> -> memref<128x128xf32, #tpu.memory_space<vmem>>
        %dma_start3A_104 = arith.constant 0 : i32
        %dma_start3A_105 = tpu.memref_slice %arg6[%add3A_53, %dma_start3A_104] : memref<40x128xi32, #tpu.memory_space<vmem>> -> memref<1x128xi32, #tpu.memory_space<vmem>>
        %dma_start3A_106 = tpu.memref_squeeze %dma_start3A_105 : memref<1x128xi32, #tpu.memory_space<vmem>> -> memref<128xi32, #tpu.memory_space<vmem>>
        %dma_start3A_107 = arith.constant 0 : i32
        %dma_start3A_108 = arith.constant 0 : i32
        %dma_start3A_109 = tpu.memref_slice %arg8[%dma_start3A_107, %dma_start3A_108] : memref<10240x128xf32, #tpu.memory_space<vmem_shared>> -> memref<10240x128xf32, #tpu.memory_space<vmem_shared>>
        tpu.enqueue_indirect_dma source(%dma_start3A_103 : memref<128x128xf32, #tpu.memory_space<vmem>>) target(%dma_start3A_109 : memref<10240x128xf32, #tpu.memory_space<vmem_shared>>) offsets(%dma_start3A_106 : memref<128xi32, #tpu.memory_space<vmem>>) semaphore(%run_scoped3A_99 : memref<!tpu.dma_semaphore, #tpu.memory_space<semaphore_mem>>) {add = true}
        %dma_wait3A_110 = arith.constant 0 : i32
        %dma_wait3A_111 = arith.constant 0 : i32
        %dma_wait3A_112 = tpu.memref_slice %arg7[%run_scoped3A, %dma_wait3A_110, %dma_wait3A_111] : memref<2x128x128xf32, #tpu.memory_space<vmem>> -> memref<1x128x128xf32, #tpu.memory_space<vmem>>
        %dma_wait3A_113 = tpu.memref_squeeze %dma_wait3A_112 : memref<1x128x128xf32, #tpu.memory_space<vmem>> -> memref<128x128xf32, #tpu.memory_space<vmem>>
        %dma_wait3A_114 = arith.constant 0 : i32
        %dma_wait3A_115 = tpu.memref_slice %arg6[%add3A_53, %dma_wait3A_114] : memref<40x128xi32, #tpu.memory_space<vmem>> -> memref<1x128xi32, #tpu.memory_space<vmem>>
        %dma_wait3A_116 = tpu.memref_squeeze %dma_wait3A_115 : memref<1x128xi32, #tpu.memory_space<vmem>> -> memref<128xi32, #tpu.memory_space<vmem>>
        %dma_wait3A_117 = arith.constant 0 : i32
        %dma_wait3A_118 = arith.constant 0 : i32
        %dma_wait3A_119 = tpu.memref_slice %arg8[%dma_wait3A_117, %dma_wait3A_118] : memref<10240x128xf32, #tpu.memory_space<vmem_shared>> -> memref<10240x128xf32, #tpu.memory_space<vmem_shared>>
        tpu.wait_indirect_dma semaphore(%run_scoped3A_99 : memref<!tpu.dma_semaphore, #tpu.memory_space<semaphore_mem>>) src(%dma_wait3A_113 : memref<128x128xf32, #tpu.memory_space<vmem>>) dst(%dma_wait3A_119 : memref<10240x128xf32, #tpu.memory_space<vmem_shared>>)
        tpu.yield
      }) : () -> ()
      %add3A_69 = arith.constant 2 : i32
      %add3A_70 = arith.addi %add3A_53, %add3A_69 : i32
      %lt3A = arith.constant 40 : i32
      %lt3A_71 = arith.cmpi slt, %add3A_70, %lt3A : i32
      %convert_element_type3A = arith.extui %lt3A_71 : i1 to i32
      %cond3A = arith.constant 0 : i32
      %cond3A_72 = arith.cmpi ne, %convert_element_type3A, %cond3A : i32
      scf.if %cond3A_72 {
        %add3A_99 = arith.constant 2 : i32
        %add3A_100 = arith.addi %add3A_53, %add3A_99 : i32
        %mul3A_101 = arith.constant 128 : i32
        %mul3A_102 = arith.muli %add3A_100, %mul3A_101 : i32
        %add3A_103 = arith.addi %mul3A_4, %mul3A_102 : i32
        %dma_start3A_104 = arith.constant 0 : i32
        %dma_start3A_105 = arith.constant 0 : i32
        %dma_start3A_106 = arith.constant 0 : i32
        %dma_start3A_107 = arith.constant 0 : i32
        %dma_start3A_108 = tpu.memref_slice %arg7[%dma_start3A_104, %dma_start3A_106, %dma_start3A_107] : memref<2x128x128xf32, #tpu.memory_space<vmem>> -> memref<1x128x128xf32, #tpu.memory_space<vmem>>
        %dma_start3A_109 = tpu.memref_squeeze %dma_start3A_108 : memref<1x128x128xf32, #tpu.memory_space<vmem>> -> memref<128x128xf32, #tpu.memory_space<vmem>>
        %dma_start3A_110 = arith.constant 0 : i32
        %dma_start3A_111 = tpu.memref_slice %arg2[%add3A_103, %dma_start3A_110] : memref<163840x128xf32, #tpu.memory_space<hbm>> -> memref<128x128xf32, #tpu.memory_space<hbm>>
        %dma_start3A_112 = tpu.memref_slice %arg9[%dma_start3A_105] : memref<2x!tpu.dma_semaphore, #tpu.memory_space<semaphore_mem>> -> memref<1x!tpu.dma_semaphore, #tpu.memory_space<semaphore_mem>>
        %dma_start3A_113 = tpu.memref_squeeze %dma_start3A_112 : memref<1x!tpu.dma_semaphore, #tpu.memory_space<semaphore_mem>> -> memref<!tpu.dma_semaphore, #tpu.memory_space<semaphore_mem>>
        %dma_start3A_114 = arith.constant 0 : i32
        %dma_start3A_115 = arith.constant 0 : i32
        %dma_start3A_116 = tpu.memref_slice %arg7[%dma_start3A_104, %dma_start3A_114, %dma_start3A_115] : memref<2x128x128xf32, #tpu.memory_space<vmem>> -> memref<1x128x128xf32, #tpu.memory_space<vmem>>
        %dma_start3A_117 = tpu.memref_squeeze %dma_start3A_116 : memref<1x128x128xf32, #tpu.memory_space<vmem>> -> memref<128x128xf32, #tpu.memory_space<vmem>>
        %dma_start3A_118 = arith.constant 0 : i32
        %dma_start3A_119 = tpu.memref_slice %arg2[%add3A_103, %dma_start3A_118] : memref<163840x128xf32, #tpu.memory_space<hbm>> -> memref<128x128xf32, #tpu.memory_space<hbm>>
        tpu.enqueue_dma source(%dma_start3A_119 : memref<128x128xf32, #tpu.memory_space<hbm>>) target(%dma_start3A_117 : memref<128x128xf32, #tpu.memory_space<vmem>>) target_semaphore(%dma_start3A_113 : memref<!tpu.dma_semaphore, #tpu.memory_space<semaphore_mem>>)
      } else {
      }
      %add3A_73 = arith.constant 1 : i32
      %add3A_74 = arith.addi %add3A_51, %add3A_73 : i32
      %dma_wait3A_75 = arith.constant 1 : i32
      %dma_wait3A_76 = arith.constant 1 : i32
      %dma_wait3A_77 = arith.constant 0 : i32
      %dma_wait3A_78 = arith.constant 0 : i32
      %dma_wait3A_79 = tpu.memref_slice %arg7[%dma_wait3A_75, %dma_wait3A_77, %dma_wait3A_78] : memref<2x128x128xf32, #tpu.memory_space<vmem>> -> memref<1x128x128xf32, #tpu.memory_space<vmem>>
      %dma_wait3A_80 = tpu.memref_squeeze %dma_wait3A_79 : memref<1x128x128xf32, #tpu.memory_space<vmem>> -> memref<128x128xf32, #tpu.memory_space<vmem>>
      %dma_wait3A_81 = arith.constant 0 : i32
      %dma_wait3A_82 = tpu.memref_slice %arg2[%mul3A_4, %dma_wait3A_81] : memref<163840x128xf32, #tpu.memory_space<hbm>> -> memref<128x128xf32, #tpu.memory_space<hbm>>
      %dma_wait3A_83 = tpu.memref_slice %arg9[%dma_wait3A_76] : memref<2x!tpu.dma_semaphore, #tpu.memory_space<semaphore_mem>> -> memref<1x!tpu.dma_semaphore, #tpu.memory_space<semaphore_mem>>
      %dma_wait3A_84 = tpu.memref_squeeze %dma_wait3A_83 : memref<1x!tpu.dma_semaphore, #tpu.memory_space<semaphore_mem>> -> memref<!tpu.dma_semaphore, #tpu.memory_space<semaphore_mem>>
      %dma_wait3A_85 = arith.constant 0 : i32
      %dma_wait3A_86 = arith.constant 0 : i32
      %dma_wait3A_87 = tpu.memref_slice %arg7[%dma_wait3A_75, %dma_wait3A_85, %dma_wait3A_86] : memref<2x128x128xf32, #tpu.memory_space<vmem>> -> memref<1x128x128xf32, #tpu.memory_space<vmem>>
      %dma_wait3A_88 = tpu.memref_squeeze %dma_wait3A_87 : memref<1x128x128xf32, #tpu.memory_space<vmem>> -> memref<128x128xf32, #tpu.memory_space<vmem>>
      %dma_wait3A_89 = arith.constant 0 : i32
      %dma_wait3A_90 = tpu.memref_slice %arg2[%mul3A_4, %dma_wait3A_89] : memref<163840x128xf32, #tpu.memory_space<hbm>> -> memref<128x128xf32, #tpu.memory_space<hbm>>
      tpu.wait_dma2 semaphore(%dma_wait3A_84 : memref<!tpu.dma_semaphore, #tpu.memory_space<semaphore_mem>>) src(%dma_wait3A_90 : memref<128x128xf32, #tpu.memory_space<hbm>>) dst(%dma_wait3A_88 : memref<128x128xf32, #tpu.memory_space<vmem>>)
      %run_scoped3A_91 = arith.constant 1 : i32
      "tpu.region"() ({
        %run_scoped3A_99 = tpu.sem_alloc : memref<!tpu.dma_semaphore, #tpu.memory_space<semaphore_mem>>
        %dma_start3A_100 = arith.constant 0 : i32
        %dma_start3A_101 = arith.constant 0 : i32
        %dma_start3A_102 = tpu.memref_slice %arg7[%run_scoped3A_91, %dma_start3A_100, %dma_start3A_101] : memref<2x128x128xf32, #tpu.memory_space<vmem>> -> memref<1x128x128xf32, #tpu.memory_space<vmem>>
        %dma_start3A_103 = tpu.memref_squeeze %dma_start3A_102 : memref<1x128x128xf32, #tpu.memory_space<vmem>> -> memref<128x128xf32, #tpu.memory_space<vmem>>
        %dma_start3A_104 = arith.constant 0 : i32
        %dma_start3A_105 = tpu.memref_slice %arg6[%add3A_74, %dma_start3A_104] : memref<40x128xi32, #tpu.memory_space<vmem>> -> memref<1x128xi32, #tpu.memory_space<vmem>>
        %dma_start3A_106 = tpu.memref_squeeze %dma_start3A_105 : memref<1x128xi32, #tpu.memory_space<vmem>> -> memref<128xi32, #tpu.memory_space<vmem>>
        %dma_start3A_107 = arith.constant 0 : i32
        %dma_start3A_108 = arith.constant 0 : i32
        %dma_start3A_109 = tpu.memref_slice %arg8[%dma_start3A_107, %dma_start3A_108] : memref<10240x128xf32, #tpu.memory_space<vmem_shared>> -> memref<10240x128xf32, #tpu.memory_space<vmem_shared>>
        tpu.enqueue_indirect_dma source(%dma_start3A_103 : memref<128x128xf32, #tpu.memory_space<vmem>>) target(%dma_start3A_109 : memref<10240x128xf32, #tpu.memory_space<vmem_shared>>) offsets(%dma_start3A_106 : memref<128xi32, #tpu.memory_space<vmem>>) semaphore(%run_scoped3A_99 : memref<!tpu.dma_semaphore, #tpu.memory_space<semaphore_mem>>) {add = true}
        %dma_wait3A_110 = arith.constant 0 : i32
        %dma_wait3A_111 = arith.constant 0 : i32
        %dma_wait3A_112 = tpu.memref_slice %arg7[%run_scoped3A_91, %dma_wait3A_110, %dma_wait3A_111] : memref<2x128x128xf32, #tpu.memory_space<vmem>> -> memref<1x128x128xf32, #tpu.memory_space<vmem>>
        %dma_wait3A_113 = tpu.memref_squeeze %dma_wait3A_112 : memref<1x128x128xf32, #tpu.memory_space<vmem>> -> memref<128x128xf32, #tpu.memory_space<vmem>>
        %dma_wait3A_114 = arith.constant 0 : i32
        %dma_wait3A_115 = tpu.memref_slice %arg6[%add3A_74, %dma_wait3A_114] : memref<40x128xi32, #tpu.memory_space<vmem>> -> memref<1x128xi32, #tpu.memory_space<vmem>>
        %dma_wait3A_116 = tpu.memref_squeeze %dma_wait3A_115 : memref<1x128xi32, #tpu.memory_space<vmem>> -> memref<128xi32, #tpu.memory_space<vmem>>
        %dma_wait3A_117 = arith.constant 0 : i32
        %dma_wait3A_118 = arith.constant 0 : i32
        %dma_wait3A_119 = tpu.memref_slice %arg8[%dma_wait3A_117, %dma_wait3A_118] : memref<10240x128xf32, #tpu.memory_space<vmem_shared>> -> memref<10240x128xf32, #tpu.memory_space<vmem_shared>>
        tpu.wait_indirect_dma semaphore(%run_scoped3A_99 : memref<!tpu.dma_semaphore, #tpu.memory_space<semaphore_mem>>) src(%dma_wait3A_113 : memref<128x128xf32, #tpu.memory_space<vmem>>) dst(%dma_wait3A_119 : memref<10240x128xf32, #tpu.memory_space<vmem_shared>>)
        tpu.yield
      }) : () -> ()
      %add3A_92 = arith.constant 2 : i32
      %add3A_93 = arith.addi %add3A_74, %add3A_92 : i32
      %lt3A_94 = arith.constant 40 : i32
      %lt3A_95 = arith.cmpi slt, %add3A_93, %lt3A_94 : i32
      %convert_element_type3A_96 = arith.extui %lt3A_95 : i1 to i32
      %cond3A_97 = arith.constant 0 : i32
      %cond3A_98 = arith.cmpi ne, %convert_element_type3A_96, %cond3A_97 : i32
      scf.if %cond3A_98 {
        %add3A_99 = arith.constant 2 : i32
        %add3A_100 = arith.addi %add3A_74, %add3A_99 : i32
        %mul3A_101 = arith.constant 128 : i32
        %mul3A_102 = arith.muli %add3A_100, %mul3A_101 : i32
        %add3A_103 = arith.addi %mul3A_4, %mul3A_102 : i32
        %dma_start3A_104 = arith.constant 1 : i32
        %dma_start3A_105 = arith.constant 1 : i32
        %dma_start3A_106 = arith.constant 0 : i32
        %dma_start3A_107 = arith.constant 0 : i32
        %dma_start3A_108 = tpu.memref_slice %arg7[%dma_start3A_104, %dma_start3A_106, %dma_start3A_107] : memref<2x128x128xf32, #tpu.memory_space<vmem>> -> memref<1x128x128xf32, #tpu.memory_space<vmem>>
        %dma_start3A_109 = tpu.memref_squeeze %dma_start3A_108 : memref<1x128x128xf32, #tpu.memory_space<vmem>> -> memref<128x128xf32, #tpu.memory_space<vmem>>
        %dma_start3A_110 = arith.constant 0 : i32
        %dma_start3A_111 = tpu.memref_slice %arg2[%add3A_103, %dma_start3A_110] : memref<163840x128xf32, #tpu.memory_space<hbm>> -> memref<128x128xf32, #tpu.memory_space<hbm>>
        %dma_start3A_112 = tpu.memref_slice %arg9[%dma_start3A_105] : memref<2x!tpu.dma_semaphore, #tpu.memory_space<semaphore_mem>> -> memref<1x!tpu.dma_semaphore, #tpu.memory_space<semaphore_mem>>
        %dma_start3A_113 = tpu.memref_squeeze %dma_start3A_112 : memref<1x!tpu.dma_semaphore, #tpu.memory_space<semaphore_mem>> -> memref<!tpu.dma_semaphore, #tpu.memory_space<semaphore_mem>>
        %dma_start3A_114 = arith.constant 0 : i32
        %dma_start3A_115 = arith.constant 0 : i32
        %dma_start3A_116 = tpu.memref_slice %arg7[%dma_start3A_104, %dma_start3A_114, %dma_start3A_115] : memref<2x128x128xf32, #tpu.memory_space<vmem>> -> memref<1x128x128xf32, #tpu.memory_space<vmem>>
        %dma_start3A_117 = tpu.memref_squeeze %dma_start3A_116 : memref<1x128x128xf32, #tpu.memory_space<vmem>> -> memref<128x128xf32, #tpu.memory_space<vmem>>
        %dma_start3A_118 = arith.constant 0 : i32
        %dma_start3A_119 = tpu.memref_slice %arg2[%add3A_103, %dma_start3A_118] : memref<163840x128xf32, #tpu.memory_space<hbm>> -> memref<128x128xf32, #tpu.memory_space<hbm>>
        tpu.enqueue_dma source(%dma_start3A_119 : memref<128x128xf32, #tpu.memory_space<hbm>>) target(%dma_start3A_117 : memref<128x128xf32, #tpu.memory_space<vmem>>) target_semaphore(%dma_start3A_113 : memref<!tpu.dma_semaphore, #tpu.memory_space<semaphore_mem>>)
      } else {
      }
    }
    %scan3A_45 = arith.constant 20 : i32
    %barrier3A_46 = arith.constant 0 : index
    tpu.barrier barrier_id(%barrier3A_46)
    "tpu.region"() ({
      %run_scoped3A = tpu.sem_alloc : memref<!tpu.dma_semaphore, #tpu.memory_space<semaphore_mem>>
      %dma_start3A_47 = arith.constant 0 : i32
      %dma_start3A_48 = tpu.memref_slice %arg5[%arg0, %mul3A_6, %dma_start3A_47] : memref<2x10240x128xf32, #tpu.memory_space<hbm>> -> memref<1x640x128xf32, #tpu.memory_space<hbm>>
      %dma_start3A_49 = tpu.memref_squeeze %dma_start3A_48 : memref<1x640x128xf32, #tpu.memory_space<hbm>> -> memref<640x128xf32, #tpu.memory_space<hbm>>
      %dma_start3A_50 = arith.constant 0 : i32
      %dma_start3A_51 = tpu.memref_slice %arg8[%mul3A_6, %dma_start3A_50] : memref<10240x128xf32, #tpu.memory_space<vmem_shared>> -> memref<640x128xf32, #tpu.memory_space<vmem_shared>>
      tpu.enqueue_dma source(%dma_start3A_51 : memref<640x128xf32, #tpu.memory_space<vmem_shared>>) target(%dma_start3A_49 : memref<640x128xf32, #tpu.memory_space<hbm>>) target_semaphore(%run_scoped3A : memref<!tpu.dma_semaphore, #tpu.memory_space<semaphore_mem>>)
      %dma_wait3A = arith.constant 0 : i32
      %dma_wait3A_52 = tpu.memref_slice %arg5[%arg0, %mul3A_6, %dma_wait3A] : memref<2x10240x128xf32, #tpu.memory_space<hbm>> -> memref<1x640x128xf32, #tpu.memory_space<hbm>>
      %dma_wait3A_53 = tpu.memref_squeeze %dma_wait3A_52 : memref<1x640x128xf32, #tpu.memory_space<hbm>> -> memref<640x128xf32, #tpu.memory_space<hbm>>
      %dma_wait3A_54 = arith.constant 0 : i32
      %dma_wait3A_55 = tpu.memref_slice %arg8[%mul3A_6, %dma_wait3A_54] : memref<10240x128xf32, #tpu.memory_space<vmem_shared>> -> memref<640x128xf32, #tpu.memory_space<vmem_shared>>
      tpu.wait_dma2 semaphore(%run_scoped3A : memref<!tpu.dma_semaphore, #tpu.memory_space<semaphore_mem>>) src(%dma_wait3A_55 : memref<640x128xf32, #tpu.memory_space<vmem_shared>>) dst(%dma_wait3A_53 : memref<640x128xf32, #tpu.memory_space<hbm>>)
      tpu.yield
    }) : () -> ()
    return
  }
}

module attributes {stable_mosaic.version = 14 : i64} {
  func.func @_prologue_body(%arg0: i32, %arg1: memref<2000x128xf32, #tpu.memory_space<vmem>>, %arg2: memref<128x128xf32, #tpu.memory_space<vmem>>, %arg3: memref<1x128xf32, #tpu.memory_space<vmem>>, %arg4: memref<128x128xf32, #tpu.memory_space<vmem>>, %arg5: memref<1x128xf32, #tpu.memory_space<vmem>>, %arg6: memref<2000x128xf32, #tpu.memory_space<vmem>>, %arg7: memref<2000x128xf32, #tpu.memory_space<vmem>>) attributes {dimension_semantics = [#tpu.dimension_semantics<arbitrary>], iteration_bounds = array<i64: 5>, scalar_prefetch = 0 : i64, scratch_operands = 0 : i64, tpu.core_type = #tpu.core_type<tc>, window_params = [{transform_indices = @transform_0, window_bounds = array<i64: 2000, 128>}, {pipeline_mode = #tpu.pipeline_mode<synchronous>, transform_indices = @transform_1, window_bounds = array<i64: 128, 128>}, {pipeline_mode = #tpu.pipeline_mode<synchronous>, transform_indices = @transform_2, window_bounds = array<i64: 1, 128>}, {pipeline_mode = #tpu.pipeline_mode<synchronous>, transform_indices = @transform_3, window_bounds = array<i64: 128, 128>}, {pipeline_mode = #tpu.pipeline_mode<synchronous>, transform_indices = @transform_4, window_bounds = array<i64: 1, 128>}, {transform_indices = @transform_5, window_bounds = array<i64: 2000, 128>}, {transform_indices = @transform_6, window_bounds = array<i64: 2000, 128>}]} {
    %get3A = arith.constant 0 : index
    %get3A_0 = arith.constant 0 : index
    %get3A_1 = vector.load %arg1[%get3A, %get3A_0] : memref<2000x128xf32, #tpu.memory_space<vmem>>, vector<2000x128xf32>
    %get3A_2 = arith.constant 0 : index
    %get3A_3 = arith.constant 0 : index
    %get3A_4 = vector.load %arg2[%get3A_2, %get3A_3] : memref<128x128xf32, #tpu.memory_space<vmem>>, vector<128x128xf32>
    %dot_general3A = arith.constant dense<0.000000e+00> : vector<2000x128xf32>
    %dot_general3A_5 = tpu.matmul %get3A_1, %get3A_4, %dot_general3A {dimension_numbers = #tpu.dot_dimension_numbers<[1], [0], [0], [1], [0, 0, 1, 1], [], []>, transpose_lhs_hint = false} : vector<2000x128xf32>, vector<128x128xf32>, vector<2000x128xf32> -> vector<2000x128xf32>
    %get3A_6 = arith.constant 0 : index
    %get3A_7 = arith.constant 0 : index
    %get3A_8 = vector.load %arg3[%get3A_6, %get3A_7] : memref<1x128xf32, #tpu.memory_space<vmem>>, vector<1x128xf32>
    %add3A = vector.broadcast %get3A_8 : vector<1x128xf32> to vector<2000x128xf32>
    %add3A_9 = arith.addf %dot_general3A_5, %add3A : vector<2000x128xf32>
    %swap3A = arith.constant 0 : index
    %swap3A_10 = arith.constant 0 : index
    %swap3A_11 = vector.load %arg6[%swap3A, %swap3A_10] : memref<2000x128xf32, #tpu.memory_space<vmem>>, vector<2000x128xf32>
    tpu.vector_store %arg6[%swap3A, %swap3A_10], %add3A_9 {strides = array<i32>} : memref<2000x128xf32, #tpu.memory_space<vmem>>, vector<2000x128xf32>,
    %get3A_12 = arith.constant 0 : index
    %get3A_13 = arith.constant 0 : index
    %get3A_14 = vector.load %arg4[%get3A_12, %get3A_13] : memref<128x128xf32, #tpu.memory_space<vmem>>, vector<128x128xf32>
    %dot_general3A_15 = arith.constant dense<0.000000e+00> : vector<2000x128xf32>
    %dot_general3A_16 = tpu.matmul %add3A_9, %get3A_14, %dot_general3A_15 {dimension_numbers = #tpu.dot_dimension_numbers<[1], [0], [0], [1], [0, 0, 1, 1], [], []>, transpose_lhs_hint = false} : vector<2000x128xf32>, vector<128x128xf32>, vector<2000x128xf32> -> vector<2000x128xf32>
    %get3A_17 = arith.constant 0 : index
    %get3A_18 = arith.constant 0 : index
    %get3A_19 = vector.load %arg5[%get3A_17, %get3A_18] : memref<1x128xf32, #tpu.memory_space<vmem>>, vector<1x128xf32>
    %add3A_20 = vector.broadcast %get3A_19 : vector<1x128xf32> to vector<2000x128xf32>
    %add3A_21 = arith.addf %dot_general3A_16, %add3A_20 : vector<2000x128xf32>
    %swap3A_22 = arith.constant 0 : index
    %swap3A_23 = arith.constant 0 : index
    %swap3A_24 = vector.load %arg7[%swap3A_22, %swap3A_23] : memref<2000x128xf32, #tpu.memory_space<vmem>>, vector<2000x128xf32>
    tpu.vector_store %arg7[%swap3A_22, %swap3A_23], %add3A_21 {strides = array<i32>} : memref<2000x128xf32, #tpu.memory_space<vmem>>, vector<2000x128xf32>,
    return
  }
  func.func @transform_0(%arg0: i32) -> (i32, i32) {
    %c0_i32 = arith.constant 0 : i32
    %c0_i32_0 = arith.constant 0 : i32
    return %arg0, %c0_i32 : i32, i32
  }
  func.func @transform_1(%arg0: i32) -> (i32, i32) {
    %c0_i32 = arith.constant 0 : i32
    %c0_i32_0 = arith.constant 0 : i32
    %c0_i32_1 = arith.constant 0 : i32
    return %c0_i32, %c0_i32_0 : i32, i32
  }
  func.func @transform_2(%arg0: i32) -> (i32, i32) {
    %c0_i32 = arith.constant 0 : i32
    %c0_i32_0 = arith.constant 0 : i32
    %c0_i32_1 = arith.constant 0 : i32
    return %c0_i32, %c0_i32_0 : i32, i32
  }
  func.func @transform_3(%arg0: i32) -> (i32, i32) {
    %c0_i32 = arith.constant 0 : i32
    %c0_i32_0 = arith.constant 0 : i32
    %c0_i32_1 = arith.constant 0 : i32
    return %c0_i32, %c0_i32_0 : i32, i32
  }
  func.func @transform_4(%arg0: i32) -> (i32, i32) {
    %c0_i32 = arith.constant 0 : i32
    %c0_i32_0 = arith.constant 0 : i32
    %c0_i32_1 = arith.constant 0 : i32
    return %c0_i32, %c0_i32_0 : i32, i32
  }
  func.func @transform_5(%arg0: i32) -> (i32, i32) {
    %c0_i32 = arith.constant 0 : i32
    %c0_i32_0 = arith.constant 0 : i32
    return %arg0, %c0_i32 : i32, i32
  }
  func.func @transform_6(%arg0: i32) -> (i32, i32) {
    %c0_i32 = arith.constant 0 : i32
    %c0_i32_0 = arith.constant 0 : i32
    return %arg0, %c0_i32 : i32, i32
  }
}

module attributes {stable_mosaic.version = 14 : i64} {
  func.func @_edge_mlp_body(%arg0: i32, %arg1: memref<8192x128xf32, #tpu.memory_space<vmem>>, %arg2: memref<8192x16xf32, #tpu.memory_space<vmem>>, %arg3: memref<16x128xf32, #tpu.memory_space<vmem>>, %arg4: memref<128x128xbf16, #tpu.memory_space<vmem>>, %arg5: memref<1x128xf32, #tpu.memory_space<vmem>>, %arg6: memref<8192x128xf32, #tpu.memory_space<vmem>>) attributes {dimension_semantics = [#tpu.dimension_semantics<arbitrary>], iteration_bounds = array<i64: 20>, scalar_prefetch = 0 : i64, scratch_operands = 0 : i64, tpu.core_type = #tpu.core_type<tc>, window_params = [{transform_indices = @transform_0, window_bounds = array<i64: 8192, 128>}, {transform_indices = @transform_1, window_bounds = array<i64: 8192, 16>}, {pipeline_mode = #tpu.pipeline_mode<synchronous>, transform_indices = @transform_2, window_bounds = array<i64: 16, 128>}, {pipeline_mode = #tpu.pipeline_mode<synchronous>, transform_indices = @transform_3, window_bounds = array<i64: 128, 128>}, {pipeline_mode = #tpu.pipeline_mode<synchronous>, transform_indices = @transform_4, window_bounds = array<i64: 1, 128>}, {transform_indices = @transform_5, window_bounds = array<i64: 8192, 128>}]} {
    %get3A = arith.constant 0 : index
    %get3A_0 = arith.constant 0 : index
    %get3A_1 = vector.load %arg1[%get3A, %get3A_0] : memref<8192x128xf32, #tpu.memory_space<vmem>>, vector<8192x128xf32>
    %get3A_2 = arith.constant 0 : index
    %get3A_3 = arith.constant 0 : index
    %get3A_4 = vector.load %arg2[%get3A_2, %get3A_3] : memref<8192x16xf32, #tpu.memory_space<vmem>>, vector<8192x16xf32>
    %get3A_5 = arith.constant 0 : index
    %get3A_6 = arith.constant 0 : index
    %get3A_7 = vector.load %arg3[%get3A_5, %get3A_6] : memref<16x128xf32, #tpu.memory_space<vmem>>, vector<16x128xf32>
    %dot_general3A = arith.constant dense<0.000000e+00> : vector<8192x128xf32>
    %dot_general3A_8 = tpu.matmul %get3A_4, %get3A_7, %dot_general3A {dimension_numbers = #tpu.dot_dimension_numbers<[1], [0], [0], [1], [0, 0, 1, 1], [], []>, transpose_lhs_hint = false} : vector<8192x16xf32>, vector<16x128xf32>, vector<8192x128xf32> -> vector<8192x128xf32>
    %add3A = arith.addf %get3A_1, %dot_general3A_8 : vector<8192x128xf32>
    %max3A = arith.constant 0.000000e+00 : f32
    %max3A_9 = vector.broadcast %max3A : f32 to vector<8192x128xf32>
    %max3A_10 = arith.maximumf %add3A, %max3A_9 : vector<8192x128xf32>
    %convert_element_type3A = arith.truncf %max3A_10 : vector<8192x128xf32> to vector<8192x128xbf16>
    %get3A_11 = arith.constant 0 : index
    %get3A_12 = arith.constant 0 : index
    %get3A_13 = vector.load %arg4[%get3A_11, %get3A_12] : memref<128x128xbf16, #tpu.memory_space<vmem>>, vector<128x128xbf16>
    %dot_general3A_14 = arith.constant dense<0.000000e+00> : vector<8192x128xf32>
    %dot_general3A_15 = tpu.matmul %convert_element_type3A, %get3A_13, %dot_general3A_14 {dimension_numbers = #tpu.dot_dimension_numbers<[1], [0], [0], [1], [0, 0, 1, 1], [], []>, transpose_lhs_hint = false} : vector<8192x128xbf16>, vector<128x128xbf16>, vector<8192x128xf32> -> vector<8192x128xf32>
    %get3A_16 = arith.constant 0 : index
    %get3A_17 = arith.constant 0 : index
    %get3A_18 = vector.load %arg5[%get3A_16, %get3A_17] : memref<1x128xf32, #tpu.memory_space<vmem>>, vector<1x128xf32>
    %add3A_19 = vector.broadcast %get3A_18 : vector<1x128xf32> to vector<8192x128xf32>
    %add3A_20 = arith.addf %dot_general3A_15, %add3A_19 : vector<8192x128xf32>
    %max3A_21 = arith.constant 0.000000e+00 : f32
    %max3A_22 = vector.broadcast %max3A_21 : f32 to vector<8192x128xf32>
    %max3A_23 = arith.maximumf %add3A_20, %max3A_22 : vector<8192x128xf32>
    %swap3A = arith.constant 0 : index
    %swap3A_24 = arith.constant 0 : index
    %swap3A_25 = vector.load %arg6[%swap3A, %swap3A_24] : memref<8192x128xf32, #tpu.memory_space<vmem>>, vector<8192x128xf32>
    tpu.vector_store %arg6[%swap3A, %swap3A_24], %max3A_23 {strides = array<i32>} : memref<8192x128xf32, #tpu.memory_space<vmem>>, vector<8192x128xf32>,
    return
  }
  func.func @transform_0(%arg0: i32) -> (i32, i32) {
    %add3A = arith.constant 20 : i32
    %add3A_0 = arith.addi %arg0, %add3A : i32
    %c0_i32 = arith.constant 0 : i32
    %c0_i32_1 = arith.constant 0 : i32
    return %add3A_0, %c0_i32 : i32, i32
  }
  func.func @transform_1(%arg0: i32) -> (i32, i32) {
    %c0_i32 = arith.constant 0 : i32
    %c0_i32_0 = arith.constant 0 : i32
    return %arg0, %c0_i32 : i32, i32
  }
  func.func @transform_2(%arg0: i32) -> (i32, i32) {
    %c0_i32 = arith.constant 0 : i32
    %c0_i32_0 = arith.constant 0 : i32
    %c0_i32_1 = arith.constant 0 : i32
    return %c0_i32, %c0_i32_0 : i32, i32
  }
  func.func @transform_3(%arg0: i32) -> (i32, i32) {
    %c0_i32 = arith.constant 0 : i32
    %c0_i32_0 = arith.constant 0 : i32
    %c0_i32_1 = arith.constant 0 : i32
    return %c0_i32, %c0_i32_0 : i32, i32
  }
  func.func @transform_4(%arg0: i32) -> (i32, i32) {
    %c0_i32 = arith.constant 0 : i32
    %c0_i32_0 = arith.constant 0 : i32
    %c0_i32_1 = arith.constant 0 : i32
    return %c0_i32, %c0_i32_0 : i32, i32
  }
  func.func @transform_5(%arg0: i32) -> (i32, i32) {
    %c0_i32 = arith.constant 0 : i32
    %c0_i32_0 = arith.constant 0 : i32
    return %arg0, %c0_i32 : i32, i32
  }
}

module attributes {stable_mosaic.version = 14 : i64} {
  func.func @_edge_mlp_body(%arg0: i32, %arg1: memref<8192x128xf32, #tpu.memory_space<vmem>>, %arg2: memref<8192x16xf32, #tpu.memory_space<vmem>>, %arg3: memref<16x128xf32, #tpu.memory_space<vmem>>, %arg4: memref<128x128xbf16, #tpu.memory_space<vmem>>, %arg5: memref<1x128xf32, #tpu.memory_space<vmem>>, %arg6: memref<8192x128xf32, #tpu.memory_space<vmem>>) attributes {dimension_semantics = [#tpu.dimension_semantics<arbitrary>], iteration_bounds = array<i64: 20>, scalar_prefetch = 0 : i64, scratch_operands = 0 : i64, tpu.core_type = #tpu.core_type<tc>, window_params = [{transform_indices = @transform_0, window_bounds = array<i64: 8192, 128>}, {transform_indices = @transform_1, window_bounds = array<i64: 8192, 16>}, {pipeline_mode = #tpu.pipeline_mode<synchronous>, transform_indices = @transform_2, window_bounds = array<i64: 16, 128>}, {pipeline_mode = #tpu.pipeline_mode<synchronous>, transform_indices = @transform_3, window_bounds = array<i64: 128, 128>}, {pipeline_mode = #tpu.pipeline_mode<synchronous>, transform_indices = @transform_4, window_bounds = array<i64: 1, 128>}, {transform_indices = @transform_5, window_bounds = array<i64: 8192, 128>}]} {
    %get3A = arith.constant 0 : index
    %get3A_0 = arith.constant 0 : index
    %get3A_1 = vector.load %arg1[%get3A, %get3A_0] : memref<8192x128xf32, #tpu.memory_space<vmem>>, vector<8192x128xf32>
    %get3A_2 = arith.constant 0 : index
    %get3A_3 = arith.constant 0 : index
    %get3A_4 = vector.load %arg2[%get3A_2, %get3A_3] : memref<8192x16xf32, #tpu.memory_space<vmem>>, vector<8192x16xf32>
    %get3A_5 = arith.constant 0 : index
    %get3A_6 = arith.constant 0 : index
    %get3A_7 = vector.load %arg3[%get3A_5, %get3A_6] : memref<16x128xf32, #tpu.memory_space<vmem>>, vector<16x128xf32>
    %dot_general3A = arith.constant dense<0.000000e+00> : vector<8192x128xf32>
    %dot_general3A_8 = tpu.matmul %get3A_4, %get3A_7, %dot_general3A {dimension_numbers = #tpu.dot_dimension_numbers<[1], [0], [0], [1], [0, 0, 1, 1], [], []>, transpose_lhs_hint = false} : vector<8192x16xf32>, vector<16x128xf32>, vector<8192x128xf32> -> vector<8192x128xf32>
    %add3A = arith.addf %get3A_1, %dot_general3A_8 : vector<8192x128xf32>
    %max3A = arith.constant 0.000000e+00 : f32
    %max3A_9 = vector.broadcast %max3A : f32 to vector<8192x128xf32>
    %max3A_10 = arith.maximumf %add3A, %max3A_9 : vector<8192x128xf32>
    %convert_element_type3A = arith.truncf %max3A_10 : vector<8192x128xf32> to vector<8192x128xbf16>
    %get3A_11 = arith.constant 0 : index
    %get3A_12 = arith.constant 0 : index
    %get3A_13 = vector.load %arg4[%get3A_11, %get3A_12] : memref<128x128xbf16, #tpu.memory_space<vmem>>, vector<128x128xbf16>
    %dot_general3A_14 = arith.constant dense<0.000000e+00> : vector<8192x128xf32>
    %dot_general3A_15 = tpu.matmul %convert_element_type3A, %get3A_13, %dot_general3A_14 {dimension_numbers = #tpu.dot_dimension_numbers<[1], [0], [0], [1], [0, 0, 1, 1], [], []>, transpose_lhs_hint = false} : vector<8192x128xbf16>, vector<128x128xbf16>, vector<8192x128xf32> -> vector<8192x128xf32>
    %get3A_16 = arith.constant 0 : index
    %get3A_17 = arith.constant 0 : index
    %get3A_18 = vector.load %arg5[%get3A_16, %get3A_17] : memref<1x128xf32, #tpu.memory_space<vmem>>, vector<1x128xf32>
    %add3A_19 = vector.broadcast %get3A_18 : vector<1x128xf32> to vector<8192x128xf32>
    %add3A_20 = arith.addf %dot_general3A_15, %add3A_19 : vector<8192x128xf32>
    %max3A_21 = arith.constant 0.000000e+00 : f32
    %max3A_22 = vector.broadcast %max3A_21 : f32 to vector<8192x128xf32>
    %max3A_23 = arith.maximumf %add3A_20, %max3A_22 : vector<8192x128xf32>
    %swap3A = arith.constant 0 : index
    %swap3A_24 = arith.constant 0 : index
    %swap3A_25 = vector.load %arg6[%swap3A, %swap3A_24] : memref<8192x128xf32, #tpu.memory_space<vmem>>, vector<8192x128xf32>
    tpu.vector_store %arg6[%swap3A, %swap3A_24], %max3A_23 {strides = array<i32>} : memref<8192x128xf32, #tpu.memory_space<vmem>>, vector<8192x128xf32>,
    return
  }
  func.func @transform_0(%arg0: i32) -> (i32, i32) {
    %add3A = arith.constant 0 : i32
    %add3A_0 = arith.addi %arg0, %add3A : i32
    %c0_i32 = arith.constant 0 : i32
    %c0_i32_1 = arith.constant 0 : i32
    return %add3A_0, %c0_i32 : i32, i32
  }
  func.func @transform_1(%arg0: i32) -> (i32, i32) {
    %c0_i32 = arith.constant 0 : i32
    %c0_i32_0 = arith.constant 0 : i32
    return %arg0, %c0_i32 : i32, i32
  }
  func.func @transform_2(%arg0: i32) -> (i32, i32) {
    %c0_i32 = arith.constant 0 : i32
    %c0_i32_0 = arith.constant 0 : i32
    %c0_i32_1 = arith.constant 0 : i32
    return %c0_i32, %c0_i32_0 : i32, i32
  }
  func.func @transform_3(%arg0: i32) -> (i32, i32) {
    %c0_i32 = arith.constant 0 : i32
    %c0_i32_0 = arith.constant 0 : i32
    %c0_i32_1 = arith.constant 0 : i32
    return %c0_i32, %c0_i32_0 : i32, i32
  }
  func.func @transform_4(%arg0: i32) -> (i32, i32) {
    %c0_i32 = arith.constant 0 : i32
    %c0_i32_0 = arith.constant 0 : i32
    %c0_i32_1 = arith.constant 0 : i32
    return %c0_i32, %c0_i32_0 : i32, i32
  }
  func.func @transform_5(%arg0: i32) -> (i32, i32) {
    %c0_i32 = arith.constant 0 : i32
    %c0_i32_0 = arith.constant 0 : i32
    return %arg0, %c0_i32 : i32, i32
  }
}

module attributes {stable_mosaic.version = 14 : i64} {
  func.func @_node_body(%arg0: i32, %arg1: memref<2000x128xf32, #tpu.memory_space<vmem>>, %arg2: memref<2000x128xf32, #tpu.memory_space<vmem>>, %arg3: memref<2000x128xf32, #tpu.memory_space<vmem>>, %arg4: memref<2000x128xf32, #tpu.memory_space<vmem>>, %arg5: memref<2000x128xf32, #tpu.memory_space<vmem>>, %arg6: memref<1x128xf32, #tpu.memory_space<vmem>>, %arg7: memref<1x128xf32, #tpu.memory_space<vmem>>, %arg8: memref<128x128xf32, #tpu.memory_space<vmem>>, %arg9: memref<1x128xf32, #tpu.memory_space<vmem>>, %arg10: memref<128x128xf32, #tpu.memory_space<vmem>>, %arg11: memref<1x128xf32, #tpu.memory_space<vmem>>, %arg12: memref<2000x128xf32, #tpu.memory_space<vmem>>, %arg13: memref<2000x128xf32, #tpu.memory_space<vmem>>) attributes {dimension_semantics = [#tpu.dimension_semantics<arbitrary>], iteration_bounds = array<i64: 5>, scalar_prefetch = 0 : i64, scratch_operands = 0 : i64, tpu.core_type = #tpu.core_type<tc>, window_params = [{transform_indices = @transform_0, window_bounds = array<i64: 2000, 128>}, {transform_indices = @transform_1, window_bounds = array<i64: 2000, 128>}, {transform_indices = @transform_2, window_bounds = array<i64: 2000, 128>}, {transform_indices = @transform_3, window_bounds = array<i64: 2000, 128>}, {transform_indices = @transform_4, window_bounds = array<i64: 2000, 128>}, {pipeline_mode = #tpu.pipeline_mode<synchronous>, transform_indices = @transform_5, window_bounds = array<i64: 1, 128>}, {pipeline_mode = #tpu.pipeline_mode<synchronous>, transform_indices = @transform_6, window_bounds = array<i64: 1, 128>}, {pipeline_mode = #tpu.pipeline_mode<synchronous>, transform_indices = @transform_7, window_bounds = array<i64: 128, 128>}, {pipeline_mode = #tpu.pipeline_mode<synchronous>, transform_indices = @transform_8, window_bounds = array<i64: 1, 128>}, {pipeline_mode = #tpu.pipeline_mode<synchronous>, transform_indices = @transform_9, window_bounds = array<i64: 128, 128>}, {pipeline_mode = #tpu.pipeline_mode<synchronous>, transform_indices = @transform_10, window_bounds = array<i64: 1, 128>}, {transform_indices = @transform_11, window_bounds = array<i64: 2000, 128>}, {transform_indices = @transform_12, window_bounds = array<i64: 2000, 128>}]} {
    %get3A = arith.constant 0 : index
    %get3A_0 = arith.constant 0 : index
    %get3A_1 = vector.load %arg1[%get3A, %get3A_0] : memref<2000x128xf32, #tpu.memory_space<vmem>>, vector<2000x128xf32>
    %get3A_2 = arith.constant 0 : index
    %get3A_3 = arith.constant 0 : index
    %get3A_4 = vector.load %arg2[%get3A_2, %get3A_3] : memref<2000x128xf32, #tpu.memory_space<vmem>>, vector<2000x128xf32>
    %add3A = arith.addf %get3A_1, %get3A_4 : vector<2000x128xf32>
    %get3A_5 = arith.constant 0 : index
    %get3A_6 = arith.constant 0 : index
    %get3A_7 = vector.load %arg3[%get3A_5, %get3A_6] : memref<2000x128xf32, #tpu.memory_space<vmem>>, vector<2000x128xf32>
    %add3A_8 = arith.addf %add3A, %get3A_7 : vector<2000x128xf32>
    %get3A_9 = arith.constant 0 : index
    %get3A_10 = arith.constant 0 : index
    %get3A_11 = vector.load %arg4[%get3A_9, %get3A_10] : memref<2000x128xf32, #tpu.memory_space<vmem>>, vector<2000x128xf32>
    %get3A_12 = arith.constant 0 : index
    %get3A_13 = arith.constant 0 : index
    %get3A_14 = vector.load %arg5[%get3A_12, %get3A_13] : memref<2000x128xf32, #tpu.memory_space<vmem>>, vector<2000x128xf32>
    %add3A_15 = arith.addf %get3A_11, %get3A_14 : vector<2000x128xf32>
    %add3A_16 = arith.addf %add3A_8, %add3A_15 : vector<2000x128xf32>
    %get3A_17 = arith.constant 0 : index
    %get3A_18 = arith.constant 0 : index
    %get3A_19 = vector.load %arg6[%get3A_17, %get3A_18] : memref<1x128xf32, #tpu.memory_space<vmem>>, vector<1x128xf32>
    %get3A_20 = arith.constant 0 : index
    %get3A_21 = arith.constant 0 : index
    %get3A_22 = vector.load %arg7[%get3A_20, %get3A_21] : memref<1x128xf32, #tpu.memory_space<vmem>>, vector<1x128xf32>
    %reduce_sum3A = arith.constant dense<0.000000e+00> : vector<2000xf32>
    %reduce_sum3A_23 = vector.multi_reduction <add>, %add3A_16, %reduce_sum3A [1] : vector<2000x128xf32> to vector<2000xf32>
    %broadcast_in_dim3A = vector.shape_cast %reduce_sum3A_23 : vector<2000xf32> to vector<2000x1xf32>
    %div3A = arith.constant 1.280000e+02 : f32
    %div3A_24 = vector.broadcast %div3A : f32 to vector<2000x1xf32>
    %div3A_25 = arith.divf %broadcast_in_dim3A, %div3A_24 : vector<2000x1xf32>
    %sub3A = vector.broadcast %div3A_25 : vector<2000x1xf32> to vector<2000x128xf32>
    %sub3A_26 = arith.subf %add3A_16, %sub3A : vector<2000x128xf32>
    %mul3A = arith.mulf %sub3A_26, %sub3A_26 : vector<2000x128xf32>
    %reduce_sum3A_27 = arith.constant dense<0.000000e+00> : vector<2000xf32>
    %reduce_sum3A_28 = vector.multi_reduction <add>, %mul3A, %reduce_sum3A_27 [1] : vector<2000x128xf32> to vector<2000xf32>
    %broadcast_in_dim3A_29 = vector.shape_cast %reduce_sum3A_28 : vector<2000xf32> to vector<2000x1xf32>
    %div3A_30 = arith.constant 1.280000e+02 : f32
    %div3A_31 = vector.broadcast %div3A_30 : f32 to vector<2000x1xf32>
    %div3A_32 = arith.divf %broadcast_in_dim3A_29, %div3A_31 : vector<2000x1xf32>
    %add3A_33 = arith.constant 9.99999974E-6 : f32
    %add3A_34 = vector.broadcast %add3A_33 : f32 to vector<2000x1xf32>
    %add3A_35 = arith.addf %div3A_32, %add3A_34 : vector<2000x1xf32>
    %rsqrt3A = math.rsqrt %add3A_35 : vector<2000x1xf32>
    %mul3A_36 = vector.broadcast %rsqrt3A : vector<2000x1xf32> to vector<2000x128xf32>
    %mul3A_37 = arith.mulf %sub3A_26, %mul3A_36 : vector<2000x128xf32>
    %mul3A_38 = vector.broadcast %get3A_19 : vector<1x128xf32> to vector<2000x128xf32>
    %mul3A_39 = arith.mulf %mul3A_37, %mul3A_38 : vector<2000x128xf32>
    %add3A_40 = vector.broadcast %get3A_22 : vector<1x128xf32> to vector<2000x128xf32>
    %add3A_41 = arith.addf %mul3A_39, %add3A_40 : vector<2000x128xf32>
    %max3A = arith.constant 0.000000e+00 : f32
    %max3A_42 = vector.broadcast %max3A : f32 to vector<2000x128xf32>
    %max3A_43 = arith.maximumf %add3A_41, %max3A_42 : vector<2000x128xf32>
    %get3A_44 = arith.constant 0 : index
    %get3A_45 = arith.constant 0 : index
    %get3A_46 = vector.load %arg8[%get3A_44, %get3A_45] : memref<128x128xf32, #tpu.memory_space<vmem>>, vector<128x128xf32>
    %dot_general3A = arith.constant dense<0.000000e+00> : vector<2000x128xf32>
    %dot_general3A_47 = tpu.matmul %max3A_43, %get3A_46, %dot_general3A {dimension_numbers = #tpu.dot_dimension_numbers<[1], [0], [0], [1], [0, 0, 1, 1], [], []>, transpose_lhs_hint = false} : vector<2000x128xf32>, vector<128x128xf32>, vector<2000x128xf32> -> vector<2000x128xf32>
    %get3A_48 = arith.constant 0 : index
    %get3A_49 = arith.constant 0 : index
    %get3A_50 = vector.load %arg9[%get3A_48, %get3A_49] : memref<1x128xf32, #tpu.memory_space<vmem>>, vector<1x128xf32>
    %add3A_51 = vector.broadcast %get3A_50 : vector<1x128xf32> to vector<2000x128xf32>
    %add3A_52 = arith.addf %dot_general3A_47, %add3A_51 : vector<2000x128xf32>
    %swap3A = arith.constant 0 : index
    %swap3A_53 = arith.constant 0 : index
    %swap3A_54 = vector.load %arg12[%swap3A, %swap3A_53] : memref<2000x128xf32, #tpu.memory_space<vmem>>, vector<2000x128xf32>
    tpu.vector_store %arg12[%swap3A, %swap3A_53], %add3A_52 {strides = array<i32>} : memref<2000x128xf32, #tpu.memory_space<vmem>>, vector<2000x128xf32>,
    %get3A_55 = arith.constant 0 : index
    %get3A_56 = arith.constant 0 : index
    %get3A_57 = vector.load %arg10[%get3A_55, %get3A_56] : memref<128x128xf32, #tpu.memory_space<vmem>>, vector<128x128xf32>
    %dot_general3A_58 = arith.constant dense<0.000000e+00> : vector<2000x128xf32>
    %dot_general3A_59 = tpu.matmul %add3A_52, %get3A_57, %dot_general3A_58 {dimension_numbers = #tpu.dot_dimension_numbers<[1], [0], [0], [1], [0, 0, 1, 1], [], []>, transpose_lhs_hint = false} : vector<2000x128xf32>, vector<128x128xf32>, vector<2000x128xf32> -> vector<2000x128xf32>
    %get3A_60 = arith.constant 0 : index
    %get3A_61 = arith.constant 0 : index
    %get3A_62 = vector.load %arg11[%get3A_60, %get3A_61] : memref<1x128xf32, #tpu.memory_space<vmem>>, vector<1x128xf32>
    %add3A_63 = vector.broadcast %get3A_62 : vector<1x128xf32> to vector<2000x128xf32>
    %add3A_64 = arith.addf %dot_general3A_59, %add3A_63 : vector<2000x128xf32>
    %swap3A_65 = arith.constant 0 : index
    %swap3A_66 = arith.constant 0 : index
    %swap3A_67 = vector.load %arg13[%swap3A_65, %swap3A_66] : memref<2000x128xf32, #tpu.memory_space<vmem>>, vector<2000x128xf32>
    tpu.vector_store %arg13[%swap3A_65, %swap3A_66], %add3A_64 {strides = array<i32>} : memref<2000x128xf32, #tpu.memory_space<vmem>>, vector<2000x128xf32>,
    return
  }
  func.func @transform_0(%arg0: i32) -> (i32, i32) {
    %c0_i32 = arith.constant 0 : i32
    %c0_i32_0 = arith.constant 0 : i32
    return %arg0, %c0_i32 : i32, i32
  }
  func.func @transform_1(%arg0: i32) -> (i32, i32) {
    %c0_i32 = arith.constant 0 : i32
    %c0_i32_0 = arith.constant 0 : i32
    return %arg0, %c0_i32 : i32, i32
  }
  func.func @transform_2(%arg0: i32) -> (i32, i32) {
    %c0_i32 = arith.constant 0 : i32
    %c0_i32_0 = arith.constant 0 : i32
    return %arg0, %c0_i32 : i32, i32
  }
  func.func @transform_3(%arg0: i32) -> (i32, i32) {
    %c0_i32 = arith.constant 0 : i32
    %c0_i32_0 = arith.constant 0 : i32
    return %arg0, %c0_i32 : i32, i32
  }
  func.func @transform_4(%arg0: i32) -> (i32, i32) {
    %c0_i32 = arith.constant 0 : i32
    %c0_i32_0 = arith.constant 0 : i32
    return %arg0, %c0_i32 : i32, i32
  }
  func.func @transform_5(%arg0: i32) -> (i32, i32) {
    %c0_i32 = arith.constant 0 : i32
    %c0_i32_0 = arith.constant 0 : i32
    %c0_i32_1 = arith.constant 0 : i32
    return %c0_i32, %c0_i32_0 : i32, i32
  }
  func.func @transform_6(%arg0: i32) -> (i32, i32) {
    %c0_i32 = arith.constant 0 : i32
    %c0_i32_0 = arith.constant 0 : i32
    %c0_i32_1 = arith.constant 0 : i32
    return %c0_i32, %c0_i32_0 : i32, i32
  }
  func.func @transform_7(%arg0: i32) -> (i32, i32) {
    %c0_i32 = arith.constant 0 : i32
    %c0_i32_0 = arith.constant 0 : i32
    %c0_i32_1 = arith.constant 0 : i32
    return %c0_i32, %c0_i32_0 : i32, i32
  }
  func.func @transform_8(%arg0: i32) -> (i32, i32) {
    %c0_i32 = arith.constant 0 : i32
    %c0_i32_0 = arith.constant 0 : i32
    %c0_i32_1 = arith.constant 0 : i32
    return %c0_i32, %c0_i32_0 : i32, i32
  }
  func.func @transform_9(%arg0: i32) -> (i32, i32) {
    %c0_i32 = arith.constant 0 : i32
    %c0_i32_0 = arith.constant 0 : i32
    %c0_i32_1 = arith.constant 0 : i32
    return %c0_i32, %c0_i32_0 : i32, i32
  }
  func.func @transform_10(%arg0: i32) -> (i32, i32) {
    %c0_i32 = arith.constant 0 : i32
    %c0_i32_0 = arith.constant 0 : i32
    %c0_i32_1 = arith.constant 0 : i32
    return %c0_i32, %c0_i32_0 : i32, i32
  }
  func.func @transform_11(%arg0: i32) -> (i32, i32) {
    %c0_i32 = arith.constant 0 : i32
    %c0_i32_0 = arith.constant 0 : i32
    return %arg0, %c0_i32 : i32, i32
  }
  func.func @transform_12(%arg0: i32) -> (i32, i32) {
    %c0_i32 = arith.constant 0 : i32
    %c0_i32_0 = arith.constant 0 : i32
    return %arg0, %c0_i32 : i32, i32
  }
}

module attributes {stable_mosaic.version = 14 : i64} {
  func.func @_final_body(%arg0: i32, %arg1: memref<2000x128xf32, #tpu.memory_space<vmem>>, %arg2: memref<2000x128xf32, #tpu.memory_space<vmem>>, %arg3: memref<2000x128xf32, #tpu.memory_space<vmem>>, %arg4: memref<2000x128xf32, #tpu.memory_space<vmem>>, %arg5: memref<2000x128xf32, #tpu.memory_space<vmem>>, %arg6: memref<1x128xf32, #tpu.memory_space<vmem>>, %arg7: memref<1x128xf32, #tpu.memory_space<vmem>>, %arg8: memref<128x128xf32, #tpu.memory_space<vmem>>, %arg9: memref<1x128xf32, #tpu.memory_space<vmem>>, %arg10: memref<2000x1xi32, #tpu.memory_space<vmem>>, %arg11: memref<64x128xf32, #tpu.memory_space<vmem>>, %arg12: memref<64x128xf32, #tpu.memory_space<vmem>>, %arg13: memref<64x128xf32, #tpu.memory_space<vmem>>) attributes {dimension_semantics = [#tpu.dimension_semantics<arbitrary>], iteration_bounds = array<i64: 5>, scalar_prefetch = 0 : i64, scratch_operands = 2 : i64, tpu.core_type = #tpu.core_type<tc>, window_params = [{transform_indices = @transform_0, window_bounds = array<i64: 2000, 128>}, {transform_indices = @transform_1, window_bounds = array<i64: 2000, 128>}, {transform_indices = @transform_2, window_bounds = array<i64: 2000, 128>}, {transform_indices = @transform_3, window_bounds = array<i64: 2000, 128>}, {transform_indices = @transform_4, window_bounds = array<i64: 2000, 128>}, {pipeline_mode = #tpu.pipeline_mode<synchronous>, transform_indices = @transform_5, window_bounds = array<i64: 1, 128>}, {pipeline_mode = #tpu.pipeline_mode<synchronous>, transform_indices = @transform_6, window_bounds = array<i64: 1, 128>}, {pipeline_mode = #tpu.pipeline_mode<synchronous>, transform_indices = @transform_7, window_bounds = array<i64: 128, 128>}, {pipeline_mode = #tpu.pipeline_mode<synchronous>, transform_indices = @transform_8, window_bounds = array<i64: 1, 128>}, {transform_indices = @transform_9, window_bounds = array<i64: 2000, 1>}, {pipeline_mode = #tpu.pipeline_mode<synchronous>, transform_indices = @transform_10, window_bounds = array<i64: 64, 128>}]} {
    %eq3A = arith.constant 0 : i32
    %eq3A_0 = arith.cmpi eq, %arg0, %eq3A : i32
    %convert_element_type3A = arith.extui %eq3A_0 : i1 to i32
    %cond3A = arith.constant 0 : i32
    %cond3A_1 = arith.cmpi ne, %convert_element_type3A, %cond3A : i32
    scf.if %cond3A_1 {
      %broadcast_in_dim3A_86 = arith.constant 0.000000e+00 : f32
      %broadcast_in_dim3A_87 = vector.broadcast %broadcast_in_dim3A_86 : f32 to vector<64x128xf32>
      %swap3A_88 = arith.constant 0 : index
      %swap3A_89 = arith.constant 0 : index
      %swap3A_90 = vector.load %arg12[%swap3A_88, %swap3A_89] : memref<64x128xf32, #tpu.memory_space<vmem>>, vector<64x128xf32>
      tpu.vector_store %arg12[%swap3A_88, %swap3A_89], %broadcast_in_dim3A_87 {strides = array<i32>} : memref<64x128xf32, #tpu.memory_space<vmem>>, vector<64x128xf32>,
      %broadcast_in_dim3A_91 = arith.constant 0.000000e+00 : f32
      %broadcast_in_dim3A_92 = vector.broadcast %broadcast_in_dim3A_91 : f32 to vector<64x128xf32>
      %swap3A_93 = arith.constant 0 : index
      %swap3A_94 = arith.constant 0 : index
      %swap3A_95 = vector.load %arg13[%swap3A_93, %swap3A_94] : memref<64x128xf32, #tpu.memory_space<vmem>>, vector<64x128xf32>
      tpu.vector_store %arg13[%swap3A_93, %swap3A_94], %broadcast_in_dim3A_92 {strides = array<i32>} : memref<64x128xf32, #tpu.memory_space<vmem>>, vector<64x128xf32>,
    } else {
    }
    %get3A = arith.constant 0 : index
    %get3A_2 = arith.constant 0 : index
    %get3A_3 = vector.load %arg1[%get3A, %get3A_2] : memref<2000x128xf32, #tpu.memory_space<vmem>>, vector<2000x128xf32>
    %get3A_4 = arith.constant 0 : index
    %get3A_5 = arith.constant 0 : index
    %get3A_6 = vector.load %arg2[%get3A_4, %get3A_5] : memref<2000x128xf32, #tpu.memory_space<vmem>>, vector<2000x128xf32>
    %add3A = arith.addf %get3A_3, %get3A_6 : vector<2000x128xf32>
    %get3A_7 = arith.constant 0 : index
    %get3A_8 = arith.constant 0 : index
    %get3A_9 = vector.load %arg3[%get3A_7, %get3A_8] : memref<2000x128xf32, #tpu.memory_space<vmem>>, vector<2000x128xf32>
    %add3A_10 = arith.addf %add3A, %get3A_9 : vector<2000x128xf32>
    %get3A_11 = arith.constant 0 : index
    %get3A_12 = arith.constant 0 : index
    %get3A_13 = vector.load %arg4[%get3A_11, %get3A_12] : memref<2000x128xf32, #tpu.memory_space<vmem>>, vector<2000x128xf32>
    %get3A_14 = arith.constant 0 : index
    %get3A_15 = arith.constant 0 : index
    %get3A_16 = vector.load %arg5[%get3A_14, %get3A_15] : memref<2000x128xf32, #tpu.memory_space<vmem>>, vector<2000x128xf32>
    %add3A_17 = arith.addf %get3A_13, %get3A_16 : vector<2000x128xf32>
    %add3A_18 = arith.addf %add3A_10, %add3A_17 : vector<2000x128xf32>
    %get3A_19 = arith.constant 0 : index
    %get3A_20 = arith.constant 0 : index
    %get3A_21 = vector.load %arg6[%get3A_19, %get3A_20] : memref<1x128xf32, #tpu.memory_space<vmem>>, vector<1x128xf32>
    %get3A_22 = arith.constant 0 : index
    %get3A_23 = arith.constant 0 : index
    %get3A_24 = vector.load %arg7[%get3A_22, %get3A_23] : memref<1x128xf32, #tpu.memory_space<vmem>>, vector<1x128xf32>
    %reduce_sum3A = arith.constant dense<0.000000e+00> : vector<2000xf32>
    %reduce_sum3A_25 = vector.multi_reduction <add>, %add3A_18, %reduce_sum3A [1] : vector<2000x128xf32> to vector<2000xf32>
    %broadcast_in_dim3A = vector.shape_cast %reduce_sum3A_25 : vector<2000xf32> to vector<2000x1xf32>
    %div3A = arith.constant 1.280000e+02 : f32
    %div3A_26 = vector.broadcast %div3A : f32 to vector<2000x1xf32>
    %div3A_27 = arith.divf %broadcast_in_dim3A, %div3A_26 : vector<2000x1xf32>
    %sub3A = vector.broadcast %div3A_27 : vector<2000x1xf32> to vector<2000x128xf32>
    %sub3A_28 = arith.subf %add3A_18, %sub3A : vector<2000x128xf32>
    %mul3A = arith.mulf %sub3A_28, %sub3A_28 : vector<2000x128xf32>
    %reduce_sum3A_29 = arith.constant dense<0.000000e+00> : vector<2000xf32>
    %reduce_sum3A_30 = vector.multi_reduction <add>, %mul3A, %reduce_sum3A_29 [1] : vector<2000x128xf32> to vector<2000xf32>
    %broadcast_in_dim3A_31 = vector.shape_cast %reduce_sum3A_30 : vector<2000xf32> to vector<2000x1xf32>
    %div3A_32 = arith.constant 1.280000e+02 : f32
    %div3A_33 = vector.broadcast %div3A_32 : f32 to vector<2000x1xf32>
    %div3A_34 = arith.divf %broadcast_in_dim3A_31, %div3A_33 : vector<2000x1xf32>
    %add3A_35 = arith.constant 9.99999974E-6 : f32
    %add3A_36 = vector.broadcast %add3A_35 : f32 to vector<2000x1xf32>
    %add3A_37 = arith.addf %div3A_34, %add3A_36 : vector<2000x1xf32>
    %rsqrt3A = math.rsqrt %add3A_37 : vector<2000x1xf32>
    %mul3A_38 = vector.broadcast %rsqrt3A : vector<2000x1xf32> to vector<2000x128xf32>
    %mul3A_39 = arith.mulf %sub3A_28, %mul3A_38 : vector<2000x128xf32>
    %mul3A_40 = vector.broadcast %get3A_21 : vector<1x128xf32> to vector<2000x128xf32>
    %mul3A_41 = arith.mulf %mul3A_39, %mul3A_40 : vector<2000x128xf32>
    %add3A_42 = vector.broadcast %get3A_24 : vector<1x128xf32> to vector<2000x128xf32>
    %add3A_43 = arith.addf %mul3A_41, %add3A_42 : vector<2000x128xf32>
    %max3A = arith.constant 0.000000e+00 : f32
    %max3A_44 = vector.broadcast %max3A : f32 to vector<2000x128xf32>
    %max3A_45 = arith.maximumf %add3A_43, %max3A_44 : vector<2000x128xf32>
    %get3A_46 = arith.constant 0 : index
    %get3A_47 = arith.constant 0 : index
    %get3A_48 = vector.load %arg8[%get3A_46, %get3A_47] : memref<128x128xf32, #tpu.memory_space<vmem>>, vector<128x128xf32>
    %dot_general3A = arith.constant dense<0.000000e+00> : vector<2000x128xf32>
    %dot_general3A_49 = tpu.matmul %max3A_45, %get3A_48, %dot_general3A {dimension_numbers = #tpu.dot_dimension_numbers<[1], [0], [0], [1], [0, 0, 1, 1], [], []>, transpose_lhs_hint = false} : vector<2000x128xf32>, vector<128x128xf32>, vector<2000x128xf32> -> vector<2000x128xf32>
    %get3A_50 = arith.constant 0 : index
    %get3A_51 = arith.constant 0 : index
    %get3A_52 = vector.load %arg9[%get3A_50, %get3A_51] : memref<1x128xf32, #tpu.memory_space<vmem>>, vector<1x128xf32>
    %add3A_53 = vector.broadcast %get3A_52 : vector<1x128xf32> to vector<2000x128xf32>
    %add3A_54 = arith.addf %dot_general3A_49, %add3A_53 : vector<2000x128xf32>
    %get3A_55 = arith.constant 0 : index
    %get3A_56 = arith.constant 0 : index
    %get3A_57 = vector.load %arg10[%get3A_55, %get3A_56] : memref<2000x1xi32, #tpu.memory_space<vmem>>, vector<2000x1xi32>
    %iota3A = tpu.iota {dimensions = array<i32: 1>} : vector<2000x64xi32>
    %eq3A_58 = vector.broadcast %get3A_57 : vector<2000x1xi32> to vector<2000x64xi32>
    %eq3A_59 = arith.cmpi eq, %eq3A_58, %iota3A : vector<2000x64xi32>
    %convert_element_type3A_60 = arith.extui %eq3A_59 : vector<2000x64xi1> to vector<2000x64xi32>
    %convert_element_type3A_61 = arith.sitofp %convert_element_type3A_60 : vector<2000x64xi32> to vector<2000x64xf32>
    %get3A_62 = arith.constant 0 : index
    %get3A_63 = arith.constant 0 : index
    %get3A_64 = vector.load %arg12[%get3A_62, %get3A_63] : memref<64x128xf32, #tpu.memory_space<vmem>>, vector<64x128xf32>
    %dot_general3A_65 = arith.constant dense<0.000000e+00> : vector<64x128xf32>
    %dot_general3A_66 = tpu.matmul %convert_element_type3A_61, %add3A_54, %dot_general3A_65 {dimension_numbers = #tpu.dot_dimension_numbers<[0], [0], [1], [1], [0, 1, 1, 1], [], []>, transpose_lhs_hint = false} : vector<2000x64xf32>, vector<2000x128xf32>, vector<64x128xf32> -> vector<64x128xf32>
    %add3A_67 = arith.addf %get3A_64, %dot_general3A_66 : vector<64x128xf32>
    %swap3A = arith.constant 0 : index
    %swap3A_68 = arith.constant 0 : index
    %swap3A_69 = vector.load %arg12[%swap3A, %swap3A_68] : memref<64x128xf32, #tpu.memory_space<vmem>>, vector<64x128xf32>
    tpu.vector_store %arg12[%swap3A, %swap3A_68], %add3A_67 {strides = array<i32>} : memref<64x128xf32, #tpu.memory_space<vmem>>, vector<64x128xf32>,
    %get3A_70 = arith.constant 0 : index
    %get3A_71 = arith.constant 0 : index
    %get3A_72 = vector.load %arg13[%get3A_70, %get3A_71] : memref<64x128xf32, #tpu.memory_space<vmem>>, vector<64x128xf32>
    %broadcast_in_dim3A_73 = arith.constant 1.000000e+00 : f32
    %broadcast_in_dim3A_74 = vector.broadcast %broadcast_in_dim3A_73 : f32 to vector<2000x128xf32>
    %dot_general3A_75 = arith.constant dense<0.000000e+00> : vector<64x128xf32>
    %dot_general3A_76 = tpu.matmul %convert_element_type3A_61, %broadcast_in_dim3A_74, %dot_general3A_75 {dimension_numbers = #tpu.dot_dimension_numbers<[0], [0], [1], [1], [0, 1, 1, 1], [], []>, transpose_lhs_hint = false} : vector<2000x64xf32>, vector<2000x128xf32>, vector<64x128xf32> -> vector<64x128xf32>
    %add3A_77 = arith.addf %get3A_72, %dot_general3A_76 : vector<64x128xf32>
    %swap3A_78 = arith.constant 0 : index
    %swap3A_79 = arith.constant 0 : index
    %swap3A_80 = vector.load %arg13[%swap3A_78, %swap3A_79] : memref<64x128xf32, #tpu.memory_space<vmem>>, vector<64x128xf32>
    tpu.vector_store %arg13[%swap3A_78, %swap3A_79], %add3A_77 {strides = array<i32>} : memref<64x128xf32, #tpu.memory_space<vmem>>, vector<64x128xf32>,
    %eq3A_81 = arith.constant 4 : i32
    %eq3A_82 = arith.cmpi eq, %arg0, %eq3A_81 : i32
    %convert_element_type3A_83 = arith.extui %eq3A_82 : i1 to i32
    %cond3A_84 = arith.constant 0 : i32
    %cond3A_85 = arith.cmpi ne, %convert_element_type3A_83, %cond3A_84 : i32
    scf.if %cond3A_85 {
      %get3A_86 = arith.constant 0 : index
      %get3A_87 = arith.constant 0 : index
      %get3A_88 = vector.load %arg12[%get3A_86, %get3A_87] : memref<64x128xf32, #tpu.memory_space<vmem>>, vector<64x128xf32>
      %get3A_89 = arith.constant 0 : index
      %get3A_90 = arith.constant 0 : index
      %get3A_91 = vector.load %arg13[%get3A_89, %get3A_90] : memref<64x128xf32, #tpu.memory_space<vmem>>, vector<64x128xf32>
      %max3A_92 = arith.constant 1.000000e+00 : f32
      %max3A_93 = vector.broadcast %max3A_92 : f32 to vector<64x128xf32>
      %max3A_94 = arith.maximumf %get3A_91, %max3A_93 : vector<64x128xf32>
      %div3A_95 = arith.divf %get3A_88, %max3A_94 : vector<64x128xf32>
      %swap3A_96 = arith.constant 0 : index
      %swap3A_97 = arith.constant 0 : index
      %swap3A_98 = vector.load %arg11[%swap3A_96, %swap3A_97] : memref<64x128xf32, #tpu.memory_space<vmem>>, vector<64x128xf32>
      tpu.vector_store %arg11[%swap3A_96, %swap3A_97], %div3A_95 {strides = array<i32>} : memref<64x128xf32, #tpu.memory_space<vmem>>, vector<64x128xf32>,
    } else {
    }
    return
  }
  func.func @transform_0(%arg0: i32) -> (i32, i32) {
    %c0_i32 = arith.constant 0 : i32
    %c0_i32_0 = arith.constant 0 : i32
    return %arg0, %c0_i32 : i32, i32
  }
  func.func @transform_1(%arg0: i32) -> (i32, i32) {
    %c0_i32 = arith.constant 0 : i32
    %c0_i32_0 = arith.constant 0 : i32
    return %arg0, %c0_i32 : i32, i32
  }
  func.func @transform_2(%arg0: i32) -> (i32, i32) {
    %c0_i32 = arith.constant 0 : i32
    %c0_i32_0 = arith.constant 0 : i32
    return %arg0, %c0_i32 : i32, i32
  }
  func.func @transform_3(%arg0: i32) -> (i32, i32) {
    %c0_i32 = arith.constant 0 : i32
    %c0_i32_0 = arith.constant 0 : i32
    return %arg0, %c0_i32 : i32, i32
  }
  func.func @transform_4(%arg0: i32) -> (i32, i32) {
    %c0_i32 = arith.constant 0 : i32
    %c0_i32_0 = arith.constant 0 : i32
    return %arg0, %c0_i32 : i32, i32
  }
  func.func @transform_5(%arg0: i32) -> (i32, i32) {
    %c0_i32 = arith.constant 0 : i32
    %c0_i32_0 = arith.constant 0 : i32
    %c0_i32_1 = arith.constant 0 : i32
    return %c0_i32, %c0_i32_0 : i32, i32
  }
  func.func @transform_6(%arg0: i32) -> (i32, i32) {
    %c0_i32 = arith.constant 0 : i32
    %c0_i32_0 = arith.constant 0 : i32
    %c0_i32_1 = arith.constant 0 : i32
    return %c0_i32, %c0_i32_0 : i32, i32
  }
  func.func @transform_7(%arg0: i32) -> (i32, i32) {
    %c0_i32 = arith.constant 0 : i32
    %c0_i32_0 = arith.constant 0 : i32
    %c0_i32_1 = arith.constant 0 : i32
    return %c0_i32, %c0_i32_0 : i32, i32
  }
  func.func @transform_8(%arg0: i32) -> (i32, i32) {
    %c0_i32 = arith.constant 0 : i32
    %c0_i32_0 = arith.constant 0 : i32
    %c0_i32_1 = arith.constant 0 : i32
    return %c0_i32, %c0_i32_0 : i32, i32
  }
  func.func @transform_9(%arg0: i32) -> (i32, i32) {
    %c0_i32 = arith.constant 0 : i32
    %c0_i32_0 = arith.constant 0 : i32
    return %arg0, %c0_i32 : i32, i32
  }
  func.func @transform_10(%arg0: i32) -> (i32, i32) {
    %c0_i32 = arith.constant 0 : i32
    %c0_i32_0 = arith.constant 0 : i32
    %c0_i32_1 = arith.constant 0 : i32
    return %c0_i32, %c0_i32_0 : i32, i32
  }
}

</mosaic_0001>

<sc_bundles>
// kernel: kernel.15.cloned.1.call-start
scs
__scs_entry_jumppad:
0x0: {  	(pc) =	sbr.rel $0x88, $3  }
0x1: {  	(tag) =	ssettag $0x0;
	lr =	simm.s32 $0x1  }
0x2: {  	[smem:$0x3F8B] =	sst lr;
	_ =	strace $0xD0000000  }
0x3: {  	_ = 	snop  }
0x4: {  	_ = 	snop  }
0x5: {  	_ = 	snop  }
0x6: {  	_ = 	snop  }
0x7: {  	_ = 	snop  }
__scs_overlays_trampoline_lowered:
0x8: {  	[smem:$0x3F9A] =	sst s0  }
0x9: {  	[smem:$0x3F9B] =	sst s1  }
0xa: {  	[smem:$0x3F9C] =	sst s2  }
0xb: {  	[smem:$0x3F9D] =	sst s3  }
0xc: {  	[smem:$0x3F9E] =	sst s4  }
0xd: {  	[smem:$0x3F9F] =	sst s5  }
0xe: {  	[smem:$0x3FA0] =	sst s6  }
0xf: {  	[smem:$0x3FA1] =	sst s7  }
0x10: {  	[smem:$0x3FA2] =	sst s8  }
0x11: {  	[smem:$0x3FA3] =	sst s9;
	s0 =	simm.s32 @!p0 $0x0  }
0x12: {  	s1 =	sld [smem:$0x3F89];
	s0 =	simm.s32 @p0 $0x1  }
0x13: {  	[smem:$0x3FA4] =	sst s0;
	s0 =	simm.s32 @!p1 $0x0  }
0x14: {  	s2 =	sld [smem:$0x3F88];
	s0 =	simm.s32 @p1 $0x1  }
0x15: {  	[smem:$0x3FA5] =	sst s0;
	s0 =	simm.s32 @!p2 $0x0  }
0x16: {  	s3 =	sld [smem:$0x3FDB];
	s0 =	simm.s32 @p2 $0x1  }
0x17: {  	s4 =	simm.s32 $0x1BF5;
	[smem:$0x3FA7] =	sst s0  }
0x18: {  	s0 =	sld [smem:$0x3F8A];
	_ =	swait.ge [sflag:s4], $0x0  }
0x19: {  	s7 =	sld [smem:$0x3F8B]  }
0x1a: {  	s8 =	sadd.s32 $0xFFFFE003, lr  }
0x1b: {  	s9 =	sadd.s32 $0xFFFFFEF7, lr;
	s5 =	simm.s32 $0xFFFFFFFF;
	p2 =	slt.u32 s8, $0xFFFFF086  }
0x1c: {  	p1 =	slt.u32 s9, $0xF7A;
	s5 =	simm.s32 @!p2 $0x0  }
0x1d: {  	s5 =	simm.s32 @p1 $0x1;
	p0 =	seq.s32 s7, s2  }
0x1e: {  	s7 =	smul.u32 @!p0 $0xF7A, s2;
	p2 =	seq.s32 @!p0 s5, $0x0  }
0x1f: {  	s9 =	smul.u32 $0xF7A, s1;
	s8 =	simm.s32 @!p0 $0x1BF5;
	p2 =	por !p2, p0  }
0x20: {  	[sflag:s8] =	ssyncset.s32 @!p0 $0xFFFFF086;
	s6 =	sadd.s32 @!p0 s3, s7;
	s7 =	simm.s32 @!p0 $0x108  }
0x21: {  	s3 =	sadd.s32 s3, s9;
	s6 =	sadd.s32 @!p0 $0x88, s6;
	s7 =	simm.s32 @p2 $0x1082  }
0x22: {  	[simem:s7], [sflag:s8] =	dma.local @!p0 [hbm:s6], $0xF7A  }
0x23: {  	s9 =	sor.u32 $0xD0000000, s2;
	s6 =	simm.s32 $0x108;
	_ =	swait.ge @!p0 [sflag:s8], $0x0  }
0x24: {  	s3 =	sadd.s32 $0x88, s3;
	s6 =	simm.s32 @!p1 $0x1082;
	[sflag:s4] =	ssyncset.s32 $0xFFFFF086  }
0x25: {  	[simem:s6], [sflag:s4] =	dma.local [hbm:s3], $0xF7A  }
0x26: {  	[smem:$0x3F8B] =	sst s1;
	(tag) =	ssettag s2;
	_ =	strace s9  }
0x27: {  	s1 =	sld [smem:$0x3F9B]  }
0x28: {  	s2 =	sld [smem:$0x3F9C]  }
0x29: {  	s4 =	sld [smem:$0x3F9E]  }
0x2a: {  	p0 =	seq.s32 s5, $0x0;
	s5 =	sld [smem:$0x3F9F]  }
0x2b: {  	s6 =	sld [smem:$0x3FA0]  }
0x2c: {  	s7 =	sld [smem:$0x3FA1]  }
0x2d: {  	s3 =	simm.s32 $0x108;
	s8 =	sld [smem:$0x3FA2]  }
0x2e: {  	s3 =	simm.s32 @!p0 $0x1082;
	s9 =	sld [smem:$0x3FA3]  }
0x2f: {  	lr =	sadd.s32 s0, s3;
	s0 =	sld [smem:$0x3F9A]  }
0x30: {  	s3 =	sld [smem:$0x3F9D]  }
0x31: {  	[smem:$0x3FA6] =	sst s10  }
0x32: {  	s10 =	sld [smem:$0x3FA4];
	_ =	sdelay $0x3  }
0x33: {  	p0 =	seq.s32 s10, $0x1;
	s10 =	sld [smem:$0x3FA6];
	_ =	sdelay $0x3  }
0x34: {  	[smem:$0x3FA6] =	sst s10  }
0x35: {  	s10 =	sld [smem:$0x3FA5];
	_ =	sdelay $0x3  }
0x36: {  	p1 =	seq.s32 s10, $0x1;
	s10 =	sld [smem:$0x3FA6];
	_ =	sdelay $0x3  }
0x37: {  	[smem:$0x3FA6] =	sst s10  }
0x38: {  	s10 =	sld [smem:$0x3FA7]  }
0x39: {  	_ = 	snop;
	(pc) =	sbr.ind lr, $3  }
0x3a: {  	_ = 	snop  }
0x3b: {  	_ = 	snop  }
0x3c: {  	p2 =	seq.s32 s10, $0x1;
	s10 =	sld [smem:$0x3FA6]  }
0x3d: {  	_ =	shalt  }
0x3e: {  	_ =	shalt  }
0x3f: {  	_ =	shalt  }
0x40: {  	_ =	shalt  }
0x41: {  	_ =	shalt  }
0x42: {  	_ =	shalt  }
0x43: {  	_ =	shalt  }
0x44: {  	_ =	shalt  }
0x45: {  	_ =	shalt  }
0x46: {  	_ =	shalt  }
0x47: {  	_ =	shalt  }
0x48: {  	_ =	shalt  }
0x49: {  	_ =	shalt  }
0x4a: {  	_ =	shalt  }
0x4b: {  	_ =	shalt  }
0x4c: {  	_ =	shalt  }
0x4d: {  	_ =	shalt  }
0x4e: {  	_ =	shalt  }
0x4f: {  	_ =	shalt  }
0x50: {  	_ =	shalt  }
0x51: {  	_ =	shalt  }
0x52: {  	_ =	shalt  }
0x53: {  	_ =	shalt  }
0x54: {  	_ =	shalt  }
0x55: {  	_ =	shalt  }
0x56: {  	_ =	shalt  }
0x57: {  	_ =	shalt  }
0x58: {  	_ =	shalt  }
0x59: {  	_ =	shalt  }
0x5a: {  	_ =	shalt  }
0x5b: {  	_ =	shalt  }
0x5c: {  	_ =	shalt  }
0x5d: {  	_ =	shalt  }
0x5e: {  	_ =	shalt  }
0x5f: {  	_ =	shalt  }
0x60: {  	_ =	shalt  }
0x61: {  	_ =	shalt  }
0x62: {  	_ =	shalt  }
0x63: {  	_ =	shalt  }
0x64: {  	_ =	shalt  }
0x65: {  	_ =	shalt  }
0x66: {  	_ =	shalt  }
0x67: {  	_ =	shalt  }
0x68: {  	_ =	shalt  }
0x69: {  	_ =	shalt  }
0x6a: {  	_ =	shalt  }
0x6b: {  	_ =	shalt  }
0x6c: {  	_ =	shalt  }
0x6d: {  	_ =	shalt  }
0x6e: {  	_ =	shalt  }
0x6f: {  	_ =	shalt  }
0x70: {  	_ =	shalt  }
0x71: {  	_ =	shalt  }
0x72: {  	_ =	shalt  }
0x73: {  	_ =	shalt  }
0x74: {  	_ =	shalt  }
0x75: {  	_ =	shalt  }
0x76: {  	_ =	shalt  }
0x77: {  	_ =	shalt  }
0x78: {  	_ =	shalt  }
0x79: {  	_ =	shalt  }
0x7a: {  	_ =	shalt  }
0x7b: {  	_ =	shalt  }
0x7c: {  	_ =	shalt  }
0x7d: {  	_ =	shalt  }
0x7e: {  	_ =	shalt  }
0x7f: {  	_ =	shalt  }
0x80: {  	_ =	shalt  }
0x81: {  	_ =	shalt  }
0x82: {  	_ =	shalt  }
0x83: {  	_ =	shalt  }
0x84: {  	_ =	shalt  }
0x85: {  	_ =	shalt  }
0x86: {  	_ =	shalt  }
0x87: {  	_ =	shalt  }
.Lfunc_end0:
.L_simem_size_0:
called_computation_lowered:
.L_overlay_start_0:
0x88: {  	s2 =	sld [smem:$0x3FD9]  }
0x89: {  	s3 =	sld [smem:$0x3FFE];
	_ =	sdelay $0x1  }
0x8a: {  	s1 =	srdreg.scid  }
0x8b: {  	s0 =	sand.u32 $0x1, s1  }
0x8c: {  	s16 =	sshll.u32 s0, $0xA;
	s2 =	sadd.s32 s3, s2  }
0x8d: {  	s2 =	sadd.s32 s2, s16  }
0x8e: {  	[smem:$0x3FB2] =	sst s2  }
0x8f: {  	_ = 	snop  }
0x90: {  	(tm) =	ssettm $0x1  }
0x91: {  	s17 =	sld [smem:$0x3FFB];
	_ =	sdelay $0x3  }
0x92: {  	_ =	strace s17  }
0x93: {  	s2 =	sld [smem:$0x3FFC];
	_ =	sdelay $0x3  }
0x94: {  	_ =	strace s2  }
0x95: {  	s2 =	sld [smem:$0x3FFD];
	_ =	sdelay $0x3  }
0x96: {  	_ =	strace s2  }
0x97: {  	_ =	strace $0x8FFFFFFF  }
0x98: {  	s18 =	sld [smem:$0x3FDB];
	_ =	sdelay $0x1  }
0x99: {  	s19 =	simm.s32 $_scs_section_size  }
0x9a: {  	s4 =	simm.s32 $_size__tile_overlayer_lowered;
	s5 =	simm.s32 $_tile_overlayer_lowered  }
0x9b: {  	s22 =	simm.s32 $0x1BFF;
	s21 =	sshll.u32 s5, $0x1;
	s2 =	sadd.s32 s19, s18  }
0x9c: {  	s6 =	simm.s32 $0x0;
	s20 =	sshll.u32 s4, $0x1;
	s4 =	sadd.s32 s21, s2  }
0x9d: {  	[timem:s6], [sflag:s22] =	dma.local [hbm:s4], s20  }
0x9e: {  	_ =	swait.ge [sflag:s22], s20  }
0x9f: {  	s3 =	ssub.s32 $0x0, s20;
	[sflag:s22] =	ssyncset.done $0x0  }
0xa0: {  	[sflag:s22] =	ssyncadd.s32 s3;
	_ =	sdelay $0x1  }
0xa1: {  	s23 =	simm.s32 $0x1B8B  }
0xa2: {  	_ =	swait.ge [sflag:s23], $0x1  }
0xa3: {  	[sflag:s23] =	ssyncset.done $0x0  }
0xa4: {  	s25 =	simm.s32 $0x1B8E;
	s24 =	sld [smem:$0x3FFE];
	[sflag:s23] =	ssyncadd.s32 $0xFFFFFFFF  }
0xa5: {  	s26 =	simm.s32 $execute0_lowered;
	[smem:$0x3FD2] =	sst s25  }
0xa6: {  	s4 =	sshll.u32 s26, $0x1;
	_ =	strace $0x80000046;
	[dreg:$0x1] =	wrdreg $0xFFFFFFFF  }
0xa7: {  	s28 =	simm.s32 $_size_execute0_lowered;
	s2 =	sadd.s32 s2, s4;
	[dreg:$0x0] =	wrdreg $0x0  }
0xa8: {  	s4 =	sshll.u32 s28, $0x1;
	[dreg:$0x2] =	wrdreg s2  }
0xa9: {  	[dreg:$0x3] =	wrdreg s4  }
0xaa: {  	[dreg:$0x4] =	wrdreg $0xC0  }
0xab: {  	_ =	task [dreg:s6], $0x5FFFF  }
0xac: {  	[dreg:$0x1] =	wrdreg $0xFFFFFFFF  }
0xad: {  	[dreg:$0x0] =	wrdreg $0x60  }
0xae: {  	[dreg:$0x2] =	wrdreg s24  }
0xaf: {  	[dreg:$0x3] =	wrdreg $0xA8000  }
0xb0: {  	[dreg:$0x4] =	wrdreg $0x9  }
0xb1: {  	_ =	task.clear_ibuf [dreg:s6], $0x5FFFF;
	_ =	strace $0x90000046  }
0xb2: {  	s29 =	simm.s32 $0x9;
	_ =	strace $0x80000048  }
0xb3: {  	_ =	swait.ge [sflag:s29], $0x1  }
0xb4: {  	[sflag:s29] =	ssyncadd.s32 $0xFFFFFFFF  }
0xb5: {  	_ =	strace $0x90000048  }
0xb6: {  	_ =	sfence  }
0xb7: {  	s30 =	sld [smem:$0x0];
	_ =	sdelay $0x2  }
0xb8: {  	s31 =	sshll.u32 s1, $0xD;
	s1 =	sshrl.u32 s1, $0x2  }
0xb9: {  	s3 =	sand.u32 $0x4000, s31;
	s1 =	sadd.s32 s1, s30  }
0xba: {  	s0 =	sor.u32 s3, s0;
	s1 =	sshll.u32 s1, $0x11  }
0xbb: {  	s0 =	sor.u32 s1, s0  }
0xbc: {  	s0 =	sadd.s32 $0x8F2B, s0  }
0xbd: {  	[sflag:s0] =	ssyncadd.remote.s32 $0x1  }
0xbe: {  	_ =	sfence.sel $0xFFFF  }
0xbf: {  	[dreg:$0x0] =	wrdreg $0xFFFFFFFF;
	(pc) =	sbr.abs _section_cstart, $3  }
0xc0: {  	[dreg:$0x1] =	wrdreg $0xFFFFFFFF  }
0xc1: {  	_ =	task.clear_ibuf [dreg:s6], $0x2FFFF;
	_ =	strace $0x9FFFFFFF  }
0xc2: {  	(tm) =	ssettm $0x7FFFFFFF  }
0xc3: {  	_ =	shalt  }
tec
execute0_lowered:
.L_overlay_start_1:
0x0: {  	(tag) =	ssettag $0x1  }
0x1: {  	s4 =	rddreg [dreg:$0x0]  }
0x2: {  	s2 =	rddreg [dreg:$0x1];
	s1 =	stileid.u32  }
0x3: {  	s3 =	srdreg.scid;
	s0 =	rddreg [dreg:$0x2]  }
0x4: {  	s17 =	simm.s32 $0x1;
	s18 =	simm.s32 $0x3;
	s19 =	simm.s32 $0x2  }
0x5: {  	s20 =	simm.s32 $0x4;
	s21 =	simm.s32 $0x0;
	s6 =	smul.u32 $0x2800, s1  }
0x6: {  	s9 =	sand.u32 $0x1, s3;
	s5 =	sshll.u32 s1, $0x1;
	s10 =	smul.u32 $0x50000, s1  }
0x7: {  	s3 =	simm.s32 $0x0;
	s11 =	sadd.s32 $0x68E00, s4;
	s15 =	smul.u32 $0x280000, s1  }
0x8: {  	s26 =	sshll.u32 s1, $0x6;
	s5 =	sor.u32 s9, s5;
	s16 =	smul.u32 $0x140000, s9  }
0x9: {  	[smem:$0x7FF] =	sst s3;
	s8 =	ssub.s32 $0x2, s9;
	s28 =	smul.u32 $0x28000, s9  }
0xa: {  	s7 =	smul.u32 $0x500, s5;
	_ =	strace $0x80000047;
	s6 =	sadd.s32 s6, s4  }
0xb: {  	s25 =	sshrl.u32 s8, $0x1;
	s12 =	sshrl.u32 s10, $0x2;
	s13 =	smul.u32 $0x140000, s5  }
0xc: {  	s14 =	smul.u32 $0x28000, s5;
	s5 =	sor.u32 $0x1C05, s26;
	s10 =	sadd.s32 s10, s11  }
0xd: {  	s8 =	ssub.s32 s8, s25;
	s12 =	sadd.s32 s12, s2;
	s30 =	sadd.s32 s16, s15  }
0xe: {  	s10 =	sadd.s32 s28, s10;
	s15 =	simm.s32 $0x2800;
	s16 =	simm.s32 $0x6800  }
0xf: {  	s7 =	sadd.s32 s7, s4;
	s4 =	sadd.s32 $0x19C00, s6;
	s13 =	sshrl.u32 s13, $0x3  }
0x10: {  	s29 =	sadd.s32 s14, s11;
	s31 =	sshrl.u32 s30, $0x3;
	s10 =	sadd.s32 $0x800, s10  }
0x11: {  	s12 =	sshrl.u32 s12, $0x3;
	s14 =	simm.s32 $0x80;
	s6 =	sadd.s32 $0xFC00, s7  }
0x12: {  	s13 =	sadd.s32 s11, s13;
	s7 =	smax.u32 s8, $0x1;
	s9 =	sadd.s32 $0x27800, s29  }
0x13: {  	s11 =	sadd.s32 s31, s11;
	s8 =	sadd.s32 $0x27000, s13;
	s13 =	simm.s32 $0x5  }
.LBB2_1:
0x14: {  	[spmem:s12], [sflag:s5] =	dma.local [hbm:s4], $0x2800  }
0x15: {  	_ =	swait.ge [sflag:s13], $0x2800  }
0x16: {  	[sflag:s13] =	ssyncset.done $0x0  }
0x17: {  	[sflag:s13] =	ssyncadd.s32 $0xFFFFD800  }
0x18: {  	[tilespmem:s3], [sflag:$0x5] =	stream.linear.gather [hbm4b:s6+s3], $0x2800, $0x38;
	[tilespmem:$0x1E800] =	vst v63  }
0x19: {  	_ =	swait.ge [sflag:s13], $0x2800  }
0x1a: {  	[sflag:s13] =	ssyncset.done $0x0  }
0x1b: {  	[sflag:s13] =	ssyncadd.s32 $0xFFFFD800  }
0x1c: {  	[bflag:$0x0] =	sbarrier.arrive $0xFFFF  }
0x1d: {  	[tilespmem:s15], [sflag:$0x1] =	stream.indirect.gather [spmem:s2], $0x80, s3, s14, $0xb8;
	[tilespmem:$0x1E800] =	vst v63  }
0x1e: {  	_ = 	snop  }
0x1f: {  	[tilespmem:s16], [sflag:$0x2] =	stream.indirect.gather [spmem:s2], $0x80, s14, s14, $0xb8;
	[tilespmem:$0x1E800] =	vst v63  }
0x20: {  	_ =	swait.ge [sflag:s17], $0x4000  }
0x21: {  	[sflag:s17] =	ssyncset.done $0x0  }
0x22: {  	s22 =	sadd.s32 $0x0, s11;
	[sflag:s17] =	ssyncadd.s32 $0xFFFFC000  }
0x23: {  	[hbm4b:s22+s3] =	stream.linear.scatter [tilespmem:s15], [sflag:$0x3], $0x4000, $0x38;
	[tilespmem:$0x1E800] =	vst v63  }
0x24: {  	_ =	swait.ge [sflag:s18], $0x4000  }
0x25: {  	[sflag:s18] =	ssyncset.done $0x0  }
0x26: {  	s30 =	simm.s32 $0x100;
	[sflag:s18] =	ssyncadd.s32 $0xFFFFC000  }
0x27: {  	[tilespmem:s15], [sflag:$0x1] =	stream.indirect.gather [spmem:s2], $0x80, s30, s14, $0xb8;
	[tilespmem:$0x1E800] =	vst v63  }
0x28: {  	_ =	swait.ge [sflag:s19], $0x4000  }
0x29: {  	[sflag:s19] =	ssyncset.done $0x0  }
0x2a: {  	s31 =	sadd.s32 $0x0, s10;
	[sflag:s19] =	ssyncadd.s32 $0xFFFFC000  }
0x2b: {  	[hbm4b:s31+s3] =	stream.linear.scatter [tilespmem:s16], [sflag:$0x4], $0x4000, $0x38;
	[tilespmem:$0x1E800] =	vst v63  }
0x2c: {  	_ =	swait.ge [sflag:s20], $0x4000  }
0x2d: {  	s23 =	simm.s32 $0x1000;
	[sflag:s20] =	ssyncset.done $0x0  }
0x2e: {  	s24 =	simm.s32 $0x280;
	s22 =	simm.s32 $0x180;
	[sflag:s20] =	ssyncadd.s32 $0xFFFFC000  }
.LBB2_2:
0x2f: {  	[tilespmem:s16], [sflag:$0x2] =	stream.indirect.gather [spmem:s2], $0x80, s22, s14, $0xb8;
	[tilespmem:$0x1E800] =	vst v63  }
0x30: {  	s25 =	smov.u32 s23;
	s22 =	smov.u32 s24  }
0x31: {  	p0 =	sne.s32 s23, $0x26000;
	s23 =	sadd.s32 $0x1000, s23;
	_ =	swait.ge [sflag:s17], $0x4000  }
0x32: {  	[sflag:s17] =	ssyncset.done $0x0  }
0x33: {  	s26 =	sadd.s32 s25, s11;
	[sflag:s17] =	ssyncadd.s32 $0xFFFFC000  }
0x34: {  	[hbm4b:s26+s3] =	stream.linear.scatter [tilespmem:s15], [sflag:$0x3], $0x4000, $0x38;
	[tilespmem:$0x1E800] =	vst v63  }
0x35: {  	_ =	swait.ge [sflag:s18], $0x4000  }
0x36: {  	[sflag:s18] =	ssyncset.done $0x0  }
0x37: {  	s26 =	sadd.s32 $0xFFFFFF80, s24;
	[sflag:s18] =	ssyncadd.s32 $0xFFFFC000  }
0x38: {  	[tilespmem:s15], [sflag:$0x1] =	stream.indirect.gather [spmem:s2], $0x80, s26, s14, $0xb8;
	[tilespmem:$0x1E800] =	vst v63  }
0x39: {  	_ =	swait.ge [sflag:s19], $0x4000  }
0x3a: {  	[sflag:s19] =	ssyncset.done $0x0  }
.Ltmp0:
0x3b: {  	s25 =	sadd.s32 s25, s10;
	[sflag:s19] =	ssyncadd.s32 $0xFFFFC000;
	(pc) =	sbr.rel @p0 .LBB2_2-.Ltmp0, $4  }
0x3c: {  	[hbm4b:s25+s3] =	stream.linear.scatter [tilespmem:s16], [sflag:$0x4], $0x4000, $0x38;
	[tilespmem:$0x1E800] =	vst v63  }
0x3d: {  	_ =	swait.ge [sflag:s20], $0x4000  }
0x3e: {  	[sflag:s20] =	ssyncset.done $0x0  }
0x3f: {  	s24 =	sadd.s32 $0x100, s24;
	[sflag:s20] =	ssyncadd.s32 $0xFFFFC000  }
0x40: {  	[tilespmem:s16], [sflag:$0x2] =	stream.indirect.gather [spmem:s2], $0x80, s22, s14, $0xb8;
	[tilespmem:$0x1E800] =	vst v63  }
0x41: {  	_ =	swait.ge [sflag:s17], $0x4000  }
0x42: {  	[sflag:s17] =	ssyncset.done $0x0  }
0x43: {  	[sflag:s17] =	ssyncadd.s32 $0xFFFFC000  }
0x44: {  	[hbm4b:s8+s3] =	stream.linear.scatter [tilespmem:s15], [sflag:$0x3], $0x4000, $0x38;
	[tilespmem:$0x1E800] =	vst v63  }
0x45: {  	_ =	swait.ge [sflag:s19], $0x4000  }
0x46: {  	[sflag:s19] =	ssyncset.done $0x0  }
0x47: {  	s21 =	sadd.s32 $0x1, s21;
	[sflag:s19] =	ssyncadd.s32 $0xFFFFC000  }
0x48: {  	[hbm4b:s9+s3] =	stream.linear.scatter [tilespmem:s16], [sflag:$0x4], $0x4000, $0x38;
	[tilespmem:$0x1E800] =	vst v63  }
0x49: {  	p0 =	sne.s32 s21, s7;
	_ =	swait.ge [sflag:s18], $0x4000  }
.Ltmp1:
0x4a: {  	[sflag:s18] =	ssyncset.done $0x0;
	(pc) =	sbr.rel @p0 .LBB2_1-.Ltmp1, $4  }
0x4b: {  	[sflag:s18] =	ssyncadd.s32 $0xFFFFC000  }
0x4c: {  	_ =	swait.ge [sflag:s20], $0x4000  }
0x4d: {  	[sflag:s20] =	ssyncset.done $0x0  }
0x4e: {  	[sflag:s20] =	ssyncadd.s32 $0xFFFFC000  }
0x4f: {  	_ =	sfence.sel $0x180000  }
0x50: {  	[bflag:$0x0] =	sbarrier.arrive $0xFFFF  }
0x51: {  	p0 =	sne.s32 s1, $0x0;
	_ =	strace $0x90000047  }
0x52: {  	s0 =	sadd.s32 @!p0 $0x100000, s0;
	[bflag:$0x2] =	sbarrier.arrive $0xFFFF  }
0x53: {  	[sflag:s0] =	ssyncadd.tile.s32 @!p0 $0x1;
	_ =	shalt  }
.Lfunc_end2:
_tile_overlayer_lowered:
.L_overlay_start_2:
0x54: {  	(tag) =	ssettag $0x2  }
0x55: {  	s0 =	rddreg [dreg:$0x0];
	s2 =	stileid.u32  }
0x56: {  	s1 =	rddreg [dreg:$0x1];
	p0 =	sne.s32 s2, $0x0  }
0x57: {  	s3 =	rddreg [dreg:$0x2];
	[bflag:$0x3] =	sbarrier.arrive $0xFFFF;
	s2 =	simm.s32 @!p0 $0x1C05  }
0x58: {  	[timem:s3], [sflag:s2] =	dma.local @!p0 [hbm:s0], s1  }
0x59: {  	s0 =	simm.s32 @!p0 $0x5  }
0x5a: {  	_ =	swait.ge @!p0 [sflag:s0], s1  }
0x5b: {  	s1 =	ssub.s32 @!p0 $0x0, s1;
	[sflag:s0] =	ssyncset.done @!p0 $0x0  }
0x5c: {  	[sflag:s0] =	ssyncadd.s32 @!p0 s1  }
0x5d: {  	[bflag:$0x3] =	sbarrier.arrive $0xFFFF  }
0x5e: {  	_ =	shalt  }

// kernel: kernel.18.cloned.1.call-start
scs
__scs_entry_jumppad:
0x0: {  	(pc) =	sbr.rel $0x88, $3  }
0x1: {  	(tag) =	ssettag $0x0;
	lr =	simm.s32 $0x1  }
0x2: {  	[smem:$0x3F8B] =	sst lr;
	_ =	strace $0xD0000000  }
0x3: {  	_ = 	snop  }
0x4: {  	_ = 	snop  }
0x5: {  	_ = 	snop  }
0x6: {  	_ = 	snop  }
0x7: {  	_ = 	snop  }
__scs_overlays_trampoline_lowered:
0x8: {  	[smem:$0x3F9A] =	sst s0  }
0x9: {  	[smem:$0x3F9B] =	sst s1  }
0xa: {  	[smem:$0x3F9C] =	sst s2  }
0xb: {  	[smem:$0x3F9D] =	sst s3  }
0xc: {  	[smem:$0x3F9E] =	sst s4  }
0xd: {  	[smem:$0x3F9F] =	sst s5  }
0xe: {  	[smem:$0x3FA0] =	sst s6  }
0xf: {  	[smem:$0x3FA1] =	sst s7  }
0x10: {  	[smem:$0x3FA2] =	sst s8  }
0x11: {  	[smem:$0x3FA3] =	sst s9;
	s0 =	simm.s32 @!p0 $0x0  }
0x12: {  	s1 =	sld [smem:$0x3F89];
	s0 =	simm.s32 @p0 $0x1  }
0x13: {  	[smem:$0x3FA4] =	sst s0;
	s0 =	simm.s32 @!p1 $0x0  }
0x14: {  	s2 =	sld [smem:$0x3F88];
	s0 =	simm.s32 @p1 $0x1  }
0x15: {  	[smem:$0x3FA5] =	sst s0;
	s0 =	simm.s32 @!p2 $0x0  }
0x16: {  	s3 =	sld [smem:$0x3FDB];
	s0 =	simm.s32 @p2 $0x1  }
0x17: {  	s4 =	simm.s32 $0x1BF5;
	[smem:$0x3FA7] =	sst s0  }
0x18: {  	s0 =	sld [smem:$0x3F8A];
	_ =	swait.ge [sflag:s4], $0x0  }
0x19: {  	s7 =	sld [smem:$0x3F8B]  }
0x1a: {  	s8 =	sadd.s32 $0xFFFFE003, lr  }
0x1b: {  	s9 =	sadd.s32 $0xFFFFFEF7, lr;
	s5 =	simm.s32 $0xFFFFFFFF;
	p2 =	slt.u32 s8, $0xFFFFF086  }
0x1c: {  	p1 =	slt.u32 s9, $0xF7A;
	s5 =	simm.s32 @!p2 $0x0  }
0x1d: {  	s5 =	simm.s32 @p1 $0x1;
	p0 =	seq.s32 s7, s2  }
0x1e: {  	s7 =	smul.u32 @!p0 $0xF7A, s2;
	p2 =	seq.s32 @!p0 s5, $0x0  }
0x1f: {  	s9 =	smul.u32 $0xF7A, s1;
	s8 =	simm.s32 @!p0 $0x1BF5;
	p2 =	por !p2, p0  }
0x20: {  	[sflag:s8] =	ssyncset.s32 @!p0 $0xFFFFF086;
	s6 =	sadd.s32 @!p0 s3, s7;
	s7 =	simm.s32 @!p0 $0x108  }
0x21: {  	s3 =	sadd.s32 s3, s9;
	s6 =	sadd.s32 @!p0 $0x88, s6;
	s7 =	simm.s32 @p2 $0x1082  }
0x22: {  	[simem:s7], [sflag:s8] =	dma.local @!p0 [hbm:s6], $0xF7A  }
0x23: {  	s9 =	sor.u32 $0xD0000000, s2;
	s6 =	simm.s32 $0x108;
	_ =	swait.ge @!p0 [sflag:s8], $0x0  }
0x24: {  	s3 =	sadd.s32 $0x88, s3;
	s6 =	simm.s32 @!p1 $0x1082;
	[sflag:s4] =	ssyncset.s32 $0xFFFFF086  }
0x25: {  	[simem:s6], [sflag:s4] =	dma.local [hbm:s3], $0xF7A  }
0x26: {  	[smem:$0x3F8B] =	sst s1;
	(tag) =	ssettag s2;
	_ =	strace s9  }
0x27: {  	s1 =	sld [smem:$0x3F9B]  }
0x28: {  	s2 =	sld [smem:$0x3F9C]  }
0x29: {  	s4 =	sld [smem:$0x3F9E]  }
0x2a: {  	p0 =	seq.s32 s5, $0x0;
	s5 =	sld [smem:$0x3F9F]  }
0x2b: {  	s6 =	sld [smem:$0x3FA0]  }
0x2c: {  	s7 =	sld [smem:$0x3FA1]  }
0x2d: {  	s3 =	simm.s32 $0x108;
	s8 =	sld [smem:$0x3FA2]  }
0x2e: {  	s3 =	simm.s32 @!p0 $0x1082;
	s9 =	sld [smem:$0x3FA3]  }
0x2f: {  	lr =	sadd.s32 s0, s3;
	s0 =	sld [smem:$0x3F9A]  }
0x30: {  	s3 =	sld [smem:$0x3F9D]  }
0x31: {  	[smem:$0x3FA6] =	sst s10  }
0x32: {  	s10 =	sld [smem:$0x3FA4];
	_ =	sdelay $0x3  }
0x33: {  	p0 =	seq.s32 s10, $0x1;
	s10 =	sld [smem:$0x3FA6];
	_ =	sdelay $0x3  }
0x34: {  	[smem:$0x3FA6] =	sst s10  }
0x35: {  	s10 =	sld [smem:$0x3FA5];
	_ =	sdelay $0x3  }
0x36: {  	p1 =	seq.s32 s10, $0x1;
	s10 =	sld [smem:$0x3FA6];
	_ =	sdelay $0x3  }
0x37: {  	[smem:$0x3FA6] =	sst s10  }
0x38: {  	s10 =	sld [smem:$0x3FA7]  }
0x39: {  	_ = 	snop;
	(pc) =	sbr.ind lr, $3  }
0x3a: {  	_ = 	snop  }
0x3b: {  	_ = 	snop  }
0x3c: {  	p2 =	seq.s32 s10, $0x1;
	s10 =	sld [smem:$0x3FA6]  }
0x3d: {  	_ =	shalt  }
0x3e: {  	_ =	shalt  }
0x3f: {  	_ =	shalt  }
0x40: {  	_ =	shalt  }
0x41: {  	_ =	shalt  }
0x42: {  	_ =	shalt  }
0x43: {  	_ =	shalt  }
0x44: {  	_ =	shalt  }
0x45: {  	_ =	shalt  }
0x46: {  	_ =	shalt  }
0x47: {  	_ =	shalt  }
0x48: {  	_ =	shalt  }
0x49: {  	_ =	shalt  }
0x4a: {  	_ =	shalt  }
0x4b: {  	_ =	shalt  }
0x4c: {  	_ =	shalt  }
0x4d: {  	_ =	shalt  }
0x4e: {  	_ =	shalt  }
0x4f: {  	_ =	shalt  }
0x50: {  	_ =	shalt  }
0x51: {  	_ =	shalt  }
0x52: {  	_ =	shalt  }
0x53: {  	_ =	shalt  }
0x54: {  	_ =	shalt  }
0x55: {  	_ =	shalt  }
0x56: {  	_ =	shalt  }
0x57: {  	_ =	shalt  }
0x58: {  	_ =	shalt  }
0x59: {  	_ =	shalt  }
0x5a: {  	_ =	shalt  }
0x5b: {  	_ =	shalt  }
0x5c: {  	_ =	shalt  }
0x5d: {  	_ =	shalt  }
0x5e: {  	_ =	shalt  }
0x5f: {  	_ =	shalt  }
0x60: {  	_ =	shalt  }
0x61: {  	_ =	shalt  }
0x62: {  	_ =	shalt  }
0x63: {  	_ =	shalt  }
0x64: {  	_ =	shalt  }
0x65: {  	_ =	shalt  }
0x66: {  	_ =	shalt  }
0x67: {  	_ =	shalt  }
0x68: {  	_ =	shalt  }
0x69: {  	_ =	shalt  }
0x6a: {  	_ =	shalt  }
0x6b: {  	_ =	shalt  }
0x6c: {  	_ =	shalt  }
0x6d: {  	_ =	shalt  }
0x6e: {  	_ =	shalt  }
0x6f: {  	_ =	shalt  }
0x70: {  	_ =	shalt  }
0x71: {  	_ =	shalt  }
0x72: {  	_ =	shalt  }
0x73: {  	_ =	shalt  }
0x74: {  	_ =	shalt  }
0x75: {  	_ =	shalt  }
0x76: {  	_ =	shalt  }
0x77: {  	_ =	shalt  }
0x78: {  	_ =	shalt  }
0x79: {  	_ =	shalt  }
0x7a: {  	_ =	shalt  }
0x7b: {  	_ =	shalt  }
0x7c: {  	_ =	shalt  }
0x7d: {  	_ =	shalt  }
0x7e: {  	_ =	shalt  }
0x7f: {  	_ =	shalt  }
0x80: {  	_ =	shalt  }
0x81: {  	_ =	shalt  }
0x82: {  	_ =	shalt  }
0x83: {  	_ =	shalt  }
0x84: {  	_ =	shalt  }
0x85: {  	_ =	shalt  }
0x86: {  	_ =	shalt  }
0x87: {  	_ =	shalt  }
.Lfunc_end0:
.L_simem_size_0:
called_computation.1_lowered:
.L_overlay_start_0:
0x88: {  	s2 =	sld [smem:$0x3FD9]  }
0x89: {  	s3 =	sld [smem:$0x3FFE];
	_ =	sdelay $0x1  }
0x8a: {  	s1 =	srdreg.scid  }
0x8b: {  	s0 =	sand.u32 $0x1, s1  }
0x8c: {  	s17 =	sshll.u32 s0, $0xA;
	s2 =	sadd.s32 s3, s2  }
0x8d: {  	s2 =	sadd.s32 s2, s17  }
0x8e: {  	[smem:$0x3FB2] =	sst s2  }
0x8f: {  	_ = 	snop  }
0x90: {  	(tm) =	ssettm $0x1  }
0x91: {  	s18 =	sld [smem:$0x3FFB];
	_ =	sdelay $0x3  }
0x92: {  	_ =	strace s18  }
0x93: {  	s2 =	sld [smem:$0x3FFC];
	_ =	sdelay $0x3  }
0x94: {  	_ =	strace s2  }
0x95: {  	s2 =	sld [smem:$0x3FFD];
	_ =	sdelay $0x3  }
0x96: {  	_ =	strace s2  }
0x97: {  	_ =	strace $0x8FFFFFFF  }
0x98: {  	s19 =	sld [smem:$0x3FDB];
	_ =	sdelay $0x1  }
0x99: {  	s20 =	simm.s32 $_scs_section_size  }
0x9a: {  	s4 =	simm.s32 $_size__tile_overlayer_lowered;
	s5 =	simm.s32 $_tile_overlayer_lowered  }
0x9b: {  	s6 =	simm.s32 $0x1BFF;
	s21 =	sshll.u32 s5, $0x1;
	s3 =	sadd.s32 s20, s19  }
0x9c: {  	s22 =	simm.s32 $0x0;
	s4 =	sshll.u32 s4, $0x1;
	s5 =	sadd.s32 s21, s3  }
0x9d: {  	[timem:s22], [sflag:s6] =	dma.local [hbm:s5], s4  }
0x9e: {  	_ =	swait.ge [sflag:s6], s4  }
0x9f: {  	s4 =	ssub.s32 $0x0, s4;
	[sflag:s6] =	ssyncset.done $0x0  }
0xa0: {  	[sflag:s6] =	ssyncadd.s32 s4;
	_ =	sdelay $0x1  }
0xa1: {  	s23 =	simm.s32 $0x1B8B  }
0xa2: {  	_ =	swait.ge [sflag:s23], $0x1  }
0xa3: {  	[sflag:s23] =	ssyncset.done $0x0  }
0xa4: {  	[sflag:s23] =	ssyncadd.s32 $0xFFFFFFFF  }
0xa5: {  	s4 =	sld [smem:$0x0]  }
0xa6: {  	s5 =	sand.u32 $0xFFFFFFFE, s1  }
0xa7: {  	p0 =	sne.s32 s1, s5  }
0xa8: {  	s5 =	sshll.u32 @p0 s5, $0xE  }
0xa9: {  	s5 =	sadd.s32 @p0 $0x11B8D, s5;
	s6 =	sshll.u32 @p0 s4, $0x11  }
0xaa: {  	s5 =	sor.u32 @p0 s6, s5  }
0xab: {  	[sflag:s5] =	ssyncadd.remote.s32 @p0 $0x1;
	_ =	sdelay $0x1  }
0xac: {  	s5 =	simm.s32 @p0 $0x1B8D  }
0xad: {  	_ =	swait.eq @p0 [sflag:s5], $0x1  }
0xae: {  	[sflag:s5] =	ssyncadd.s32 @p0 $0xFFFFFFFF  }
0xaf: {  	s6 =	sshll.u32 @!p0 s1, $0xE  }
0xb0: {  	s6 =	sor.u32 @!p0 $0x4000, s6;
	s5 =	simm.s32 @!p0 $0x1B8D  }
0xb1: {  	s4 =	sshll.u32 @!p0 s4, $0x11;
	s6 =	sadd.s32 @!p0 $0x11B8D, s6;
	_ =	swait.eq @!p0 [sflag:s5], $0x1  }
0xb2: {  	s4 =	sor.u32 @!p0 s4, s6;
	[sflag:s5] =	ssyncadd.s32 @!p0 $0xFFFFFFFF  }
0xb3: {  	s25 =	simm.s32 $0x1B8E;
	s24 =	sld [smem:$0x3FFE];
	[sflag:s4] =	ssyncadd.remote.s32 @!p0 $0x1  }
0xb4: {  	s26 =	simm.s32 $execute0_lowered;
	[smem:$0x3FD2] =	sst s25  }
0xb5: {  	s5 =	sshll.u32 s26, $0x1;
	_ =	strace $0x8000004C;
	[dreg:$0x1] =	wrdreg $0xFFFFFFFF  }
0xb6: {  	s28 =	simm.s32 $_size_execute0_lowered;
	s3 =	sadd.s32 s3, s5;
	[dreg:$0x0] =	wrdreg $0x0  }
0xb7: {  	s5 =	sshll.u32 s28, $0x1;
	[dreg:$0x2] =	wrdreg s3  }
0xb8: {  	[dreg:$0x3] =	wrdreg s5  }
0xb9: {  	[dreg:$0x4] =	wrdreg $0xC0  }
0xba: {  	_ =	task [dreg:s22], $0x5FFFF  }
0xbb: {  	[dreg:$0x1] =	wrdreg $0xFFFFFFFF  }
0xbc: {  	[dreg:$0x0] =	wrdreg $0x60  }
0xbd: {  	[dreg:$0x2] =	wrdreg s24  }
0xbe: {  	[dreg:$0x3] =	wrdreg $0x94000  }
0xbf: {  	[dreg:$0x4] =	wrdreg $0x9  }
0xc0: {  	_ =	task.clear_ibuf [dreg:s22], $0x5FFFF;
	_ =	strace $0x9000004C  }
0xc1: {  	s29 =	simm.s32 $0x9;
	_ =	strace $0x8000004E  }
0xc2: {  	_ =	swait.ge [sflag:s29], $0x1  }
0xc3: {  	[sflag:s29] =	ssyncadd.s32 $0xFFFFFFFF  }
0xc4: {  	_ =	strace $0x9000004E  }
0xc5: {  	_ =	sfence  }
0xc6: {  	s30 =	sld [smem:$0x0];
	_ =	sdelay $0x2  }
0xc7: {  	s31 =	sshll.u32 s1, $0xD;
	s1 =	sshrl.u32 s1, $0x2  }
0xc8: {  	s4 =	sand.u32 $0x4000, s31;
	s1 =	sadd.s32 s1, s30  }
0xc9: {  	s0 =	sor.u32 s4, s0;
	s1 =	sshll.u32 s1, $0x11  }
0xca: {  	s0 =	sor.u32 s1, s0  }
0xcb: {  	s0 =	sadd.s32 $0x8F2B, s0  }
0xcc: {  	[sflag:s0] =	ssyncadd.remote.s32 $0x1  }
0xcd: {  	_ =	sfence.sel $0xFFFF  }
0xce: {  	[dreg:$0x0] =	wrdreg $0xFFFFFFFF;
	(pc) =	sbr.abs _section_cstart, $3  }
0xcf: {  	[dreg:$0x1] =	wrdreg $0xFFFFFFFF  }
0xd0: {  	_ =	task.clear_ibuf [dreg:s22], $0x2FFFF;
	_ =	strace $0x9FFFFFFF  }
0xd1: {  	(tm) =	ssettm $0x7FFFFFFF  }
tec
execute0_lowered:
.L_overlay_start_1:
0x0: {  	(tag) =	ssettag $0x1  }
0x1: {  	s1 =	srdreg.scid;
	s5 =	rddreg [dreg:$0x0]  }
0x2: {  	s0 =	stileid.u32;
	s2 =	rddreg [dreg:$0x1]  }
0x3: {  	s3 =	simm.s32 $0x0;
	s16 =	simm.s32 $0x5400;
	s17 =	simm.s32 $0x1  }
0x4: {  	s18 =	simm.s32 $0x80;
	s19 =	simm.s32 $0x2;
	s20 =	simm.s32 $0x1300  }
0x5: {  	s21 =	simm.s32 $0x1380;
	s4 =	sand.u32 $0x1, s1;
	s8 =	smul.u32 $0x14000, s0  }
0x6: {  	s22 =	sshll.u32 s0, $0x1;
	s1 =	rddreg [dreg:$0x2];
	s11 =	smul.u32 $0x50000, s0  }
0x7: {  	[smem:$0x7FF] =	sst s3;
	s12 =	sadd.s32 $0xF4AE00, s5;
	s26 =	smul.u32 $0x140000, s0  }
0x8: {  	s28 =	sshll.u32 s0, $0x6;
	s6 =	sor.u32 s4, s22;
	s9 =	smul.u32 $0x140000, s4  }
0x9: {  	_ =	strace $0x8000004D;
	s23 =	ssub.s32 $0x2, s4;
	s29 =	smul.u32 $0xA0000, s4  }
0xa: {  	s22 =	simm.s32 $0x0;
	s7 =	smul.u32 $0x280, s6;
	s10 =	sshrl.u32 s8, $0x3  }
0xb: {  	s24 =	sshrl.u32 s23, $0x1;
	s6 =	smul.u32 $0x14000, s6;
	s25 =	sshrl.u32 s11, $0x2  }
0xc: {  	s10 =	sadd.s32 s10, s5;
	s8 =	sadd.s32 s8, s9;
	s14 =	ssub.s32 s23, s24  }
0xd: {  	s15 =	sadd.s32 s25, s2;
	s30 =	sadd.s32 s29, s26;
	s7 =	sadd.s32 s7, s5  }
0xe: {  	s8 =	sshrl.u32 s8, $0x3;
	s4 =	sadd.s32 $0x19C00, s10;
	s6 =	sadd.s32 s12, s6  }
0xf: {  	s11 =	sor.u32 $0xC000, s30;
	s31 =	sor.u32 $0x8000, s30;
	s10 =	smax.u32 s14, $0x1  }
0x10: {  	s14 =	simm.s32 $0x3;
	s13 =	sadd.s32 s8, s5;
	s5 =	sor.u32 $0x1C03, s28  }
0x11: {  	s7 =	sadd.s32 $0x838E00, s7;
	s8 =	sadd.s32 $0x800, s6;
	s11 =	sshrl.u32 s11, $0x3  }
0x12: {  	s9 =	sadd.s32 $0x83DE00, s13;
	s13 =	sshrl.u32 s31, $0x3;
	s11 =	sadd.s32 s11, s12  }
0x13: {  	s12 =	sadd.s32 s13, s12;
	s13 =	sshrl.u32 s15, $0x3;
	s15 =	simm.s32 $0x1400  }
.LBB2_1:
0x14: {  	[spmem:s13], [sflag:s5] =	dma.local [hbm:s4], $0x2800  }
0x15: {  	_ =	swait.ge [sflag:s14], $0x2800  }
0x16: {  	[sflag:s14] =	ssyncset.done $0x0  }
0x17: {  	[sflag:s14] =	ssyncadd.s32 $0xFFFFD800  }
0x18: {  	[tilespmem:s3], [sflag:$0x3] =	stream.linear.gather [hbm4b:s7+s3], $0x1400, $0x38;
	[tilespmem:$0x1D400] =	vst v63  }
0x19: {  	_ =	swait.ge [sflag:s14], $0x1400  }
0x1a: {  	[sflag:s14] =	ssyncset.done $0x0  }
0x1b: {  	[sflag:s14] =	ssyncadd.s32 $0xFFFFEC00  }
0x1c: {  	[bflag:$0x0] =	sbarrier.arrive $0xFFFF  }
0x1d: {  	[tilespmem:s15], [sflag:$0x1] =	stream.linear.gather [hbm4b:s6+s3], $0x4000, $0x38;
	[tilespmem:$0x1D400] =	vst v63  }
0x1e: {  	_ = 	snop  }
0x1f: {  	[tilespmem:s16], [sflag:$0x2] =	stream.linear.gather [hbm4b:s8+s3], $0x4000, $0x38;
	[tilespmem:$0x1D400] =	vst v63  }
0x20: {  	_ =	swait.ge [sflag:s17], $0x4000  }
0x21: {  	[sflag:s17] =	ssyncset.done $0x0  }
0x22: {  	s23 =	simm.s32 $0x0;
	[sflag:s17] =	ssyncadd.s32 $0xFFFFC000  }
0x23: {  	[spmem:s2] =	stream.indirect.scatter.add.f32 [tilespmem:s15], [sflag:$0x3], $0x80, s23, s18, $0xb8;
	[tilespmem:$0x1D400] =	vst v63  }
0x24: {  	_ =	swait.ge [sflag:s14], $0x4000  }
0x25: {  	[sflag:s14] =	ssyncset.done $0x0  }
0x26: {  	s31 =	sadd.s32 $0x0, s12;
	[sflag:s14] =	ssyncadd.s32 $0xFFFFC000  }
0x27: {  	[tilespmem:s15], [sflag:$0x1] =	stream.linear.gather [hbm4b:s31+s3], $0x4000, $0x38;
	[tilespmem:$0x1D400] =	vst v63  }
0x28: {  	_ =	swait.ge [sflag:s19], $0x4000  }
0x29: {  	[sflag:s19] =	ssyncset.done $0x0  }
0x2a: {  	[sflag:s19] =	ssyncadd.s32 $0xFFFFC000  }
0x2b: {  	[spmem:s2] =	stream.indirect.scatter.add.f32 [tilespmem:s16], [sflag:$0x3], $0x80, s18, s18, $0xb8;
	[tilespmem:$0x1D400] =	vst v63  }
0x2c: {  	_ =	swait.ge [sflag:s14], $0x4000  }
0x2d: {  	s25 =	sadd.s32 $0x0, s11;
	[sflag:s14] =	ssyncset.done $0x0  }
0x2e: {  	s24 =	simm.s32 $0x180;
	s23 =	simm.s32 $0x1000;
	[sflag:s14] =	ssyncadd.s32 $0xFFFFC000  }
.LBB2_2:
0x2f: {  	[tilespmem:s16], [sflag:$0x2] =	stream.linear.gather [hbm4b:s25+s3], $0x4000, $0x38;
	[tilespmem:$0x1D400] =	vst v63  }
0x30: {  	s25 =	smov.u32 s23  }
0x31: {  	p0 =	sne.s32 s23, $0x12000;
	s23 =	sadd.s32 $0x1000, s23;
	_ =	swait.ge [sflag:s17], $0x4000  }
0x32: {  	[sflag:s17] =	ssyncset.done $0x0  }
0x33: {  	s26 =	sadd.s32 $0xFFFFFF80, s24;
	[sflag:s17] =	ssyncadd.s32 $0xFFFFC000  }
0x34: {  	[spmem:s2] =	stream.indirect.scatter.add.f32 [tilespmem:s15], [sflag:$0x3], $0x80, s26, s18, $0xb8;
	[tilespmem:$0x1D400] =	vst v63  }
0x35: {  	_ =	swait.ge [sflag:s14], $0x4000  }
0x36: {  	[sflag:s14] =	ssyncset.done $0x0  }
0x37: {  	s26 =	sadd.s32 s25, s12;
	[sflag:s14] =	ssyncadd.s32 $0xFFFFC000  }
0x38: {  	[tilespmem:s15], [sflag:$0x1] =	stream.linear.gather [hbm4b:s26+s3], $0x4000, $0x38;
	[tilespmem:$0x1D400] =	vst v63  }
0x39: {  	_ =	swait.ge [sflag:s19], $0x4000  }
0x3a: {  	[sflag:s19] =	ssyncset.done $0x0  }
.Ltmp0:
0x3b: {  	[sflag:s19] =	ssyncadd.s32 $0xFFFFC000;
	(pc) =	sbr.rel @p0 .LBB2_2-.Ltmp0, $4  }
0x3c: {  	[spmem:s2] =	stream.indirect.scatter.add.f32 [tilespmem:s16], [sflag:$0x3], $0x80, s24, s18, $0xb8;
	[tilespmem:$0x1D400] =	vst v63  }
0x3d: {  	_ =	swait.ge [sflag:s14], $0x4000  }
0x3e: {  	[sflag:s14] =	ssyncset.done $0x0  }
0x3f: {  	s25 =	sadd.s32 s25, s11;
	s24 =	sadd.s32 $0x100, s24;
	[sflag:s14] =	ssyncadd.s32 $0xFFFFC000  }
0x40: {  	[tilespmem:s16], [sflag:$0x2] =	stream.linear.gather [hbm4b:s25+s3], $0x4000, $0x38;
	[tilespmem:$0x1D400] =	vst v63  }
0x41: {  	_ =	swait.ge [sflag:s17], $0x4000  }
0x42: {  	[sflag:s17] =	ssyncset.done $0x0  }
0x43: {  	[sflag:s17] =	ssyncadd.s32 $0xFFFFC000  }
0x44: {  	[spmem:s2] =	stream.indirect.scatter.add.f32 [tilespmem:s15], [sflag:$0x3], $0x80, s20, s18, $0xb8;
	[tilespmem:$0x1D400] =	vst v63  }
0x45: {  	_ =	swait.ge [sflag:s14], $0x4000  }
0x46: {  	[sflag:s14] =	ssyncset.done $0x0  }
0x47: {  	[sflag:s14] =	ssyncadd.s32 $0xFFFFC000  }
0x48: {  	_ =	swait.ge [sflag:s19], $0x4000  }
0x49: {  	[sflag:s19] =	ssyncset.done $0x0  }
0x4a: {  	[sflag:s19] =	ssyncadd.s32 $0xFFFFC000  }
0x4b: {  	[spmem:s2] =	stream.indirect.scatter.add.f32 [tilespmem:s16], [sflag:$0x3], $0x80, s21, s18, $0xb8;
	[tilespmem:$0x1D400] =	vst v63  }
0x4c: {  	_ =	swait.ge [sflag:s14], $0x4000  }
0x4d: {  	s22 =	sadd.s32 $0x1, s22;
	[sflag:s14] =	ssyncset.done $0x0  }
0x4e: {  	p0 =	sne.s32 s22, s10;
	[sflag:s14] =	ssyncadd.s32 $0xFFFFC000  }
.Ltmp1:
0x4f: {  	[bflag:$0x0] =	sbarrier.arrive $0xFFFF;
	(pc) =	sbr.rel @p0 .LBB2_1-.Ltmp1, $4  }
0x50: {  	[hbm:s9], [sflag:s5] =	dma.local [spmem:s13], $0x2800  }
0x51: {  	_ =	swait.ge [sflag:s14], $0x2800  }
0x52: {  	[sflag:s14] =	ssyncset.done $0x0  }
0x53: {  	[sflag:s14] =	ssyncadd.s32 $0xFFFFD800  }
0x54: {  	_ =	sfence.sel $0x180000  }
0x55: {  	[bflag:$0x0] =	sbarrier.arrive $0xFFFF  }
0x56: {  	p0 =	sne.s32 s0, $0x0;
	_ =	strace $0x9000004D  }
0x57: {  	s0 =	sadd.s32 @!p0 $0x100000, s1;
	[bflag:$0x2] =	sbarrier.arrive $0xFFFF  }
0x58: {  	[sflag:s0] =	ssyncadd.tile.s32 @!p0 $0x1;
	_ =	shalt  }
.Lfunc_end2:
_tile_overlayer_lowered:
.L_overlay_start_2:
0x59: {  	(tag) =	ssettag $0x2  }
0x5a: {  	s0 =	rddreg [dreg:$0x0];
	s2 =	stileid.u32  }
0x5b: {  	s1 =	rddreg [dreg:$0x1];
	p0 =	sne.s32 s2, $0x0  }
0x5c: {  	s3 =	rddreg [dreg:$0x2];
	[bflag:$0x3] =	sbarrier.arrive $0xFFFF;
	s2 =	simm.s32 @!p0 $0x1C03  }
0x5d: {  	[timem:s3], [sflag:s2] =	dma.local @!p0 [hbm:s0], s1  }
0x5e: {  	s0 =	simm.s32 @!p0 $0x3  }
0x5f: {  	_ =	swait.ge @!p0 [sflag:s0], s1  }
0x60: {  	s1 =	ssub.s32 @!p0 $0x0, s1;
	[sflag:s0] =	ssyncset.done @!p0 $0x0  }
0x61: {  	[sflag:s0] =	ssyncadd.s32 @!p0 s1  }
0x62: {  	[bflag:$0x3] =	sbarrier.arrive $0xFFFF  }
0x63: {  	_ =	shalt  }

// kernel: kernel.21.cloned.1.call-start
scs
__scs_entry_jumppad:
0x0: {  	(pc) =	sbr.rel $0x88, $3  }
0x1: {  	(tag) =	ssettag $0x0;
	lr =	simm.s32 $0x1  }
0x2: {  	[smem:$0x3F8B] =	sst lr;
	_ =	strace $0xD0000000  }
0x3: {  	_ = 	snop  }
0x4: {  	_ = 	snop  }
0x5: {  	_ = 	snop  }
0x6: {  	_ = 	snop  }
0x7: {  	_ = 	snop  }
__scs_overlays_trampoline_lowered:
0x8: {  	[smem:$0x3F9A] =	sst s0  }
0x9: {  	[smem:$0x3F9B] =	sst s1  }
0xa: {  	[smem:$0x3F9C] =	sst s2  }
0xb: {  	[smem:$0x3F9D] =	sst s3  }
0xc: {  	[smem:$0x3F9E] =	sst s4  }
0xd: {  	[smem:$0x3F9F] =	sst s5  }
0xe: {  	[smem:$0x3FA0] =	sst s6  }
0xf: {  	[smem:$0x3FA1] =	sst s7  }
0x10: {  	[smem:$0x3FA2] =	sst s8  }
0x11: {  	[smem:$0x3FA3] =	sst s9;
	s0 =	simm.s32 @!p0 $0x0  }
0x12: {  	s1 =	sld [smem:$0x3F89];
	s0 =	simm.s32 @p0 $0x1  }
0x13: {  	[smem:$0x3FA4] =	sst s0;
	s0 =	simm.s32 @!p1 $0x0  }
0x14: {  	s2 =	sld [smem:$0x3F88];
	s0 =	simm.s32 @p1 $0x1  }
0x15: {  	[smem:$0x3FA5] =	sst s0;
	s0 =	simm.s32 @!p2 $0x0  }
0x16: {  	s3 =	sld [smem:$0x3FDB];
	s0 =	simm.s32 @p2 $0x1  }
0x17: {  	s4 =	simm.s32 $0x1BF5;
	[smem:$0x3FA7] =	sst s0  }
0x18: {  	s0 =	sld [smem:$0x3F8A];
	_ =	swait.ge [sflag:s4], $0x0  }
0x19: {  	s7 =	sld [smem:$0x3F8B]  }
0x1a: {  	s8 =	sadd.s32 $0xFFFFE003, lr  }
0x1b: {  	s9 =	sadd.s32 $0xFFFFFEF7, lr;
	s5 =	simm.s32 $0xFFFFFFFF;
	p2 =	slt.u32 s8, $0xFFFFF086  }
0x1c: {  	p1 =	slt.u32 s9, $0xF7A;
	s5 =	simm.s32 @!p2 $0x0  }
0x1d: {  	s5 =	simm.s32 @p1 $0x1;
	p0 =	seq.s32 s7, s2  }
0x1e: {  	s7 =	smul.u32 @!p0 $0xF7A, s2;
	p2 =	seq.s32 @!p0 s5, $0x0  }
0x1f: {  	s9 =	smul.u32 $0xF7A, s1;
	s8 =	simm.s32 @!p0 $0x1BF5;
	p2 =	por !p2, p0  }
0x20: {  	[sflag:s8] =	ssyncset.s32 @!p0 $0xFFFFF086;
	s6 =	sadd.s32 @!p0 s3, s7;
	s7 =	simm.s32 @!p0 $0x108  }
0x21: {  	s3 =	sadd.s32 s3, s9;
	s6 =	sadd.s32 @!p0 $0x88, s6;
	s7 =	simm.s32 @p2 $0x1082  }
0x22: {  	[simem:s7], [sflag:s8] =	dma.local @!p0 [hbm:s6], $0xF7A  }
0x23: {  	s9 =	sor.u32 $0xD0000000, s2;
	s6 =	simm.s32 $0x108;
	_ =	swait.ge @!p0 [sflag:s8], $0x0  }
0x24: {  	s3 =	sadd.s32 $0x88, s3;
	s6 =	simm.s32 @!p1 $0x1082;
	[sflag:s4] =	ssyncset.s32 $0xFFFFF086  }
0x25: {  	[simem:s6], [sflag:s4] =	dma.local [hbm:s3], $0xF7A  }
0x26: {  	[smem:$0x3F8B] =	sst s1;
	(tag) =	ssettag s2;
	_ =	strace s9  }
0x27: {  	s1 =	sld [smem:$0x3F9B]  }
0x28: {  	s2 =	sld [smem:$0x3F9C]  }
0x29: {  	s4 =	sld [smem:$0x3F9E]  }
0x2a: {  	p0 =	seq.s32 s5, $0x0;
	s5 =	sld [smem:$0x3F9F]  }
0x2b: {  	s6 =	sld [smem:$0x3FA0]  }
0x2c: {  	s7 =	sld [smem:$0x3FA1]  }
0x2d: {  	s3 =	simm.s32 $0x108;
	s8 =	sld [smem:$0x3FA2]  }
0x2e: {  	s3 =	simm.s32 @!p0 $0x1082;
	s9 =	sld [smem:$0x3FA3]  }
0x2f: {  	lr =	sadd.s32 s0, s3;
	s0 =	sld [smem:$0x3F9A]  }
0x30: {  	s3 =	sld [smem:$0x3F9D]  }
0x31: {  	[smem:$0x3FA6] =	sst s10  }
0x32: {  	s10 =	sld [smem:$0x3FA4];
	_ =	sdelay $0x3  }
0x33: {  	p0 =	seq.s32 s10, $0x1;
	s10 =	sld [smem:$0x3FA6];
	_ =	sdelay $0x3  }
0x34: {  	[smem:$0x3FA6] =	sst s10  }
0x35: {  	s10 =	sld [smem:$0x3FA5];
	_ =	sdelay $0x3  }
0x36: {  	p1 =	seq.s32 s10, $0x1;
	s10 =	sld [smem:$0x3FA6];
	_ =	sdelay $0x3  }
0x37: {  	[smem:$0x3FA6] =	sst s10  }
0x38: {  	s10 =	sld [smem:$0x3FA7]  }
0x39: {  	_ = 	snop;
	(pc) =	sbr.ind lr, $3  }
0x3a: {  	_ = 	snop  }
0x3b: {  	_ = 	snop  }
0x3c: {  	p2 =	seq.s32 s10, $0x1;
	s10 =	sld [smem:$0x3FA6]  }
0x3d: {  	_ =	shalt  }
0x3e: {  	_ =	shalt  }
0x3f: {  	_ =	shalt  }
0x40: {  	_ =	shalt  }
0x41: {  	_ =	shalt  }
0x42: {  	_ =	shalt  }
0x43: {  	_ =	shalt  }
0x44: {  	_ =	shalt  }
0x45: {  	_ =	shalt  }
0x46: {  	_ =	shalt  }
0x47: {  	_ =	shalt  }
0x48: {  	_ =	shalt  }
0x49: {  	_ =	shalt  }
0x4a: {  	_ =	shalt  }
0x4b: {  	_ =	shalt  }
0x4c: {  	_ =	shalt  }
0x4d: {  	_ =	shalt  }
0x4e: {  	_ =	shalt  }
0x4f: {  	_ =	shalt  }
0x50: {  	_ =	shalt  }
0x51: {  	_ =	shalt  }
0x52: {  	_ =	shalt  }
0x53: {  	_ =	shalt  }
0x54: {  	_ =	shalt  }
0x55: {  	_ =	shalt  }
0x56: {  	_ =	shalt  }
0x57: {  	_ =	shalt  }
0x58: {  	_ =	shalt  }
0x59: {  	_ =	shalt  }
0x5a: {  	_ =	shalt  }
0x5b: {  	_ =	shalt  }
0x5c: {  	_ =	shalt  }
0x5d: {  	_ =	shalt  }
0x5e: {  	_ =	shalt  }
0x5f: {  	_ =	shalt  }
0x60: {  	_ =	shalt  }
0x61: {  	_ =	shalt  }
0x62: {  	_ =	shalt  }
0x63: {  	_ =	shalt  }
0x64: {  	_ =	shalt  }
0x65: {  	_ =	shalt  }
0x66: {  	_ =	shalt  }
0x67: {  	_ =	shalt  }
0x68: {  	_ =	shalt  }
0x69: {  	_ =	shalt  }
0x6a: {  	_ =	shalt  }
0x6b: {  	_ =	shalt  }
0x6c: {  	_ =	shalt  }
0x6d: {  	_ =	shalt  }
0x6e: {  	_ =	shalt  }
0x6f: {  	_ =	shalt  }
0x70: {  	_ =	shalt  }
0x71: {  	_ =	shalt  }
0x72: {  	_ =	shalt  }
0x73: {  	_ =	shalt  }
0x74: {  	_ =	shalt  }
0x75: {  	_ =	shalt  }
0x76: {  	_ =	shalt  }
0x77: {  	_ =	shalt  }
0x78: {  	_ =	shalt  }
0x79: {  	_ =	shalt  }
0x7a: {  	_ =	shalt  }
0x7b: {  	_ =	shalt  }
0x7c: {  	_ =	shalt  }
0x7d: {  	_ =	shalt  }
0x7e: {  	_ =	shalt  }
0x7f: {  	_ =	shalt  }
0x80: {  	_ =	shalt  }
0x81: {  	_ =	shalt  }
0x82: {  	_ =	shalt  }
0x83: {  	_ =	shalt  }
0x84: {  	_ =	shalt  }
0x85: {  	_ =	shalt  }
0x86: {  	_ =	shalt  }
0x87: {  	_ =	shalt  }
.Lfunc_end0:
.L_simem_size_0:
called_computation.2_lowered:
.L_overlay_start_0:
0x88: {  	s2 =	sld [smem:$0x3FD9]  }
0x89: {  	s3 =	sld [smem:$0x3FFE];
	_ =	sdelay $0x1  }
0x8a: {  	s1 =	srdreg.scid  }
0x8b: {  	s0 =	sand.u32 $0x1, s1  }
0x8c: {  	s16 =	sshll.u32 s0, $0xA;
	s2 =	sadd.s32 s3, s2  }
0x8d: {  	s2 =	sadd.s32 s2, s16  }
0x8e: {  	[smem:$0x3FB2] =	sst s2  }
0x8f: {  	_ = 	snop  }
0x90: {  	(tm) =	ssettm $0x1  }
0x91: {  	s17 =	sld [smem:$0x3FFB];
	_ =	sdelay $0x3  }
0x92: {  	_ =	strace s17  }
0x93: {  	s2 =	sld [smem:$0x3FFC];
	_ =	sdelay $0x3  }
0x94: {  	_ =	strace s2  }
0x95: {  	s2 =	sld [smem:$0x3FFD];
	_ =	sdelay $0x3  }
0x96: {  	_ =	strace s2  }
0x97: {  	_ =	strace $0x8FFFFFFF  }
0x98: {  	s18 =	sld [smem:$0x3FDB];
	_ =	sdelay $0x1  }
0x99: {  	s19 =	simm.s32 $_scs_section_size  }
0x9a: {  	s4 =	simm.s32 $_size__tile_overlayer_lowered;
	s5 =	simm.s32 $_tile_overlayer_lowered  }
0x9b: {  	s22 =	simm.s32 $0x1BFF;
	s21 =	sshll.u32 s5, $0x1;
	s2 =	sadd.s32 s19, s18  }
0x9c: {  	s6 =	simm.s32 $0x0;
	s20 =	sshll.u32 s4, $0x1;
	s4 =	sadd.s32 s21, s2  }
0x9d: {  	[timem:s6], [sflag:s22] =	dma.local [hbm:s4], s20  }
0x9e: {  	_ =	swait.ge [sflag:s22], s20  }
0x9f: {  	s3 =	ssub.s32 $0x0, s20;
	[sflag:s22] =	ssyncset.done $0x0  }
0xa0: {  	[sflag:s22] =	ssyncadd.s32 s3;
	_ =	sdelay $0x1  }
0xa1: {  	s23 =	simm.s32 $0x1B8B  }
0xa2: {  	_ =	swait.ge [sflag:s23], $0x1  }
0xa3: {  	[sflag:s23] =	ssyncset.done $0x0  }
0xa4: {  	s25 =	simm.s32 $0x1B8E;
	s24 =	sld [smem:$0x3FFE];
	[sflag:s23] =	ssyncadd.s32 $0xFFFFFFFF  }
0xa5: {  	s26 =	simm.s32 $execute0_lowered;
	[smem:$0x3FD2] =	sst s25  }
0xa6: {  	s4 =	sshll.u32 s26, $0x1;
	_ =	strace $0x80000049;
	[dreg:$0x1] =	wrdreg $0xFFFFFFFF  }
0xa7: {  	s28 =	simm.s32 $_size_execute0_lowered;
	s2 =	sadd.s32 s2, s4;
	[dreg:$0x0] =	wrdreg $0x0  }
0xa8: {  	s4 =	sshll.u32 s28, $0x1;
	[dreg:$0x2] =	wrdreg s2  }
0xa9: {  	[dreg:$0x3] =	wrdreg s4  }
0xaa: {  	[dreg:$0x4] =	wrdreg $0xC0  }
0xab: {  	_ =	task [dreg:s6], $0x5FFFF  }
0xac: {  	[dreg:$0x1] =	wrdreg $0xFFFFFFFF  }
0xad: {  	[dreg:$0x0] =	wrdreg $0x60  }
0xae: {  	[dreg:$0x2] =	wrdreg s24  }
0xaf: {  	[dreg:$0x3] =	wrdreg $0x94000  }
0xb0: {  	[dreg:$0x4] =	wrdreg $0xA  }
0xb1: {  	_ =	task.clear_ibuf [dreg:s6], $0x5FFFF;
	_ =	strace $0x90000049  }
0xb2: {  	s29 =	simm.s32 $0xA;
	_ =	strace $0x8000004B  }
0xb3: {  	_ =	swait.ge [sflag:s29], $0x1  }
0xb4: {  	[sflag:s29] =	ssyncadd.s32 $0xFFFFFFFF  }
0xb5: {  	_ =	strace $0x9000004B  }
0xb6: {  	_ =	sfence  }
0xb7: {  	s30 =	sld [smem:$0x0];
	_ =	sdelay $0x2  }
0xb8: {  	s31 =	sshll.u32 s1, $0xD;
	s1 =	sshrl.u32 s1, $0x2  }
0xb9: {  	s3 =	sand.u32 $0x4000, s31;
	s1 =	sadd.s32 s1, s30  }
0xba: {  	s0 =	sor.u32 s3, s0;
	s1 =	sshll.u32 s1, $0x11  }
0xbb: {  	s0 =	sor.u32 s1, s0  }
0xbc: {  	s0 =	sadd.s32 $0x8F2B, s0  }
0xbd: {  	[sflag:s0] =	ssyncadd.remote.s32 $0x1  }
0xbe: {  	_ =	sfence.sel $0xFFFF  }
0xbf: {  	[dreg:$0x0] =	wrdreg $0xFFFFFFFF;
	(pc) =	sbr.abs _section_cstart, $3  }
0xc0: {  	[dreg:$0x1] =	wrdreg $0xFFFFFFFF  }
0xc1: {  	_ =	task.clear_ibuf [dreg:s6], $0x2FFFF;
	_ =	strace $0x9FFFFFFF  }
0xc2: {  	(tm) =	ssettm $0x7FFFFFFF  }
0xc3: {  	_ =	shalt  }
tec
execute0_lowered:
.L_overlay_start_1:
0x0: {  	(tag) =	ssettag $0x1  }
0x1: {  	s1 =	srdreg.scid;
	s5 =	rddreg [dreg:$0x0]  }
0x2: {  	s0 =	stileid.u32;
	s2 =	rddreg [dreg:$0x1]  }
0x3: {  	s3 =	simm.s32 $0x0;
	s16 =	simm.s32 $0x5400;
	s17 =	simm.s32 $0x1  }
0x4: {  	s18 =	simm.s32 $0x80;
	s19 =	simm.s32 $0x2;
	s20 =	simm.s32 $0x1300  }
0x5: {  	s21 =	simm.s32 $0x1380;
	s4 =	sand.u32 $0x1, s1;
	s8 =	smul.u32 $0x14000, s0  }
0x6: {  	s22 =	sshll.u32 s0, $0x1;
	s1 =	rddreg [dreg:$0x2];
	s11 =	smul.u32 $0x50000, s0  }
0x7: {  	[smem:$0x7FF] =	sst s3;
	s12 =	sadd.s32 $0x568E00, s5;
	s26 =	smul.u32 $0x140000, s0  }
0x8: {  	s28 =	sshll.u32 s0, $0x6;
	s6 =	sor.u32 s4, s22;
	s9 =	smul.u32 $0x140000, s4  }
0x9: {  	_ =	strace $0x8000004A;
	s23 =	ssub.s32 $0x2, s4;
	s29 =	smul.u32 $0xA0000, s4  }
0xa: {  	s22 =	simm.s32 $0x0;
	s7 =	smul.u32 $0x280, s6;
	s10 =	sshrl.u32 s8, $0x3  }
0xb: {  	s24 =	sshrl.u32 s23, $0x1;
	s6 =	smul.u32 $0x14000, s6;
	s25 =	sshrl.u32 s11, $0x2  }
0xc: {  	s10 =	sadd.s32 s10, s5;
	s8 =	sadd.s32 s8, s9;
	s14 =	ssub.s32 s23, s24  }
0xd: {  	s15 =	sadd.s32 s25, s2;
	s30 =	sadd.s32 s29, s26;
	s7 =	sadd.s32 s7, s5  }
0xe: {  	s8 =	sshrl.u32 s8, $0x3;
	s4 =	sadd.s32 $0x19C00, s10;
	s6 =	sadd.s32 s12, s6  }
0xf: {  	s11 =	sor.u32 $0xC000, s30;
	s31 =	sor.u32 $0x8000, s30;
	s10 =	smax.u32 s14, $0x1  }
0x10: {  	s14 =	simm.s32 $0x3;
	s13 =	sadd.s32 s8, s5;
	s5 =	sor.u32 $0x1C03, s28  }
0x11: {  	s7 =	sadd.s32 $0x5E00, s7;
	s8 =	sadd.s32 $0x800, s6;
	s11 =	sshrl.u32 s11, $0x3  }
0x12: {  	s9 =	sadd.s32 $0x7E8E00, s13;
	s13 =	sshrl.u32 s31, $0x3;
	s11 =	sadd.s32 s11, s12  }
0x13: {  	s12 =	sadd.s32 s13, s12;
	s13 =	sshrl.u32 s15, $0x3;
	s15 =	simm.s32 $0x1400  }
.LBB2_1:
0x14: {  	[spmem:s13], [sflag:s5] =	dma.local [hbm:s4], $0x2800  }
0x15: {  	_ =	swait.ge [sflag:s14], $0x2800  }
0x16: {  	[sflag:s14] =	ssyncset.done $0x0  }
0x17: {  	[sflag:s14] =	ssyncadd.s32 $0xFFFFD800  }
0x18: {  	[tilespmem:s3], [sflag:$0x3] =	stream.linear.gather [hbm4b:s7+s3], $0x1400, $0x38;
	[tilespmem:$0x1D400] =	vst v63  }
0x19: {  	_ =	swait.ge [sflag:s14], $0x1400  }
0x1a: {  	[sflag:s14] =	ssyncset.done $0x0  }
0x1b: {  	[sflag:s14] =	ssyncadd.s32 $0xFFFFEC00  }
0x1c: {  	[bflag:$0x0] =	sbarrier.arrive $0xFFFF  }
0x1d: {  	[tilespmem:s15], [sflag:$0x1] =	stream.linear.gather [hbm4b:s6+s3], $0x4000, $0x38;
	[tilespmem:$0x1D400] =	vst v63  }
0x1e: {  	_ = 	snop  }
0x1f: {  	[tilespmem:s16], [sflag:$0x2] =	stream.linear.gather [hbm4b:s8+s3], $0x4000, $0x38;
	[tilespmem:$0x1D400] =	vst v63  }
0x20: {  	_ =	swait.ge [sflag:s17], $0x4000  }
0x21: {  	[sflag:s17] =	ssyncset.done $0x0  }
0x22: {  	s23 =	simm.s32 $0x0;
	[sflag:s17] =	ssyncadd.s32 $0xFFFFC000  }
0x23: {  	[spmem:s2] =	stream.indirect.scatter.add.f32 [tilespmem:s15], [sflag:$0x3], $0x80, s23, s18, $0xb8;
	[tilespmem:$0x1D400] =	vst v63  }
0x24: {  	_ =	swait.ge [sflag:s14], $0x4000  }
0x25: {  	[sflag:s14] =	ssyncset.done $0x0  }
0x26: {  	s31 =	sadd.s32 $0x0, s12;
	[sflag:s14] =	ssyncadd.s32 $0xFFFFC000  }
0x27: {  	[tilespmem:s15], [sflag:$0x1] =	stream.linear.gather [hbm4b:s31+s3], $0x4000, $0x38;
	[tilespmem:$0x1D400] =	vst v63  }
0x28: {  	_ =	swait.ge [sflag:s19], $0x4000  }
0x29: {  	[sflag:s19] =	ssyncset.done $0x0  }
0x2a: {  	[sflag:s19] =	ssyncadd.s32 $0xFFFFC000  }
0x2b: {  	[spmem:s2] =	stream.indirect.scatter.add.f32 [tilespmem:s16], [sflag:$0x3], $0x80, s18, s18, $0xb8;
	[tilespmem:$0x1D400] =	vst v63  }
0x2c: {  	_ =	swait.ge [sflag:s14], $0x4000  }
0x2d: {  	s25 =	sadd.s32 $0x0, s11;
	[sflag:s14] =	ssyncset.done $0x0  }
0x2e: {  	s24 =	simm.s32 $0x180;
	s23 =	simm.s32 $0x1000;
	[sflag:s14] =	ssyncadd.s32 $0xFFFFC000  }
.LBB2_2:
0x2f: {  	[tilespmem:s16], [sflag:$0x2] =	stream.linear.gather [hbm4b:s25+s3], $0x4000, $0x38;
	[tilespmem:$0x1D400] =	vst v63  }
0x30: {  	s25 =	smov.u32 s23  }
0x31: {  	p0 =	sne.s32 s23, $0x12000;
	s23 =	sadd.s32 $0x1000, s23;
	_ =	swait.ge [sflag:s17], $0x4000  }
0x32: {  	[sflag:s17] =	ssyncset.done $0x0  }
0x33: {  	s26 =	sadd.s32 $0xFFFFFF80, s24;
	[sflag:s17] =	ssyncadd.s32 $0xFFFFC000  }
0x34: {  	[spmem:s2] =	stream.indirect.scatter.add.f32 [tilespmem:s15], [sflag:$0x3], $0x80, s26, s18, $0xb8;
	[tilespmem:$0x1D400] =	vst v63  }
0x35: {  	_ =	swait.ge [sflag:s14], $0x4000  }
0x36: {  	[sflag:s14] =	ssyncset.done $0x0  }
0x37: {  	s26 =	sadd.s32 s25, s12;
	[sflag:s14] =	ssyncadd.s32 $0xFFFFC000  }
0x38: {  	[tilespmem:s15], [sflag:$0x1] =	stream.linear.gather [hbm4b:s26+s3], $0x4000, $0x38;
	[tilespmem:$0x1D400] =	vst v63  }
0x39: {  	_ =	swait.ge [sflag:s19], $0x4000  }
0x3a: {  	[sflag:s19] =	ssyncset.done $0x0  }
.Ltmp0:
0x3b: {  	[sflag:s19] =	ssyncadd.s32 $0xFFFFC000;
	(pc) =	sbr.rel @p0 .LBB2_2-.Ltmp0, $4  }
0x3c: {  	[spmem:s2] =	stream.indirect.scatter.add.f32 [tilespmem:s16], [sflag:$0x3], $0x80, s24, s18, $0xb8;
	[tilespmem:$0x1D400] =	vst v63  }
0x3d: {  	_ =	swait.ge [sflag:s14], $0x4000  }
0x3e: {  	[sflag:s14] =	ssyncset.done $0x0  }
0x3f: {  	s25 =	sadd.s32 s25, s11;
	s24 =	sadd.s32 $0x100, s24;
	[sflag:s14] =	ssyncadd.s32 $0xFFFFC000  }
0x40: {  	[tilespmem:s16], [sflag:$0x2] =	stream.linear.gather [hbm4b:s25+s3], $0x4000, $0x38;
	[tilespmem:$0x1D400] =	vst v63  }
0x41: {  	_ =	swait.ge [sflag:s17], $0x4000  }
0x42: {  	[sflag:s17] =	ssyncset.done $0x0  }
0x43: {  	[sflag:s17] =	ssyncadd.s32 $0xFFFFC000  }
0x44: {  	[spmem:s2] =	stream.indirect.scatter.add.f32 [tilespmem:s15], [sflag:$0x3], $0x80, s20, s18, $0xb8;
	[tilespmem:$0x1D400] =	vst v63  }
0x45: {  	_ =	swait.ge [sflag:s14], $0x4000  }
0x46: {  	[sflag:s14] =	ssyncset.done $0x0  }
0x47: {  	[sflag:s14] =	ssyncadd.s32 $0xFFFFC000  }
0x48: {  	_ =	swait.ge [sflag:s19], $0x4000  }
0x49: {  	[sflag:s19] =	ssyncset.done $0x0  }
0x4a: {  	[sflag:s19] =	ssyncadd.s32 $0xFFFFC000  }
0x4b: {  	[spmem:s2] =	stream.indirect.scatter.add.f32 [tilespmem:s16], [sflag:$0x3], $0x80, s21, s18, $0xb8;
	[tilespmem:$0x1D400] =	vst v63  }
0x4c: {  	_ =	swait.ge [sflag:s14], $0x4000  }
0x4d: {  	s22 =	sadd.s32 $0x1, s22;
	[sflag:s14] =	ssyncset.done $0x0  }
0x4e: {  	p0 =	sne.s32 s22, s10;
	[sflag:s14] =	ssyncadd.s32 $0xFFFFC000  }
.Ltmp1:
0x4f: {  	[bflag:$0x0] =	sbarrier.arrive $0xFFFF;
	(pc) =	sbr.rel @p0 .LBB2_1-.Ltmp1, $4  }
0x50: {  	[hbm:s9], [sflag:s5] =	dma.local [spmem:s13], $0x2800  }
0x51: {  	_ =	swait.ge [sflag:s14], $0x2800  }
0x52: {  	[sflag:s14] =	ssyncset.done $0x0  }
0x53: {  	[sflag:s14] =	ssyncadd.s32 $0xFFFFD800  }
0x54: {  	_ =	sfence.sel $0x180000  }
0x55: {  	[bflag:$0x0] =	sbarrier.arrive $0xFFFF  }
0x56: {  	p0 =	sne.s32 s0, $0x0;
	_ =	strace $0x9000004A  }
0x57: {  	s0 =	sadd.s32 @!p0 $0x100000, s1;
	[bflag:$0x2] =	sbarrier.arrive $0xFFFF  }
0x58: {  	[sflag:s0] =	ssyncadd.tile.s32 @!p0 $0x1;
	_ =	shalt  }
.Lfunc_end2:
_tile_overlayer_lowered:
.L_overlay_start_2:
0x59: {  	(tag) =	ssettag $0x2  }
0x5a: {  	s0 =	rddreg [dreg:$0x0];
	s2 =	stileid.u32  }
0x5b: {  	s1 =	rddreg [dreg:$0x1];
	p0 =	sne.s32 s2, $0x0  }
0x5c: {  	s3 =	rddreg [dreg:$0x2];
	[bflag:$0x3] =	sbarrier.arrive $0xFFFF;
	s2 =	simm.s32 @!p0 $0x1C03  }
0x5d: {  	[timem:s3], [sflag:s2] =	dma.local @!p0 [hbm:s0], s1  }
0x5e: {  	s0 =	simm.s32 @!p0 $0x3  }
0x5f: {  	_ =	swait.ge @!p0 [sflag:s0], s1  }
0x60: {  	s1 =	ssub.s32 @!p0 $0x0, s1;
	[sflag:s0] =	ssyncset.done @!p0 $0x0  }
0x61: {  	[sflag:s0] =	ssyncadd.s32 @!p0 s1  }
0x62: {  	[bflag:$0x3] =	sbarrier.arrive $0xFFFF  }
0x63: {  	_ =	shalt  }

// kernel: kernel.24.cloned.1.call-start
scs
__scs_entry_jumppad:
0x0: {  	(pc) =	sbr.rel $0x88, $3  }
0x1: {  	(tag) =	ssettag $0x0;
	lr =	simm.s32 $0x1  }
0x2: {  	[smem:$0x3F8B] =	sst lr;
	_ =	strace $0xD0000000  }
0x3: {  	_ = 	snop  }
0x4: {  	_ = 	snop  }
0x5: {  	_ = 	snop  }
0x6: {  	_ = 	snop  }
0x7: {  	_ = 	snop  }
__scs_overlays_trampoline_lowered:
0x8: {  	[smem:$0x3F9A] =	sst s0  }
0x9: {  	[smem:$0x3F9B] =	sst s1  }
0xa: {  	[smem:$0x3F9C] =	sst s2  }
0xb: {  	[smem:$0x3F9D] =	sst s3  }
0xc: {  	[smem:$0x3F9E] =	sst s4  }
0xd: {  	[smem:$0x3F9F] =	sst s5  }
0xe: {  	[smem:$0x3FA0] =	sst s6  }
0xf: {  	[smem:$0x3FA1] =	sst s7  }
0x10: {  	[smem:$0x3FA2] =	sst s8  }
0x11: {  	[smem:$0x3FA3] =	sst s9;
	s0 =	simm.s32 @!p0 $0x0  }
0x12: {  	s1 =	sld [smem:$0x3F89];
	s0 =	simm.s32 @p0 $0x1  }
0x13: {  	[smem:$0x3FA4] =	sst s0;
	s0 =	simm.s32 @!p1 $0x0  }
0x14: {  	s2 =	sld [smem:$0x3F88];
	s0 =	simm.s32 @p1 $0x1  }
0x15: {  	[smem:$0x3FA5] =	sst s0;
	s0 =	simm.s32 @!p2 $0x0  }
0x16: {  	s3 =	sld [smem:$0x3FDB];
	s0 =	simm.s32 @p2 $0x1  }
0x17: {  	s4 =	simm.s32 $0x1BF5;
	[smem:$0x3FA7] =	sst s0  }
0x18: {  	s0 =	sld [smem:$0x3F8A];
	_ =	swait.ge [sflag:s4], $0x0  }
0x19: {  	s7 =	sld [smem:$0x3F8B]  }
0x1a: {  	s8 =	sadd.s32 $0xFFFFE003, lr  }
0x1b: {  	s9 =	sadd.s32 $0xFFFFFEF7, lr;
	s5 =	simm.s32 $0xFFFFFFFF;
	p2 =	slt.u32 s8, $0xFFFFF086  }
0x1c: {  	p1 =	slt.u32 s9, $0xF7A;
	s5 =	simm.s32 @!p2 $0x0  }
0x1d: {  	s5 =	simm.s32 @p1 $0x1;
	p0 =	seq.s32 s7, s2  }
0x1e: {  	s7 =	smul.u32 @!p0 $0xF7A, s2;
	p2 =	seq.s32 @!p0 s5, $0x0  }
0x1f: {  	s9 =	smul.u32 $0xF7A, s1;
	s8 =	simm.s32 @!p0 $0x1BF5;
	p2 =	por !p2, p0  }
0x20: {  	[sflag:s8] =	ssyncset.s32 @!p0 $0xFFFFF086;
	s6 =	sadd.s32 @!p0 s3, s7;
	s7 =	simm.s32 @!p0 $0x108  }
0x21: {  	s3 =	sadd.s32 s3, s9;
	s6 =	sadd.s32 @!p0 $0x88, s6;
	s7 =	simm.s32 @p2 $0x1082  }
0x22: {  	[simem:s7], [sflag:s8] =	dma.local @!p0 [hbm:s6], $0xF7A  }
0x23: {  	s9 =	sor.u32 $0xD0000000, s2;
	s6 =	simm.s32 $0x108;
	_ =	swait.ge @!p0 [sflag:s8], $0x0  }
0x24: {  	s3 =	sadd.s32 $0x88, s3;
	s6 =	simm.s32 @!p1 $0x1082;
	[sflag:s4] =	ssyncset.s32 $0xFFFFF086  }
0x25: {  	[simem:s6], [sflag:s4] =	dma.local [hbm:s3], $0xF7A  }
0x26: {  	[smem:$0x3F8B] =	sst s1;
	(tag) =	ssettag s2;
	_ =	strace s9  }
0x27: {  	s1 =	sld [smem:$0x3F9B]  }
0x28: {  	s2 =	sld [smem:$0x3F9C]  }
0x29: {  	s4 =	sld [smem:$0x3F9E]  }
0x2a: {  	p0 =	seq.s32 s5, $0x0;
	s5 =	sld [smem:$0x3F9F]  }
0x2b: {  	s6 =	sld [smem:$0x3FA0]  }
0x2c: {  	s7 =	sld [smem:$0x3FA1]  }
0x2d: {  	s3 =	simm.s32 $0x108;
	s8 =	sld [smem:$0x3FA2]  }
0x2e: {  	s3 =	simm.s32 @!p0 $0x1082;
	s9 =	sld [smem:$0x3FA3]  }
0x2f: {  	lr =	sadd.s32 s0, s3;
	s0 =	sld [smem:$0x3F9A]  }
0x30: {  	s3 =	sld [smem:$0x3F9D]  }
0x31: {  	[smem:$0x3FA6] =	sst s10  }
0x32: {  	s10 =	sld [smem:$0x3FA4];
	_ =	sdelay $0x3  }
0x33: {  	p0 =	seq.s32 s10, $0x1;
	s10 =	sld [smem:$0x3FA6];
	_ =	sdelay $0x3  }
0x34: {  	[smem:$0x3FA6] =	sst s10  }
0x35: {  	s10 =	sld [smem:$0x3FA5];
	_ =	sdelay $0x3  }
0x36: {  	p1 =	seq.s32 s10, $0x1;
	s10 =	sld [smem:$0x3FA6];
	_ =	sdelay $0x3  }
0x37: {  	[smem:$0x3FA6] =	sst s10  }
0x38: {  	s10 =	sld [smem:$0x3FA7]  }
0x39: {  	_ = 	snop;
	(pc) =	sbr.ind lr, $3  }
0x3a: {  	_ = 	snop  }
0x3b: {  	_ = 	snop  }
0x3c: {  	p2 =	seq.s32 s10, $0x1;
	s10 =	sld [smem:$0x3FA6]  }
0x3d: {  	_ =	shalt  }
0x3e: {  	_ =	shalt  }
0x3f: {  	_ =	shalt  }
0x40: {  	_ =	shalt  }
0x41: {  	_ =	shalt  }
0x42: {  	_ =	shalt  }
0x43: {  	_ =	shalt  }
0x44: {  	_ =	shalt  }
0x45: {  	_ =	shalt  }
0x46: {  	_ =	shalt  }
0x47: {  	_ =	shalt  }
0x48: {  	_ =	shalt  }
0x49: {  	_ =	shalt  }
0x4a: {  	_ =	shalt  }
0x4b: {  	_ =	shalt  }
0x4c: {  	_ =	shalt  }
0x4d: {  	_ =	shalt  }
0x4e: {  	_ =	shalt  }
0x4f: {  	_ =	shalt  }
0x50: {  	_ =	shalt  }
0x51: {  	_ =	shalt  }
0x52: {  	_ =	shalt  }
0x53: {  	_ =	shalt  }
0x54: {  	_ =	shalt  }
0x55: {  	_ =	shalt  }
0x56: {  	_ =	shalt  }
0x57: {  	_ =	shalt  }
0x58: {  	_ =	shalt  }
0x59: {  	_ =	shalt  }
0x5a: {  	_ =	shalt  }
0x5b: {  	_ =	shalt  }
0x5c: {  	_ =	shalt  }
0x5d: {  	_ =	shalt  }
0x5e: {  	_ =	shalt  }
0x5f: {  	_ =	shalt  }
0x60: {  	_ =	shalt  }
0x61: {  	_ =	shalt  }
0x62: {  	_ =	shalt  }
0x63: {  	_ =	shalt  }
0x64: {  	_ =	shalt  }
0x65: {  	_ =	shalt  }
0x66: {  	_ =	shalt  }
0x67: {  	_ =	shalt  }
0x68: {  	_ =	shalt  }
0x69: {  	_ =	shalt  }
0x6a: {  	_ =	shalt  }
0x6b: {  	_ =	shalt  }
0x6c: {  	_ =	shalt  }
0x6d: {  	_ =	shalt  }
0x6e: {  	_ =	shalt  }
0x6f: {  	_ =	shalt  }
0x70: {  	_ =	shalt  }
0x71: {  	_ =	shalt  }
0x72: {  	_ =	shalt  }
0x73: {  	_ =	shalt  }
0x74: {  	_ =	shalt  }
0x75: {  	_ =	shalt  }
0x76: {  	_ =	shalt  }
0x77: {  	_ =	shalt  }
0x78: {  	_ =	shalt  }
0x79: {  	_ =	shalt  }
0x7a: {  	_ =	shalt  }
0x7b: {  	_ =	shalt  }
0x7c: {  	_ =	shalt  }
0x7d: {  	_ =	shalt  }
0x7e: {  	_ =	shalt  }
0x7f: {  	_ =	shalt  }
0x80: {  	_ =	shalt  }
0x81: {  	_ =	shalt  }
0x82: {  	_ =	shalt  }
0x83: {  	_ =	shalt  }
0x84: {  	_ =	shalt  }
0x85: {  	_ =	shalt  }
0x86: {  	_ =	shalt  }
0x87: {  	_ =	shalt  }
.Lfunc_end0:
.L_simem_size_0:
called_computation.3_lowered:
.L_overlay_start_0:
0x88: {  	s2 =	sld [smem:$0x3FD9]  }
0x89: {  	s3 =	sld [smem:$0x3FFE];
	_ =	sdelay $0x1  }
0x8a: {  	s1 =	srdreg.scid  }
0x8b: {  	s0 =	sand.u32 $0x1, s1  }
0x8c: {  	s16 =	sshll.u32 s0, $0xA;
	s2 =	sadd.s32 s3, s2  }
0x8d: {  	s2 =	sadd.s32 s2, s16  }
0x8e: {  	[smem:$0x3FB2] =	sst s2  }
0x8f: {  	_ = 	snop  }
0x90: {  	(tm) =	ssettm $0x1  }
0x91: {  	s17 =	sld [smem:$0x3FFB];
	_ =	sdelay $0x3  }
0x92: {  	_ =	strace s17  }
0x93: {  	s2 =	sld [smem:$0x3FFC];
	_ =	sdelay $0x3  }
0x94: {  	_ =	strace s2  }
0x95: {  	s2 =	sld [smem:$0x3FFD];
	_ =	sdelay $0x3  }
0x96: {  	_ =	strace s2  }
0x97: {  	_ =	strace $0x8FFFFFFF  }
0x98: {  	s18 =	sld [smem:$0x3FDB];
	_ =	sdelay $0x1  }
0x99: {  	s19 =	simm.s32 $_scs_section_size  }
0x9a: {  	s4 =	simm.s32 $_size__tile_overlayer_lowered;
	s5 =	simm.s32 $_tile_overlayer_lowered  }
0x9b: {  	s22 =	simm.s32 $0x1BFF;
	s21 =	sshll.u32 s5, $0x1;
	s2 =	sadd.s32 s19, s18  }
0x9c: {  	s6 =	simm.s32 $0x0;
	s20 =	sshll.u32 s4, $0x1;
	s4 =	sadd.s32 s21, s2  }
0x9d: {  	[timem:s6], [sflag:s22] =	dma.local [hbm:s4], s20  }
0x9e: {  	_ =	swait.ge [sflag:s22], s20  }
0x9f: {  	s3 =	ssub.s32 $0x0, s20;
	[sflag:s22] =	ssyncset.done $0x0  }
0xa0: {  	[sflag:s22] =	ssyncadd.s32 s3;
	_ =	sdelay $0x1  }
0xa1: {  	s23 =	simm.s32 $0x1B8B  }
0xa2: {  	_ =	swait.ge [sflag:s23], $0x1  }
0xa3: {  	[sflag:s23] =	ssyncset.done $0x0  }
0xa4: {  	s25 =	simm.s32 $0x1B8E;
	s24 =	sld [smem:$0x3FFE];
	[sflag:s23] =	ssyncadd.s32 $0xFFFFFFFF  }
0xa5: {  	s26 =	simm.s32 $execute0_lowered;
	[smem:$0x3FD2] =	sst s25  }
0xa6: {  	s4 =	sshll.u32 s26, $0x1;
	_ =	strace $0x8000004F;
	[dreg:$0x1] =	wrdreg $0xFFFFFFFF  }
0xa7: {  	s28 =	simm.s32 $_size_execute0_lowered;
	s2 =	sadd.s32 s2, s4;
	[dreg:$0x0] =	wrdreg $0x0  }
0xa8: {  	s4 =	sshll.u32 s28, $0x1;
	[dreg:$0x2] =	wrdreg s2  }
0xa9: {  	[dreg:$0x3] =	wrdreg s4  }
0xaa: {  	[dreg:$0x4] =	wrdreg $0xC0  }
0xab: {  	_ =	task [dreg:s6], $0x5FFFF  }
0xac: {  	[dreg:$0x1] =	wrdreg $0xFFFFFFFF  }
0xad: {  	[dreg:$0x0] =	wrdreg $0x60  }
0xae: {  	[dreg:$0x2] =	wrdreg s24  }
0xaf: {  	[dreg:$0x3] =	wrdreg $0xA8000  }
0xb0: {  	[dreg:$0x4] =	wrdreg $0x9  }
0xb1: {  	_ =	task.clear_ibuf [dreg:s6], $0x5FFFF;
	_ =	strace $0x9000004F  }
0xb2: {  	s29 =	simm.s32 $0x9;
	_ =	strace $0x80000051  }
0xb3: {  	_ =	swait.ge [sflag:s29], $0x1  }
0xb4: {  	[sflag:s29] =	ssyncadd.s32 $0xFFFFFFFF  }
0xb5: {  	_ =	strace $0x90000051  }
0xb6: {  	_ =	sfence  }
0xb7: {  	s30 =	sld [smem:$0x0];
	_ =	sdelay $0x2  }
0xb8: {  	s31 =	sshll.u32 s1, $0xD;
	s1 =	sshrl.u32 s1, $0x2  }
0xb9: {  	s3 =	sand.u32 $0x4000, s31;
	s1 =	sadd.s32 s1, s30  }
0xba: {  	s0 =	sor.u32 s3, s0;
	s1 =	sshll.u32 s1, $0x11  }
0xbb: {  	s0 =	sor.u32 s1, s0  }
0xbc: {  	s0 =	sadd.s32 $0x8F2B, s0  }
0xbd: {  	[sflag:s0] =	ssyncadd.remote.s32 $0x1  }
0xbe: {  	_ =	sfence.sel $0xFFFF  }
0xbf: {  	[dreg:$0x0] =	wrdreg $0xFFFFFFFF;
	(pc) =	sbr.abs _section_cstart, $3  }
0xc0: {  	[dreg:$0x1] =	wrdreg $0xFFFFFFFF  }
0xc1: {  	_ =	task.clear_ibuf [dreg:s6], $0x2FFFF;
	_ =	strace $0x9FFFFFFF  }
0xc2: {  	(tm) =	ssettm $0x7FFFFFFF  }
0xc3: {  	_ =	shalt  }
tec
execute0_lowered:
.L_overlay_start_1:
0x0: {  	(tag) =	ssettag $0x1  }
0x1: {  	s4 =	rddreg [dreg:$0x0]  }
0x2: {  	s2 =	rddreg [dreg:$0x1];
	s1 =	stileid.u32  }
0x3: {  	s3 =	srdreg.scid;
	s0 =	rddreg [dreg:$0x2]  }
0x4: {  	s17 =	simm.s32 $0x1;
	s18 =	simm.s32 $0x3;
	s19 =	simm.s32 $0x2  }
0x5: {  	s20 =	simm.s32 $0x4;
	s21 =	simm.s32 $0x0;
	s6 =	smul.u32 $0x2800, s1  }
0x6: {  	s9 =	sand.u32 $0x1, s3;
	s5 =	sshll.u32 s1, $0x1;
	s10 =	smul.u32 $0x50000, s1  }
0x7: {  	s3 =	simm.s32 $0x0;
	s11 =	sadd.s32 $0x41C00, s4;
	s15 =	smul.u32 $0x280000, s1  }
0x8: {  	s26 =	sshll.u32 s1, $0x6;
	s5 =	sor.u32 s9, s5;
	s16 =	smul.u32 $0x140000, s9  }
0x9: {  	[smem:$0x7FF] =	sst s3;
	s8 =	ssub.s32 $0x2, s9;
	s28 =	smul.u32 $0x28000, s9  }
0xa: {  	s7 =	smul.u32 $0x500, s5;
	_ =	strace $0x80000050;
	s6 =	sadd.s32 s6, s4  }
0xb: {  	s25 =	sshrl.u32 s8, $0x1;
	s12 =	sshrl.u32 s10, $0x2;
	s13 =	smul.u32 $0x140000, s5  }
0xc: {  	s14 =	smul.u32 $0x28000, s5;
	s5 =	sor.u32 $0x1C05, s26;
	s10 =	sadd.s32 s10, s11  }
0xd: {  	s8 =	ssub.s32 s8, s25;
	s12 =	sadd.s32 s12, s2;
	s30 =	sadd.s32 s16, s15  }
0xe: {  	s10 =	sadd.s32 s28, s10;
	s15 =	simm.s32 $0x2800;
	s16 =	simm.s32 $0x6800  }
0xf: {  	s7 =	sadd.s32 s7, s4;
	s4 =	sadd.s32 $0x83DE00, s6;
	s13 =	sshrl.u32 s13, $0x3  }
0x10: {  	s29 =	sadd.s32 s14, s11;
	s31 =	sshrl.u32 s30, $0x3;
	s10 =	sadd.s32 $0x800, s10  }
0x11: {  	s12 =	sshrl.u32 s12, $0x3;
	s14 =	simm.s32 $0x80;
	s6 =	sadd.s32 $0xFC00, s7  }
0x12: {  	s13 =	sadd.s32 s11, s13;
	s7 =	smax.u32 s8, $0x1;
	s9 =	sadd.s32 $0x27800, s29  }
0x13: {  	s11 =	sadd.s32 s31, s11;
	s8 =	sadd.s32 $0x27000, s13;
	s13 =	simm.s32 $0x5  }
.LBB2_1:
0x14: {  	[spmem:s12], [sflag:s5] =	dma.local [hbm:s4], $0x2800  }
0x15: {  	_ =	swait.ge [sflag:s13], $0x2800  }
0x16: {  	[sflag:s13] =	ssyncset.done $0x0  }
0x17: {  	[sflag:s13] =	ssyncadd.s32 $0xFFFFD800  }
0x18: {  	[tilespmem:s3], [sflag:$0x5] =	stream.linear.gather [hbm4b:s6+s3], $0x2800, $0x38;
	[tilespmem:$0x1E800] =	vst v63  }
0x19: {  	_ =	swait.ge [sflag:s13], $0x2800  }
0x1a: {  	[sflag:s13] =	ssyncset.done $0x0  }
0x1b: {  	[sflag:s13] =	ssyncadd.s32 $0xFFFFD800  }
0x1c: {  	[bflag:$0x0] =	sbarrier.arrive $0xFFFF  }
0x1d: {  	[tilespmem:s15], [sflag:$0x1] =	stream.indirect.gather [spmem:s2], $0x80, s3, s14, $0xb8;
	[tilespmem:$0x1E800] =	vst v63  }
0x1e: {  	_ = 	snop  }
0x1f: {  	[tilespmem:s16], [sflag:$0x2] =	stream.indirect.gather [spmem:s2], $0x80, s14, s14, $0xb8;
	[tilespmem:$0x1E800] =	vst v63  }
0x20: {  	_ =	swait.ge [sflag:s17], $0x4000  }
0x21: {  	[sflag:s17] =	ssyncset.done $0x0  }
0x22: {  	s22 =	sadd.s32 $0x0, s11;
	[sflag:s17] =	ssyncadd.s32 $0xFFFFC000  }
0x23: {  	[hbm4b:s22+s3] =	stream.linear.scatter [tilespmem:s15], [sflag:$0x3], $0x4000, $0x38;
	[tilespmem:$0x1E800] =	vst v63  }
0x24: {  	_ =	swait.ge [sflag:s18], $0x4000  }
0x25: {  	[sflag:s18] =	ssyncset.done $0x0  }
0x26: {  	s30 =	simm.s32 $0x100;
	[sflag:s18] =	ssyncadd.s32 $0xFFFFC000  }
0x27: {  	[tilespmem:s15], [sflag:$0x1] =	stream.indirect.gather [spmem:s2], $0x80, s30, s14, $0xb8;
	[tilespmem:$0x1E800] =	vst v63  }
0x28: {  	_ =	swait.ge [sflag:s19], $0x4000  }
0x29: {  	[sflag:s19] =	ssyncset.done $0x0  }
0x2a: {  	s31 =	sadd.s32 $0x0, s10;
	[sflag:s19] =	ssyncadd.s32 $0xFFFFC000  }
0x2b: {  	[hbm4b:s31+s3] =	stream.linear.scatter [tilespmem:s16], [sflag:$0x4], $0x4000, $0x38;
	[tilespmem:$0x1E800] =	vst v63  }
0x2c: {  	_ =	swait.ge [sflag:s20], $0x4000  }
0x2d: {  	s23 =	simm.s32 $0x1000;
	[sflag:s20] =	ssyncset.done $0x0  }
0x2e: {  	s24 =	simm.s32 $0x280;
	s22 =	simm.s32 $0x180;
	[sflag:s20] =	ssyncadd.s32 $0xFFFFC000  }
.LBB2_2:
0x2f: {  	[tilespmem:s16], [sflag:$0x2] =	stream.indirect.gather [spmem:s2], $0x80, s22, s14, $0xb8;
	[tilespmem:$0x1E800] =	vst v63  }
0x30: {  	s25 =	smov.u32 s23;
	s22 =	smov.u32 s24  }
0x31: {  	p0 =	sne.s32 s23, $0x26000;
	s23 =	sadd.s32 $0x1000, s23;
	_ =	swait.ge [sflag:s17], $0x4000  }
0x32: {  	[sflag:s17] =	ssyncset.done $0x0  }
0x33: {  	s26 =	sadd.s32 s25, s11;
	[sflag:s17] =	ssyncadd.s32 $0xFFFFC000  }
0x34: {  	[hbm4b:s26+s3] =	stream.linear.scatter [tilespmem:s15], [sflag:$0x3], $0x4000, $0x38;
	[tilespmem:$0x1E800] =	vst v63  }
0x35: {  	_ =	swait.ge [sflag:s18], $0x4000  }
0x36: {  	[sflag:s18] =	ssyncset.done $0x0  }
0x37: {  	s26 =	sadd.s32 $0xFFFFFF80, s24;
	[sflag:s18] =	ssyncadd.s32 $0xFFFFC000  }
0x38: {  	[tilespmem:s15], [sflag:$0x1] =	stream.indirect.gather [spmem:s2], $0x80, s26, s14, $0xb8;
	[tilespmem:$0x1E800] =	vst v63  }
0x39: {  	_ =	swait.ge [sflag:s19], $0x4000  }
0x3a: {  	[sflag:s19] =	ssyncset.done $0x0  }
.Ltmp0:
0x3b: {  	s25 =	sadd.s32 s25, s10;
	[sflag:s19] =	ssyncadd.s32 $0xFFFFC000;
	(pc) =	sbr.rel @p0 .LBB2_2-.Ltmp0, $4  }
0x3c: {  	[hbm4b:s25+s3] =	stream.linear.scatter [tilespmem:s16], [sflag:$0x4], $0x4000, $0x38;
	[tilespmem:$0x1E800] =	vst v63  }
0x3d: {  	_ =	swait.ge [sflag:s20], $0x4000  }
0x3e: {  	[sflag:s20] =	ssyncset.done $0x0  }
0x3f: {  	s24 =	sadd.s32 $0x100, s24;
	[sflag:s20] =	ssyncadd.s32 $0xFFFFC000  }
0x40: {  	[tilespmem:s16], [sflag:$0x2] =	stream.indirect.gather [spmem:s2], $0x80, s22, s14, $0xb8;
	[tilespmem:$0x1E800] =	vst v63  }
0x41: {  	_ =	swait.ge [sflag:s17], $0x4000  }
0x42: {  	[sflag:s17] =	ssyncset.done $0x0  }
0x43: {  	[sflag:s17] =	ssyncadd.s32 $0xFFFFC000  }
0x44: {  	[hbm4b:s8+s3] =	stream.linear.scatter [tilespmem:s15], [sflag:$0x3], $0x4000, $0x38;
	[tilespmem:$0x1E800] =	vst v63  }
0x45: {  	_ =	swait.ge [sflag:s19], $0x4000  }
0x46: {  	[sflag:s19] =	ssyncset.done $0x0  }
0x47: {  	s21 =	sadd.s32 $0x1, s21;
	[sflag:s19] =	ssyncadd.s32 $0xFFFFC000  }
0x48: {  	[hbm4b:s9+s3] =	stream.linear.scatter [tilespmem:s16], [sflag:$0x4], $0x4000, $0x38;
	[tilespmem:$0x1E800] =	vst v63  }
0x49: {  	p0 =	sne.s32 s21, s7;
	_ =	swait.ge [sflag:s18], $0x4000  }
.Ltmp1:
0x4a: {  	[sflag:s18] =	ssyncset.done $0x0;
	(pc) =	sbr.rel @p0 .LBB2_1-.Ltmp1, $4  }
0x4b: {  	[sflag:s18] =	ssyncadd.s32 $0xFFFFC000  }
0x4c: {  	_ =	swait.ge [sflag:s20], $0x4000  }
0x4d: {  	[sflag:s20] =	ssyncset.done $0x0  }
0x4e: {  	[sflag:s20] =	ssyncadd.s32 $0xFFFFC000  }
0x4f: {  	_ =	sfence.sel $0x180000  }
0x50: {  	[bflag:$0x0] =	sbarrier.arrive $0xFFFF  }
0x51: {  	p0 =	sne.s32 s1, $0x0;
	_ =	strace $0x90000050  }
0x52: {  	s0 =	sadd.s32 @!p0 $0x100000, s0;
	[bflag:$0x2] =	sbarrier.arrive $0xFFFF  }
0x53: {  	[sflag:s0] =	ssyncadd.tile.s32 @!p0 $0x1;
	_ =	shalt  }
.Lfunc_end2:
_tile_overlayer_lowered:
.L_overlay_start_2:
0x54: {  	(tag) =	ssettag $0x2  }
0x55: {  	s0 =	rddreg [dreg:$0x0];
	s2 =	stileid.u32  }
0x56: {  	s1 =	rddreg [dreg:$0x1];
	p0 =	sne.s32 s2, $0x0  }
0x57: {  	s3 =	rddreg [dreg:$0x2];
	[bflag:$0x3] =	sbarrier.arrive $0xFFFF;
	s2 =	simm.s32 @!p0 $0x1C05  }
0x58: {  	[timem:s3], [sflag:s2] =	dma.local @!p0 [hbm:s0], s1  }
0x59: {  	s0 =	simm.s32 @!p0 $0x5  }
0x5a: {  	_ =	swait.ge @!p0 [sflag:s0], s1  }
0x5b: {  	s1 =	ssub.s32 @!p0 $0x0, s1;
	[sflag:s0] =	ssyncset.done @!p0 $0x0  }
0x5c: {  	[sflag:s0] =	ssyncadd.s32 @!p0 s1  }
0x5d: {  	[bflag:$0x3] =	sbarrier.arrive $0xFFFF  }
0x5e: {  	_ =	shalt  }

// kernel: kernel.27.cloned.1.call-start
scs
__scs_entry_jumppad:
0x0: {  	(pc) =	sbr.rel $0x88, $3  }
0x1: {  	(tag) =	ssettag $0x0;
	lr =	simm.s32 $0x1  }
0x2: {  	[smem:$0x3F8B] =	sst lr;
	_ =	strace $0xD0000000  }
0x3: {  	_ = 	snop  }
0x4: {  	_ = 	snop  }
0x5: {  	_ = 	snop  }
0x6: {  	_ = 	snop  }
0x7: {  	_ = 	snop  }
__scs_overlays_trampoline_lowered:
0x8: {  	[smem:$0x3F9A] =	sst s0  }
0x9: {  	[smem:$0x3F9B] =	sst s1  }
0xa: {  	[smem:$0x3F9C] =	sst s2  }
0xb: {  	[smem:$0x3F9D] =	sst s3  }
0xc: {  	[smem:$0x3F9E] =	sst s4  }
0xd: {  	[smem:$0x3F9F] =	sst s5  }
0xe: {  	[smem:$0x3FA0] =	sst s6  }
0xf: {  	[smem:$0x3FA1] =	sst s7  }
0x10: {  	[smem:$0x3FA2] =	sst s8  }
0x11: {  	[smem:$0x3FA3] =	sst s9;
	s0 =	simm.s32 @!p0 $0x0  }
0x12: {  	s1 =	sld [smem:$0x3F89];
	s0 =	simm.s32 @p0 $0x1  }
0x13: {  	[smem:$0x3FA4] =	sst s0;
	s0 =	simm.s32 @!p1 $0x0  }
0x14: {  	s2 =	sld [smem:$0x3F88];
	s0 =	simm.s32 @p1 $0x1  }
0x15: {  	[smem:$0x3FA5] =	sst s0;
	s0 =	simm.s32 @!p2 $0x0  }
0x16: {  	s3 =	sld [smem:$0x3FDB];
	s0 =	simm.s32 @p2 $0x1  }
0x17: {  	s4 =	simm.s32 $0x1BF5;
	[smem:$0x3FA7] =	sst s0  }
0x18: {  	s0 =	sld [smem:$0x3F8A];
	_ =	swait.ge [sflag:s4], $0x0  }
0x19: {  	s7 =	sld [smem:$0x3F8B]  }
0x1a: {  	s8 =	sadd.s32 $0xFFFFE003, lr  }
0x1b: {  	s9 =	sadd.s32 $0xFFFFFEF7, lr;
	s5 =	simm.s32 $0xFFFFFFFF;
	p2 =	slt.u32 s8, $0xFFFFF086  }
0x1c: {  	p1 =	slt.u32 s9, $0xF7A;
	s5 =	simm.s32 @!p2 $0x0  }
0x1d: {  	s5 =	simm.s32 @p1 $0x1;
	p0 =	seq.s32 s7, s2  }
0x1e: {  	s7 =	smul.u32 @!p0 $0xF7A, s2;
	p2 =	seq.s32 @!p0 s5, $0x0  }
0x1f: {  	s9 =	smul.u32 $0xF7A, s1;
	s8 =	simm.s32 @!p0 $0x1BF5;
	p2 =	por !p2, p0  }
0x20: {  	[sflag:s8] =	ssyncset.s32 @!p0 $0xFFFFF086;
	s6 =	sadd.s32 @!p0 s3, s7;
	s7 =	simm.s32 @!p0 $0x108  }
0x21: {  	s3 =	sadd.s32 s3, s9;
	s6 =	sadd.s32 @!p0 $0x88, s6;
	s7 =	simm.s32 @p2 $0x1082  }
0x22: {  	[simem:s7], [sflag:s8] =	dma.local @!p0 [hbm:s6], $0xF7A  }
0x23: {  	s9 =	sor.u32 $0xD0000000, s2;
	s6 =	simm.s32 $0x108;
	_ =	swait.ge @!p0 [sflag:s8], $0x0  }
0x24: {  	s3 =	sadd.s32 $0x88, s3;
	s6 =	simm.s32 @!p1 $0x1082;
	[sflag:s4] =	ssyncset.s32 $0xFFFFF086  }
0x25: {  	[simem:s6], [sflag:s4] =	dma.local [hbm:s3], $0xF7A  }
0x26: {  	[smem:$0x3F8B] =	sst s1;
	(tag) =	ssettag s2;
	_ =	strace s9  }
0x27: {  	s1 =	sld [smem:$0x3F9B]  }
0x28: {  	s2 =	sld [smem:$0x3F9C]  }
0x29: {  	s4 =	sld [smem:$0x3F9E]  }
0x2a: {  	p0 =	seq.s32 s5, $0x0;
	s5 =	sld [smem:$0x3F9F]  }
0x2b: {  	s6 =	sld [smem:$0x3FA0]  }
0x2c: {  	s7 =	sld [smem:$0x3FA1]  }
0x2d: {  	s3 =	simm.s32 $0x108;
	s8 =	sld [smem:$0x3FA2]  }
0x2e: {  	s3 =	simm.s32 @!p0 $0x1082;
	s9 =	sld [smem:$0x3FA3]  }
0x2f: {  	lr =	sadd.s32 s0, s3;
	s0 =	sld [smem:$0x3F9A]  }
0x30: {  	s3 =	sld [smem:$0x3F9D]  }
0x31: {  	[smem:$0x3FA6] =	sst s10  }
0x32: {  	s10 =	sld [smem:$0x3FA4];
	_ =	sdelay $0x3  }
0x33: {  	p0 =	seq.s32 s10, $0x1;
	s10 =	sld [smem:$0x3FA6];
	_ =	sdelay $0x3  }
0x34: {  	[smem:$0x3FA6] =	sst s10  }
0x35: {  	s10 =	sld [smem:$0x3FA5];
	_ =	sdelay $0x3  }
0x36: {  	p1 =	seq.s32 s10, $0x1;
	s10 =	sld [smem:$0x3FA6];
	_ =	sdelay $0x3  }
0x37: {  	[smem:$0x3FA6] =	sst s10  }
0x38: {  	s10 =	sld [smem:$0x3FA7]  }
0x39: {  	_ = 	snop;
	(pc) =	sbr.ind lr, $3  }
0x3a: {  	_ = 	snop  }
0x3b: {  	_ = 	snop  }
0x3c: {  	p2 =	seq.s32 s10, $0x1;
	s10 =	sld [smem:$0x3FA6]  }
0x3d: {  	_ =	shalt  }
0x3e: {  	_ =	shalt  }
0x3f: {  	_ =	shalt  }
0x40: {  	_ =	shalt  }
0x41: {  	_ =	shalt  }
0x42: {  	_ =	shalt  }
0x43: {  	_ =	shalt  }
0x44: {  	_ =	shalt  }
0x45: {  	_ =	shalt  }
0x46: {  	_ =	shalt  }
0x47: {  	_ =	shalt  }
0x48: {  	_ =	shalt  }
0x49: {  	_ =	shalt  }
0x4a: {  	_ =	shalt  }
0x4b: {  	_ =	shalt  }
0x4c: {  	_ =	shalt  }
0x4d: {  	_ =	shalt  }
0x4e: {  	_ =	shalt  }
0x4f: {  	_ =	shalt  }
0x50: {  	_ =	shalt  }
0x51: {  	_ =	shalt  }
0x52: {  	_ =	shalt  }
0x53: {  	_ =	shalt  }
0x54: {  	_ =	shalt  }
0x55: {  	_ =	shalt  }
0x56: {  	_ =	shalt  }
0x57: {  	_ =	shalt  }
0x58: {  	_ =	shalt  }
0x59: {  	_ =	shalt  }
0x5a: {  	_ =	shalt  }
0x5b: {  	_ =	shalt  }
0x5c: {  	_ =	shalt  }
0x5d: {  	_ =	shalt  }
0x5e: {  	_ =	shalt  }
0x5f: {  	_ =	shalt  }
0x60: {  	_ =	shalt  }
0x61: {  	_ =	shalt  }
0x62: {  	_ =	shalt  }
0x63: {  	_ =	shalt  }
0x64: {  	_ =	shalt  }
0x65: {  	_ =	shalt  }
0x66: {  	_ =	shalt  }
0x67: {  	_ =	shalt  }
0x68: {  	_ =	shalt  }
0x69: {  	_ =	shalt  }
0x6a: {  	_ =	shalt  }
0x6b: {  	_ =	shalt  }
0x6c: {  	_ =	shalt  }
0x6d: {  	_ =	shalt  }
0x6e: {  	_ =	shalt  }
0x6f: {  	_ =	shalt  }
0x70: {  	_ =	shalt  }
0x71: {  	_ =	shalt  }
0x72: {  	_ =	shalt  }
0x73: {  	_ =	shalt  }
0x74: {  	_ =	shalt  }
0x75: {  	_ =	shalt  }
0x76: {  	_ =	shalt  }
0x77: {  	_ =	shalt  }
0x78: {  	_ =	shalt  }
0x79: {  	_ =	shalt  }
0x7a: {  	_ =	shalt  }
0x7b: {  	_ =	shalt  }
0x7c: {  	_ =	shalt  }
0x7d: {  	_ =	shalt  }
0x7e: {  	_ =	shalt  }
0x7f: {  	_ =	shalt  }
0x80: {  	_ =	shalt  }
0x81: {  	_ =	shalt  }
0x82: {  	_ =	shalt  }
0x83: {  	_ =	shalt  }
0x84: {  	_ =	shalt  }
0x85: {  	_ =	shalt  }
0x86: {  	_ =	shalt  }
0x87: {  	_ =	shalt  }
.Lfunc_end0:
.L_simem_size_0:
called_computation.4_lowered:
.L_overlay_start_0:
0x88: {  	s2 =	sld [smem:$0x3FD9]  }
0x89: {  	s3 =	sld [smem:$0x3FFE];
	_ =	sdelay $0x1  }
0x8a: {  	s1 =	srdreg.scid  }
0x8b: {  	s0 =	sand.u32 $0x1, s1  }
0x8c: {  	s16 =	sshll.u32 s0, $0xA;
	s2 =	sadd.s32 s3, s2  }
0x8d: {  	s2 =	sadd.s32 s2, s16  }
0x8e: {  	[smem:$0x3FB2] =	sst s2  }
0x8f: {  	_ = 	snop  }
0x90: {  	(tm) =	ssettm $0x1  }
0x91: {  	s17 =	sld [smem:$0x3FFB];
	_ =	sdelay $0x3  }
0x92: {  	_ =	strace s17  }
0x93: {  	s2 =	sld [smem:$0x3FFC];
	_ =	sdelay $0x3  }
0x94: {  	_ =	strace s2  }
0x95: {  	s2 =	sld [smem:$0x3FFD];
	_ =	sdelay $0x3  }
0x96: {  	_ =	strace s2  }
0x97: {  	_ =	strace $0x8FFFFFFF  }
0x98: {  	s18 =	sld [smem:$0x3FDB];
	_ =	sdelay $0x1  }
0x99: {  	s19 =	simm.s32 $_scs_section_size  }
0x9a: {  	s4 =	simm.s32 $_size__tile_overlayer_lowered;
	s5 =	simm.s32 $_tile_overlayer_lowered  }
0x9b: {  	s22 =	simm.s32 $0x1BFF;
	s21 =	sshll.u32 s5, $0x1;
	s2 =	sadd.s32 s19, s18  }
0x9c: {  	s6 =	simm.s32 $0x0;
	s20 =	sshll.u32 s4, $0x1;
	s4 =	sadd.s32 s21, s2  }
0x9d: {  	[timem:s6], [sflag:s22] =	dma.local [hbm:s4], s20  }
0x9e: {  	_ =	swait.ge [sflag:s22], s20  }
0x9f: {  	s3 =	ssub.s32 $0x0, s20;
	[sflag:s22] =	ssyncset.done $0x0  }
0xa0: {  	[sflag:s22] =	ssyncadd.s32 s3;
	_ =	sdelay $0x1  }
0xa1: {  	s23 =	simm.s32 $0x1B8B  }
0xa2: {  	_ =	swait.ge [sflag:s23], $0x1  }
0xa3: {  	[sflag:s23] =	ssyncset.done $0x0  }
0xa4: {  	s25 =	simm.s32 $0x1B8E;
	s24 =	sld [smem:$0x3FFE];
	[sflag:s23] =	ssyncadd.s32 $0xFFFFFFFF  }
0xa5: {  	s26 =	simm.s32 $execute0_lowered;
	[smem:$0x3FD2] =	sst s25  }
0xa6: {  	s4 =	sshll.u32 s26, $0x1;
	_ =	strace $0x80000052;
	[dreg:$0x1] =	wrdreg $0xFFFFFFFF  }
0xa7: {  	s28 =	simm.s32 $_size_execute0_lowered;
	s2 =	sadd.s32 s2, s4;
	[dreg:$0x0] =	wrdreg $0x0  }
0xa8: {  	s4 =	sshll.u32 s28, $0x1;
	[dreg:$0x2] =	wrdreg s2  }
0xa9: {  	[dreg:$0x3] =	wrdreg s4  }
0xaa: {  	[dreg:$0x4] =	wrdreg $0xC0  }
0xab: {  	_ =	task [dreg:s6], $0x5FFFF  }
0xac: {  	[dreg:$0x1] =	wrdreg $0xFFFFFFFF  }
0xad: {  	[dreg:$0x0] =	wrdreg $0x60  }
0xae: {  	[dreg:$0x2] =	wrdreg s24  }
0xaf: {  	[dreg:$0x3] =	wrdreg $0x94000  }
0xb0: {  	[dreg:$0x4] =	wrdreg $0x9  }
0xb1: {  	_ =	task.clear_ibuf [dreg:s6], $0x5FFFF;
	_ =	strace $0x90000052  }
0xb2: {  	s29 =	simm.s32 $0x9;
	_ =	strace $0x80000054  }
0xb3: {  	_ =	swait.ge [sflag:s29], $0x1  }
0xb4: {  	[sflag:s29] =	ssyncadd.s32 $0xFFFFFFFF  }
0xb5: {  	_ =	strace $0x90000054  }
0xb6: {  	_ =	sfence  }
0xb7: {  	s30 =	sld [smem:$0x0];
	_ =	sdelay $0x2  }
0xb8: {  	s31 =	sshll.u32 s1, $0xD;
	s1 =	sshrl.u32 s1, $0x2  }
0xb9: {  	s3 =	sand.u32 $0x4000, s31;
	s1 =	sadd.s32 s1, s30  }
0xba: {  	s0 =	sor.u32 s3, s0;
	s1 =	sshll.u32 s1, $0x11  }
0xbb: {  	s0 =	sor.u32 s1, s0  }
0xbc: {  	s0 =	sadd.s32 $0x8F2B, s0  }
0xbd: {  	[sflag:s0] =	ssyncadd.remote.s32 $0x1  }
0xbe: {  	_ =	sfence.sel $0xFFFF  }
0xbf: {  	[dreg:$0x0] =	wrdreg $0xFFFFFFFF;
	(pc) =	sbr.abs _section_cstart, $3  }
0xc0: {  	[dreg:$0x1] =	wrdreg $0xFFFFFFFF  }
0xc1: {  	_ =	task.clear_ibuf [dreg:s6], $0x2FFFF;
	_ =	strace $0x9FFFFFFF  }
0xc2: {  	(tm) =	ssettm $0x7FFFFFFF  }
0xc3: {  	_ =	shalt  }
tec
execute0_lowered:
.L_overlay_start_1:
0x0: {  	(tag) =	ssettag $0x1  }
0x1: {  	s1 =	srdreg.scid;
	s5 =	rddreg [dreg:$0x0]  }
0x2: {  	s0 =	stileid.u32;
	s2 =	rddreg [dreg:$0x1]  }
0x3: {  	s3 =	simm.s32 $0x0;
	s16 =	simm.s32 $0x5400;
	s17 =	simm.s32 $0x1  }
0x4: {  	s18 =	simm.s32 $0x80;
	s19 =	simm.s32 $0x2;
	s20 =	simm.s32 $0x1300  }
0x5: {  	s21 =	simm.s32 $0x1380;
	s4 =	sand.u32 $0x1, s1;
	s8 =	smul.u32 $0x14000, s0  }
0x6: {  	s22 =	sshll.u32 s0, $0x1;
	s1 =	rddreg [dreg:$0x2];
	s11 =	smul.u32 $0x50000, s0  }
0x7: {  	[smem:$0x7FF] =	sst s3;
	s12 =	sadd.s32 $0x541C00, s5;
	s26 =	smul.u32 $0x140000, s0  }
0x8: {  	s28 =	sshll.u32 s0, $0x6;
	s6 =	sor.u32 s4, s22;
	s9 =	smul.u32 $0x140000, s4  }
0x9: {  	_ =	strace $0x80000053;
	s23 =	ssub.s32 $0x2, s4;
	s29 =	smul.u32 $0xA0000, s4  }
0xa: {  	s22 =	simm.s32 $0x0;
	s7 =	smul.u32 $0x280, s6;
	s10 =	sshrl.u32 s8, $0x3  }
0xb: {  	s24 =	sshrl.u32 s23, $0x1;
	s6 =	smul.u32 $0x14000, s6;
	s25 =	sshrl.u32 s11, $0x2  }
0xc: {  	s10 =	sadd.s32 s10, s5;
	s8 =	sadd.s32 s8, s9;
	s14 =	ssub.s32 s23, s24  }
0xd: {  	s15 =	sadd.s32 s25, s2;
	s30 =	sadd.s32 s29, s26;
	s7 =	sadd.s32 s7, s5  }
0xe: {  	s8 =	sshrl.u32 s8, $0x3;
	s4 =	sadd.s32 $0x19C00, s10;
	s6 =	sadd.s32 s12, s6  }
0xf: {  	s11 =	sor.u32 $0xC000, s30;
	s31 =	sor.u32 $0x8000, s30;
	s10 =	smax.u32 s14, $0x1  }
0x10: {  	s14 =	simm.s32 $0x3;
	s13 =	sadd.s32 s8, s5;
	s5 =	sor.u32 $0x1C03, s28  }
0x11: {  	s7 =	sadd.s32 $0x838E00, s7;
	s8 =	sadd.s32 $0x800, s6;
	s11 =	sshrl.u32 s11, $0x3  }
0x12: {  	s9 =	sadd.s32 $0x7C1C00, s13;
	s13 =	sshrl.u32 s31, $0x3;
	s11 =	sadd.s32 s11, s12  }
0x13: {  	s12 =	sadd.s32 s13, s12;
	s13 =	sshrl.u32 s15, $0x3;
	s15 =	simm.s32 $0x1400  }
.LBB2_1:
0x14: {  	[spmem:s13], [sflag:s5] =	dma.local [hbm:s4], $0x2800  }
0x15: {  	_ =	swait.ge [sflag:s14], $0x2800  }
0x16: {  	[sflag:s14] =	ssyncset.done $0x0  }
0x17: {  	[sflag:s14] =	ssyncadd.s32 $0xFFFFD800  }
0x18: {  	[tilespmem:s3], [sflag:$0x3] =	stream.linear.gather [hbm4b:s7+s3], $0x1400, $0x38;
	[tilespmem:$0x1D400] =	vst v63  }
0x19: {  	_ =	swait.ge [sflag:s14], $0x1400  }
0x1a: {  	[sflag:s14] =	ssyncset.done $0x0  }
0x1b: {  	[sflag:s14] =	ssyncadd.s32 $0xFFFFEC00  }
0x1c: {  	[bflag:$0x0] =	sbarrier.arrive $0xFFFF  }
0x1d: {  	[tilespmem:s15], [sflag:$0x1] =	stream.linear.gather [hbm4b:s6+s3], $0x4000, $0x38;
	[tilespmem:$0x1D400] =	vst v63  }
0x1e: {  	_ = 	snop  }
0x1f: {  	[tilespmem:s16], [sflag:$0x2] =	stream.linear.gather [hbm4b:s8+s3], $0x4000, $0x38;
	[tilespmem:$0x1D400] =	vst v63  }
0x20: {  	_ =	swait.ge [sflag:s17], $0x4000  }
0x21: {  	[sflag:s17] =	ssyncset.done $0x0  }
0x22: {  	s23 =	simm.s32 $0x0;
	[sflag:s17] =	ssyncadd.s32 $0xFFFFC000  }
0x23: {  	[spmem:s2] =	stream.indirect.scatter.add.f32 [tilespmem:s15], [sflag:$0x3], $0x80, s23, s18, $0xb8;
	[tilespmem:$0x1D400] =	vst v63  }
0x24: {  	_ =	swait.ge [sflag:s14], $0x4000  }
0x25: {  	[sflag:s14] =	ssyncset.done $0x0  }
0x26: {  	s31 =	sadd.s32 $0x0, s12;
	[sflag:s14] =	ssyncadd.s32 $0xFFFFC000  }
0x27: {  	[tilespmem:s15], [sflag:$0x1] =	stream.linear.gather [hbm4b:s31+s3], $0x4000, $0x38;
	[tilespmem:$0x1D400] =	vst v63  }
0x28: {  	_ =	swait.ge [sflag:s19], $0x4000  }
0x29: {  	[sflag:s19] =	ssyncset.done $0x0  }
0x2a: {  	[sflag:s19] =	ssyncadd.s32 $0xFFFFC000  }
0x2b: {  	[spmem:s2] =	stream.indirect.scatter.add.f32 [tilespmem:s16], [sflag:$0x3], $0x80, s18, s18, $0xb8;
	[tilespmem:$0x1D400] =	vst v63  }
0x2c: {  	_ =	swait.ge [sflag:s14], $0x4000  }
0x2d: {  	s25 =	sadd.s32 $0x0, s11;
	[sflag:s14] =	ssyncset.done $0x0  }
0x2e: {  	s24 =	simm.s32 $0x180;
	s23 =	simm.s32 $0x1000;
	[sflag:s14] =	ssyncadd.s32 $0xFFFFC000  }
.LBB2_2:
0x2f: {  	[tilespmem:s16], [sflag:$0x2] =	stream.linear.gather [hbm4b:s25+s3], $0x4000, $0x38;
	[tilespmem:$0x1D400] =	vst v63  }
0x30: {  	s25 =	smov.u32 s23  }
0x31: {  	p0 =	sne.s32 s23, $0x12000;
	s23 =	sadd.s32 $0x1000, s23;
	_ =	swait.ge [sflag:s17], $0x4000  }
0x32: {  	[sflag:s17] =	ssyncset.done $0x0  }
0x33: {  	s26 =	sadd.s32 $0xFFFFFF80, s24;
	[sflag:s17] =	ssyncadd.s32 $0xFFFFC000  }
0x34: {  	[spmem:s2] =	stream.indirect.scatter.add.f32 [tilespmem:s15], [sflag:$0x3], $0x80, s26, s18, $0xb8;
	[tilespmem:$0x1D400] =	vst v63  }
0x35: {  	_ =	swait.ge [sflag:s14], $0x4000  }
0x36: {  	[sflag:s14] =	ssyncset.done $0x0  }
0x37: {  	s26 =	sadd.s32 s25, s12;
	[sflag:s14] =	ssyncadd.s32 $0xFFFFC000  }
0x38: {  	[tilespmem:s15], [sflag:$0x1] =	stream.linear.gather [hbm4b:s26+s3], $0x4000, $0x38;
	[tilespmem:$0x1D400] =	vst v63  }
0x39: {  	_ =	swait.ge [sflag:s19], $0x4000  }
0x3a: {  	[sflag:s19] =	ssyncset.done $0x0  }
.Ltmp0:
0x3b: {  	[sflag:s19] =	ssyncadd.s32 $0xFFFFC000;
	(pc) =	sbr.rel @p0 .LBB2_2-.Ltmp0, $4  }
0x3c: {  	[spmem:s2] =	stream.indirect.scatter.add.f32 [tilespmem:s16], [sflag:$0x3], $0x80, s24, s18, $0xb8;
	[tilespmem:$0x1D400] =	vst v63  }
0x3d: {  	_ =	swait.ge [sflag:s14], $0x4000  }
0x3e: {  	[sflag:s14] =	ssyncset.done $0x0  }
0x3f: {  	s25 =	sadd.s32 s25, s11;
	s24 =	sadd.s32 $0x100, s24;
	[sflag:s14] =	ssyncadd.s32 $0xFFFFC000  }
0x40: {  	[tilespmem:s16], [sflag:$0x2] =	stream.linear.gather [hbm4b:s25+s3], $0x4000, $0x38;
	[tilespmem:$0x1D400] =	vst v63  }
0x41: {  	_ =	swait.ge [sflag:s17], $0x4000  }
0x42: {  	[sflag:s17] =	ssyncset.done $0x0  }
0x43: {  	[sflag:s17] =	ssyncadd.s32 $0xFFFFC000  }
0x44: {  	[spmem:s2] =	stream.indirect.scatter.add.f32 [tilespmem:s15], [sflag:$0x3], $0x80, s20, s18, $0xb8;
	[tilespmem:$0x1D400] =	vst v63  }
0x45: {  	_ =	swait.ge [sflag:s14], $0x4000  }
0x46: {  	[sflag:s14] =	ssyncset.done $0x0  }
0x47: {  	[sflag:s14] =	ssyncadd.s32 $0xFFFFC000  }
0x48: {  	_ =	swait.ge [sflag:s19], $0x4000  }
0x49: {  	[sflag:s19] =	ssyncset.done $0x0  }
0x4a: {  	[sflag:s19] =	ssyncadd.s32 $0xFFFFC000  }
0x4b: {  	[spmem:s2] =	stream.indirect.scatter.add.f32 [tilespmem:s16], [sflag:$0x3], $0x80, s21, s18, $0xb8;
	[tilespmem:$0x1D400] =	vst v63  }
0x4c: {  	_ =	swait.ge [sflag:s14], $0x4000  }
0x4d: {  	s22 =	sadd.s32 $0x1, s22;
	[sflag:s14] =	ssyncset.done $0x0  }
0x4e: {  	p0 =	sne.s32 s22, s10;
	[sflag:s14] =	ssyncadd.s32 $0xFFFFC000  }
.Ltmp1:
0x4f: {  	[bflag:$0x0] =	sbarrier.arrive $0xFFFF;
	(pc) =	sbr.rel @p0 .LBB2_1-.Ltmp1, $4  }
0x50: {  	[hbm:s9], [sflag:s5] =	dma.local [spmem:s13], $0x2800  }
0x51: {  	_ =	swait.ge [sflag:s14], $0x2800  }
0x52: {  	[sflag:s14] =	ssyncset.done $0x0  }
0x53: {  	[sflag:s14] =	ssyncadd.s32 $0xFFFFD800  }
0x54: {  	_ =	sfence.sel $0x180000  }
0x55: {  	[bflag:$0x0] =	sbarrier.arrive $0xFFFF  }
0x56: {  	p0 =	sne.s32 s0, $0x0;
	_ =	strace $0x90000053  }
0x57: {  	s0 =	sadd.s32 @!p0 $0x100000, s1;
	[bflag:$0x2] =	sbarrier.arrive $0xFFFF  }
0x58: {  	[sflag:s0] =	ssyncadd.tile.s32 @!p0 $0x1;
	_ =	shalt  }
.Lfunc_end2:
_tile_overlayer_lowered:
.L_overlay_start_2:
0x59: {  	(tag) =	ssettag $0x2  }
0x5a: {  	s0 =	rddreg [dreg:$0x0];
	s2 =	stileid.u32  }
0x5b: {  	s1 =	rddreg [dreg:$0x1];
	p0 =	sne.s32 s2, $0x0  }
0x5c: {  	s3 =	rddreg [dreg:$0x2];
	[bflag:$0x3] =	sbarrier.arrive $0xFFFF;
	s2 =	simm.s32 @!p0 $0x1C03  }
0x5d: {  	[timem:s3], [sflag:s2] =	dma.local @!p0 [hbm:s0], s1  }
0x5e: {  	s0 =	simm.s32 @!p0 $0x3  }
0x5f: {  	_ =	swait.ge @!p0 [sflag:s0], s1  }
0x60: {  	s1 =	ssub.s32 @!p0 $0x0, s1;
	[sflag:s0] =	ssyncset.done @!p0 $0x0  }
0x61: {  	[sflag:s0] =	ssyncadd.s32 @!p0 s1  }
0x62: {  	[bflag:$0x3] =	sbarrier.arrive $0xFFFF  }
0x63: {  	_ =	shalt  }

// kernel: kernel.30.cloned.1.call-start
scs
__scs_entry_jumppad:
0x0: {  	(pc) =	sbr.rel $0x88, $3  }
0x1: {  	(tag) =	ssettag $0x0;
	lr =	simm.s32 $0x1  }
0x2: {  	[smem:$0x3F8B] =	sst lr;
	_ =	strace $0xD0000000  }
0x3: {  	_ = 	snop  }
0x4: {  	_ = 	snop  }
0x5: {  	_ = 	snop  }
0x6: {  	_ = 	snop  }
0x7: {  	_ = 	snop  }
__scs_overlays_trampoline_lowered:
0x8: {  	[smem:$0x3F9A] =	sst s0  }
0x9: {  	[smem:$0x3F9B] =	sst s1  }
0xa: {  	[smem:$0x3F9C] =	sst s2  }
0xb: {  	[smem:$0x3F9D] =	sst s3  }
0xc: {  	[smem:$0x3F9E] =	sst s4  }
0xd: {  	[smem:$0x3F9F] =	sst s5  }
0xe: {  	[smem:$0x3FA0] =	sst s6  }
0xf: {  	[smem:$0x3FA1] =	sst s7  }
0x10: {  	[smem:$0x3FA2] =	sst s8  }
0x11: {  	[smem:$0x3FA3] =	sst s9;
	s0 =	simm.s32 @!p0 $0x0  }
0x12: {  	s1 =	sld [smem:$0x3F89];
	s0 =	simm.s32 @p0 $0x1  }
0x13: {  	[smem:$0x3FA4] =	sst s0;
	s0 =	simm.s32 @!p1 $0x0  }
0x14: {  	s2 =	sld [smem:$0x3F88];
	s0 =	simm.s32 @p1 $0x1  }
0x15: {  	[smem:$0x3FA5] =	sst s0;
	s0 =	simm.s32 @!p2 $0x0  }
0x16: {  	s3 =	sld [smem:$0x3FDB];
	s0 =	simm.s32 @p2 $0x1  }
0x17: {  	s4 =	simm.s32 $0x1BF5;
	[smem:$0x3FA7] =	sst s0  }
0x18: {  	s0 =	sld [smem:$0x3F8A];
	_ =	swait.ge [sflag:s4], $0x0  }
0x19: {  	s7 =	sld [smem:$0x3F8B]  }
0x1a: {  	s8 =	sadd.s32 $0xFFFFE003, lr  }
0x1b: {  	s9 =	sadd.s32 $0xFFFFFEF7, lr;
	s5 =	simm.s32 $0xFFFFFFFF;
	p2 =	slt.u32 s8, $0xFFFFF086  }
0x1c: {  	p1 =	slt.u32 s9, $0xF7A;
	s5 =	simm.s32 @!p2 $0x0  }
0x1d: {  	s5 =	simm.s32 @p1 $0x1;
	p0 =	seq.s32 s7, s2  }
0x1e: {  	s7 =	smul.u32 @!p0 $0xF7A, s2;
	p2 =	seq.s32 @!p0 s5, $0x0  }
0x1f: {  	s9 =	smul.u32 $0xF7A, s1;
	s8 =	simm.s32 @!p0 $0x1BF5;
	p2 =	por !p2, p0  }
0x20: {  	[sflag:s8] =	ssyncset.s32 @!p0 $0xFFFFF086;
	s6 =	sadd.s32 @!p0 s3, s7;
	s7 =	simm.s32 @!p0 $0x108  }
0x21: {  	s3 =	sadd.s32 s3, s9;
	s6 =	sadd.s32 @!p0 $0x88, s6;
	s7 =	simm.s32 @p2 $0x1082  }
0x22: {  	[simem:s7], [sflag:s8] =	dma.local @!p0 [hbm:s6], $0xF7A  }
0x23: {  	s9 =	sor.u32 $0xD0000000, s2;
	s6 =	simm.s32 $0x108;
	_ =	swait.ge @!p0 [sflag:s8], $0x0  }
0x24: {  	s3 =	sadd.s32 $0x88, s3;
	s6 =	simm.s32 @!p1 $0x1082;
	[sflag:s4] =	ssyncset.s32 $0xFFFFF086  }
0x25: {  	[simem:s6], [sflag:s4] =	dma.local [hbm:s3], $0xF7A  }
0x26: {  	[smem:$0x3F8B] =	sst s1;
	(tag) =	ssettag s2;
	_ =	strace s9  }
0x27: {  	s1 =	sld [smem:$0x3F9B]  }
0x28: {  	s2 =	sld [smem:$0x3F9C]  }
0x29: {  	s4 =	sld [smem:$0x3F9E]  }
0x2a: {  	p0 =	seq.s32 s5, $0x0;
	s5 =	sld [smem:$0x3F9F]  }
0x2b: {  	s6 =	sld [smem:$0x3FA0]  }
0x2c: {  	s7 =	sld [smem:$0x3FA1]  }
0x2d: {  	s3 =	simm.s32 $0x108;
	s8 =	sld [smem:$0x3FA2]  }
0x2e: {  	s3 =	simm.s32 @!p0 $0x1082;
	s9 =	sld [smem:$0x3FA3]  }
0x2f: {  	lr =	sadd.s32 s0, s3;
	s0 =	sld [smem:$0x3F9A]  }
0x30: {  	s3 =	sld [smem:$0x3F9D]  }
0x31: {  	[smem:$0x3FA6] =	sst s10  }
0x32: {  	s10 =	sld [smem:$0x3FA4];
	_ =	sdelay $0x3  }
0x33: {  	p0 =	seq.s32 s10, $0x1;
	s10 =	sld [smem:$0x3FA6];
	_ =	sdelay $0x3  }
0x34: {  	[smem:$0x3FA6] =	sst s10  }
0x35: {  	s10 =	sld [smem:$0x3FA5];
	_ =	sdelay $0x3  }
0x36: {  	p1 =	seq.s32 s10, $0x1;
	s10 =	sld [smem:$0x3FA6];
	_ =	sdelay $0x3  }
0x37: {  	[smem:$0x3FA6] =	sst s10  }
0x38: {  	s10 =	sld [smem:$0x3FA7]  }
0x39: {  	_ = 	snop;
	(pc) =	sbr.ind lr, $3  }
0x3a: {  	_ = 	snop  }
0x3b: {  	_ = 	snop  }
0x3c: {  	p2 =	seq.s32 s10, $0x1;
	s10 =	sld [smem:$0x3FA6]  }
0x3d: {  	_ =	shalt  }
0x3e: {  	_ =	shalt  }
0x3f: {  	_ =	shalt  }
0x40: {  	_ =	shalt  }
0x41: {  	_ =	shalt  }
0x42: {  	_ =	shalt  }
0x43: {  	_ =	shalt  }
0x44: {  	_ =	shalt  }
0x45: {  	_ =	shalt  }
0x46: {  	_ =	shalt  }
0x47: {  	_ =	shalt  }
0x48: {  	_ =	shalt  }
0x49: {  	_ =	shalt  }
0x4a: {  	_ =	shalt  }
0x4b: {  	_ =	shalt  }
0x4c: {  	_ =	shalt  }
0x4d: {  	_ =	shalt  }
0x4e: {  	_ =	shalt  }
0x4f: {  	_ =	shalt  }
0x50: {  	_ =	shalt  }
0x51: {  	_ =	shalt  }
0x52: {  	_ =	shalt  }
0x53: {  	_ =	shalt  }
0x54: {  	_ =	shalt  }
0x55: {  	_ =	shalt  }
0x56: {  	_ =	shalt  }
0x57: {  	_ =	shalt  }
0x58: {  	_ =	shalt  }
0x59: {  	_ =	shalt  }
0x5a: {  	_ =	shalt  }
0x5b: {  	_ =	shalt  }
0x5c: {  	_ =	shalt  }
0x5d: {  	_ =	shalt  }
0x5e: {  	_ =	shalt  }
0x5f: {  	_ =	shalt  }
0x60: {  	_ =	shalt  }
0x61: {  	_ =	shalt  }
0x62: {  	_ =	shalt  }
0x63: {  	_ =	shalt  }
0x64: {  	_ =	shalt  }
0x65: {  	_ =	shalt  }
0x66: {  	_ =	shalt  }
0x67: {  	_ =	shalt  }
0x68: {  	_ =	shalt  }
0x69: {  	_ =	shalt  }
0x6a: {  	_ =	shalt  }
0x6b: {  	_ =	shalt  }
0x6c: {  	_ =	shalt  }
0x6d: {  	_ =	shalt  }
0x6e: {  	_ =	shalt  }
0x6f: {  	_ =	shalt  }
0x70: {  	_ =	shalt  }
0x71: {  	_ =	shalt  }
0x72: {  	_ =	shalt  }
0x73: {  	_ =	shalt  }
0x74: {  	_ =	shalt  }
0x75: {  	_ =	shalt  }
0x76: {  	_ =	shalt  }
0x77: {  	_ =	shalt  }
0x78: {  	_ =	shalt  }
0x79: {  	_ =	shalt  }
0x7a: {  	_ =	shalt  }
0x7b: {  	_ =	shalt  }
0x7c: {  	_ =	shalt  }
0x7d: {  	_ =	shalt  }
0x7e: {  	_ =	shalt  }
0x7f: {  	_ =	shalt  }
0x80: {  	_ =	shalt  }
0x81: {  	_ =	shalt  }
0x82: {  	_ =	shalt  }
0x83: {  	_ =	shalt  }
0x84: {  	_ =	shalt  }
0x85: {  	_ =	shalt  }
0x86: {  	_ =	shalt  }
0x87: {  	_ =	shalt  }
.Lfunc_end0:
.L_simem_size_0:
called_computation.5_lowered:
.L_overlay_start_0:
0x88: {  	s2 =	sld [smem:$0x3FD9]  }
0x89: {  	s3 =	sld [smem:$0x3FFE];
	_ =	sdelay $0x1  }
0x8a: {  	s1 =	srdreg.scid  }
0x8b: {  	s0 =	sand.u32 $0x1, s1  }
0x8c: {  	s17 =	sshll.u32 s0, $0xA;
	s2 =	sadd.s32 s3, s2  }
0x8d: {  	s2 =	sadd.s32 s2, s17  }
0x8e: {  	[smem:$0x3FB2] =	sst s2  }
0x8f: {  	_ = 	snop  }
0x90: {  	(tm) =	ssettm $0x1  }
0x91: {  	s18 =	sld [smem:$0x3FFB];
	_ =	sdelay $0x3  }
0x92: {  	_ =	strace s18  }
0x93: {  	s2 =	sld [smem:$0x3FFC];
	_ =	sdelay $0x3  }
0x94: {  	_ =	strace s2  }
0x95: {  	s2 =	sld [smem:$0x3FFD];
	_ =	sdelay $0x3  }
0x96: {  	_ =	strace s2  }
0x97: {  	_ =	strace $0x8FFFFFFF  }
0x98: {  	s19 =	sld [smem:$0x3FDB];
	_ =	sdelay $0x1  }
0x99: {  	s20 =	simm.s32 $_scs_section_size  }
0x9a: {  	s4 =	simm.s32 $_size__tile_overlayer_lowered;
	s5 =	simm.s32 $_tile_overlayer_lowered  }
0x9b: {  	s6 =	simm.s32 $0x1BFF;
	s21 =	sshll.u32 s5, $0x1;
	s3 =	sadd.s32 s20, s19  }
0x9c: {  	s22 =	simm.s32 $0x0;
	s4 =	sshll.u32 s4, $0x1;
	s5 =	sadd.s32 s21, s3  }
0x9d: {  	[timem:s22], [sflag:s6] =	dma.local [hbm:s5], s4  }
0x9e: {  	_ =	swait.ge [sflag:s6], s4  }
0x9f: {  	s4 =	ssub.s32 $0x0, s4;
	[sflag:s6] =	ssyncset.done $0x0  }
0xa0: {  	[sflag:s6] =	ssyncadd.s32 s4;
	_ =	sdelay $0x1  }
0xa1: {  	s23 =	simm.s32 $0x1B8B  }
0xa2: {  	_ =	swait.ge [sflag:s23], $0x1  }
0xa3: {  	[sflag:s23] =	ssyncset.done $0x0  }
0xa4: {  	[sflag:s23] =	ssyncadd.s32 $0xFFFFFFFF  }
0xa5: {  	s4 =	sld [smem:$0x0]  }
0xa6: {  	s5 =	sand.u32 $0xFFFFFFFE, s1  }
0xa7: {  	p0 =	sne.s32 s1, s5  }
0xa8: {  	s5 =	sshll.u32 @p0 s5, $0xE  }
0xa9: {  	s5 =	sadd.s32 @p0 $0x11B8D, s5;
	s6 =	sshll.u32 @p0 s4, $0x11  }
0xaa: {  	s5 =	sor.u32 @p0 s6, s5  }
0xab: {  	[sflag:s5] =	ssyncadd.remote.s32 @p0 $0x1;
	_ =	sdelay $0x1  }
0xac: {  	s5 =	simm.s32 @p0 $0x1B8D  }
0xad: {  	_ =	swait.eq @p0 [sflag:s5], $0x1  }
0xae: {  	[sflag:s5] =	ssyncadd.s32 @p0 $0xFFFFFFFF  }
0xaf: {  	s6 =	sshll.u32 @!p0 s1, $0xE  }
0xb0: {  	s6 =	sor.u32 @!p0 $0x4000, s6;
	s5 =	simm.s32 @!p0 $0x1B8D  }
0xb1: {  	s4 =	sshll.u32 @!p0 s4, $0x11;
	s6 =	sadd.s32 @!p0 $0x11B8D, s6;
	_ =	swait.eq @!p0 [sflag:s5], $0x1  }
0xb2: {  	s4 =	sor.u32 @!p0 s4, s6;
	[sflag:s5] =	ssyncadd.s32 @!p0 $0xFFFFFFFF  }
0xb3: {  	s25 =	simm.s32 $0x1B8E;
	s24 =	sld [smem:$0x3FFE];
	[sflag:s4] =	ssyncadd.remote.s32 @!p0 $0x1  }
0xb4: {  	s26 =	simm.s32 $execute0_lowered;
	[smem:$0x3FD2] =	sst s25  }
0xb5: {  	s5 =	sshll.u32 s26, $0x1;
	_ =	strace $0x80000055;
	[dreg:$0x1] =	wrdreg $0xFFFFFFFF  }
0xb6: {  	s28 =	simm.s32 $_size_execute0_lowered;
	s3 =	sadd.s32 s3, s5;
	[dreg:$0x0] =	wrdreg $0x0  }
0xb7: {  	s5 =	sshll.u32 s28, $0x1;
	[dreg:$0x2] =	wrdreg s3  }
0xb8: {  	[dreg:$0x3] =	wrdreg s5  }
0xb9: {  	[dreg:$0x4] =	wrdreg $0xC0  }
0xba: {  	_ =	task [dreg:s22], $0x5FFFF  }
0xbb: {  	[dreg:$0x1] =	wrdreg $0xFFFFFFFF  }
0xbc: {  	[dreg:$0x0] =	wrdreg $0x60  }
0xbd: {  	[dreg:$0x2] =	wrdreg s24  }
0xbe: {  	[dreg:$0x3] =	wrdreg $0x94000  }
0xbf: {  	[dreg:$0x4] =	wrdreg $0xA  }
0xc0: {  	_ =	task.clear_ibuf [dreg:s22], $0x5FFFF;
	_ =	strace $0x90000055  }
0xc1: {  	s29 =	simm.s32 $0xA;
	_ =	strace $0x80000057  }
0xc2: {  	_ =	swait.ge [sflag:s29], $0x1  }
0xc3: {  	[sflag:s29] =	ssyncadd.s32 $0xFFFFFFFF  }
0xc4: {  	_ =	strace $0x90000057  }
0xc5: {  	_ =	sfence  }
0xc6: {  	s30 =	sld [smem:$0x0];
	_ =	sdelay $0x2  }
0xc7: {  	s31 =	sshll.u32 s1, $0xD;
	s1 =	sshrl.u32 s1, $0x2  }
0xc8: {  	s4 =	sand.u32 $0x4000, s31;
	s1 =	sadd.s32 s1, s30  }
0xc9: {  	s0 =	sor.u32 s4, s0;
	s1 =	sshll.u32 s1, $0x11  }
0xca: {  	s0 =	sor.u32 s1, s0  }
0xcb: {  	s0 =	sadd.s32 $0x8F2B, s0  }
0xcc: {  	[sflag:s0] =	ssyncadd.remote.s32 $0x1  }
0xcd: {  	_ =	sfence.sel $0xFFFF  }
0xce: {  	[dreg:$0x0] =	wrdreg $0xFFFFFFFF;
	(pc) =	sbr.abs _section_cstart, $3  }
0xcf: {  	[dreg:$0x1] =	wrdreg $0xFFFFFFFF  }
0xd0: {  	_ =	task.clear_ibuf [dreg:s22], $0x2FFFF;
	_ =	strace $0x9FFFFFFF  }
0xd1: {  	(tm) =	ssettm $0x7FFFFFFF  }
tec
execute0_lowered:
.L_overlay_start_1:
0x0: {  	(tag) =	ssettag $0x1  }
0x1: {  	s1 =	srdreg.scid;
	s5 =	rddreg [dreg:$0x0]  }
0x2: {  	s0 =	stileid.u32;
	s2 =	rddreg [dreg:$0x1]  }
0x3: {  	s3 =	simm.s32 $0x0;
	s16 =	simm.s32 $0x5400;
	s17 =	simm.s32 $0x1  }
0x4: {  	s18 =	simm.s32 $0x80;
	s19 =	simm.s32 $0x2;
	s20 =	simm.s32 $0x1300  }
0x5: {  	s21 =	simm.s32 $0x1380;
	s4 =	sand.u32 $0x1, s1;
	s8 =	smul.u32 $0x14000, s0  }
0x6: {  	s22 =	sshll.u32 s0, $0x1;
	s1 =	rddreg [dreg:$0x2];
	s11 =	smul.u32 $0x50000, s0  }
0x7: {  	[smem:$0x7FF] =	sst s3;
	s12 =	sadd.s32 $0x88D000, s5;
	s26 =	smul.u32 $0x140000, s0  }
0x8: {  	s28 =	sshll.u32 s0, $0x6;
	s6 =	sor.u32 s4, s22;
	s9 =	smul.u32 $0x140000, s4  }
0x9: {  	_ =	strace $0x80000056;
	s23 =	ssub.s32 $0x2, s4;
	s29 =	smul.u32 $0xA0000, s4  }
0xa: {  	s22 =	simm.s32 $0x0;
	s7 =	smul.u32 $0x280, s6;
	s10 =	sshrl.u32 s8, $0x3  }
0xb: {  	s24 =	sshrl.u32 s23, $0x1;
	s6 =	smul.u32 $0x14000, s6;
	s25 =	sshrl.u32 s11, $0x2  }
0xc: {  	s10 =	sadd.s32 s10, s5;
	s8 =	sadd.s32 s8, s9;
	s14 =	ssub.s32 s23, s24  }
0xd: {  	s15 =	sadd.s32 s25, s2;
	s30 =	sadd.s32 s29, s26;
	s7 =	sadd.s32 s7, s5  }
0xe: {  	s8 =	sshrl.u32 s8, $0x3;
	s4 =	sadd.s32 $0x19C00, s10;
	s6 =	sadd.s32 s12, s6  }
0xf: {  	s11 =	sor.u32 $0xC000, s30;
	s31 =	sor.u32 $0x8000, s30;
	s10 =	smax.u32 s14, $0x1  }
0x10: {  	s14 =	simm.s32 $0x3;
	s13 =	sadd.s32 s8, s5;
	s5 =	sor.u32 $0x1C03, s28  }
0x11: {  	s7 =	sadd.s32 $0x5E00, s7;
	s8 =	sadd.s32 $0x800, s6;
	s11 =	sshrl.u32 s11, $0x3  }
0x12: {  	s9 =	sadd.s32 $0x41C00, s13;
	s13 =	sshrl.u32 s31, $0x3;
	s11 =	sadd.s32 s11, s12  }
0x13: {  	s12 =	sadd.s32 s13, s12;
	s13 =	sshrl.u32 s15, $0x3;
	s15 =	simm.s32 $0x1400  }
.LBB2_1:
0x14: {  	[spmem:s13], [sflag:s5] =	dma.local [hbm:s4], $0x2800  }
0x15: {  	_ =	swait.ge [sflag:s14], $0x2800  }
0x16: {  	[sflag:s14] =	ssyncset.done $0x0  }
0x17: {  	[sflag:s14] =	ssyncadd.s32 $0xFFFFD800  }
0x18: {  	[tilespmem:s3], [sflag:$0x3] =	stream.linear.gather [hbm4b:s7+s3], $0x1400, $0x38;
	[tilespmem:$0x1D400] =	vst v63  }
0x19: {  	_ =	swait.ge [sflag:s14], $0x1400  }
0x1a: {  	[sflag:s14] =	ssyncset.done $0x0  }
0x1b: {  	[sflag:s14] =	ssyncadd.s32 $0xFFFFEC00  }
0x1c: {  	[bflag:$0x0] =	sbarrier.arrive $0xFFFF  }
0x1d: {  	[tilespmem:s15], [sflag:$0x1] =	stream.linear.gather [hbm4b:s6+s3], $0x4000, $0x38;
	[tilespmem:$0x1D400] =	vst v63  }
0x1e: {  	_ = 	snop  }
0x1f: {  	[tilespmem:s16], [sflag:$0x2] =	stream.linear.gather [hbm4b:s8+s3], $0x4000, $0x38;
	[tilespmem:$0x1D400] =	vst v63  }
0x20: {  	_ =	swait.ge [sflag:s17], $0x4000  }
0x21: {  	[sflag:s17] =	ssyncset.done $0x0  }
0x22: {  	s23 =	simm.s32 $0x0;
	[sflag:s17] =	ssyncadd.s32 $0xFFFFC000  }
0x23: {  	[spmem:s2] =	stream.indirect.scatter.add.f32 [tilespmem:s15], [sflag:$0x3], $0x80, s23, s18, $0xb8;
	[tilespmem:$0x1D400] =	vst v63  }
0x24: {  	_ =	swait.ge [sflag:s14], $0x4000  }
0x25: {  	[sflag:s14] =	ssyncset.done $0x0  }
0x26: {  	s31 =	sadd.s32 $0x0, s12;
	[sflag:s14] =	ssyncadd.s32 $0xFFFFC000  }
0x27: {  	[tilespmem:s15], [sflag:$0x1] =	stream.linear.gather [hbm4b:s31+s3], $0x4000, $0x38;
	[tilespmem:$0x1D400] =	vst v63  }
0x28: {  	_ =	swait.ge [sflag:s19], $0x4000  }
0x29: {  	[sflag:s19] =	ssyncset.done $0x0  }
0x2a: {  	[sflag:s19] =	ssyncadd.s32 $0xFFFFC000  }
0x2b: {  	[spmem:s2] =	stream.indirect.scatter.add.f32 [tilespmem:s16], [sflag:$0x3], $0x80, s18, s18, $0xb8;
	[tilespmem:$0x1D400] =	vst v63  }
0x2c: {  	_ =	swait.ge [sflag:s14], $0x4000  }
0x2d: {  	s25 =	sadd.s32 $0x0, s11;
	[sflag:s14] =	ssyncset.done $0x0  }
0x2e: {  	s24 =	simm.s32 $0x180;
	s23 =	simm.s32 $0x1000;
	[sflag:s14] =	ssyncadd.s32 $0xFFFFC000  }
.LBB2_2:
0x2f: {  	[tilespmem:s16], [sflag:$0x2] =	stream.linear.gather [hbm4b:s25+s3], $0x4000, $0x38;
	[tilespmem:$0x1D400] =	vst v63  }
0x30: {  	s25 =	smov.u32 s23  }
0x31: {  	p0 =	sne.s32 s23, $0x12000;
	s23 =	sadd.s32 $0x1000, s23;
	_ =	swait.ge [sflag:s17], $0x4000  }
0x32: {  	[sflag:s17] =	ssyncset.done $0x0  }
0x33: {  	s26 =	sadd.s32 $0xFFFFFF80, s24;
	[sflag:s17] =	ssyncadd.s32 $0xFFFFC000  }
0x34: {  	[spmem:s2] =	stream.indirect.scatter.add.f32 [tilespmem:s15], [sflag:$0x3], $0x80, s26, s18, $0xb8;
	[tilespmem:$0x1D400] =	vst v63  }
0x35: {  	_ =	swait.ge [sflag:s14], $0x4000  }
0x36: {  	[sflag:s14] =	ssyncset.done $0x0  }
0x37: {  	s26 =	sadd.s32 s25, s12;
	[sflag:s14] =	ssyncadd.s32 $0xFFFFC000  }
0x38: {  	[tilespmem:s15], [sflag:$0x1] =	stream.linear.gather [hbm4b:s26+s3], $0x4000, $0x38;
	[tilespmem:$0x1D400] =	vst v63  }
0x39: {  	_ =	swait.ge [sflag:s19], $0x4000  }
0x3a: {  	[sflag:s19] =	ssyncset.done $0x0  }
.Ltmp0:
0x3b: {  	[sflag:s19] =	ssyncadd.s32 $0xFFFFC000;
	(pc) =	sbr.rel @p0 .LBB2_2-.Ltmp0, $4  }
0x3c: {  	[spmem:s2] =	stream.indirect.scatter.add.f32 [tilespmem:s16], [sflag:$0x3], $0x80, s24, s18, $0xb8;
	[tilespmem:$0x1D400] =	vst v63  }
0x3d: {  	_ =	swait.ge [sflag:s14], $0x4000  }
0x3e: {  	[sflag:s14] =	ssyncset.done $0x0  }
0x3f: {  	s25 =	sadd.s32 s25, s11;
	s24 =	sadd.s32 $0x100, s24;
	[sflag:s14] =	ssyncadd.s32 $0xFFFFC000  }
0x40: {  	[tilespmem:s16], [sflag:$0x2] =	stream.linear.gather [hbm4b:s25+s3], $0x4000, $0x38;
	[tilespmem:$0x1D400] =	vst v63  }
0x41: {  	_ =	swait.ge [sflag:s17], $0x4000  }
0x42: {  	[sflag:s17] =	ssyncset.done $0x0  }
0x43: {  	[sflag:s17] =	ssyncadd.s32 $0xFFFFC000  }
0x44: {  	[spmem:s2] =	stream.indirect.scatter.add.f32 [tilespmem:s15], [sflag:$0x3], $0x80, s20, s18, $0xb8;
	[tilespmem:$0x1D400] =	vst v63  }
0x45: {  	_ =	swait.ge [sflag:s14], $0x4000  }
0x46: {  	[sflag:s14] =	ssyncset.done $0x0  }
0x47: {  	[sflag:s14] =	ssyncadd.s32 $0xFFFFC000  }
0x48: {  	_ =	swait.ge [sflag:s19], $0x4000  }
0x49: {  	[sflag:s19] =	ssyncset.done $0x0  }
0x4a: {  	[sflag:s19] =	ssyncadd.s32 $0xFFFFC000  }
0x4b: {  	[spmem:s2] =	stream.indirect.scatter.add.f32 [tilespmem:s16], [sflag:$0x3], $0x80, s21, s18, $0xb8;
	[tilespmem:$0x1D400] =	vst v63  }
0x4c: {  	_ =	swait.ge [sflag:s14], $0x4000  }
0x4d: {  	s22 =	sadd.s32 $0x1, s22;
	[sflag:s14] =	ssyncset.done $0x0  }
0x4e: {  	p0 =	sne.s32 s22, s10;
	[sflag:s14] =	ssyncadd.s32 $0xFFFFC000  }
.Ltmp1:
0x4f: {  	[bflag:$0x0] =	sbarrier.arrive $0xFFFF;
	(pc) =	sbr.rel @p0 .LBB2_1-.Ltmp1, $4  }
0x50: {  	[hbm:s9], [sflag:s5] =	dma.local [spmem:s13], $0x2800  }
0x51: {  	_ =	swait.ge [sflag:s14], $0x2800  }
0x52: {  	[sflag:s14] =	ssyncset.done $0x0  }
0x53: {  	[sflag:s14] =	ssyncadd.s32 $0xFFFFD800  }
0x54: {  	_ =	sfence.sel $0x180000  }
0x55: {  	[bflag:$0x0] =	sbarrier.arrive $0xFFFF  }
0x56: {  	p0 =	sne.s32 s0, $0x0;
	_ =	strace $0x90000056  }
0x57: {  	s0 =	sadd.s32 @!p0 $0x100000, s1;
	[bflag:$0x2] =	sbarrier.arrive $0xFFFF  }
0x58: {  	[sflag:s0] =	ssyncadd.tile.s32 @!p0 $0x1;
	_ =	shalt  }
.Lfunc_end2:
_tile_overlayer_lowered:
.L_overlay_start_2:
0x59: {  	(tag) =	ssettag $0x2  }
0x5a: {  	s0 =	rddreg [dreg:$0x0];
	s2 =	stileid.u32  }
0x5b: {  	s1 =	rddreg [dreg:$0x1];
	p0 =	sne.s32 s2, $0x0  }
0x5c: {  	s3 =	rddreg [dreg:$0x2];
	[bflag:$0x3] =	sbarrier.arrive $0xFFFF;
	s2 =	simm.s32 @!p0 $0x1C03  }
0x5d: {  	[timem:s3], [sflag:s2] =	dma.local @!p0 [hbm:s0], s1  }
0x5e: {  	s0 =	simm.s32 @!p0 $0x3  }
0x5f: {  	_ =	swait.ge @!p0 [sflag:s0], s1  }
0x60: {  	s1 =	ssub.s32 @!p0 $0x0, s1;
	[sflag:s0] =	ssyncset.done @!p0 $0x0  }
0x61: {  	[sflag:s0] =	ssyncadd.s32 @!p0 s1  }
0x62: {  	[bflag:$0x3] =	sbarrier.arrive $0xFFFF  }
0x63: {  	_ =	shalt  }

</sc_bundles>
